<compile_context>
chip_gen: v7x
topology: tpu7x:2x2x1
jax: 0.10.2.dev20260603
libtpu: 0.0.44.dev20260713+nightly
codegen_flags: <defaults>
</compile_context>

<pallas_src>
import dataclasses
import functools

import jax
import jax.numpy as jnp
from jax import lax
from jax.experimental import pallas as pl
from jax.experimental.pallas import tpu as pltpu
from jax.experimental.pallas import tpu_sc as plsc

N = 10000
E = 320000
F = 128
HGL = 32
HGCN = 32
C = 16

NC = 2
NS = 16
L = 16
NW = NC * NS
EW = E // NW
CH = 80
NCHW = EW // CH
PAIRS = (NCHW - 1) // 2


def _mesh():
    return plsc.VectorSubcoreMesh(core_axis_name="c", subcore_axis_name="s")


def _sc_params():
    cp = pltpu.CompilerParams()
    fields = pltpu.CompilerParams.__dataclass_fields__
    if "needs_layout_passes" in fields:
        cp = dataclasses.replace(cp, needs_layout_passes=False)
    if "use_tc_tiling_on_sc" in fields:
        cp = dataclasses.replace(cp, use_tc_tiling_on_sc=False)
    return cp


def _worker_id():
    return lax.axis_index("s") * NC + lax.axis_index("c")


def _combine_max(wm_v):
    m = jnp.zeros((L,), jnp.float32)
    for w in range(NW):
        m = jnp.maximum(m, wm_v[w, pl.ds(0, L)])
    return jnp.full((L,), jnp.max(m), jnp.float32)


def _sc_edge_scores(h, src3, dst3, a16):
    @functools.partial(
        pl.kernel,
        out_type=[jax.ShapeDtypeStruct((NW, NCHW, CH), jnp.float32),
                  jax.ShapeDtypeStruct((NW, L), jnp.float32),
                  jax.ShapeDtypeStruct((NW, N), jnp.float32)],
        mesh=_mesh(),
        compiler_params=_sc_params(),
        scratch_types=[pltpu.VMEM((NCHW, CH), jnp.int32),
                       pltpu.VMEM((NCHW, CH), jnp.int32),
                       pltpu.VMEM((NCHW, CH), jnp.float32),
                       pltpu.VMEM((CH, HGL), jnp.float32),
                       pltpu.VMEM((CH, HGL), jnp.float32),
                       pltpu.VMEM((CH, HGL), jnp.float32),
                       pltpu.VMEM((CH, HGL), jnp.float32),
                       pltpu.VMEM((HGL, L), jnp.float32),
                       pltpu.VMEM((L,), jnp.float32),
                       pltpu.VMEM((N,), jnp.float32),
                       pltpu.VMEM_SHARED((N, HGL), jnp.float32),
                       pltpu.SemaphoreType.DMA,
                       pltpu.SemaphoreType.DMA],
    )
    def k(h_hbm, src_hbm, dst_hbm, a_hbm, e_hbm, wmax_hbm, dpart_hbm,
          src_v, dst_v, e_v, hs0, hd0, hs1, hd1, a_v, mx_v, den_v, h_sh,
          sem0, sem1):
        sid = lax.axis_index("s")
        wid = _worker_id()

        @pl.when(sid == 0)
        def _():
            pltpu.sync_copy(h_hbm, h_sh)

        pltpu.sync_copy(src_hbm.at[wid], src_v)
        pltpu.sync_copy(dst_hbm.at[wid], dst_v)
        pltpu.sync_copy(a_hbm, a_v)
        mx_v[...] = jnp.zeros((L,), jnp.float32)
        plsc.subcore_barrier()

        def issue(j, hs, hd, sem):
            pltpu.make_async_copy(h_sh.at[src_v.at[j]], hs, sem).start()
            pltpu.make_async_copy(h_sh.at[dst_v.at[j]], hd, sem).start()

        def wait(j, hs, hd, sem):
            pltpu.make_async_copy(h_sh.at[src_v.at[j]], hs, sem).wait()
            pltpu.make_async_copy(h_sh.at[dst_v.at[j]], hd, sem).wait()

        def compute(j, hs, hd):
            @pl.loop(0, CH, step=L)
            def _(i0):
                rows = lax.iota(jnp.int32, L) + i0
                acc = jnp.zeros((L,), jnp.float32)
                for jj in range(HGL):
                    cj = jnp.full((L,), jj, jnp.int32)
                    s = plsc.load_gather(hs, [rows, cj])
                    d = plsc.load_gather(hd, [rows, cj])
                    acc = acc + a_v[jj, pl.ds(0, L)] * jnp.abs(s - d)
                e16 = jnp.maximum(acc, 0.0)
                e_v[j, pl.ds(i0, L)] = e16
                mx_v[...] = jnp.maximum(mx_v[...], e16)

        issue(0, hs0, hd0, sem0)

        @pl.loop(0, PAIRS)
        def _(cc):
            j0 = 2 * cc
            issue(j0 + 1, hs1, hd1, sem1)
            wait(j0, hs0, hd0, sem0)
            compute(j0, hs0, hd0)
            issue(j0 + 2, hs0, hd0, sem0)
            wait(j0 + 1, hs1, hd1, sem1)
            compute(j0 + 1, hs1, hd1)

        wait(NCHW - 1, hs0, hd0, sem0)
        compute(NCHW - 1, hs0, hd0)

        mw = jnp.full((L,), jnp.max(mx_v[...]), jnp.float32)

        @pl.loop(0, N, step=L)
        def _(i0):
            den_v[pl.ds(i0, L)] = jnp.zeros((L,), jnp.float32)

        @pl.loop(0, NCHW)
        def _(j):
            @pl.loop(0, CH, step=L)
            def _(i0):
                ex = jnp.exp(e_v[j, pl.ds(i0, L)] - mw)
                idx = src_v[j, pl.ds(i0, L)]
                plsc.addupdate_scatter(den_v, [idx], ex)

        pltpu.sync_copy(e_v, e_hbm.at[wid])
        pltpu.sync_copy(mx_v, wmax_hbm.at[wid])
        pltpu.sync_copy(den_v, dpart_hbm.at[wid])

    return k(h, src3, dst3, a16)


def _sc_propagate(e3, src3, dst3, wmax, invd, pre, zeros, d):
    @functools.partial(
        pl.kernel,
        out_type=jax.ShapeDtypeStruct((NC, N, d), jnp.float32),
        mesh=_mesh(),
        compiler_params=_sc_params(),
        scratch_types=[pltpu.VMEM((NCHW, CH), jnp.int32),
                       pltpu.VMEM((NCHW, CH), jnp.int32),
                       pltpu.VMEM((NCHW, CH), jnp.float32),
                       pltpu.VMEM((CH, d), jnp.float32),
                       pltpu.VMEM((CH, d), jnp.float32),
                       pltpu.VMEM((CH, d), jnp.float32),
                       pltpu.VMEM((CH, d), jnp.float32),
                       pltpu.VMEM((CH,), jnp.float32),
                       pltpu.VMEM((N,), jnp.float32),
                       pltpu.VMEM((NW, L), jnp.float32),
                       pltpu.VMEM_SHARED((N, d), jnp.float32),
                       pltpu.VMEM_SHARED((N, d), jnp.float32),
                       pltpu.SemaphoreType.DMA,
                       pltpu.SemaphoreType.DMA],
    )
    def k(e_hbm, src_hbm, dst_hbm, wmax_hbm, inv_hbm, pre_hbm, z_hbm, hp_hbm,
          src_v, dst_v, e_v, p0, c0, p1, c1, s_v, inv_v, wm_v, shared, pre_sh,
          sem0, sem1):
        core = lax.axis_index("c")
        sid = lax.axis_index("s")
        wid = sid * NC + core

        @pl.when(sid == 0)
        def _():
            pltpu.sync_copy(z_hbm, shared)

        @pl.when(sid == 1)
        def _():
            pltpu.sync_copy(pre_hbm, pre_sh)

        pltpu.sync_copy(src_hbm.at[wid], src_v)
        pltpu.sync_copy(dst_hbm.at[wid], dst_v)
        pltpu.sync_copy(e_hbm.at[wid], e_v)
        pltpu.sync_copy(inv_hbm, inv_v)
        pltpu.sync_copy(wmax_hbm, wm_v)
        mv = _combine_max(wm_v)
        plsc.subcore_barrier()

        def issue(j, p, sem):
            pltpu.make_async_copy(pre_sh.at[dst_v.at[j]], p, sem).start()

        def wait(j, p, sem):
            pltpu.make_async_copy(pre_sh.at[dst_v.at[j]], p, sem).wait()

        def compute(j, p, c):
            @pl.loop(0, CH, step=L)
            def _(i0):
                ex = jnp.exp(e_v[j, pl.ds(i0, L)] - mv)
                idx = src_v[j, pl.ds(i0, L)]
                g = plsc.load_gather(inv_v, [idx])
                s_v[pl.ds(i0, L)] = ex * g

            @pl.loop(0, CH)
            def _(i):
                ssp = plsc.load_gather(s_v, [jnp.full((L,), i, jnp.int32)])
                for j0 in range(0, d, L):
                    c[i, pl.ds(j0, L)] = p[i, pl.ds(j0, L)] * ssp

            pltpu.sync_copy(c, shared.at[src_v.at[j]], add=True)

        issue(0, p0, sem0)

        @pl.loop(0, PAIRS)
        def _(cc):
            j0 = 2 * cc
            issue(j0 + 1, p1, sem1)
            wait(j0, p0, sem0)
            compute(j0, p0, c0)
            issue(j0 + 2, p0, sem0)
            wait(j0 + 1, p1, sem1)
            compute(j0 + 1, p1, c1)

        wait(NCHW - 1, p0, sem0)
        compute(NCHW - 1, p0, c0)

        plsc.subcore_barrier()

        @pl.when(sid == 0)
        def _():
            pltpu.sync_copy(shared, hp_hbm.at[core])

    return k(e3, src3, dst3, wmax, invd, pre, zeros)


def _tc_proj(x, wgl, w1):
    def body(x_ref, wgl_ref, w1_ref, h_ref, p_ref):
        h_ref[...] = jnp.dot(x_ref[...], wgl_ref[...],
                             preferred_element_type=jnp.float32)
        p_ref[...] = jnp.dot(x_ref[...], w1_ref[...],
                             preferred_element_type=jnp.float32)

    G = 10
    return pl.pallas_call(
        body,
        grid=(G,),
        in_specs=[pl.BlockSpec((N // G, F), lambda i: (i, 0)),
                  pl.BlockSpec((F, HGL), lambda i: (0, 0)),
                  pl.BlockSpec((F, HGL), lambda i: (0, 0))],
        out_specs=[pl.BlockSpec((N // G, HGL), lambda i: (i, 0)),
                   pl.BlockSpec((N // G, HGL), lambda i: (i, 0))],
        out_shape=[jax.ShapeDtypeStruct((N, HGL), jnp.float32),
                   jax.ShapeDtypeStruct((N, HGL), jnp.float32)],
    )(x, wgl, w1)


def _tc_invdenom(dpart, wmax):
    def body(d_ref, wm_ref, o_ref):
        mw = jnp.max(wm_ref[...], axis=1, keepdims=True)
        mg = jnp.max(mw)
        scale = jnp.exp(mw - mg)
        s = jnp.sum(d_ref[...] * scale, axis=0, keepdims=True)
        o_ref[...] = 1.0 / jnp.maximum(s, 1e-16)

    return pl.pallas_call(
        body,
        out_shape=jax.ShapeDtypeStruct((1, N), jnp.float32),
    )(dpart, wmax)


def _tc_gc2(h1p, w2):
    def body(hp_ref, w_ref, o_ref):
        h1 = jnp.maximum(hp_ref[0] + hp_ref[1], 0.0)
        o_ref[...] = jnp.dot(h1, w_ref[...], preferred_element_type=jnp.float32)

    return pl.pallas_call(
        body,
        out_shape=jax.ShapeDtypeStruct((N, C), jnp.float32),
    )(h1p, w2)


def _tc_final(h2p, labels, mask_col):
    def body(hp_ref, lab_ref, m_ref, out_ref, acc_ref):
        h2 = hp_ref[0] + hp_ref[1]
        mx = jnp.max(h2, axis=1, keepdims=True)
        ex = jnp.exp(h2 - mx)
        sm = ex / jnp.sum(ex, axis=1, keepdims=True)
        out_ref[...] = sm
        iota = lax.broadcasted_iota(jnp.int32, (N, C), 1)
        am_o = jnp.min(jnp.where(h2 == mx, iota, C), axis=1, keepdims=True)
        lab = lab_ref[...]
        lmx = jnp.max(lab, axis=1, keepdims=True)
        am_l = jnp.min(jnp.where(lab == lmx, iota, C), axis=1, keepdims=True)
        correct = (am_o == am_l).astype(jnp.float32)
        lm = m_ref[...]
        mean_lm = jnp.sum(lm) / N
        acc = jnp.sum(correct * lm) / (N * jnp.maximum(mean_lm, 1e-16))
        acc_ref[...] = jnp.reshape(acc, (1, 1))

    return pl.pallas_call(
        body,
        out_shape=[jax.ShapeDtypeStruct((N, C), jnp.float32),
                   jax.ShapeDtypeStruct((1, 1), jnp.float32)],
    )(h2p, labels, mask_col)


def kernel(features, edge_index, labels, labels_mask, W_gl, a, W1, W2):
    src3 = edge_index[0].reshape(NW, NCHW, CH)
    dst3 = edge_index[1].reshape(NW, NCHW, CH)
    a16 = jnp.broadcast_to(a.reshape(HGL, 1), (HGL, L))

    h, pre1 = _tc_proj(features, W_gl, W1)
    e3, wmax, dpart = _sc_edge_scores(h, src3, dst3, a16)
    invd = _tc_invdenom(dpart, wmax).reshape(N)
    h1p = _sc_propagate(e3, src3, dst3, wmax, invd, pre1,
                        jnp.zeros((N, HGL), jnp.float32), HGL)
    pre2 = _tc_gc2(h1p, W2)
    h2p = _sc_propagate(e3, src3, dst3, wmax, invd, pre2,
                        jnp.zeros((N, C), jnp.float32), C)
    outputs, acc = _tc_final(h2p, labels, labels_mask.reshape(N, 1))
    return outputs, acc.reshape(())

# --- scband reference (transcript-rebuilt; emitter-appended) ---
"""Pipeline reference for scband-sglcn-55594056679878 (READ-ONLY COPY).

The authoritative reference and input builder live on the scoring server;
editing this copy changes nothing except your own understanding.
"""

import jax, jax.numpy as jnp
import numpy as np

N = 10000
E = 320000
F = 128
HGL = 32
HGCN = 32
C = 16


def setup_inputs(seed: int = 0) -> dict:
    key = jax.random.key(seed)
    ks = jax.random.split(key, 8)
    features = jax.random.normal(ks[0], (N, F), dtype=jnp.float32)
    edge_index = jax.random.randint(ks[1], (2, E), 0, N, dtype=jnp.int32)
    label_ids = jax.random.randint(ks[2], (N,), 0, C, dtype=jnp.int32)
    labels = jax.nn.one_hot(label_ids, C, dtype=jnp.float32)
    labels_mask = jax.random.randint(ks[3], (N,), 0, 2, dtype=jnp.int32).astype(jnp.float32)
    # Xavier-uniform-ish learned params (gain for relu ~ sqrt(2))
    def xavier(k, shape):
        fan_in, fan_out = shape[0], shape[1]
        limit = np.sqrt(2.0) * np.sqrt(6.0 / (fan_in + fan_out))
        return jax.random.uniform(k, shape, minval=-limit, maxval=limit, dtype=jnp.float32)
    W_gl = xavier(ks[4], (F, HGL))
    a = xavier(ks[5], (HGL, 1))
    W1 = xavier(ks[6], (F, HGCN))
    W2 = xavier(ks[7], (HGCN, C))
    return {"features": features, "edge_index": edge_index, "labels": labels,
            "labels_mask": labels_mask, "W_gl": W_gl, "a": a, "W1": W1, "W2": W2}


def reference(features, edge_index, labels, labels_mask, W_gl, a, W1, W2):
    src = edge_index[0]
    dst = edge_index[1]
    # SparseGraphLearn: h = x @ W; e_ij = relu(a^T |h_i - h_j|); sparse softmax per row
    h = features @ W_gl
    diff = jnp.abs(h[src] - h[dst])
    e = jax.nn.relu(diff @ a)[:, 0]
    m = jax.ops.segment_max(e, src, num_segments=N)
    m = jnp.where(jnp.isfinite(m), m, 0.0)
    ex = jnp.exp(e - m[src])
    denom = jax.ops.segment_sum(ex, src, num_segments=N)
    S = ex / jnp.maximum(denom[src], 1e-16)
    # GraphConv 1: relu(S @ (x @ W1))
    pre1 = features @ W1
    h1 = jax.nn.relu(jax.ops.segment_sum(S[:, None] * pre1[dst], src, num_segments=N))
    # GraphConv 2: S @ (h1 @ W2)
    pre2 = h1 @ W2
    h2 = jax.ops.segment_sum(S[:, None] * pre2[dst], src, num_segments=N)
    outputs = jax.nn.softmax(h2, axis=1)
    # masked accuracy
    correct = (jnp.argmax(outputs, axis=1) == jnp.argmax(labels, axis=1)).astype(jnp.float32)
    mask = labels_mask / jnp.maximum(jnp.mean(labels_mask), 1e-16)
    acc = jnp.mean(correct * mask)
    return outputs, acc

if __name__ == "__main__":
    import jax
    _d = setup_inputs()
    print(jax.jit(kernel)(*tuple(_d.values())))

</pallas_src>

<mosaic_0001>
#map = affine_map<(d0, d1) -> (0, 0)>
#map1 = affine_map<(d0, d1) -> (0, 0, 0)>
module attributes {stable_mosaic.version = 14 : i64} {
  func.func @k(%arg0: i32, %arg1: i32, %arg2: memref<10000x32xf32, #tpu.memory_space<hbm>>, %arg3: memref<32x125x80xi32, #tpu.memory_space<hbm>>, %arg4: memref<32x125x80xi32, #tpu.memory_space<hbm>>, %arg5: memref<32x16xf32, #tpu.memory_space<hbm>>, %arg6: memref<32x125x80xf32, #tpu.memory_space<hbm>>, %arg7: memref<32x16xf32, #tpu.memory_space<hbm>>, %arg8: memref<32x10000xf32, #tpu.memory_space<hbm>>, %arg9: memref<125x80xi32, #tpu.memory_space<vmem>>, %arg10: memref<125x80xi32, #tpu.memory_space<vmem>>, %arg11: memref<125x80xf32, #tpu.memory_space<vmem>>, %arg12: memref<80x32xf32, #tpu.memory_space<vmem>>, %arg13: memref<80x32xf32, #tpu.memory_space<vmem>>, %arg14: memref<80x32xf32, #tpu.memory_space<vmem>>, %arg15: memref<80x32xf32, #tpu.memory_space<vmem>>, %arg16: memref<32x16xf32, #tpu.memory_space<vmem>>, %arg17: memref<16xf32, #tpu.memory_space<vmem>>, %arg18: memref<10000xf32, #tpu.memory_space<vmem>>, %arg19: memref<10000x32xf32, #tpu.memory_space<vmem_shared>>, %arg20: memref<!tpu.dma_semaphore, #tpu.memory_space<semaphore_mem>>, %arg21: memref<!tpu.dma_semaphore, #tpu.memory_space<semaphore_mem>>) attributes {dimension_semantics = [#tpu.dimension_semantics<core_parallel>, #tpu.dimension_semantics<subcore_parallel>], iteration_bounds = array<i64: 2, 16>, scalar_prefetch = 0 : i64, scratch_operands = 13 : i64, tpu.core_type = #tpu.core_type<sc_vector_subcore>, window_params = [{transform_indices = #map}, {transform_indices = #map1}, {transform_indices = #map1}, {transform_indices = #map}, {transform_indices = #map1}, {transform_indices = #map}, {transform_indices = #map}]} {
    %mul3A = arith.constant 2 : i32
    %mul3A_0 = arith.muli %arg1, %mul3A : i32
    %add3A = arith.addi %mul3A_0, %arg0 : i32
    %eq3A = arith.constant 0 : i32
    %eq3A_1 = arith.cmpi eq, %arg1, %eq3A : i32
    %convert_element_type3A = arith.extui %eq3A_1 : i1 to i32
    %cond3A = arith.constant 0 : i32
    %cond3A_2 = arith.cmpi ne, %convert_element_type3A, %cond3A : i32
    scf.if %cond3A_2 {
      "tpu.region"() ({
        %run_scoped3A = tpu.sem_alloc : memref<!tpu.dma_semaphore, #tpu.memory_space<semaphore_mem>>
        tpu.enqueue_dma source(%arg2 : memref<10000x32xf32, #tpu.memory_space<hbm>>) target(%arg19 : memref<10000x32xf32, #tpu.memory_space<vmem_shared>>) target_semaphore(%run_scoped3A : memref<!tpu.dma_semaphore, #tpu.memory_space<semaphore_mem>>)
        tpu.wait_dma2 semaphore(%run_scoped3A : memref<!tpu.dma_semaphore, #tpu.memory_space<semaphore_mem>>) src(%arg2 : memref<10000x32xf32, #tpu.memory_space<hbm>>) dst(%arg19 : memref<10000x32xf32, #tpu.memory_space<vmem_shared>>)
        tpu.yield
      }) : () -> ()
    } else {
    }
    "tpu.region"() ({
      %run_scoped3A = tpu.sem_alloc : memref<!tpu.dma_semaphore, #tpu.memory_space<semaphore_mem>>
      %dma_start3A_55 = arith.constant 0 : i32
      %dma_start3A_56 = arith.constant 0 : i32
      %dma_start3A_57 = tpu.memref_slice %arg3[%add3A, %dma_start3A_55, %dma_start3A_56] : memref<32x125x80xi32, #tpu.memory_space<hbm>> -> memref<1x125x80xi32, #tpu.memory_space<hbm>>
      %dma_start3A_58 = tpu.memref_squeeze %dma_start3A_57 : memref<1x125x80xi32, #tpu.memory_space<hbm>> -> memref<125x80xi32, #tpu.memory_space<hbm>>
      %dma_start3A_59 = arith.constant 0 : i32
      %dma_start3A_60 = arith.constant 0 : i32
      %dma_start3A_61 = tpu.memref_slice %arg3[%add3A, %dma_start3A_59, %dma_start3A_60] : memref<32x125x80xi32, #tpu.memory_space<hbm>> -> memref<1x125x80xi32, #tpu.memory_space<hbm>>
      %dma_start3A_62 = tpu.memref_squeeze %dma_start3A_61 : memref<1x125x80xi32, #tpu.memory_space<hbm>> -> memref<125x80xi32, #tpu.memory_space<hbm>>
      tpu.enqueue_dma source(%dma_start3A_62 : memref<125x80xi32, #tpu.memory_space<hbm>>) target(%arg9 : memref<125x80xi32, #tpu.memory_space<vmem>>) target_semaphore(%run_scoped3A : memref<!tpu.dma_semaphore, #tpu.memory_space<semaphore_mem>>)
      %dma_wait3A_63 = arith.constant 0 : i32
      %dma_wait3A_64 = arith.constant 0 : i32
      %dma_wait3A_65 = tpu.memref_slice %arg3[%add3A, %dma_wait3A_63, %dma_wait3A_64] : memref<32x125x80xi32, #tpu.memory_space<hbm>> -> memref<1x125x80xi32, #tpu.memory_space<hbm>>
      %dma_wait3A_66 = tpu.memref_squeeze %dma_wait3A_65 : memref<1x125x80xi32, #tpu.memory_space<hbm>> -> memref<125x80xi32, #tpu.memory_space<hbm>>
      %dma_wait3A_67 = arith.constant 0 : i32
      %dma_wait3A_68 = arith.constant 0 : i32
      %dma_wait3A_69 = tpu.memref_slice %arg3[%add3A, %dma_wait3A_67, %dma_wait3A_68] : memref<32x125x80xi32, #tpu.memory_space<hbm>> -> memref<1x125x80xi32, #tpu.memory_space<hbm>>
      %dma_wait3A_70 = tpu.memref_squeeze %dma_wait3A_69 : memref<1x125x80xi32, #tpu.memory_space<hbm>> -> memref<125x80xi32, #tpu.memory_space<hbm>>
      tpu.wait_dma2 semaphore(%run_scoped3A : memref<!tpu.dma_semaphore, #tpu.memory_space<semaphore_mem>>) src(%dma_wait3A_70 : memref<125x80xi32, #tpu.memory_space<hbm>>) dst(%arg9 : memref<125x80xi32, #tpu.memory_space<vmem>>)
      tpu.yield
    }) : () -> ()
    "tpu.region"() ({
      %run_scoped3A = tpu.sem_alloc : memref<!tpu.dma_semaphore, #tpu.memory_space<semaphore_mem>>
      %dma_start3A_55 = arith.constant 0 : i32
      %dma_start3A_56 = arith.constant 0 : i32
      %dma_start3A_57 = tpu.memref_slice %arg4[%add3A, %dma_start3A_55, %dma_start3A_56] : memref<32x125x80xi32, #tpu.memory_space<hbm>> -> memref<1x125x80xi32, #tpu.memory_space<hbm>>
      %dma_start3A_58 = tpu.memref_squeeze %dma_start3A_57 : memref<1x125x80xi32, #tpu.memory_space<hbm>> -> memref<125x80xi32, #tpu.memory_space<hbm>>
      %dma_start3A_59 = arith.constant 0 : i32
      %dma_start3A_60 = arith.constant 0 : i32
      %dma_start3A_61 = tpu.memref_slice %arg4[%add3A, %dma_start3A_59, %dma_start3A_60] : memref<32x125x80xi32, #tpu.memory_space<hbm>> -> memref<1x125x80xi32, #tpu.memory_space<hbm>>
      %dma_start3A_62 = tpu.memref_squeeze %dma_start3A_61 : memref<1x125x80xi32, #tpu.memory_space<hbm>> -> memref<125x80xi32, #tpu.memory_space<hbm>>
      tpu.enqueue_dma source(%dma_start3A_62 : memref<125x80xi32, #tpu.memory_space<hbm>>) target(%arg10 : memref<125x80xi32, #tpu.memory_space<vmem>>) target_semaphore(%run_scoped3A : memref<!tpu.dma_semaphore, #tpu.memory_space<semaphore_mem>>)
      %dma_wait3A_63 = arith.constant 0 : i32
      %dma_wait3A_64 = arith.constant 0 : i32
      %dma_wait3A_65 = tpu.memref_slice %arg4[%add3A, %dma_wait3A_63, %dma_wait3A_64] : memref<32x125x80xi32, #tpu.memory_space<hbm>> -> memref<1x125x80xi32, #tpu.memory_space<hbm>>
      %dma_wait3A_66 = tpu.memref_squeeze %dma_wait3A_65 : memref<1x125x80xi32, #tpu.memory_space<hbm>> -> memref<125x80xi32, #tpu.memory_space<hbm>>
      %dma_wait3A_67 = arith.constant 0 : i32
      %dma_wait3A_68 = arith.constant 0 : i32
      %dma_wait3A_69 = tpu.memref_slice %arg4[%add3A, %dma_wait3A_67, %dma_wait3A_68] : memref<32x125x80xi32, #tpu.memory_space<hbm>> -> memref<1x125x80xi32, #tpu.memory_space<hbm>>
      %dma_wait3A_70 = tpu.memref_squeeze %dma_wait3A_69 : memref<1x125x80xi32, #tpu.memory_space<hbm>> -> memref<125x80xi32, #tpu.memory_space<hbm>>
      tpu.wait_dma2 semaphore(%run_scoped3A : memref<!tpu.dma_semaphore, #tpu.memory_space<semaphore_mem>>) src(%dma_wait3A_70 : memref<125x80xi32, #tpu.memory_space<hbm>>) dst(%arg10 : memref<125x80xi32, #tpu.memory_space<vmem>>)
      tpu.yield
    }) : () -> ()
    "tpu.region"() ({
      %run_scoped3A = tpu.sem_alloc : memref<!tpu.dma_semaphore, #tpu.memory_space<semaphore_mem>>
      tpu.enqueue_dma source(%arg5 : memref<32x16xf32, #tpu.memory_space<hbm>>) target(%arg16 : memref<32x16xf32, #tpu.memory_space<vmem>>) target_semaphore(%run_scoped3A : memref<!tpu.dma_semaphore, #tpu.memory_space<semaphore_mem>>)
      tpu.wait_dma2 semaphore(%run_scoped3A : memref<!tpu.dma_semaphore, #tpu.memory_space<semaphore_mem>>) src(%arg5 : memref<32x16xf32, #tpu.memory_space<hbm>>) dst(%arg16 : memref<32x16xf32, #tpu.memory_space<vmem>>)
      tpu.yield
    }) : () -> ()
    %broadcast_in_dim3A = arith.constant 0.000000e+00 : f32
    %broadcast_in_dim3A_3 = vector.broadcast %broadcast_in_dim3A : f32 to vector<16xf32>
    %swap3A = arith.constant 0 : index
    %swap3A_4 = tpu.vector_load %arg17[%swap3A] {strides = array<i32>} : memref<16xf32, #tpu.memory_space<vmem>>, vector<16xf32>,
    tpu.vector_store %arg17[%swap3A], %broadcast_in_dim3A_3 {strides = array<i32>} : memref<16xf32, #tpu.memory_space<vmem>>, vector<16xf32>,
    %barrier3A = arith.constant 0 : index
    tpu.barrier barrier_id(%barrier3A)
    %dma_start3A = arith.constant 0 : i32
    %dma_start3A_5 = arith.constant 0 : i32
    %dma_start3A_6 = tpu.memref_slice %arg9[%dma_start3A, %dma_start3A_5] : memref<125x80xi32, #tpu.memory_space<vmem>> -> memref<1x80xi32, #tpu.memory_space<vmem>>
    %dma_start3A_7 = tpu.memref_squeeze %dma_start3A_6 : memref<1x80xi32, #tpu.memory_space<vmem>> -> memref<80xi32, #tpu.memory_space<vmem>>
    %dma_start3A_8 = arith.constant 0 : i32
    %dma_start3A_9 = arith.constant 0 : i32
    %dma_start3A_10 = tpu.memref_slice %arg19[%dma_start3A_8, %dma_start3A_9] : memref<10000x32xf32, #tpu.memory_space<vmem_shared>> -> memref<10000x32xf32, #tpu.memory_space<vmem_shared>>
    tpu.enqueue_indirect_dma source(%dma_start3A_10 : memref<10000x32xf32, #tpu.memory_space<vmem_shared>>) target(%arg12 : memref<80x32xf32, #tpu.memory_space<vmem>>) offsets(%dma_start3A_7 : memref<80xi32, #tpu.memory_space<vmem>>) semaphore(%arg20 : memref<!tpu.dma_semaphore, #tpu.memory_space<semaphore_mem>>)
    %dma_start3A_11 = arith.constant 0 : i32
    %dma_start3A_12 = arith.constant 0 : i32
    %dma_start3A_13 = tpu.memref_slice %arg10[%dma_start3A_11, %dma_start3A_12] : memref<125x80xi32, #tpu.memory_space<vmem>> -> memref<1x80xi32, #tpu.memory_space<vmem>>
    %dma_start3A_14 = tpu.memref_squeeze %dma_start3A_13 : memref<1x80xi32, #tpu.memory_space<vmem>> -> memref<80xi32, #tpu.memory_space<vmem>>
    %dma_start3A_15 = arith.constant 0 : i32
    %dma_start3A_16 = arith.constant 0 : i32
    %dma_start3A_17 = tpu.memref_slice %arg19[%dma_start3A_15, %dma_start3A_16] : memref<10000x32xf32, #tpu.memory_space<vmem_shared>> -> memref<10000x32xf32, #tpu.memory_space<vmem_shared>>
    tpu.enqueue_indirect_dma source(%dma_start3A_17 : memref<10000x32xf32, #tpu.memory_space<vmem_shared>>) target(%arg13 : memref<80x32xf32, #tpu.memory_space<vmem>>) offsets(%dma_start3A_14 : memref<80xi32, #tpu.memory_space<vmem>>) semaphore(%arg20 : memref<!tpu.dma_semaphore, #tpu.memory_space<semaphore_mem>>)
    %scan3A = arith.constant 0 : i32
    %scan3A_18 = arith.constant 62 : i32
    %scan3A_19 = arith.addi %scan3A, %scan3A_18 : i32
    %scan3A_20 = arith.constant 1 : i32
    scf.for %scan3A_55 = %scan3A to %scan3A_19 step %scan3A_20  : i32 {
      %mul3A_56 = arith.constant 1 : i32
      %mul3A_57 = arith.muli %scan3A_55, %mul3A_56 : i32
      %add3A_58 = arith.constant 0 : i32
      %add3A_59 = arith.addi %add3A_58, %mul3A_57 : i32
      %mul3A_60 = arith.constant 2 : i32
      %mul3A_61 = arith.muli %mul3A_60, %add3A_59 : i32
      %add3A_62 = arith.constant 1 : i32
      %add3A_63 = arith.addi %mul3A_61, %add3A_62 : i32
      %dma_start3A_64 = arith.constant 0 : i32
      %dma_start3A_65 = tpu.memref_slice %arg9[%add3A_63, %dma_start3A_64] : memref<125x80xi32, #tpu.memory_space<vmem>> -> memref<1x80xi32, #tpu.memory_space<vmem>>
      %dma_start3A_66 = tpu.memref_squeeze %dma_start3A_65 : memref<1x80xi32, #tpu.memory_space<vmem>> -> memref<80xi32, #tpu.memory_space<vmem>>
      %dma_start3A_67 = arith.constant 0 : i32
      %dma_start3A_68 = arith.constant 0 : i32
      %dma_start3A_69 = tpu.memref_slice %arg19[%dma_start3A_67, %dma_start3A_68] : memref<10000x32xf32, #tpu.memory_space<vmem_shared>> -> memref<10000x32xf32, #tpu.memory_space<vmem_shared>>
      tpu.enqueue_indirect_dma source(%dma_start3A_69 : memref<10000x32xf32, #tpu.memory_space<vmem_shared>>) target(%arg14 : memref<80x32xf32, #tpu.memory_space<vmem>>) offsets(%dma_start3A_66 : memref<80xi32, #tpu.memory_space<vmem>>) semaphore(%arg21 : memref<!tpu.dma_semaphore, #tpu.memory_space<semaphore_mem>>)
      %dma_start3A_70 = arith.constant 0 : i32
      %dma_start3A_71 = tpu.memref_slice %arg10[%add3A_63, %dma_start3A_70] : memref<125x80xi32, #tpu.memory_space<vmem>> -> memref<1x80xi32, #tpu.memory_space<vmem>>
      %dma_start3A_72 = tpu.memref_squeeze %dma_start3A_71 : memref<1x80xi32, #tpu.memory_space<vmem>> -> memref<80xi32, #tpu.memory_space<vmem>>
      %dma_start3A_73 = arith.constant 0 : i32
      %dma_start3A_74 = arith.constant 0 : i32
      %dma_start3A_75 = tpu.memref_slice %arg19[%dma_start3A_73, %dma_start3A_74] : memref<10000x32xf32, #tpu.memory_space<vmem_shared>> -> memref<10000x32xf32, #tpu.memory_space<vmem_shared>>
      tpu.enqueue_indirect_dma source(%dma_start3A_75 : memref<10000x32xf32, #tpu.memory_space<vmem_shared>>) target(%arg15 : memref<80x32xf32, #tpu.memory_space<vmem>>) offsets(%dma_start3A_72 : memref<80xi32, #tpu.memory_space<vmem>>) semaphore(%arg21 : memref<!tpu.dma_semaphore, #tpu.memory_space<semaphore_mem>>)
      %dma_wait3A_76 = arith.constant 0 : i32
      %dma_wait3A_77 = tpu.memref_slice %arg9[%mul3A_61, %dma_wait3A_76] : memref<125x80xi32, #tpu.memory_space<vmem>> -> memref<1x80xi32, #tpu.memory_space<vmem>>
      %dma_wait3A_78 = tpu.memref_squeeze %dma_wait3A_77 : memref<1x80xi32, #tpu.memory_space<vmem>> -> memref<80xi32, #tpu.memory_space<vmem>>
      %dma_wait3A_79 = arith.constant 0 : i32
      %dma_wait3A_80 = arith.constant 0 : i32
      %dma_wait3A_81 = tpu.memref_slice %arg19[%dma_wait3A_79, %dma_wait3A_80] : memref<10000x32xf32, #tpu.memory_space<vmem_shared>> -> memref<10000x32xf32, #tpu.memory_space<vmem_shared>>
      tpu.wait_indirect_dma semaphore(%arg20 : memref<!tpu.dma_semaphore, #tpu.memory_space<semaphore_mem>>) src(%dma_wait3A_81 : memref<10000x32xf32, #tpu.memory_space<vmem_shared>>) dst(%arg12 : memref<80x32xf32, #tpu.memory_space<vmem>>)
      %dma_wait3A_82 = arith.constant 0 : i32
      %dma_wait3A_83 = tpu.memref_slice %arg10[%mul3A_61, %dma_wait3A_82] : memref<125x80xi32, #tpu.memory_space<vmem>> -> memref<1x80xi32, #tpu.memory_space<vmem>>
      %dma_wait3A_84 = tpu.memref_squeeze %dma_wait3A_83 : memref<1x80xi32, #tpu.memory_space<vmem>> -> memref<80xi32, #tpu.memory_space<vmem>>
      %dma_wait3A_85 = arith.constant 0 : i32
      %dma_wait3A_86 = arith.constant 0 : i32
      %dma_wait3A_87 = tpu.memref_slice %arg19[%dma_wait3A_85, %dma_wait3A_86] : memref<10000x32xf32, #tpu.memory_space<vmem_shared>> -> memref<10000x32xf32, #tpu.memory_space<vmem_shared>>
      tpu.wait_indirect_dma semaphore(%arg20 : memref<!tpu.dma_semaphore, #tpu.memory_space<semaphore_mem>>) src(%dma_wait3A_87 : memref<10000x32xf32, #tpu.memory_space<vmem_shared>>) dst(%arg13 : memref<80x32xf32, #tpu.memory_space<vmem>>)
      %scan3A_88 = arith.constant 0 : i32
      %scan3A_89 = arith.constant 5 : i32
      %scan3A_90 = arith.addi %scan3A_88, %scan3A_89 : i32
      %scan3A_91 = arith.constant 1 : i32
      scf.for %scan3A_128 = %scan3A_88 to %scan3A_90 step %scan3A_91  : i32 {
        %mul3A_129 = arith.constant 16 : i32
        %mul3A_130 = arith.muli %scan3A_128, %mul3A_129 : i32
        %add3A_131 = arith.constant 0 : i32
        %add3A_132 = arith.addi %add3A_131, %mul3A_130 : i32
        %iota3A = tpu.iota {dimensions = array<i32: 0>} : vector<16xi32>
        %add3A_133 = vector.broadcast %add3A_132 : i32 to vector<16xi32>
        %add3A_134 = arith.addi %iota3A, %add3A_133 : vector<16xi32>
        %broadcast_in_dim3A_135 = arith.constant 0.000000e+00 : f32
        %broadcast_in_dim3A_136 = vector.broadcast %broadcast_in_dim3A_135 : f32 to vector<16xf32>
        %broadcast_in_dim3A_137 = arith.constant 0 : i32
        %broadcast_in_dim3A_138 = vector.broadcast %broadcast_in_dim3A_137 : i32 to vector<16xi32>
        %gather3A = tpu.vector_load_idx %arg12[%add3A_134, %broadcast_in_dim3A_138] : memref<80x32xf32, #tpu.memory_space<vmem>>[vector<16xi32>, vector<16xi32>], vector<16xf32>,
        %gather3A_139 = tpu.vector_load_idx %arg13[%add3A_134, %broadcast_in_dim3A_138] : memref<80x32xf32, #tpu.memory_space<vmem>>[vector<16xi32>, vector<16xi32>], vector<16xf32>,
        %get3A_140 = arith.constant 0 : i32
        %get3A_141 = arith.index_cast %get3A_140 : i32 to index
        %get3A_142 = arith.constant 0 : index
        %get3A_143 = tpu.vector_load %arg16[%get3A_141, %get3A_142] {strides = array<i32>} : memref<32x16xf32, #tpu.memory_space<vmem>>, vector<16xf32>,
        %sub3A = arith.subf %gather3A, %gather3A_139 : vector<16xf32>
        %abs3A = math.absf %sub3A : vector<16xf32>
        %mul3A_144 = arith.mulf %get3A_143, %abs3A : vector<16xf32>
        %add3A_145 = arith.addf %broadcast_in_dim3A_136, %mul3A_144 : vector<16xf32>
        %broadcast_in_dim3A_146 = arith.constant 1 : i32
        %broadcast_in_dim3A_147 = vector.broadcast %broadcast_in_dim3A_146 : i32 to vector<16xi32>
        %gather3A_148 = tpu.vector_load_idx %arg12[%add3A_134, %broadcast_in_dim3A_147] : memref<80x32xf32, #tpu.memory_space<vmem>>[vector<16xi32>, vector<16xi32>], vector<16xf32>,
        %gather3A_149 = tpu.vector_load_idx %arg13[%add3A_134, %broadcast_in_dim3A_147] : memref<80x32xf32, #tpu.memory_space<vmem>>[vector<16xi32>, vector<16xi32>], vector<16xf32>,
        %get3A_150 = arith.constant 1 : i32
        %get3A_151 = arith.index_cast %get3A_150 : i32 to index
        %get3A_152 = arith.constant 0 : index
        %get3A_153 = tpu.vector_load %arg16[%get3A_151, %get3A_152] {strides = array<i32>} : memref<32x16xf32, #tpu.memory_space<vmem>>, vector<16xf32>,
        %sub3A_154 = arith.subf %gather3A_148, %gather3A_149 : vector<16xf32>
        %abs3A_155 = math.absf %sub3A_154 : vector<16xf32>
        %mul3A_156 = arith.mulf %get3A_153, %abs3A_155 : vector<16xf32>
        %add3A_157 = arith.addf %add3A_145, %mul3A_156 : vector<16xf32>
        %broadcast_in_dim3A_158 = arith.constant 2 : i32
        %broadcast_in_dim3A_159 = vector.broadcast %broadcast_in_dim3A_158 : i32 to vector<16xi32>
        %gather3A_160 = tpu.vector_load_idx %arg12[%add3A_134, %broadcast_in_dim3A_159] : memref<80x32xf32, #tpu.memory_space<vmem>>[vector<16xi32>, vector<16xi32>], vector<16xf32>,
        %gather3A_161 = tpu.vector_load_idx %arg13[%add3A_134, %broadcast_in_dim3A_159] : memref<80x32xf32, #tpu.memory_space<vmem>>[vector<16xi32>, vector<16xi32>], vector<16xf32>,
        %get3A_162 = arith.constant 2 : i32
        %get3A_163 = arith.index_cast %get3A_162 : i32 to index
        %get3A_164 = arith.constant 0 : index
        %get3A_165 = tpu.vector_load %arg16[%get3A_163, %get3A_164] {strides = array<i32>} : memref<32x16xf32, #tpu.memory_space<vmem>>, vector<16xf32>,
        %sub3A_166 = arith.subf %gather3A_160, %gather3A_161 : vector<16xf32>
        %abs3A_167 = math.absf %sub3A_166 : vector<16xf32>
        %mul3A_168 = arith.mulf %get3A_165, %abs3A_167 : vector<16xf32>
        %add3A_169 = arith.addf %add3A_157, %mul3A_168 : vector<16xf32>
        %broadcast_in_dim3A_170 = arith.constant 3 : i32
        %broadcast_in_dim3A_171 = vector.broadcast %broadcast_in_dim3A_170 : i32 to vector<16xi32>
        %gather3A_172 = tpu.vector_load_idx %arg12[%add3A_134, %broadcast_in_dim3A_171] : memref<80x32xf32, #tpu.memory_space<vmem>>[vector<16xi32>, vector<16xi32>], vector<16xf32>,
        %gather3A_173 = tpu.vector_load_idx %arg13[%add3A_134, %broadcast_in_dim3A_171] : memref<80x32xf32, #tpu.memory_space<vmem>>[vector<16xi32>, vector<16xi32>], vector<16xf32>,
        %get3A_174 = arith.constant 3 : i32
        %get3A_175 = arith.index_cast %get3A_174 : i32 to index
        %get3A_176 = arith.constant 0 : index
        %get3A_177 = tpu.vector_load %arg16[%get3A_175, %get3A_176] {strides = array<i32>} : memref<32x16xf32, #tpu.memory_space<vmem>>, vector<16xf32>,
        %sub3A_178 = arith.subf %gather3A_172, %gather3A_173 : vector<16xf32>
        %abs3A_179 = math.absf %sub3A_178 : vector<16xf32>
        %mul3A_180 = arith.mulf %get3A_177, %abs3A_179 : vector<16xf32>
        %add3A_181 = arith.addf %add3A_169, %mul3A_180 : vector<16xf32>
        %broadcast_in_dim3A_182 = arith.constant 4 : i32
        %broadcast_in_dim3A_183 = vector.broadcast %broadcast_in_dim3A_182 : i32 to vector<16xi32>
        %gather3A_184 = tpu.vector_load_idx %arg12[%add3A_134, %broadcast_in_dim3A_183] : memref<80x32xf32, #tpu.memory_space<vmem>>[vector<16xi32>, vector<16xi32>], vector<16xf32>,
        %gather3A_185 = tpu.vector_load_idx %arg13[%add3A_134, %broadcast_in_dim3A_183] : memref<80x32xf32, #tpu.memory_space<vmem>>[vector<16xi32>, vector<16xi32>], vector<16xf32>,
        %get3A_186 = arith.constant 4 : i32
        %get3A_187 = arith.index_cast %get3A_186 : i32 to index
        %get3A_188 = arith.constant 0 : index
        %get3A_189 = tpu.vector_load %arg16[%get3A_187, %get3A_188] {strides = array<i32>} : memref<32x16xf32, #tpu.memory_space<vmem>>, vector<16xf32>,
        %sub3A_190 = arith.subf %gather3A_184, %gather3A_185 : vector<16xf32>
        %abs3A_191 = math.absf %sub3A_190 : vector<16xf32>
        %mul3A_192 = arith.mulf %get3A_189, %abs3A_191 : vector<16xf32>
        %add3A_193 = arith.addf %add3A_181, %mul3A_192 : vector<16xf32>
        %broadcast_in_dim3A_194 = arith.constant 5 : i32
        %broadcast_in_dim3A_195 = vector.broadcast %broadcast_in_dim3A_194 : i32 to vector<16xi32>
        %gather3A_196 = tpu.vector_load_idx %arg12[%add3A_134, %broadcast_in_dim3A_195] : memref<80x32xf32, #tpu.memory_space<vmem>>[vector<16xi32>, vector<16xi32>], vector<16xf32>,
        %gather3A_197 = tpu.vector_load_idx %arg13[%add3A_134, %broadcast_in_dim3A_195] : memref<80x32xf32, #tpu.memory_space<vmem>>[vector<16xi32>, vector<16xi32>], vector<16xf32>,
        %get3A_198 = arith.constant 5 : i32
        %get3A_199 = arith.index_cast %get3A_198 : i32 to index
        %get3A_200 = arith.constant 0 : index
        %get3A_201 = tpu.vector_load %arg16[%get3A_199, %get3A_200] {strides = array<i32>} : memref<32x16xf32, #tpu.memory_space<vmem>>, vector<16xf32>,
        %sub3A_202 = arith.subf %gather3A_196, %gather3A_197 : vector<16xf32>
        %abs3A_203 = math.absf %sub3A_202 : vector<16xf32>
        %mul3A_204 = arith.mulf %get3A_201, %abs3A_203 : vector<16xf32>
        %add3A_205 = arith.addf %add3A_193, %mul3A_204 : vector<16xf32>
        %broadcast_in_dim3A_206 = arith.constant 6 : i32
        %broadcast_in_dim3A_207 = vector.broadcast %broadcast_in_dim3A_206 : i32 to vector<16xi32>
        %gather3A_208 = tpu.vector_load_idx %arg12[%add3A_134, %broadcast_in_dim3A_207] : memref<80x32xf32, #tpu.memory_space<vmem>>[vector<16xi32>, vector<16xi32>], vector<16xf32>,
        %gather3A_209 = tpu.vector_load_idx %arg13[%add3A_134, %broadcast_in_dim3A_207] : memref<80x32xf32, #tpu.memory_space<vmem>>[vector<16xi32>, vector<16xi32>], vector<16xf32>,
        %get3A_210 = arith.constant 6 : i32
        %get3A_211 = arith.index_cast %get3A_210 : i32 to index
        %get3A_212 = arith.constant 0 : index
        %get3A_213 = tpu.vector_load %arg16[%get3A_211, %get3A_212] {strides = array<i32>} : memref<32x16xf32, #tpu.memory_space<vmem>>, vector<16xf32>,
        %sub3A_214 = arith.subf %gather3A_208, %gather3A_209 : vector<16xf32>
        %abs3A_215 = math.absf %sub3A_214 : vector<16xf32>
        %mul3A_216 = arith.mulf %get3A_213, %abs3A_215 : vector<16xf32>
        %add3A_217 = arith.addf %add3A_205, %mul3A_216 : vector<16xf32>
        %broadcast_in_dim3A_218 = arith.constant 7 : i32
        %broadcast_in_dim3A_219 = vector.broadcast %broadcast_in_dim3A_218 : i32 to vector<16xi32>
        %gather3A_220 = tpu.vector_load_idx %arg12[%add3A_134, %broadcast_in_dim3A_219] : memref<80x32xf32, #tpu.memory_space<vmem>>[vector<16xi32>, vector<16xi32>], vector<16xf32>,
        %gather3A_221 = tpu.vector_load_idx %arg13[%add3A_134, %broadcast_in_dim3A_219] : memref<80x32xf32, #tpu.memory_space<vmem>>[vector<16xi32>, vector<16xi32>], vector<16xf32>,
        %get3A_222 = arith.constant 7 : i32
        %get3A_223 = arith.index_cast %get3A_222 : i32 to index
        %get3A_224 = arith.constant 0 : index
        %get3A_225 = tpu.vector_load %arg16[%get3A_223, %get3A_224] {strides = array<i32>} : memref<32x16xf32, #tpu.memory_space<vmem>>, vector<16xf32>,
        %sub3A_226 = arith.subf %gather3A_220, %gather3A_221 : vector<16xf32>
        %abs3A_227 = math.absf %sub3A_226 : vector<16xf32>
        %mul3A_228 = arith.mulf %get3A_225, %abs3A_227 : vector<16xf32>
        %add3A_229 = arith.addf %add3A_217, %mul3A_228 : vector<16xf32>
        %broadcast_in_dim3A_230 = arith.constant 8 : i32
        %broadcast_in_dim3A_231 = vector.broadcast %broadcast_in_dim3A_230 : i32 to vector<16xi32>
        %gather3A_232 = tpu.vector_load_idx %arg12[%add3A_134, %broadcast_in_dim3A_231] : memref<80x32xf32, #tpu.memory_space<vmem>>[vector<16xi32>, vector<16xi32>], vector<16xf32>,
        %gather3A_233 = tpu.vector_load_idx %arg13[%add3A_134, %broadcast_in_dim3A_231] : memref<80x32xf32, #tpu.memory_space<vmem>>[vector<16xi32>, vector<16xi32>], vector<16xf32>,
        %get3A_234 = arith.constant 8 : i32
        %get3A_235 = arith.index_cast %get3A_234 : i32 to index
        %get3A_236 = arith.constant 0 : index
        %get3A_237 = tpu.vector_load %arg16[%get3A_235, %get3A_236] {strides = array<i32>} : memref<32x16xf32, #tpu.memory_space<vmem>>, vector<16xf32>,
        %sub3A_238 = arith.subf %gather3A_232, %gather3A_233 : vector<16xf32>
        %abs3A_239 = math.absf %sub3A_238 : vector<16xf32>
        %mul3A_240 = arith.mulf %get3A_237, %abs3A_239 : vector<16xf32>
        %add3A_241 = arith.addf %add3A_229, %mul3A_240 : vector<16xf32>
        %broadcast_in_dim3A_242 = arith.constant 9 : i32
        %broadcast_in_dim3A_243 = vector.broadcast %broadcast_in_dim3A_242 : i32 to vector<16xi32>
        %gather3A_244 = tpu.vector_load_idx %arg12[%add3A_134, %broadcast_in_dim3A_243] : memref<80x32xf32, #tpu.memory_space<vmem>>[vector<16xi32>, vector<16xi32>], vector<16xf32>,
        %gather3A_245 = tpu.vector_load_idx %arg13[%add3A_134, %broadcast_in_dim3A_243] : memref<80x32xf32, #tpu.memory_space<vmem>>[vector<16xi32>, vector<16xi32>], vector<16xf32>,
        %get3A_246 = arith.constant 9 : i32
        %get3A_247 = arith.index_cast %get3A_246 : i32 to index
        %get3A_248 = arith.constant 0 : index
        %get3A_249 = tpu.vector_load %arg16[%get3A_247, %get3A_248] {strides = array<i32>} : memref<32x16xf32, #tpu.memory_space<vmem>>, vector<16xf32>,
        %sub3A_250 = arith.subf %gather3A_244, %gather3A_245 : vector<16xf32>
        %abs3A_251 = math.absf %sub3A_250 : vector<16xf32>
        %mul3A_252 = arith.mulf %get3A_249, %abs3A_251 : vector<16xf32>
        %add3A_253 = arith.addf %add3A_241, %mul3A_252 : vector<16xf32>
        %broadcast_in_dim3A_254 = arith.constant 10 : i32
        %broadcast_in_dim3A_255 = vector.broadcast %broadcast_in_dim3A_254 : i32 to vector<16xi32>
        %gather3A_256 = tpu.vector_load_idx %arg12[%add3A_134, %broadcast_in_dim3A_255] : memref<80x32xf32, #tpu.memory_space<vmem>>[vector<16xi32>, vector<16xi32>], vector<16xf32>,
        %gather3A_257 = tpu.vector_load_idx %arg13[%add3A_134, %broadcast_in_dim3A_255] : memref<80x32xf32, #tpu.memory_space<vmem>>[vector<16xi32>, vector<16xi32>], vector<16xf32>,
        %get3A_258 = arith.constant 10 : i32
        %get3A_259 = arith.index_cast %get3A_258 : i32 to index
        %get3A_260 = arith.constant 0 : index
        %get3A_261 = tpu.vector_load %arg16[%get3A_259, %get3A_260] {strides = array<i32>} : memref<32x16xf32, #tpu.memory_space<vmem>>, vector<16xf32>,
        %sub3A_262 = arith.subf %gather3A_256, %gather3A_257 : vector<16xf32>
        %abs3A_263 = math.absf %sub3A_262 : vector<16xf32>
        %mul3A_264 = arith.mulf %get3A_261, %abs3A_263 : vector<16xf32>
        %add3A_265 = arith.addf %add3A_253, %mul3A_264 : vector<16xf32>
        %broadcast_in_dim3A_266 = arith.constant 11 : i32
        %broadcast_in_dim3A_267 = vector.broadcast %broadcast_in_dim3A_266 : i32 to vector<16xi32>
        %gather3A_268 = tpu.vector_load_idx %arg12[%add3A_134, %broadcast_in_dim3A_267] : memref<80x32xf32, #tpu.memory_space<vmem>>[vector<16xi32>, vector<16xi32>], vector<16xf32>,
        %gather3A_269 = tpu.vector_load_idx %arg13[%add3A_134, %broadcast_in_dim3A_267] : memref<80x32xf32, #tpu.memory_space<vmem>>[vector<16xi32>, vector<16xi32>], vector<16xf32>,
        %get3A_270 = arith.constant 11 : i32
        %get3A_271 = arith.index_cast %get3A_270 : i32 to index
        %get3A_272 = arith.constant 0 : index
        %get3A_273 = tpu.vector_load %arg16[%get3A_271, %get3A_272] {strides = array<i32>} : memref<32x16xf32, #tpu.memory_space<vmem>>, vector<16xf32>,
        %sub3A_274 = arith.subf %gather3A_268, %gather3A_269 : vector<16xf32>
        %abs3A_275 = math.absf %sub3A_274 : vector<16xf32>
        %mul3A_276 = arith.mulf %get3A_273, %abs3A_275 : vector<16xf32>
        %add3A_277 = arith.addf %add3A_265, %mul3A_276 : vector<16xf32>
        %broadcast_in_dim3A_278 = arith.constant 12 : i32
        %broadcast_in_dim3A_279 = vector.broadcast %broadcast_in_dim3A_278 : i32 to vector<16xi32>
        %gather3A_280 = tpu.vector_load_idx %arg12[%add3A_134, %broadcast_in_dim3A_279] : memref<80x32xf32, #tpu.memory_space<vmem>>[vector<16xi32>, vector<16xi32>], vector<16xf32>,
        %gather3A_281 = tpu.vector_load_idx %arg13[%add3A_134, %broadcast_in_dim3A_279] : memref<80x32xf32, #tpu.memory_space<vmem>>[vector<16xi32>, vector<16xi32>], vector<16xf32>,
        %get3A_282 = arith.constant 12 : i32
        %get3A_283 = arith.index_cast %get3A_282 : i32 to index
        %get3A_284 = arith.constant 0 : index
        %get3A_285 = tpu.vector_load %arg16[%get3A_283, %get3A_284] {strides = array<i32>} : memref<32x16xf32, #tpu.memory_space<vmem>>, vector<16xf32>,
        %sub3A_286 = arith.subf %gather3A_280, %gather3A_281 : vector<16xf32>
        %abs3A_287 = math.absf %sub3A_286 : vector<16xf32>
        %mul3A_288 = arith.mulf %get3A_285, %abs3A_287 : vector<16xf32>
        %add3A_289 = arith.addf %add3A_277, %mul3A_288 : vector<16xf32>
        %broadcast_in_dim3A_290 = arith.constant 13 : i32
        %broadcast_in_dim3A_291 = vector.broadcast %broadcast_in_dim3A_290 : i32 to vector<16xi32>
        %gather3A_292 = tpu.vector_load_idx %arg12[%add3A_134, %broadcast_in_dim3A_291] : memref<80x32xf32, #tpu.memory_space<vmem>>[vector<16xi32>, vector<16xi32>], vector<16xf32>,
        %gather3A_293 = tpu.vector_load_idx %arg13[%add3A_134, %broadcast_in_dim3A_291] : memref<80x32xf32, #tpu.memory_space<vmem>>[vector<16xi32>, vector<16xi32>], vector<16xf32>,
        %get3A_294 = arith.constant 13 : i32
        %get3A_295 = arith.index_cast %get3A_294 : i32 to index
        %get3A_296 = arith.constant 0 : index
        %get3A_297 = tpu.vector_load %arg16[%get3A_295, %get3A_296] {strides = array<i32>} : memref<32x16xf32, #tpu.memory_space<vmem>>, vector<16xf32>,
        %sub3A_298 = arith.subf %gather3A_292, %gather3A_293 : vector<16xf32>
        %abs3A_299 = math.absf %sub3A_298 : vector<16xf32>
        %mul3A_300 = arith.mulf %get3A_297, %abs3A_299 : vector<16xf32>
        %add3A_301 = arith.addf %add3A_289, %mul3A_300 : vector<16xf32>
        %broadcast_in_dim3A_302 = arith.constant 14 : i32
        %broadcast_in_dim3A_303 = vector.broadcast %broadcast_in_dim3A_302 : i32 to vector<16xi32>
        %gather3A_304 = tpu.vector_load_idx %arg12[%add3A_134, %broadcast_in_dim3A_303] : memref<80x32xf32, #tpu.memory_space<vmem>>[vector<16xi32>, vector<16xi32>], vector<16xf32>,
        %gather3A_305 = tpu.vector_load_idx %arg13[%add3A_134, %broadcast_in_dim3A_303] : memref<80x32xf32, #tpu.memory_space<vmem>>[vector<16xi32>, vector<16xi32>], vector<16xf32>,
        %get3A_306 = arith.constant 14 : i32
        %get3A_307 = arith.index_cast %get3A_306 : i32 to index
        %get3A_308 = arith.constant 0 : index
        %get3A_309 = tpu.vector_load %arg16[%get3A_307, %get3A_308] {strides = array<i32>} : memref<32x16xf32, #tpu.memory_space<vmem>>, vector<16xf32>,
        %sub3A_310 = arith.subf %gather3A_304, %gather3A_305 : vector<16xf32>
        %abs3A_311 = math.absf %sub3A_310 : vector<16xf32>
        %mul3A_312 = arith.mulf %get3A_309, %abs3A_311 : vector<16xf32>
        %add3A_313 = arith.addf %add3A_301, %mul3A_312 : vector<16xf32>
        %broadcast_in_dim3A_314 = arith.constant 15 : i32
        %broadcast_in_dim3A_315 = vector.broadcast %broadcast_in_dim3A_314 : i32 to vector<16xi32>
        %gather3A_316 = tpu.vector_load_idx %arg12[%add3A_134, %broadcast_in_dim3A_315] : memref<80x32xf32, #tpu.memory_space<vmem>>[vector<16xi32>, vector<16xi32>], vector<16xf32>,
        %gather3A_317 = tpu.vector_load_idx %arg13[%add3A_134, %broadcast_in_dim3A_315] : memref<80x32xf32, #tpu.memory_space<vmem>>[vector<16xi32>, vector<16xi32>], vector<16xf32>,
        %get3A_318 = arith.constant 15 : i32
        %get3A_319 = arith.index_cast %get3A_318 : i32 to index
        %get3A_320 = arith.constant 0 : index
        %get3A_321 = tpu.vector_load %arg16[%get3A_319, %get3A_320] {strides = array<i32>} : memref<32x16xf32, #tpu.memory_space<vmem>>, vector<16xf32>,
        %sub3A_322 = arith.subf %gather3A_316, %gather3A_317 : vector<16xf32>
        %abs3A_323 = math.absf %sub3A_322 : vector<16xf32>
        %mul3A_324 = arith.mulf %get3A_321, %abs3A_323 : vector<16xf32>
        %add3A_325 = arith.addf %add3A_313, %mul3A_324 : vector<16xf32>
        %broadcast_in_dim3A_326 = arith.constant 16 : i32
        %broadcast_in_dim3A_327 = vector.broadcast %broadcast_in_dim3A_326 : i32 to vector<16xi32>
        %gather3A_328 = tpu.vector_load_idx %arg12[%add3A_134, %broadcast_in_dim3A_327] : memref<80x32xf32, #tpu.memory_space<vmem>>[vector<16xi32>, vector<16xi32>], vector<16xf32>,
        %gather3A_329 = tpu.vector_load_idx %arg13[%add3A_134, %broadcast_in_dim3A_327] : memref<80x32xf32, #tpu.memory_space<vmem>>[vector<16xi32>, vector<16xi32>], vector<16xf32>,
        %get3A_330 = arith.constant 16 : i32
        %get3A_331 = arith.index_cast %get3A_330 : i32 to index
        %get3A_332 = arith.constant 0 : index
        %get3A_333 = tpu.vector_load %arg16[%get3A_331, %get3A_332] {strides = array<i32>} : memref<32x16xf32, #tpu.memory_space<vmem>>, vector<16xf32>,
        %sub3A_334 = arith.subf %gather3A_328, %gather3A_329 : vector<16xf32>
        %abs3A_335 = math.absf %sub3A_334 : vector<16xf32>
        %mul3A_336 = arith.mulf %get3A_333, %abs3A_335 : vector<16xf32>
        %add3A_337 = arith.addf %add3A_325, %mul3A_336 : vector<16xf32>
        %broadcast_in_dim3A_338 = arith.constant 17 : i32
        %broadcast_in_dim3A_339 = vector.broadcast %broadcast_in_dim3A_338 : i32 to vector<16xi32>
        %gather3A_340 = tpu.vector_load_idx %arg12[%add3A_134, %broadcast_in_dim3A_339] : memref<80x32xf32, #tpu.memory_space<vmem>>[vector<16xi32>, vector<16xi32>], vector<16xf32>,
        %gather3A_341 = tpu.vector_load_idx %arg13[%add3A_134, %broadcast_in_dim3A_339] : memref<80x32xf32, #tpu.memory_space<vmem>>[vector<16xi32>, vector<16xi32>], vector<16xf32>,
        %get3A_342 = arith.constant 17 : i32
        %get3A_343 = arith.index_cast %get3A_342 : i32 to index
        %get3A_344 = arith.constant 0 : index
        %get3A_345 = tpu.vector_load %arg16[%get3A_343, %get3A_344] {strides = array<i32>} : memref<32x16xf32, #tpu.memory_space<vmem>>, vector<16xf32>,
        %sub3A_346 = arith.subf %gather3A_340, %gather3A_341 : vector<16xf32>
        %abs3A_347 = math.absf %sub3A_346 : vector<16xf32>
        %mul3A_348 = arith.mulf %get3A_345, %abs3A_347 : vector<16xf32>
        %add3A_349 = arith.addf %add3A_337, %mul3A_348 : vector<16xf32>
        %broadcast_in_dim3A_350 = arith.constant 18 : i32
        %broadcast_in_dim3A_351 = vector.broadcast %broadcast_in_dim3A_350 : i32 to vector<16xi32>
        %gather3A_352 = tpu.vector_load_idx %arg12[%add3A_134, %broadcast_in_dim3A_351] : memref<80x32xf32, #tpu.memory_space<vmem>>[vector<16xi32>, vector<16xi32>], vector<16xf32>,
        %gather3A_353 = tpu.vector_load_idx %arg13[%add3A_134, %broadcast_in_dim3A_351] : memref<80x32xf32, #tpu.memory_space<vmem>>[vector<16xi32>, vector<16xi32>], vector<16xf32>,
        %get3A_354 = arith.constant 18 : i32
        %get3A_355 = arith.index_cast %get3A_354 : i32 to index
        %get3A_356 = arith.constant 0 : index
        %get3A_357 = tpu.vector_load %arg16[%get3A_355, %get3A_356] {strides = array<i32>} : memref<32x16xf32, #tpu.memory_space<vmem>>, vector<16xf32>,
        %sub3A_358 = arith.subf %gather3A_352, %gather3A_353 : vector<16xf32>
        %abs3A_359 = math.absf %sub3A_358 : vector<16xf32>
        %mul3A_360 = arith.mulf %get3A_357, %abs3A_359 : vector<16xf32>
        %add3A_361 = arith.addf %add3A_349, %mul3A_360 : vector<16xf32>
        %broadcast_in_dim3A_362 = arith.constant 19 : i32
        %broadcast_in_dim3A_363 = vector.broadcast %broadcast_in_dim3A_362 : i32 to vector<16xi32>
        %gather3A_364 = tpu.vector_load_idx %arg12[%add3A_134, %broadcast_in_dim3A_363] : memref<80x32xf32, #tpu.memory_space<vmem>>[vector<16xi32>, vector<16xi32>], vector<16xf32>,
        %gather3A_365 = tpu.vector_load_idx %arg13[%add3A_134, %broadcast_in_dim3A_363] : memref<80x32xf32, #tpu.memory_space<vmem>>[vector<16xi32>, vector<16xi32>], vector<16xf32>,
        %get3A_366 = arith.constant 19 : i32
        %get3A_367 = arith.index_cast %get3A_366 : i32 to index
        %get3A_368 = arith.constant 0 : index
        %get3A_369 = tpu.vector_load %arg16[%get3A_367, %get3A_368] {strides = array<i32>} : memref<32x16xf32, #tpu.memory_space<vmem>>, vector<16xf32>,
        %sub3A_370 = arith.subf %gather3A_364, %gather3A_365 : vector<16xf32>
        %abs3A_371 = math.absf %sub3A_370 : vector<16xf32>
        %mul3A_372 = arith.mulf %get3A_369, %abs3A_371 : vector<16xf32>
        %add3A_373 = arith.addf %add3A_361, %mul3A_372 : vector<16xf32>
        %broadcast_in_dim3A_374 = arith.constant 20 : i32
        %broadcast_in_dim3A_375 = vector.broadcast %broadcast_in_dim3A_374 : i32 to vector<16xi32>
        %gather3A_376 = tpu.vector_load_idx %arg12[%add3A_134, %broadcast_in_dim3A_375] : memref<80x32xf32, #tpu.memory_space<vmem>>[vector<16xi32>, vector<16xi32>], vector<16xf32>,
        %gather3A_377 = tpu.vector_load_idx %arg13[%add3A_134, %broadcast_in_dim3A_375] : memref<80x32xf32, #tpu.memory_space<vmem>>[vector<16xi32>, vector<16xi32>], vector<16xf32>,
        %get3A_378 = arith.constant 20 : i32
        %get3A_379 = arith.index_cast %get3A_378 : i32 to index
        %get3A_380 = arith.constant 0 : index
        %get3A_381 = tpu.vector_load %arg16[%get3A_379, %get3A_380] {strides = array<i32>} : memref<32x16xf32, #tpu.memory_space<vmem>>, vector<16xf32>,
        %sub3A_382 = arith.subf %gather3A_376, %gather3A_377 : vector<16xf32>
        %abs3A_383 = math.absf %sub3A_382 : vector<16xf32>
        %mul3A_384 = arith.mulf %get3A_381, %abs3A_383 : vector<16xf32>
        %add3A_385 = arith.addf %add3A_373, %mul3A_384 : vector<16xf32>
        %broadcast_in_dim3A_386 = arith.constant 21 : i32
        %broadcast_in_dim3A_387 = vector.broadcast %broadcast_in_dim3A_386 : i32 to vector<16xi32>
        %gather3A_388 = tpu.vector_load_idx %arg12[%add3A_134, %broadcast_in_dim3A_387] : memref<80x32xf32, #tpu.memory_space<vmem>>[vector<16xi32>, vector<16xi32>], vector<16xf32>,
        %gather3A_389 = tpu.vector_load_idx %arg13[%add3A_134, %broadcast_in_dim3A_387] : memref<80x32xf32, #tpu.memory_space<vmem>>[vector<16xi32>, vector<16xi32>], vector<16xf32>,
        %get3A_390 = arith.constant 21 : i32
        %get3A_391 = arith.index_cast %get3A_390 : i32 to index
        %get3A_392 = arith.constant 0 : index
        %get3A_393 = tpu.vector_load %arg16[%get3A_391, %get3A_392] {strides = array<i32>} : memref<32x16xf32, #tpu.memory_space<vmem>>, vector<16xf32>,
        %sub3A_394 = arith.subf %gather3A_388, %gather3A_389 : vector<16xf32>
        %abs3A_395 = math.absf %sub3A_394 : vector<16xf32>
        %mul3A_396 = arith.mulf %get3A_393, %abs3A_395 : vector<16xf32>
        %add3A_397 = arith.addf %add3A_385, %mul3A_396 : vector<16xf32>
        %broadcast_in_dim3A_398 = arith.constant 22 : i32
        %broadcast_in_dim3A_399 = vector.broadcast %broadcast_in_dim3A_398 : i32 to vector<16xi32>
        %gather3A_400 = tpu.vector_load_idx %arg12[%add3A_134, %broadcast_in_dim3A_399] : memref<80x32xf32, #tpu.memory_space<vmem>>[vector<16xi32>, vector<16xi32>], vector<16xf32>,
        %gather3A_401 = tpu.vector_load_idx %arg13[%add3A_134, %broadcast_in_dim3A_399] : memref<80x32xf32, #tpu.memory_space<vmem>>[vector<16xi32>, vector<16xi32>], vector<16xf32>,
        %get3A_402 = arith.constant 22 : i32
        %get3A_403 = arith.index_cast %get3A_402 : i32 to index
        %get3A_404 = arith.constant 0 : index
        %get3A_405 = tpu.vector_load %arg16[%get3A_403, %get3A_404] {strides = array<i32>} : memref<32x16xf32, #tpu.memory_space<vmem>>, vector<16xf32>,
        %sub3A_406 = arith.subf %gather3A_400, %gather3A_401 : vector<16xf32>
        %abs3A_407 = math.absf %sub3A_406 : vector<16xf32>
        %mul3A_408 = arith.mulf %get3A_405, %abs3A_407 : vector<16xf32>
        %add3A_409 = arith.addf %add3A_397, %mul3A_408 : vector<16xf32>
        %broadcast_in_dim3A_410 = arith.constant 23 : i32
        %broadcast_in_dim3A_411 = vector.broadcast %broadcast_in_dim3A_410 : i32 to vector<16xi32>
        %gather3A_412 = tpu.vector_load_idx %arg12[%add3A_134, %broadcast_in_dim3A_411] : memref<80x32xf32, #tpu.memory_space<vmem>>[vector<16xi32>, vector<16xi32>], vector<16xf32>,
        %gather3A_413 = tpu.vector_load_idx %arg13[%add3A_134, %broadcast_in_dim3A_411] : memref<80x32xf32, #tpu.memory_space<vmem>>[vector<16xi32>, vector<16xi32>], vector<16xf32>,
        %get3A_414 = arith.constant 23 : i32
        %get3A_415 = arith.index_cast %get3A_414 : i32 to index
        %get3A_416 = arith.constant 0 : index
        %get3A_417 = tpu.vector_load %arg16[%get3A_415, %get3A_416] {strides = array<i32>} : memref<32x16xf32, #tpu.memory_space<vmem>>, vector<16xf32>,
        %sub3A_418 = arith.subf %gather3A_412, %gather3A_413 : vector<16xf32>
        %abs3A_419 = math.absf %sub3A_418 : vector<16xf32>
        %mul3A_420 = arith.mulf %get3A_417, %abs3A_419 : vector<16xf32>
        %add3A_421 = arith.addf %add3A_409, %mul3A_420 : vector<16xf32>
        %broadcast_in_dim3A_422 = arith.constant 24 : i32
        %broadcast_in_dim3A_423 = vector.broadcast %broadcast_in_dim3A_422 : i32 to vector<16xi32>
        %gather3A_424 = tpu.vector_load_idx %arg12[%add3A_134, %broadcast_in_dim3A_423] : memref<80x32xf32, #tpu.memory_space<vmem>>[vector<16xi32>, vector<16xi32>], vector<16xf32>,
        %gather3A_425 = tpu.vector_load_idx %arg13[%add3A_134, %broadcast_in_dim3A_423] : memref<80x32xf32, #tpu.memory_space<vmem>>[vector<16xi32>, vector<16xi32>], vector<16xf32>,
        %get3A_426 = arith.constant 24 : i32
        %get3A_427 = arith.index_cast %get3A_426 : i32 to index
        %get3A_428 = arith.constant 0 : index
        %get3A_429 = tpu.vector_load %arg16[%get3A_427, %get3A_428] {strides = array<i32>} : memref<32x16xf32, #tpu.memory_space<vmem>>, vector<16xf32>,
        %sub3A_430 = arith.subf %gather3A_424, %gather3A_425 : vector<16xf32>
        %abs3A_431 = math.absf %sub3A_430 : vector<16xf32>
        %mul3A_432 = arith.mulf %get3A_429, %abs3A_431 : vector<16xf32>
        %add3A_433 = arith.addf %add3A_421, %mul3A_432 : vector<16xf32>
        %broadcast_in_dim3A_434 = arith.constant 25 : i32
        %broadcast_in_dim3A_435 = vector.broadcast %broadcast_in_dim3A_434 : i32 to vector<16xi32>
        %gather3A_436 = tpu.vector_load_idx %arg12[%add3A_134, %broadcast_in_dim3A_435] : memref<80x32xf32, #tpu.memory_space<vmem>>[vector<16xi32>, vector<16xi32>], vector<16xf32>,
        %gather3A_437 = tpu.vector_load_idx %arg13[%add3A_134, %broadcast_in_dim3A_435] : memref<80x32xf32, #tpu.memory_space<vmem>>[vector<16xi32>, vector<16xi32>], vector<16xf32>,
        %get3A_438 = arith.constant 25 : i32
        %get3A_439 = arith.index_cast %get3A_438 : i32 to index
        %get3A_440 = arith.constant 0 : index
        %get3A_441 = tpu.vector_load %arg16[%get3A_439, %get3A_440] {strides = array<i32>} : memref<32x16xf32, #tpu.memory_space<vmem>>, vector<16xf32>,
        %sub3A_442 = arith.subf %gather3A_436, %gather3A_437 : vector<16xf32>
        %abs3A_443 = math.absf %sub3A_442 : vector<16xf32>
        %mul3A_444 = arith.mulf %get3A_441, %abs3A_443 : vector<16xf32>
        %add3A_445 = arith.addf %add3A_433, %mul3A_444 : vector<16xf32>
        %broadcast_in_dim3A_446 = arith.constant 26 : i32
        %broadcast_in_dim3A_447 = vector.broadcast %broadcast_in_dim3A_446 : i32 to vector<16xi32>
        %gather3A_448 = tpu.vector_load_idx %arg12[%add3A_134, %broadcast_in_dim3A_447] : memref<80x32xf32, #tpu.memory_space<vmem>>[vector<16xi32>, vector<16xi32>], vector<16xf32>,
        %gather3A_449 = tpu.vector_load_idx %arg13[%add3A_134, %broadcast_in_dim3A_447] : memref<80x32xf32, #tpu.memory_space<vmem>>[vector<16xi32>, vector<16xi32>], vector<16xf32>,
        %get3A_450 = arith.constant 26 : i32
        %get3A_451 = arith.index_cast %get3A_450 : i32 to index
        %get3A_452 = arith.constant 0 : index
        %get3A_453 = tpu.vector_load %arg16[%get3A_451, %get3A_452] {strides = array<i32>} : memref<32x16xf32, #tpu.memory_space<vmem>>, vector<16xf32>,
        %sub3A_454 = arith.subf %gather3A_448, %gather3A_449 : vector<16xf32>
        %abs3A_455 = math.absf %sub3A_454 : vector<16xf32>
        %mul3A_456 = arith.mulf %get3A_453, %abs3A_455 : vector<16xf32>
        %add3A_457 = arith.addf %add3A_445, %mul3A_456 : vector<16xf32>
        %broadcast_in_dim3A_458 = arith.constant 27 : i32
        %broadcast_in_dim3A_459 = vector.broadcast %broadcast_in_dim3A_458 : i32 to vector<16xi32>
        %gather3A_460 = tpu.vector_load_idx %arg12[%add3A_134, %broadcast_in_dim3A_459] : memref<80x32xf32, #tpu.memory_space<vmem>>[vector<16xi32>, vector<16xi32>], vector<16xf32>,
        %gather3A_461 = tpu.vector_load_idx %arg13[%add3A_134, %broadcast_in_dim3A_459] : memref<80x32xf32, #tpu.memory_space<vmem>>[vector<16xi32>, vector<16xi32>], vector<16xf32>,
        %get3A_462 = arith.constant 27 : i32
        %get3A_463 = arith.index_cast %get3A_462 : i32 to index
        %get3A_464 = arith.constant 0 : index
        %get3A_465 = tpu.vector_load %arg16[%get3A_463, %get3A_464] {strides = array<i32>} : memref<32x16xf32, #tpu.memory_space<vmem>>, vector<16xf32>,
        %sub3A_466 = arith.subf %gather3A_460, %gather3A_461 : vector<16xf32>
        %abs3A_467 = math.absf %sub3A_466 : vector<16xf32>
        %mul3A_468 = arith.mulf %get3A_465, %abs3A_467 : vector<16xf32>
        %add3A_469 = arith.addf %add3A_457, %mul3A_468 : vector<16xf32>
        %broadcast_in_dim3A_470 = arith.constant 28 : i32
        %broadcast_in_dim3A_471 = vector.broadcast %broadcast_in_dim3A_470 : i32 to vector<16xi32>
        %gather3A_472 = tpu.vector_load_idx %arg12[%add3A_134, %broadcast_in_dim3A_471] : memref<80x32xf32, #tpu.memory_space<vmem>>[vector<16xi32>, vector<16xi32>], vector<16xf32>,
        %gather3A_473 = tpu.vector_load_idx %arg13[%add3A_134, %broadcast_in_dim3A_471] : memref<80x32xf32, #tpu.memory_space<vmem>>[vector<16xi32>, vector<16xi32>], vector<16xf32>,
        %get3A_474 = arith.constant 28 : i32
        %get3A_475 = arith.index_cast %get3A_474 : i32 to index
        %get3A_476 = arith.constant 0 : index
        %get3A_477 = tpu.vector_load %arg16[%get3A_475, %get3A_476] {strides = array<i32>} : memref<32x16xf32, #tpu.memory_space<vmem>>, vector<16xf32>,
        %sub3A_478 = arith.subf %gather3A_472, %gather3A_473 : vector<16xf32>
        %abs3A_479 = math.absf %sub3A_478 : vector<16xf32>
        %mul3A_480 = arith.mulf %get3A_477, %abs3A_479 : vector<16xf32>
        %add3A_481 = arith.addf %add3A_469, %mul3A_480 : vector<16xf32>
        %broadcast_in_dim3A_482 = arith.constant 29 : i32
        %broadcast_in_dim3A_483 = vector.broadcast %broadcast_in_dim3A_482 : i32 to vector<16xi32>
        %gather3A_484 = tpu.vector_load_idx %arg12[%add3A_134, %broadcast_in_dim3A_483] : memref<80x32xf32, #tpu.memory_space<vmem>>[vector<16xi32>, vector<16xi32>], vector<16xf32>,
        %gather3A_485 = tpu.vector_load_idx %arg13[%add3A_134, %broadcast_in_dim3A_483] : memref<80x32xf32, #tpu.memory_space<vmem>>[vector<16xi32>, vector<16xi32>], vector<16xf32>,
        %get3A_486 = arith.constant 29 : i32
        %get3A_487 = arith.index_cast %get3A_486 : i32 to index
        %get3A_488 = arith.constant 0 : index
        %get3A_489 = tpu.vector_load %arg16[%get3A_487, %get3A_488] {strides = array<i32>} : memref<32x16xf32, #tpu.memory_space<vmem>>, vector<16xf32>,
        %sub3A_490 = arith.subf %gather3A_484, %gather3A_485 : vector<16xf32>
        %abs3A_491 = math.absf %sub3A_490 : vector<16xf32>
        %mul3A_492 = arith.mulf %get3A_489, %abs3A_491 : vector<16xf32>
        %add3A_493 = arith.addf %add3A_481, %mul3A_492 : vector<16xf32>
        %broadcast_in_dim3A_494 = arith.constant 30 : i32
        %broadcast_in_dim3A_495 = vector.broadcast %broadcast_in_dim3A_494 : i32 to vector<16xi32>
        %gather3A_496 = tpu.vector_load_idx %arg12[%add3A_134, %broadcast_in_dim3A_495] : memref<80x32xf32, #tpu.memory_space<vmem>>[vector<16xi32>, vector<16xi32>], vector<16xf32>,
        %gather3A_497 = tpu.vector_load_idx %arg13[%add3A_134, %broadcast_in_dim3A_495] : memref<80x32xf32, #tpu.memory_space<vmem>>[vector<16xi32>, vector<16xi32>], vector<16xf32>,
        %get3A_498 = arith.constant 30 : i32
        %get3A_499 = arith.index_cast %get3A_498 : i32 to index
        %get3A_500 = arith.constant 0 : index
        %get3A_501 = tpu.vector_load %arg16[%get3A_499, %get3A_500] {strides = array<i32>} : memref<32x16xf32, #tpu.memory_space<vmem>>, vector<16xf32>,
        %sub3A_502 = arith.subf %gather3A_496, %gather3A_497 : vector<16xf32>
        %abs3A_503 = math.absf %sub3A_502 : vector<16xf32>
        %mul3A_504 = arith.mulf %get3A_501, %abs3A_503 : vector<16xf32>
        %add3A_505 = arith.addf %add3A_493, %mul3A_504 : vector<16xf32>
        %broadcast_in_dim3A_506 = arith.constant 31 : i32
        %broadcast_in_dim3A_507 = vector.broadcast %broadcast_in_dim3A_506 : i32 to vector<16xi32>
        %gather3A_508 = tpu.vector_load_idx %arg12[%add3A_134, %broadcast_in_dim3A_507] : memref<80x32xf32, #tpu.memory_space<vmem>>[vector<16xi32>, vector<16xi32>], vector<16xf32>,
        %gather3A_509 = tpu.vector_load_idx %arg13[%add3A_134, %broadcast_in_dim3A_507] : memref<80x32xf32, #tpu.memory_space<vmem>>[vector<16xi32>, vector<16xi32>], vector<16xf32>,
        %get3A_510 = arith.constant 31 : i32
        %get3A_511 = arith.index_cast %get3A_510 : i32 to index
        %get3A_512 = arith.constant 0 : index
        %get3A_513 = tpu.vector_load %arg16[%get3A_511, %get3A_512] {strides = array<i32>} : memref<32x16xf32, #tpu.memory_space<vmem>>, vector<16xf32>,
        %sub3A_514 = arith.subf %gather3A_508, %gather3A_509 : vector<16xf32>
        %abs3A_515 = math.absf %sub3A_514 : vector<16xf32>
        %mul3A_516 = arith.mulf %get3A_513, %abs3A_515 : vector<16xf32>
        %add3A_517 = arith.addf %add3A_505, %mul3A_516 : vector<16xf32>
        %max3A = arith.constant 0.000000e+00 : f32
        %max3A_518 = vector.broadcast %max3A : f32 to vector<16xf32>
        %max3A_519 = arith.maximumf %add3A_517, %max3A_518 : vector<16xf32>
        %swap3A_520 = arith.index_cast %mul3A_61 : i32 to index
        %swap3A_521 = arith.index_cast %add3A_132 : i32 to index
        %swap3A_522 = tpu.vector_load %arg11[%swap3A_520, %swap3A_521] {strides = array<i32>} : memref<125x80xf32, #tpu.memory_space<vmem>>, vector<16xf32>,
        tpu.vector_store %arg11[%swap3A_520, %swap3A_521], %max3A_519 {strides = array<i32>} : memref<125x80xf32, #tpu.memory_space<vmem>>, vector<16xf32>,
        %get3A_523 = arith.constant 0 : index
        %get3A_524 = tpu.vector_load %arg17[%get3A_523] {strides = array<i32>} : memref<16xf32, #tpu.memory_space<vmem>>, vector<16xf32>,
        %max3A_525 = arith.maximumf %get3A_524, %max3A_519 : vector<16xf32>
        %swap3A_526 = arith.constant 0 : index
        %swap3A_527 = tpu.vector_load %arg17[%swap3A_526] {strides = array<i32>} : memref<16xf32, #tpu.memory_space<vmem>>, vector<16xf32>,
        tpu.vector_store %arg17[%swap3A_526], %max3A_525 {strides = array<i32>} : memref<16xf32, #tpu.memory_space<vmem>>, vector<16xf32>,
      }
      %scan3A_92 = arith.constant 5 : i32
      %add3A_93 = arith.constant 2 : i32
      %add3A_94 = arith.addi %mul3A_61, %add3A_93 : i32
      %dma_start3A_95 = arith.constant 0 : i32
      %dma_start3A_96 = tpu.memref_slice %arg9[%add3A_94, %dma_start3A_95] : memref<125x80xi32, #tpu.memory_space<vmem>> -> memref<1x80xi32, #tpu.memory_space<vmem>>
      %dma_start3A_97 = tpu.memref_squeeze %dma_start3A_96 : memref<1x80xi32, #tpu.memory_space<vmem>> -> memref<80xi32, #tpu.memory_space<vmem>>
      %dma_start3A_98 = arith.constant 0 : i32
      %dma_start3A_99 = arith.constant 0 : i32
      %dma_start3A_100 = tpu.memref_slice %arg19[%dma_start3A_98, %dma_start3A_99] : memref<10000x32xf32, #tpu.memory_space<vmem_shared>> -> memref<10000x32xf32, #tpu.memory_space<vmem_shared>>
      tpu.enqueue_indirect_dma source(%dma_start3A_100 : memref<10000x32xf32, #tpu.memory_space<vmem_shared>>) target(%arg12 : memref<80x32xf32, #tpu.memory_space<vmem>>) offsets(%dma_start3A_97 : memref<80xi32, #tpu.memory_space<vmem>>) semaphore(%arg20 : memref<!tpu.dma_semaphore, #tpu.memory_space<semaphore_mem>>)
      %dma_start3A_101 = arith.constant 0 : i32
      %dma_start3A_102 = tpu.memref_slice %arg10[%add3A_94, %dma_start3A_101] : memref<125x80xi32, #tpu.memory_space<vmem>> -> memref<1x80xi32, #tpu.memory_space<vmem>>
      %dma_start3A_103 = tpu.memref_squeeze %dma_start3A_102 : memref<1x80xi32, #tpu.memory_space<vmem>> -> memref<80xi32, #tpu.memory_space<vmem>>
      %dma_start3A_104 = arith.constant 0 : i32
      %dma_start3A_105 = arith.constant 0 : i32
      %dma_start3A_106 = tpu.memref_slice %arg19[%dma_start3A_104, %dma_start3A_105] : memref<10000x32xf32, #tpu.memory_space<vmem_shared>> -> memref<10000x32xf32, #tpu.memory_space<vmem_shared>>
      tpu.enqueue_indirect_dma source(%dma_start3A_106 : memref<10000x32xf32, #tpu.memory_space<vmem_shared>>) target(%arg13 : memref<80x32xf32, #tpu.memory_space<vmem>>) offsets(%dma_start3A_103 : memref<80xi32, #tpu.memory_space<vmem>>) semaphore(%arg20 : memref<!tpu.dma_semaphore, #tpu.memory_space<semaphore_mem>>)
      %add3A_107 = arith.constant 1 : i32
      %add3A_108 = arith.addi %mul3A_61, %add3A_107 : i32
      %dma_wait3A_109 = arith.constant 0 : i32
      %dma_wait3A_110 = tpu.memref_slice %arg9[%add3A_108, %dma_wait3A_109] : memref<125x80xi32, #tpu.memory_space<vmem>> -> memref<1x80xi32, #tpu.memory_space<vmem>>
      %dma_wait3A_111 = tpu.memref_squeeze %dma_wait3A_110 : memref<1x80xi32, #tpu.memory_space<vmem>> -> memref<80xi32, #tpu.memory_space<vmem>>
      %dma_wait3A_112 = arith.constant 0 : i32
      %dma_wait3A_113 = arith.constant 0 : i32
      %dma_wait3A_114 = tpu.memref_slice %arg19[%dma_wait3A_112, %dma_wait3A_113] : memref<10000x32xf32, #tpu.memory_space<vmem_shared>> -> memref<10000x32xf32, #tpu.memory_space<vmem_shared>>
      tpu.wait_indirect_dma semaphore(%arg21 : memref<!tpu.dma_semaphore, #tpu.memory_space<semaphore_mem>>) src(%dma_wait3A_114 : memref<10000x32xf32, #tpu.memory_space<vmem_shared>>) dst(%arg14 : memref<80x32xf32, #tpu.memory_space<vmem>>)
      %dma_wait3A_115 = arith.constant 0 : i32
      %dma_wait3A_116 = tpu.memref_slice %arg10[%add3A_108, %dma_wait3A_115] : memref<125x80xi32, #tpu.memory_space<vmem>> -> memref<1x80xi32, #tpu.memory_space<vmem>>
      %dma_wait3A_117 = tpu.memref_squeeze %dma_wait3A_116 : memref<1x80xi32, #tpu.memory_space<vmem>> -> memref<80xi32, #tpu.memory_space<vmem>>
      %dma_wait3A_118 = arith.constant 0 : i32
      %dma_wait3A_119 = arith.constant 0 : i32
      %dma_wait3A_120 = tpu.memref_slice %arg19[%dma_wait3A_118, %dma_wait3A_119] : memref<10000x32xf32, #tpu.memory_space<vmem_shared>> -> memref<10000x32xf32, #tpu.memory_space<vmem_shared>>
      tpu.wait_indirect_dma semaphore(%arg21 : memref<!tpu.dma_semaphore, #tpu.memory_space<semaphore_mem>>) src(%dma_wait3A_120 : memref<10000x32xf32, #tpu.memory_space<vmem_shared>>) dst(%arg15 : memref<80x32xf32, #tpu.memory_space<vmem>>)
      %add3A_121 = arith.constant 1 : i32
      %add3A_122 = arith.addi %mul3A_61, %add3A_121 : i32
      %scan3A_123 = arith.constant 0 : i32
      %scan3A_124 = arith.constant 5 : i32
      %scan3A_125 = arith.addi %scan3A_123, %scan3A_124 : i32
      %scan3A_126 = arith.constant 1 : i32
      scf.for %scan3A_128 = %scan3A_123 to %scan3A_125 step %scan3A_126  : i32 {
        %mul3A_129 = arith.constant 16 : i32
        %mul3A_130 = arith.muli %scan3A_128, %mul3A_129 : i32
        %add3A_131 = arith.constant 0 : i32
        %add3A_132 = arith.addi %add3A_131, %mul3A_130 : i32
        %iota3A = tpu.iota {dimensions = array<i32: 0>} : vector<16xi32>
        %add3A_133 = vector.broadcast %add3A_132 : i32 to vector<16xi32>
        %add3A_134 = arith.addi %iota3A, %add3A_133 : vector<16xi32>
        %broadcast_in_dim3A_135 = arith.constant 0.000000e+00 : f32
        %broadcast_in_dim3A_136 = vector.broadcast %broadcast_in_dim3A_135 : f32 to vector<16xf32>
        %broadcast_in_dim3A_137 = arith.constant 0 : i32
        %broadcast_in_dim3A_138 = vector.broadcast %broadcast_in_dim3A_137 : i32 to vector<16xi32>
        %gather3A = tpu.vector_load_idx %arg14[%add3A_134, %broadcast_in_dim3A_138] : memref<80x32xf32, #tpu.memory_space<vmem>>[vector<16xi32>, vector<16xi32>], vector<16xf32>,
        %gather3A_139 = tpu.vector_load_idx %arg15[%add3A_134, %broadcast_in_dim3A_138] : memref<80x32xf32, #tpu.memory_space<vmem>>[vector<16xi32>, vector<16xi32>], vector<16xf32>,
        %get3A_140 = arith.constant 0 : i32
        %get3A_141 = arith.index_cast %get3A_140 : i32 to index
        %get3A_142 = arith.constant 0 : index
        %get3A_143 = tpu.vector_load %arg16[%get3A_141, %get3A_142] {strides = array<i32>} : memref<32x16xf32, #tpu.memory_space<vmem>>, vector<16xf32>,
        %sub3A = arith.subf %gather3A, %gather3A_139 : vector<16xf32>
        %abs3A = math.absf %sub3A : vector<16xf32>
        %mul3A_144 = arith.mulf %get3A_143, %abs3A : vector<16xf32>
        %add3A_145 = arith.addf %broadcast_in_dim3A_136, %mul3A_144 : vector<16xf32>
        %broadcast_in_dim3A_146 = arith.constant 1 : i32
        %broadcast_in_dim3A_147 = vector.broadcast %broadcast_in_dim3A_146 : i32 to vector<16xi32>
        %gather3A_148 = tpu.vector_load_idx %arg14[%add3A_134, %broadcast_in_dim3A_147] : memref<80x32xf32, #tpu.memory_space<vmem>>[vector<16xi32>, vector<16xi32>], vector<16xf32>,
        %gather3A_149 = tpu.vector_load_idx %arg15[%add3A_134, %broadcast_in_dim3A_147] : memref<80x32xf32, #tpu.memory_space<vmem>>[vector<16xi32>, vector<16xi32>], vector<16xf32>,
        %get3A_150 = arith.constant 1 : i32
        %get3A_151 = arith.index_cast %get3A_150 : i32 to index
        %get3A_152 = arith.constant 0 : index
        %get3A_153 = tpu.vector_load %arg16[%get3A_151, %get3A_152] {strides = array<i32>} : memref<32x16xf32, #tpu.memory_space<vmem>>, vector<16xf32>,
        %sub3A_154 = arith.subf %gather3A_148, %gather3A_149 : vector<16xf32>
        %abs3A_155 = math.absf %sub3A_154 : vector<16xf32>
        %mul3A_156 = arith.mulf %get3A_153, %abs3A_155 : vector<16xf32>
        %add3A_157 = arith.addf %add3A_145, %mul3A_156 : vector<16xf32>
        %broadcast_in_dim3A_158 = arith.constant 2 : i32
        %broadcast_in_dim3A_159 = vector.broadcast %broadcast_in_dim3A_158 : i32 to vector<16xi32>
        %gather3A_160 = tpu.vector_load_idx %arg14[%add3A_134, %broadcast_in_dim3A_159] : memref<80x32xf32, #tpu.memory_space<vmem>>[vector<16xi32>, vector<16xi32>], vector<16xf32>,
        %gather3A_161 = tpu.vector_load_idx %arg15[%add3A_134, %broadcast_in_dim3A_159] : memref<80x32xf32, #tpu.memory_space<vmem>>[vector<16xi32>, vector<16xi32>], vector<16xf32>,
        %get3A_162 = arith.constant 2 : i32
        %get3A_163 = arith.index_cast %get3A_162 : i32 to index
        %get3A_164 = arith.constant 0 : index
        %get3A_165 = tpu.vector_load %arg16[%get3A_163, %get3A_164] {strides = array<i32>} : memref<32x16xf32, #tpu.memory_space<vmem>>, vector<16xf32>,
        %sub3A_166 = arith.subf %gather3A_160, %gather3A_161 : vector<16xf32>
        %abs3A_167 = math.absf %sub3A_166 : vector<16xf32>
        %mul3A_168 = arith.mulf %get3A_165, %abs3A_167 : vector<16xf32>
        %add3A_169 = arith.addf %add3A_157, %mul3A_168 : vector<16xf32>
        %broadcast_in_dim3A_170 = arith.constant 3 : i32
        %broadcast_in_dim3A_171 = vector.broadcast %broadcast_in_dim3A_170 : i32 to vector<16xi32>
        %gather3A_172 = tpu.vector_load_idx %arg14[%add3A_134, %broadcast_in_dim3A_171] : memref<80x32xf32, #tpu.memory_space<vmem>>[vector<16xi32>, vector<16xi32>], vector<16xf32>,
        %gather3A_173 = tpu.vector_load_idx %arg15[%add3A_134, %broadcast_in_dim3A_171] : memref<80x32xf32, #tpu.memory_space<vmem>>[vector<16xi32>, vector<16xi32>], vector<16xf32>,
        %get3A_174 = arith.constant 3 : i32
        %get3A_175 = arith.index_cast %get3A_174 : i32 to index
        %get3A_176 = arith.constant 0 : index
        %get3A_177 = tpu.vector_load %arg16[%get3A_175, %get3A_176] {strides = array<i32>} : memref<32x16xf32, #tpu.memory_space<vmem>>, vector<16xf32>,
        %sub3A_178 = arith.subf %gather3A_172, %gather3A_173 : vector<16xf32>
        %abs3A_179 = math.absf %sub3A_178 : vector<16xf32>
        %mul3A_180 = arith.mulf %get3A_177, %abs3A_179 : vector<16xf32>
        %add3A_181 = arith.addf %add3A_169, %mul3A_180 : vector<16xf32>
        %broadcast_in_dim3A_182 = arith.constant 4 : i32
        %broadcast_in_dim3A_183 = vector.broadcast %broadcast_in_dim3A_182 : i32 to vector<16xi32>
        %gather3A_184 = tpu.vector_load_idx %arg14[%add3A_134, %broadcast_in_dim3A_183] : memref<80x32xf32, #tpu.memory_space<vmem>>[vector<16xi32>, vector<16xi32>], vector<16xf32>,
        %gather3A_185 = tpu.vector_load_idx %arg15[%add3A_134, %broadcast_in_dim3A_183] : memref<80x32xf32, #tpu.memory_space<vmem>>[vector<16xi32>, vector<16xi32>], vector<16xf32>,
        %get3A_186 = arith.constant 4 : i32
        %get3A_187 = arith.index_cast %get3A_186 : i32 to index
        %get3A_188 = arith.constant 0 : index
        %get3A_189 = tpu.vector_load %arg16[%get3A_187, %get3A_188] {strides = array<i32>} : memref<32x16xf32, #tpu.memory_space<vmem>>, vector<16xf32>,
        %sub3A_190 = arith.subf %gather3A_184, %gather3A_185 : vector<16xf32>
        %abs3A_191 = math.absf %sub3A_190 : vector<16xf32>
        %mul3A_192 = arith.mulf %get3A_189, %abs3A_191 : vector<16xf32>
        %add3A_193 = arith.addf %add3A_181, %mul3A_192 : vector<16xf32>
        %broadcast_in_dim3A_194 = arith.constant 5 : i32
        %broadcast_in_dim3A_195 = vector.broadcast %broadcast_in_dim3A_194 : i32 to vector<16xi32>
        %gather3A_196 = tpu.vector_load_idx %arg14[%add3A_134, %broadcast_in_dim3A_195] : memref<80x32xf32, #tpu.memory_space<vmem>>[vector<16xi32>, vector<16xi32>], vector<16xf32>,
        %gather3A_197 = tpu.vector_load_idx %arg15[%add3A_134, %broadcast_in_dim3A_195] : memref<80x32xf32, #tpu.memory_space<vmem>>[vector<16xi32>, vector<16xi32>], vector<16xf32>,
        %get3A_198 = arith.constant 5 : i32
        %get3A_199 = arith.index_cast %get3A_198 : i32 to index
        %get3A_200 = arith.constant 0 : index
        %get3A_201 = tpu.vector_load %arg16[%get3A_199, %get3A_200] {strides = array<i32>} : memref<32x16xf32, #tpu.memory_space<vmem>>, vector<16xf32>,
        %sub3A_202 = arith.subf %gather3A_196, %gather3A_197 : vector<16xf32>
        %abs3A_203 = math.absf %sub3A_202 : vector<16xf32>
        %mul3A_204 = arith.mulf %get3A_201, %abs3A_203 : vector<16xf32>
        %add3A_205 = arith.addf %add3A_193, %mul3A_204 : vector<16xf32>
        %broadcast_in_dim3A_206 = arith.constant 6 : i32
        %broadcast_in_dim3A_207 = vector.broadcast %broadcast_in_dim3A_206 : i32 to vector<16xi32>
        %gather3A_208 = tpu.vector_load_idx %arg14[%add3A_134, %broadcast_in_dim3A_207] : memref<80x32xf32, #tpu.memory_space<vmem>>[vector<16xi32>, vector<16xi32>], vector<16xf32>,
        %gather3A_209 = tpu.vector_load_idx %arg15[%add3A_134, %broadcast_in_dim3A_207] : memref<80x32xf32, #tpu.memory_space<vmem>>[vector<16xi32>, vector<16xi32>], vector<16xf32>,
        %get3A_210 = arith.constant 6 : i32
        %get3A_211 = arith.index_cast %get3A_210 : i32 to index
        %get3A_212 = arith.constant 0 : index
        %get3A_213 = tpu.vector_load %arg16[%get3A_211, %get3A_212] {strides = array<i32>} : memref<32x16xf32, #tpu.memory_space<vmem>>, vector<16xf32>,
        %sub3A_214 = arith.subf %gather3A_208, %gather3A_209 : vector<16xf32>
        %abs3A_215 = math.absf %sub3A_214 : vector<16xf32>
        %mul3A_216 = arith.mulf %get3A_213, %abs3A_215 : vector<16xf32>
        %add3A_217 = arith.addf %add3A_205, %mul3A_216 : vector<16xf32>
        %broadcast_in_dim3A_218 = arith.constant 7 : i32
        %broadcast_in_dim3A_219 = vector.broadcast %broadcast_in_dim3A_218 : i32 to vector<16xi32>
        %gather3A_220 = tpu.vector_load_idx %arg14[%add3A_134, %broadcast_in_dim3A_219] : memref<80x32xf32, #tpu.memory_space<vmem>>[vector<16xi32>, vector<16xi32>], vector<16xf32>,
        %gather3A_221 = tpu.vector_load_idx %arg15[%add3A_134, %broadcast_in_dim3A_219] : memref<80x32xf32, #tpu.memory_space<vmem>>[vector<16xi32>, vector<16xi32>], vector<16xf32>,
        %get3A_222 = arith.constant 7 : i32
        %get3A_223 = arith.index_cast %get3A_222 : i32 to index
        %get3A_224 = arith.constant 0 : index
        %get3A_225 = tpu.vector_load %arg16[%get3A_223, %get3A_224] {strides = array<i32>} : memref<32x16xf32, #tpu.memory_space<vmem>>, vector<16xf32>,
        %sub3A_226 = arith.subf %gather3A_220, %gather3A_221 : vector<16xf32>
        %abs3A_227 = math.absf %sub3A_226 : vector<16xf32>
        %mul3A_228 = arith.mulf %get3A_225, %abs3A_227 : vector<16xf32>
        %add3A_229 = arith.addf %add3A_217, %mul3A_228 : vector<16xf32>
        %broadcast_in_dim3A_230 = arith.constant 8 : i32
        %broadcast_in_dim3A_231 = vector.broadcast %broadcast_in_dim3A_230 : i32 to vector<16xi32>
        %gather3A_232 = tpu.vector_load_idx %arg14[%add3A_134, %broadcast_in_dim3A_231] : memref<80x32xf32, #tpu.memory_space<vmem>>[vector<16xi32>, vector<16xi32>], vector<16xf32>,
        %gather3A_233 = tpu.vector_load_idx %arg15[%add3A_134, %broadcast_in_dim3A_231] : memref<80x32xf32, #tpu.memory_space<vmem>>[vector<16xi32>, vector<16xi32>], vector<16xf32>,
        %get3A_234 = arith.constant 8 : i32
        %get3A_235 = arith.index_cast %get3A_234 : i32 to index
        %get3A_236 = arith.constant 0 : index
        %get3A_237 = tpu.vector_load %arg16[%get3A_235, %get3A_236] {strides = array<i32>} : memref<32x16xf32, #tpu.memory_space<vmem>>, vector<16xf32>,
        %sub3A_238 = arith.subf %gather3A_232, %gather3A_233 : vector<16xf32>
        %abs3A_239 = math.absf %sub3A_238 : vector<16xf32>
        %mul3A_240 = arith.mulf %get3A_237, %abs3A_239 : vector<16xf32>
        %add3A_241 = arith.addf %add3A_229, %mul3A_240 : vector<16xf32>
        %broadcast_in_dim3A_242 = arith.constant 9 : i32
        %broadcast_in_dim3A_243 = vector.broadcast %broadcast_in_dim3A_242 : i32 to vector<16xi32>
        %gather3A_244 = tpu.vector_load_idx %arg14[%add3A_134, %broadcast_in_dim3A_243] : memref<80x32xf32, #tpu.memory_space<vmem>>[vector<16xi32>, vector<16xi32>], vector<16xf32>,
        %gather3A_245 = tpu.vector_load_idx %arg15[%add3A_134, %broadcast_in_dim3A_243] : memref<80x32xf32, #tpu.memory_space<vmem>>[vector<16xi32>, vector<16xi32>], vector<16xf32>,
        %get3A_246 = arith.constant 9 : i32
        %get3A_247 = arith.index_cast %get3A_246 : i32 to index
        %get3A_248 = arith.constant 0 : index
        %get3A_249 = tpu.vector_load %arg16[%get3A_247, %get3A_248] {strides = array<i32>} : memref<32x16xf32, #tpu.memory_space<vmem>>, vector<16xf32>,
        %sub3A_250 = arith.subf %gather3A_244, %gather3A_245 : vector<16xf32>
        %abs3A_251 = math.absf %sub3A_250 : vector<16xf32>
        %mul3A_252 = arith.mulf %get3A_249, %abs3A_251 : vector<16xf32>
        %add3A_253 = arith.addf %add3A_241, %mul3A_252 : vector<16xf32>
        %broadcast_in_dim3A_254 = arith.constant 10 : i32
        %broadcast_in_dim3A_255 = vector.broadcast %broadcast_in_dim3A_254 : i32 to vector<16xi32>
        %gather3A_256 = tpu.vector_load_idx %arg14[%add3A_134, %broadcast_in_dim3A_255] : memref<80x32xf32, #tpu.memory_space<vmem>>[vector<16xi32>, vector<16xi32>], vector<16xf32>,
        %gather3A_257 = tpu.vector_load_idx %arg15[%add3A_134, %broadcast_in_dim3A_255] : memref<80x32xf32, #tpu.memory_space<vmem>>[vector<16xi32>, vector<16xi32>], vector<16xf32>,
        %get3A_258 = arith.constant 10 : i32
        %get3A_259 = arith.index_cast %get3A_258 : i32 to index
        %get3A_260 = arith.constant 0 : index
        %get3A_261 = tpu.vector_load %arg16[%get3A_259, %get3A_260] {strides = array<i32>} : memref<32x16xf32, #tpu.memory_space<vmem>>, vector<16xf32>,
        %sub3A_262 = arith.subf %gather3A_256, %gather3A_257 : vector<16xf32>
        %abs3A_263 = math.absf %sub3A_262 : vector<16xf32>
        %mul3A_264 = arith.mulf %get3A_261, %abs3A_263 : vector<16xf32>
        %add3A_265 = arith.addf %add3A_253, %mul3A_264 : vector<16xf32>
        %broadcast_in_dim3A_266 = arith.constant 11 : i32
        %broadcast_in_dim3A_267 = vector.broadcast %broadcast_in_dim3A_266 : i32 to vector<16xi32>
        %gather3A_268 = tpu.vector_load_idx %arg14[%add3A_134, %broadcast_in_dim3A_267] : memref<80x32xf32, #tpu.memory_space<vmem>>[vector<16xi32>, vector<16xi32>], vector<16xf32>,
        %gather3A_269 = tpu.vector_load_idx %arg15[%add3A_134, %broadcast_in_dim3A_267] : memref<80x32xf32, #tpu.memory_space<vmem>>[vector<16xi32>, vector<16xi32>], vector<16xf32>,
        %get3A_270 = arith.constant 11 : i32
        %get3A_271 = arith.index_cast %get3A_270 : i32 to index
        %get3A_272 = arith.constant 0 : index
        %get3A_273 = tpu.vector_load %arg16[%get3A_271, %get3A_272] {strides = array<i32>} : memref<32x16xf32, #tpu.memory_space<vmem>>, vector<16xf32>,
        %sub3A_274 = arith.subf %gather3A_268, %gather3A_269 : vector<16xf32>
        %abs3A_275 = math.absf %sub3A_274 : vector<16xf32>
        %mul3A_276 = arith.mulf %get3A_273, %abs3A_275 : vector<16xf32>
        %add3A_277 = arith.addf %add3A_265, %mul3A_276 : vector<16xf32>
        %broadcast_in_dim3A_278 = arith.constant 12 : i32
        %broadcast_in_dim3A_279 = vector.broadcast %broadcast_in_dim3A_278 : i32 to vector<16xi32>
        %gather3A_280 = tpu.vector_load_idx %arg14[%add3A_134, %broadcast_in_dim3A_279] : memref<80x32xf32, #tpu.memory_space<vmem>>[vector<16xi32>, vector<16xi32>], vector<16xf32>,
        %gather3A_281 = tpu.vector_load_idx %arg15[%add3A_134, %broadcast_in_dim3A_279] : memref<80x32xf32, #tpu.memory_space<vmem>>[vector<16xi32>, vector<16xi32>], vector<16xf32>,
        %get3A_282 = arith.constant 12 : i32
        %get3A_283 = arith.index_cast %get3A_282 : i32 to index
        %get3A_284 = arith.constant 0 : index
        %get3A_285 = tpu.vector_load %arg16[%get3A_283, %get3A_284] {strides = array<i32>} : memref<32x16xf32, #tpu.memory_space<vmem>>, vector<16xf32>,
        %sub3A_286 = arith.subf %gather3A_280, %gather3A_281 : vector<16xf32>
        %abs3A_287 = math.absf %sub3A_286 : vector<16xf32>
        %mul3A_288 = arith.mulf %get3A_285, %abs3A_287 : vector<16xf32>
        %add3A_289 = arith.addf %add3A_277, %mul3A_288 : vector<16xf32>
        %broadcast_in_dim3A_290 = arith.constant 13 : i32
        %broadcast_in_dim3A_291 = vector.broadcast %broadcast_in_dim3A_290 : i32 to vector<16xi32>
        %gather3A_292 = tpu.vector_load_idx %arg14[%add3A_134, %broadcast_in_dim3A_291] : memref<80x32xf32, #tpu.memory_space<vmem>>[vector<16xi32>, vector<16xi32>], vector<16xf32>,
        %gather3A_293 = tpu.vector_load_idx %arg15[%add3A_134, %broadcast_in_dim3A_291] : memref<80x32xf32, #tpu.memory_space<vmem>>[vector<16xi32>, vector<16xi32>], vector<16xf32>,
        %get3A_294 = arith.constant 13 : i32
        %get3A_295 = arith.index_cast %get3A_294 : i32 to index
        %get3A_296 = arith.constant 0 : index
        %get3A_297 = tpu.vector_load %arg16[%get3A_295, %get3A_296] {strides = array<i32>} : memref<32x16xf32, #tpu.memory_space<vmem>>, vector<16xf32>,
        %sub3A_298 = arith.subf %gather3A_292, %gather3A_293 : vector<16xf32>
        %abs3A_299 = math.absf %sub3A_298 : vector<16xf32>
        %mul3A_300 = arith.mulf %get3A_297, %abs3A_299 : vector<16xf32>
        %add3A_301 = arith.addf %add3A_289, %mul3A_300 : vector<16xf32>
        %broadcast_in_dim3A_302 = arith.constant 14 : i32
        %broadcast_in_dim3A_303 = vector.broadcast %broadcast_in_dim3A_302 : i32 to vector<16xi32>
        %gather3A_304 = tpu.vector_load_idx %arg14[%add3A_134, %broadcast_in_dim3A_303] : memref<80x32xf32, #tpu.memory_space<vmem>>[vector<16xi32>, vector<16xi32>], vector<16xf32>,
        %gather3A_305 = tpu.vector_load_idx %arg15[%add3A_134, %broadcast_in_dim3A_303] : memref<80x32xf32, #tpu.memory_space<vmem>>[vector<16xi32>, vector<16xi32>], vector<16xf32>,
        %get3A_306 = arith.constant 14 : i32
        %get3A_307 = arith.index_cast %get3A_306 : i32 to index
        %get3A_308 = arith.constant 0 : index
        %get3A_309 = tpu.vector_load %arg16[%get3A_307, %get3A_308] {strides = array<i32>} : memref<32x16xf32, #tpu.memory_space<vmem>>, vector<16xf32>,
        %sub3A_310 = arith.subf %gather3A_304, %gather3A_305 : vector<16xf32>
        %abs3A_311 = math.absf %sub3A_310 : vector<16xf32>
        %mul3A_312 = arith.mulf %get3A_309, %abs3A_311 : vector<16xf32>
        %add3A_313 = arith.addf %add3A_301, %mul3A_312 : vector<16xf32>
        %broadcast_in_dim3A_314 = arith.constant 15 : i32
        %broadcast_in_dim3A_315 = vector.broadcast %broadcast_in_dim3A_314 : i32 to vector<16xi32>
        %gather3A_316 = tpu.vector_load_idx %arg14[%add3A_134, %broadcast_in_dim3A_315] : memref<80x32xf32, #tpu.memory_space<vmem>>[vector<16xi32>, vector<16xi32>], vector<16xf32>,
        %gather3A_317 = tpu.vector_load_idx %arg15[%add3A_134, %broadcast_in_dim3A_315] : memref<80x32xf32, #tpu.memory_space<vmem>>[vector<16xi32>, vector<16xi32>], vector<16xf32>,
        %get3A_318 = arith.constant 15 : i32
        %get3A_319 = arith.index_cast %get3A_318 : i32 to index
        %get3A_320 = arith.constant 0 : index
        %get3A_321 = tpu.vector_load %arg16[%get3A_319, %get3A_320] {strides = array<i32>} : memref<32x16xf32, #tpu.memory_space<vmem>>, vector<16xf32>,
        %sub3A_322 = arith.subf %gather3A_316, %gather3A_317 : vector<16xf32>
        %abs3A_323 = math.absf %sub3A_322 : vector<16xf32>
        %mul3A_324 = arith.mulf %get3A_321, %abs3A_323 : vector<16xf32>
        %add3A_325 = arith.addf %add3A_313, %mul3A_324 : vector<16xf32>
        %broadcast_in_dim3A_326 = arith.constant 16 : i32
        %broadcast_in_dim3A_327 = vector.broadcast %broadcast_in_dim3A_326 : i32 to vector<16xi32>
        %gather3A_328 = tpu.vector_load_idx %arg14[%add3A_134, %broadcast_in_dim3A_327] : memref<80x32xf32, #tpu.memory_space<vmem>>[vector<16xi32>, vector<16xi32>], vector<16xf32>,
        %gather3A_329 = tpu.vector_load_idx %arg15[%add3A_134, %broadcast_in_dim3A_327] : memref<80x32xf32, #tpu.memory_space<vmem>>[vector<16xi32>, vector<16xi32>], vector<16xf32>,
        %get3A_330 = arith.constant 16 : i32
        %get3A_331 = arith.index_cast %get3A_330 : i32 to index
        %get3A_332 = arith.constant 0 : index
        %get3A_333 = tpu.vector_load %arg16[%get3A_331, %get3A_332] {strides = array<i32>} : memref<32x16xf32, #tpu.memory_space<vmem>>, vector<16xf32>,
        %sub3A_334 = arith.subf %gather3A_328, %gather3A_329 : vector<16xf32>
        %abs3A_335 = math.absf %sub3A_334 : vector<16xf32>
        %mul3A_336 = arith.mulf %get3A_333, %abs3A_335 : vector<16xf32>
        %add3A_337 = arith.addf %add3A_325, %mul3A_336 : vector<16xf32>
        %broadcast_in_dim3A_338 = arith.constant 17 : i32
        %broadcast_in_dim3A_339 = vector.broadcast %broadcast_in_dim3A_338 : i32 to vector<16xi32>
        %gather3A_340 = tpu.vector_load_idx %arg14[%add3A_134, %broadcast_in_dim3A_339] : memref<80x32xf32, #tpu.memory_space<vmem>>[vector<16xi32>, vector<16xi32>], vector<16xf32>,
        %gather3A_341 = tpu.vector_load_idx %arg15[%add3A_134, %broadcast_in_dim3A_339] : memref<80x32xf32, #tpu.memory_space<vmem>>[vector<16xi32>, vector<16xi32>], vector<16xf32>,
        %get3A_342 = arith.constant 17 : i32
        %get3A_343 = arith.index_cast %get3A_342 : i32 to index
        %get3A_344 = arith.constant 0 : index
        %get3A_345 = tpu.vector_load %arg16[%get3A_343, %get3A_344] {strides = array<i32>} : memref<32x16xf32, #tpu.memory_space<vmem>>, vector<16xf32>,
        %sub3A_346 = arith.subf %gather3A_340, %gather3A_341 : vector<16xf32>
        %abs3A_347 = math.absf %sub3A_346 : vector<16xf32>
        %mul3A_348 = arith.mulf %get3A_345, %abs3A_347 : vector<16xf32>
        %add3A_349 = arith.addf %add3A_337, %mul3A_348 : vector<16xf32>
        %broadcast_in_dim3A_350 = arith.constant 18 : i32
        %broadcast_in_dim3A_351 = vector.broadcast %broadcast_in_dim3A_350 : i32 to vector<16xi32>
        %gather3A_352 = tpu.vector_load_idx %arg14[%add3A_134, %broadcast_in_dim3A_351] : memref<80x32xf32, #tpu.memory_space<vmem>>[vector<16xi32>, vector<16xi32>], vector<16xf32>,
        %gather3A_353 = tpu.vector_load_idx %arg15[%add3A_134, %broadcast_in_dim3A_351] : memref<80x32xf32, #tpu.memory_space<vmem>>[vector<16xi32>, vector<16xi32>], vector<16xf32>,
        %get3A_354 = arith.constant 18 : i32
        %get3A_355 = arith.index_cast %get3A_354 : i32 to index
        %get3A_356 = arith.constant 0 : index
        %get3A_357 = tpu.vector_load %arg16[%get3A_355, %get3A_356] {strides = array<i32>} : memref<32x16xf32, #tpu.memory_space<vmem>>, vector<16xf32>,
        %sub3A_358 = arith.subf %gather3A_352, %gather3A_353 : vector<16xf32>
        %abs3A_359 = math.absf %sub3A_358 : vector<16xf32>
        %mul3A_360 = arith.mulf %get3A_357, %abs3A_359 : vector<16xf32>
        %add3A_361 = arith.addf %add3A_349, %mul3A_360 : vector<16xf32>
        %broadcast_in_dim3A_362 = arith.constant 19 : i32
        %broadcast_in_dim3A_363 = vector.broadcast %broadcast_in_dim3A_362 : i32 to vector<16xi32>
        %gather3A_364 = tpu.vector_load_idx %arg14[%add3A_134, %broadcast_in_dim3A_363] : memref<80x32xf32, #tpu.memory_space<vmem>>[vector<16xi32>, vector<16xi32>], vector<16xf32>,
        %gather3A_365 = tpu.vector_load_idx %arg15[%add3A_134, %broadcast_in_dim3A_363] : memref<80x32xf32, #tpu.memory_space<vmem>>[vector<16xi32>, vector<16xi32>], vector<16xf32>,
        %get3A_366 = arith.constant 19 : i32
        %get3A_367 = arith.index_cast %get3A_366 : i32 to index
        %get3A_368 = arith.constant 0 : index
        %get3A_369 = tpu.vector_load %arg16[%get3A_367, %get3A_368] {strides = array<i32>} : memref<32x16xf32, #tpu.memory_space<vmem>>, vector<16xf32>,
        %sub3A_370 = arith.subf %gather3A_364, %gather3A_365 : vector<16xf32>
        %abs3A_371 = math.absf %sub3A_370 : vector<16xf32>
        %mul3A_372 = arith.mulf %get3A_369, %abs3A_371 : vector<16xf32>
        %add3A_373 = arith.addf %add3A_361, %mul3A_372 : vector<16xf32>
        %broadcast_in_dim3A_374 = arith.constant 20 : i32
        %broadcast_in_dim3A_375 = vector.broadcast %broadcast_in_dim3A_374 : i32 to vector<16xi32>
        %gather3A_376 = tpu.vector_load_idx %arg14[%add3A_134, %broadcast_in_dim3A_375] : memref<80x32xf32, #tpu.memory_space<vmem>>[vector<16xi32>, vector<16xi32>], vector<16xf32>,
        %gather3A_377 = tpu.vector_load_idx %arg15[%add3A_134, %broadcast_in_dim3A_375] : memref<80x32xf32, #tpu.memory_space<vmem>>[vector<16xi32>, vector<16xi32>], vector<16xf32>,
        %get3A_378 = arith.constant 20 : i32
        %get3A_379 = arith.index_cast %get3A_378 : i32 to index
        %get3A_380 = arith.constant 0 : index
        %get3A_381 = tpu.vector_load %arg16[%get3A_379, %get3A_380] {strides = array<i32>} : memref<32x16xf32, #tpu.memory_space<vmem>>, vector<16xf32>,
        %sub3A_382 = arith.subf %gather3A_376, %gather3A_377 : vector<16xf32>
        %abs3A_383 = math.absf %sub3A_382 : vector<16xf32>
        %mul3A_384 = arith.mulf %get3A_381, %abs3A_383 : vector<16xf32>
        %add3A_385 = arith.addf %add3A_373, %mul3A_384 : vector<16xf32>
        %broadcast_in_dim3A_386 = arith.constant 21 : i32
        %broadcast_in_dim3A_387 = vector.broadcast %broadcast_in_dim3A_386 : i32 to vector<16xi32>
        %gather3A_388 = tpu.vector_load_idx %arg14[%add3A_134, %broadcast_in_dim3A_387] : memref<80x32xf32, #tpu.memory_space<vmem>>[vector<16xi32>, vector<16xi32>], vector<16xf32>,
        %gather3A_389 = tpu.vector_load_idx %arg15[%add3A_134, %broadcast_in_dim3A_387] : memref<80x32xf32, #tpu.memory_space<vmem>>[vector<16xi32>, vector<16xi32>], vector<16xf32>,
        %get3A_390 = arith.constant 21 : i32
        %get3A_391 = arith.index_cast %get3A_390 : i32 to index
        %get3A_392 = arith.constant 0 : index
        %get3A_393 = tpu.vector_load %arg16[%get3A_391, %get3A_392] {strides = array<i32>} : memref<32x16xf32, #tpu.memory_space<vmem>>, vector<16xf32>,
        %sub3A_394 = arith.subf %gather3A_388, %gather3A_389 : vector<16xf32>
        %abs3A_395 = math.absf %sub3A_394 : vector<16xf32>
        %mul3A_396 = arith.mulf %get3A_393, %abs3A_395 : vector<16xf32>
        %add3A_397 = arith.addf %add3A_385, %mul3A_396 : vector<16xf32>
        %broadcast_in_dim3A_398 = arith.constant 22 : i32
        %broadcast_in_dim3A_399 = vector.broadcast %broadcast_in_dim3A_398 : i32 to vector<16xi32>
        %gather3A_400 = tpu.vector_load_idx %arg14[%add3A_134, %broadcast_in_dim3A_399] : memref<80x32xf32, #tpu.memory_space<vmem>>[vector<16xi32>, vector<16xi32>], vector<16xf32>,
        %gather3A_401 = tpu.vector_load_idx %arg15[%add3A_134, %broadcast_in_dim3A_399] : memref<80x32xf32, #tpu.memory_space<vmem>>[vector<16xi32>, vector<16xi32>], vector<16xf32>,
        %get3A_402 = arith.constant 22 : i32
        %get3A_403 = arith.index_cast %get3A_402 : i32 to index
        %get3A_404 = arith.constant 0 : index
        %get3A_405 = tpu.vector_load %arg16[%get3A_403, %get3A_404] {strides = array<i32>} : memref<32x16xf32, #tpu.memory_space<vmem>>, vector<16xf32>,
        %sub3A_406 = arith.subf %gather3A_400, %gather3A_401 : vector<16xf32>
        %abs3A_407 = math.absf %sub3A_406 : vector<16xf32>
        %mul3A_408 = arith.mulf %get3A_405, %abs3A_407 : vector<16xf32>
        %add3A_409 = arith.addf %add3A_397, %mul3A_408 : vector<16xf32>
        %broadcast_in_dim3A_410 = arith.constant 23 : i32
        %broadcast_in_dim3A_411 = vector.broadcast %broadcast_in_dim3A_410 : i32 to vector<16xi32>
        %gather3A_412 = tpu.vector_load_idx %arg14[%add3A_134, %broadcast_in_dim3A_411] : memref<80x32xf32, #tpu.memory_space<vmem>>[vector<16xi32>, vector<16xi32>], vector<16xf32>,
        %gather3A_413 = tpu.vector_load_idx %arg15[%add3A_134, %broadcast_in_dim3A_411] : memref<80x32xf32, #tpu.memory_space<vmem>>[vector<16xi32>, vector<16xi32>], vector<16xf32>,
        %get3A_414 = arith.constant 23 : i32
        %get3A_415 = arith.index_cast %get3A_414 : i32 to index
        %get3A_416 = arith.constant 0 : index
        %get3A_417 = tpu.vector_load %arg16[%get3A_415, %get3A_416] {strides = array<i32>} : memref<32x16xf32, #tpu.memory_space<vmem>>, vector<16xf32>,
        %sub3A_418 = arith.subf %gather3A_412, %gather3A_413 : vector<16xf32>
        %abs3A_419 = math.absf %sub3A_418 : vector<16xf32>
        %mul3A_420 = arith.mulf %get3A_417, %abs3A_419 : vector<16xf32>
        %add3A_421 = arith.addf %add3A_409, %mul3A_420 : vector<16xf32>
        %broadcast_in_dim3A_422 = arith.constant 24 : i32
        %broadcast_in_dim3A_423 = vector.broadcast %broadcast_in_dim3A_422 : i32 to vector<16xi32>
        %gather3A_424 = tpu.vector_load_idx %arg14[%add3A_134, %broadcast_in_dim3A_423] : memref<80x32xf32, #tpu.memory_space<vmem>>[vector<16xi32>, vector<16xi32>], vector<16xf32>,
        %gather3A_425 = tpu.vector_load_idx %arg15[%add3A_134, %broadcast_in_dim3A_423] : memref<80x32xf32, #tpu.memory_space<vmem>>[vector<16xi32>, vector<16xi32>], vector<16xf32>,
        %get3A_426 = arith.constant 24 : i32
        %get3A_427 = arith.index_cast %get3A_426 : i32 to index
        %get3A_428 = arith.constant 0 : index
        %get3A_429 = tpu.vector_load %arg16[%get3A_427, %get3A_428] {strides = array<i32>} : memref<32x16xf32, #tpu.memory_space<vmem>>, vector<16xf32>,
        %sub3A_430 = arith.subf %gather3A_424, %gather3A_425 : vector<16xf32>
        %abs3A_431 = math.absf %sub3A_430 : vector<16xf32>
        %mul3A_432 = arith.mulf %get3A_429, %abs3A_431 : vector<16xf32>
        %add3A_433 = arith.addf %add3A_421, %mul3A_432 : vector<16xf32>
        %broadcast_in_dim3A_434 = arith.constant 25 : i32
        %broadcast_in_dim3A_435 = vector.broadcast %broadcast_in_dim3A_434 : i32 to vector<16xi32>
        %gather3A_436 = tpu.vector_load_idx %arg14[%add3A_134, %broadcast_in_dim3A_435] : memref<80x32xf32, #tpu.memory_space<vmem>>[vector<16xi32>, vector<16xi32>], vector<16xf32>,
        %gather3A_437 = tpu.vector_load_idx %arg15[%add3A_134, %broadcast_in_dim3A_435] : memref<80x32xf32, #tpu.memory_space<vmem>>[vector<16xi32>, vector<16xi32>], vector<16xf32>,
        %get3A_438 = arith.constant 25 : i32
        %get3A_439 = arith.index_cast %get3A_438 : i32 to index
        %get3A_440 = arith.constant 0 : index
        %get3A_441 = tpu.vector_load %arg16[%get3A_439, %get3A_440] {strides = array<i32>} : memref<32x16xf32, #tpu.memory_space<vmem>>, vector<16xf32>,
        %sub3A_442 = arith.subf %gather3A_436, %gather3A_437 : vector<16xf32>
        %abs3A_443 = math.absf %sub3A_442 : vector<16xf32>
        %mul3A_444 = arith.mulf %get3A_441, %abs3A_443 : vector<16xf32>
        %add3A_445 = arith.addf %add3A_433, %mul3A_444 : vector<16xf32>
        %broadcast_in_dim3A_446 = arith.constant 26 : i32
        %broadcast_in_dim3A_447 = vector.broadcast %broadcast_in_dim3A_446 : i32 to vector<16xi32>
        %gather3A_448 = tpu.vector_load_idx %arg14[%add3A_134, %broadcast_in_dim3A_447] : memref<80x32xf32, #tpu.memory_space<vmem>>[vector<16xi32>, vector<16xi32>], vector<16xf32>,
        %gather3A_449 = tpu.vector_load_idx %arg15[%add3A_134, %broadcast_in_dim3A_447] : memref<80x32xf32, #tpu.memory_space<vmem>>[vector<16xi32>, vector<16xi32>], vector<16xf32>,
        %get3A_450 = arith.constant 26 : i32
        %get3A_451 = arith.index_cast %get3A_450 : i32 to index
        %get3A_452 = arith.constant 0 : index
        %get3A_453 = tpu.vector_load %arg16[%get3A_451, %get3A_452] {strides = array<i32>} : memref<32x16xf32, #tpu.memory_space<vmem>>, vector<16xf32>,
        %sub3A_454 = arith.subf %gather3A_448, %gather3A_449 : vector<16xf32>
        %abs3A_455 = math.absf %sub3A_454 : vector<16xf32>
        %mul3A_456 = arith.mulf %get3A_453, %abs3A_455 : vector<16xf32>
        %add3A_457 = arith.addf %add3A_445, %mul3A_456 : vector<16xf32>
        %broadcast_in_dim3A_458 = arith.constant 27 : i32
        %broadcast_in_dim3A_459 = vector.broadcast %broadcast_in_dim3A_458 : i32 to vector<16xi32>
        %gather3A_460 = tpu.vector_load_idx %arg14[%add3A_134, %broadcast_in_dim3A_459] : memref<80x32xf32, #tpu.memory_space<vmem>>[vector<16xi32>, vector<16xi32>], vector<16xf32>,
        %gather3A_461 = tpu.vector_load_idx %arg15[%add3A_134, %broadcast_in_dim3A_459] : memref<80x32xf32, #tpu.memory_space<vmem>>[vector<16xi32>, vector<16xi32>], vector<16xf32>,
        %get3A_462 = arith.constant 27 : i32
        %get3A_463 = arith.index_cast %get3A_462 : i32 to index
        %get3A_464 = arith.constant 0 : index
        %get3A_465 = tpu.vector_load %arg16[%get3A_463, %get3A_464] {strides = array<i32>} : memref<32x16xf32, #tpu.memory_space<vmem>>, vector<16xf32>,
        %sub3A_466 = arith.subf %gather3A_460, %gather3A_461 : vector<16xf32>
        %abs3A_467 = math.absf %sub3A_466 : vector<16xf32>
        %mul3A_468 = arith.mulf %get3A_465, %abs3A_467 : vector<16xf32>
        %add3A_469 = arith.addf %add3A_457, %mul3A_468 : vector<16xf32>
        %broadcast_in_dim3A_470 = arith.constant 28 : i32
        %broadcast_in_dim3A_471 = vector.broadcast %broadcast_in_dim3A_470 : i32 to vector<16xi32>
        %gather3A_472 = tpu.vector_load_idx %arg14[%add3A_134, %broadcast_in_dim3A_471] : memref<80x32xf32, #tpu.memory_space<vmem>>[vector<16xi32>, vector<16xi32>], vector<16xf32>,
        %gather3A_473 = tpu.vector_load_idx %arg15[%add3A_134, %broadcast_in_dim3A_471] : memref<80x32xf32, #tpu.memory_space<vmem>>[vector<16xi32>, vector<16xi32>], vector<16xf32>,
        %get3A_474 = arith.constant 28 : i32
        %get3A_475 = arith.index_cast %get3A_474 : i32 to index
        %get3A_476 = arith.constant 0 : index
        %get3A_477 = tpu.vector_load %arg16[%get3A_475, %get3A_476] {strides = array<i32>} : memref<32x16xf32, #tpu.memory_space<vmem>>, vector<16xf32>,
        %sub3A_478 = arith.subf %gather3A_472, %gather3A_473 : vector<16xf32>
        %abs3A_479 = math.absf %sub3A_478 : vector<16xf32>
        %mul3A_480 = arith.mulf %get3A_477, %abs3A_479 : vector<16xf32>
        %add3A_481 = arith.addf %add3A_469, %mul3A_480 : vector<16xf32>
        %broadcast_in_dim3A_482 = arith.constant 29 : i32
        %broadcast_in_dim3A_483 = vector.broadcast %broadcast_in_dim3A_482 : i32 to vector<16xi32>
        %gather3A_484 = tpu.vector_load_idx %arg14[%add3A_134, %broadcast_in_dim3A_483] : memref<80x32xf32, #tpu.memory_space<vmem>>[vector<16xi32>, vector<16xi32>], vector<16xf32>,
        %gather3A_485 = tpu.vector_load_idx %arg15[%add3A_134, %broadcast_in_dim3A_483] : memref<80x32xf32, #tpu.memory_space<vmem>>[vector<16xi32>, vector<16xi32>], vector<16xf32>,
        %get3A_486 = arith.constant 29 : i32
        %get3A_487 = arith.index_cast %get3A_486 : i32 to index
        %get3A_488 = arith.constant 0 : index
        %get3A_489 = tpu.vector_load %arg16[%get3A_487, %get3A_488] {strides = array<i32>} : memref<32x16xf32, #tpu.memory_space<vmem>>, vector<16xf32>,
        %sub3A_490 = arith.subf %gather3A_484, %gather3A_485 : vector<16xf32>
        %abs3A_491 = math.absf %sub3A_490 : vector<16xf32>
        %mul3A_492 = arith.mulf %get3A_489, %abs3A_491 : vector<16xf32>
        %add3A_493 = arith.addf %add3A_481, %mul3A_492 : vector<16xf32>
        %broadcast_in_dim3A_494 = arith.constant 30 : i32
        %broadcast_in_dim3A_495 = vector.broadcast %broadcast_in_dim3A_494 : i32 to vector<16xi32>
        %gather3A_496 = tpu.vector_load_idx %arg14[%add3A_134, %broadcast_in_dim3A_495] : memref<80x32xf32, #tpu.memory_space<vmem>>[vector<16xi32>, vector<16xi32>], vector<16xf32>,
        %gather3A_497 = tpu.vector_load_idx %arg15[%add3A_134, %broadcast_in_dim3A_495] : memref<80x32xf32, #tpu.memory_space<vmem>>[vector<16xi32>, vector<16xi32>], vector<16xf32>,
        %get3A_498 = arith.constant 30 : i32
        %get3A_499 = arith.index_cast %get3A_498 : i32 to index
        %get3A_500 = arith.constant 0 : index
        %get3A_501 = tpu.vector_load %arg16[%get3A_499, %get3A_500] {strides = array<i32>} : memref<32x16xf32, #tpu.memory_space<vmem>>, vector<16xf32>,
        %sub3A_502 = arith.subf %gather3A_496, %gather3A_497 : vector<16xf32>
        %abs3A_503 = math.absf %sub3A_502 : vector<16xf32>
        %mul3A_504 = arith.mulf %get3A_501, %abs3A_503 : vector<16xf32>
        %add3A_505 = arith.addf %add3A_493, %mul3A_504 : vector<16xf32>
        %broadcast_in_dim3A_506 = arith.constant 31 : i32
        %broadcast_in_dim3A_507 = vector.broadcast %broadcast_in_dim3A_506 : i32 to vector<16xi32>
        %gather3A_508 = tpu.vector_load_idx %arg14[%add3A_134, %broadcast_in_dim3A_507] : memref<80x32xf32, #tpu.memory_space<vmem>>[vector<16xi32>, vector<16xi32>], vector<16xf32>,
        %gather3A_509 = tpu.vector_load_idx %arg15[%add3A_134, %broadcast_in_dim3A_507] : memref<80x32xf32, #tpu.memory_space<vmem>>[vector<16xi32>, vector<16xi32>], vector<16xf32>,
        %get3A_510 = arith.constant 31 : i32
        %get3A_511 = arith.index_cast %get3A_510 : i32 to index
        %get3A_512 = arith.constant 0 : index
        %get3A_513 = tpu.vector_load %arg16[%get3A_511, %get3A_512] {strides = array<i32>} : memref<32x16xf32, #tpu.memory_space<vmem>>, vector<16xf32>,
        %sub3A_514 = arith.subf %gather3A_508, %gather3A_509 : vector<16xf32>
        %abs3A_515 = math.absf %sub3A_514 : vector<16xf32>
        %mul3A_516 = arith.mulf %get3A_513, %abs3A_515 : vector<16xf32>
        %add3A_517 = arith.addf %add3A_505, %mul3A_516 : vector<16xf32>
        %max3A = arith.constant 0.000000e+00 : f32
        %max3A_518 = vector.broadcast %max3A : f32 to vector<16xf32>
        %max3A_519 = arith.maximumf %add3A_517, %max3A_518 : vector<16xf32>
        %swap3A_520 = arith.index_cast %add3A_122 : i32 to index
        %swap3A_521 = arith.index_cast %add3A_132 : i32 to index
        %swap3A_522 = tpu.vector_load %arg11[%swap3A_520, %swap3A_521] {strides = array<i32>} : memref<125x80xf32, #tpu.memory_space<vmem>>, vector<16xf32>,
        tpu.vector_store %arg11[%swap3A_520, %swap3A_521], %max3A_519 {strides = array<i32>} : memref<125x80xf32, #tpu.memory_space<vmem>>, vector<16xf32>,
        %get3A_523 = arith.constant 0 : index
        %get3A_524 = tpu.vector_load %arg17[%get3A_523] {strides = array<i32>} : memref<16xf32, #tpu.memory_space<vmem>>, vector<16xf32>,
        %max3A_525 = arith.maximumf %get3A_524, %max3A_519 : vector<16xf32>
        %swap3A_526 = arith.constant 0 : index
        %swap3A_527 = tpu.vector_load %arg17[%swap3A_526] {strides = array<i32>} : memref<16xf32, #tpu.memory_space<vmem>>, vector<16xf32>,
        tpu.vector_store %arg17[%swap3A_526], %max3A_525 {strides = array<i32>} : memref<16xf32, #tpu.memory_space<vmem>>, vector<16xf32>,
      }
      %scan3A_127 = arith.constant 5 : i32
    }
    %scan3A_21 = arith.constant 62 : i32
    %dma_wait3A = arith.constant 124 : i32
    %dma_wait3A_22 = arith.constant 0 : i32
    %dma_wait3A_23 = tpu.memref_slice %arg9[%dma_wait3A, %dma_wait3A_22] : memref<125x80xi32, #tpu.memory_space<vmem>> -> memref<1x80xi32, #tpu.memory_space<vmem>>
    %dma_wait3A_24 = tpu.memref_squeeze %dma_wait3A_23 : memref<1x80xi32, #tpu.memory_space<vmem>> -> memref<80xi32, #tpu.memory_space<vmem>>
    %dma_wait3A_25 = arith.constant 0 : i32
    %dma_wait3A_26 = arith.constant 0 : i32
    %dma_wait3A_27 = tpu.memref_slice %arg19[%dma_wait3A_25, %dma_wait3A_26] : memref<10000x32xf32, #tpu.memory_space<vmem_shared>> -> memref<10000x32xf32, #tpu.memory_space<vmem_shared>>
    tpu.wait_indirect_dma semaphore(%arg20 : memref<!tpu.dma_semaphore, #tpu.memory_space<semaphore_mem>>) src(%dma_wait3A_27 : memref<10000x32xf32, #tpu.memory_space<vmem_shared>>) dst(%arg12 : memref<80x32xf32, #tpu.memory_space<vmem>>)
    %dma_wait3A_28 = arith.constant 124 : i32
    %dma_wait3A_29 = arith.constant 0 : i32
    %dma_wait3A_30 = tpu.memref_slice %arg10[%dma_wait3A_28, %dma_wait3A_29] : memref<125x80xi32, #tpu.memory_space<vmem>> -> memref<1x80xi32, #tpu.memory_space<vmem>>
    %dma_wait3A_31 = tpu.memref_squeeze %dma_wait3A_30 : memref<1x80xi32, #tpu.memory_space<vmem>> -> memref<80xi32, #tpu.memory_space<vmem>>
    %dma_wait3A_32 = arith.constant 0 : i32
    %dma_wait3A_33 = arith.constant 0 : i32
    %dma_wait3A_34 = tpu.memref_slice %arg19[%dma_wait3A_32, %dma_wait3A_33] : memref<10000x32xf32, #tpu.memory_space<vmem_shared>> -> memref<10000x32xf32, #tpu.memory_space<vmem_shared>>
    tpu.wait_indirect_dma semaphore(%arg20 : memref<!tpu.dma_semaphore, #tpu.memory_space<semaphore_mem>>) src(%dma_wait3A_34 : memref<10000x32xf32, #tpu.memory_space<vmem_shared>>) dst(%arg13 : memref<80x32xf32, #tpu.memory_space<vmem>>)
    %scan3A_35 = arith.constant 0 : i32
    %scan3A_36 = arith.constant 5 : i32
    %scan3A_37 = arith.addi %scan3A_35, %scan3A_36 : i32
    %scan3A_38 = arith.constant 1 : i32
    scf.for %scan3A_55 = %scan3A_35 to %scan3A_37 step %scan3A_38  : i32 {
      %mul3A_56 = arith.constant 16 : i32
      %mul3A_57 = arith.muli %scan3A_55, %mul3A_56 : i32
      %add3A_58 = arith.constant 0 : i32
      %add3A_59 = arith.addi %add3A_58, %mul3A_57 : i32
      %iota3A = tpu.iota {dimensions = array<i32: 0>} : vector<16xi32>
      %add3A_60 = vector.broadcast %add3A_59 : i32 to vector<16xi32>
      %add3A_61 = arith.addi %iota3A, %add3A_60 : vector<16xi32>
      %broadcast_in_dim3A_62 = arith.constant 0.000000e+00 : f32
      %broadcast_in_dim3A_63 = vector.broadcast %broadcast_in_dim3A_62 : f32 to vector<16xf32>
      %broadcast_in_dim3A_64 = arith.constant 0 : i32
      %broadcast_in_dim3A_65 = vector.broadcast %broadcast_in_dim3A_64 : i32 to vector<16xi32>
      %gather3A = tpu.vector_load_idx %arg12[%add3A_61, %broadcast_in_dim3A_65] : memref<80x32xf32, #tpu.memory_space<vmem>>[vector<16xi32>, vector<16xi32>], vector<16xf32>,
      %gather3A_66 = tpu.vector_load_idx %arg13[%add3A_61, %broadcast_in_dim3A_65] : memref<80x32xf32, #tpu.memory_space<vmem>>[vector<16xi32>, vector<16xi32>], vector<16xf32>,
      %get3A_67 = arith.constant 0 : i32
      %get3A_68 = arith.index_cast %get3A_67 : i32 to index
      %get3A_69 = arith.constant 0 : index
      %get3A_70 = tpu.vector_load %arg16[%get3A_68, %get3A_69] {strides = array<i32>} : memref<32x16xf32, #tpu.memory_space<vmem>>, vector<16xf32>,
      %sub3A = arith.subf %gather3A, %gather3A_66 : vector<16xf32>
      %abs3A = math.absf %sub3A : vector<16xf32>
      %mul3A_71 = arith.mulf %get3A_70, %abs3A : vector<16xf32>
      %add3A_72 = arith.addf %broadcast_in_dim3A_63, %mul3A_71 : vector<16xf32>
      %broadcast_in_dim3A_73 = arith.constant 1 : i32
      %broadcast_in_dim3A_74 = vector.broadcast %broadcast_in_dim3A_73 : i32 to vector<16xi32>
      %gather3A_75 = tpu.vector_load_idx %arg12[%add3A_61, %broadcast_in_dim3A_74] : memref<80x32xf32, #tpu.memory_space<vmem>>[vector<16xi32>, vector<16xi32>], vector<16xf32>,
      %gather3A_76 = tpu.vector_load_idx %arg13[%add3A_61, %broadcast_in_dim3A_74] : memref<80x32xf32, #tpu.memory_space<vmem>>[vector<16xi32>, vector<16xi32>], vector<16xf32>,
      %get3A_77 = arith.constant 1 : i32
      %get3A_78 = arith.index_cast %get3A_77 : i32 to index
      %get3A_79 = arith.constant 0 : index
      %get3A_80 = tpu.vector_load %arg16[%get3A_78, %get3A_79] {strides = array<i32>} : memref<32x16xf32, #tpu.memory_space<vmem>>, vector<16xf32>,
      %sub3A_81 = arith.subf %gather3A_75, %gather3A_76 : vector<16xf32>
      %abs3A_82 = math.absf %sub3A_81 : vector<16xf32>
      %mul3A_83 = arith.mulf %get3A_80, %abs3A_82 : vector<16xf32>
      %add3A_84 = arith.addf %add3A_72, %mul3A_83 : vector<16xf32>
      %broadcast_in_dim3A_85 = arith.constant 2 : i32
      %broadcast_in_dim3A_86 = vector.broadcast %broadcast_in_dim3A_85 : i32 to vector<16xi32>
      %gather3A_87 = tpu.vector_load_idx %arg12[%add3A_61, %broadcast_in_dim3A_86] : memref<80x32xf32, #tpu.memory_space<vmem>>[vector<16xi32>, vector<16xi32>], vector<16xf32>,
      %gather3A_88 = tpu.vector_load_idx %arg13[%add3A_61, %broadcast_in_dim3A_86] : memref<80x32xf32, #tpu.memory_space<vmem>>[vector<16xi32>, vector<16xi32>], vector<16xf32>,
      %get3A_89 = arith.constant 2 : i32
      %get3A_90 = arith.index_cast %get3A_89 : i32 to index
      %get3A_91 = arith.constant 0 : index
      %get3A_92 = tpu.vector_load %arg16[%get3A_90, %get3A_91] {strides = array<i32>} : memref<32x16xf32, #tpu.memory_space<vmem>>, vector<16xf32>,
      %sub3A_93 = arith.subf %gather3A_87, %gather3A_88 : vector<16xf32>
      %abs3A_94 = math.absf %sub3A_93 : vector<16xf32>
      %mul3A_95 = arith.mulf %get3A_92, %abs3A_94 : vector<16xf32>
      %add3A_96 = arith.addf %add3A_84, %mul3A_95 : vector<16xf32>
      %broadcast_in_dim3A_97 = arith.constant 3 : i32
      %broadcast_in_dim3A_98 = vector.broadcast %broadcast_in_dim3A_97 : i32 to vector<16xi32>
      %gather3A_99 = tpu.vector_load_idx %arg12[%add3A_61, %broadcast_in_dim3A_98] : memref<80x32xf32, #tpu.memory_space<vmem>>[vector<16xi32>, vector<16xi32>], vector<16xf32>,
      %gather3A_100 = tpu.vector_load_idx %arg13[%add3A_61, %broadcast_in_dim3A_98] : memref<80x32xf32, #tpu.memory_space<vmem>>[vector<16xi32>, vector<16xi32>], vector<16xf32>,
      %get3A_101 = arith.constant 3 : i32
      %get3A_102 = arith.index_cast %get3A_101 : i32 to index
      %get3A_103 = arith.constant 0 : index
      %get3A_104 = tpu.vector_load %arg16[%get3A_102, %get3A_103] {strides = array<i32>} : memref<32x16xf32, #tpu.memory_space<vmem>>, vector<16xf32>,
      %sub3A_105 = arith.subf %gather3A_99, %gather3A_100 : vector<16xf32>
      %abs3A_106 = math.absf %sub3A_105 : vector<16xf32>
      %mul3A_107 = arith.mulf %get3A_104, %abs3A_106 : vector<16xf32>
      %add3A_108 = arith.addf %add3A_96, %mul3A_107 : vector<16xf32>
      %broadcast_in_dim3A_109 = arith.constant 4 : i32
      %broadcast_in_dim3A_110 = vector.broadcast %broadcast_in_dim3A_109 : i32 to vector<16xi32>
      %gather3A_111 = tpu.vector_load_idx %arg12[%add3A_61, %broadcast_in_dim3A_110] : memref<80x32xf32, #tpu.memory_space<vmem>>[vector<16xi32>, vector<16xi32>], vector<16xf32>,
      %gather3A_112 = tpu.vector_load_idx %arg13[%add3A_61, %broadcast_in_dim3A_110] : memref<80x32xf32, #tpu.memory_space<vmem>>[vector<16xi32>, vector<16xi32>], vector<16xf32>,
      %get3A_113 = arith.constant 4 : i32
      %get3A_114 = arith.index_cast %get3A_113 : i32 to index
      %get3A_115 = arith.constant 0 : index
      %get3A_116 = tpu.vector_load %arg16[%get3A_114, %get3A_115] {strides = array<i32>} : memref<32x16xf32, #tpu.memory_space<vmem>>, vector<16xf32>,
      %sub3A_117 = arith.subf %gather3A_111, %gather3A_112 : vector<16xf32>
      %abs3A_118 = math.absf %sub3A_117 : vector<16xf32>
      %mul3A_119 = arith.mulf %get3A_116, %abs3A_118 : vector<16xf32>
      %add3A_120 = arith.addf %add3A_108, %mul3A_119 : vector<16xf32>
      %broadcast_in_dim3A_121 = arith.constant 5 : i32
      %broadcast_in_dim3A_122 = vector.broadcast %broadcast_in_dim3A_121 : i32 to vector<16xi32>
      %gather3A_123 = tpu.vector_load_idx %arg12[%add3A_61, %broadcast_in_dim3A_122] : memref<80x32xf32, #tpu.memory_space<vmem>>[vector<16xi32>, vector<16xi32>], vector<16xf32>,
      %gather3A_124 = tpu.vector_load_idx %arg13[%add3A_61, %broadcast_in_dim3A_122] : memref<80x32xf32, #tpu.memory_space<vmem>>[vector<16xi32>, vector<16xi32>], vector<16xf32>,
      %get3A_125 = arith.constant 5 : i32
      %get3A_126 = arith.index_cast %get3A_125 : i32 to index
      %get3A_127 = arith.constant 0 : index
      %get3A_128 = tpu.vector_load %arg16[%get3A_126, %get3A_127] {strides = array<i32>} : memref<32x16xf32, #tpu.memory_space<vmem>>, vector<16xf32>,
      %sub3A_129 = arith.subf %gather3A_123, %gather3A_124 : vector<16xf32>
      %abs3A_130 = math.absf %sub3A_129 : vector<16xf32>
      %mul3A_131 = arith.mulf %get3A_128, %abs3A_130 : vector<16xf32>
      %add3A_132 = arith.addf %add3A_120, %mul3A_131 : vector<16xf32>
      %broadcast_in_dim3A_133 = arith.constant 6 : i32
      %broadcast_in_dim3A_134 = vector.broadcast %broadcast_in_dim3A_133 : i32 to vector<16xi32>
      %gather3A_135 = tpu.vector_load_idx %arg12[%add3A_61, %broadcast_in_dim3A_134] : memref<80x32xf32, #tpu.memory_space<vmem>>[vector<16xi32>, vector<16xi32>], vector<16xf32>,
      %gather3A_136 = tpu.vector_load_idx %arg13[%add3A_61, %broadcast_in_dim3A_134] : memref<80x32xf32, #tpu.memory_space<vmem>>[vector<16xi32>, vector<16xi32>], vector<16xf32>,
      %get3A_137 = arith.constant 6 : i32
      %get3A_138 = arith.index_cast %get3A_137 : i32 to index
      %get3A_139 = arith.constant 0 : index
      %get3A_140 = tpu.vector_load %arg16[%get3A_138, %get3A_139] {strides = array<i32>} : memref<32x16xf32, #tpu.memory_space<vmem>>, vector<16xf32>,
      %sub3A_141 = arith.subf %gather3A_135, %gather3A_136 : vector<16xf32>
      %abs3A_142 = math.absf %sub3A_141 : vector<16xf32>
      %mul3A_143 = arith.mulf %get3A_140, %abs3A_142 : vector<16xf32>
      %add3A_144 = arith.addf %add3A_132, %mul3A_143 : vector<16xf32>
      %broadcast_in_dim3A_145 = arith.constant 7 : i32
      %broadcast_in_dim3A_146 = vector.broadcast %broadcast_in_dim3A_145 : i32 to vector<16xi32>
      %gather3A_147 = tpu.vector_load_idx %arg12[%add3A_61, %broadcast_in_dim3A_146] : memref<80x32xf32, #tpu.memory_space<vmem>>[vector<16xi32>, vector<16xi32>], vector<16xf32>,
      %gather3A_148 = tpu.vector_load_idx %arg13[%add3A_61, %broadcast_in_dim3A_146] : memref<80x32xf32, #tpu.memory_space<vmem>>[vector<16xi32>, vector<16xi32>], vector<16xf32>,
      %get3A_149 = arith.constant 7 : i32
      %get3A_150 = arith.index_cast %get3A_149 : i32 to index
      %get3A_151 = arith.constant 0 : index
      %get3A_152 = tpu.vector_load %arg16[%get3A_150, %get3A_151] {strides = array<i32>} : memref<32x16xf32, #tpu.memory_space<vmem>>, vector<16xf32>,
      %sub3A_153 = arith.subf %gather3A_147, %gather3A_148 : vector<16xf32>
      %abs3A_154 = math.absf %sub3A_153 : vector<16xf32>
      %mul3A_155 = arith.mulf %get3A_152, %abs3A_154 : vector<16xf32>
      %add3A_156 = arith.addf %add3A_144, %mul3A_155 : vector<16xf32>
      %broadcast_in_dim3A_157 = arith.constant 8 : i32
      %broadcast_in_dim3A_158 = vector.broadcast %broadcast_in_dim3A_157 : i32 to vector<16xi32>
      %gather3A_159 = tpu.vector_load_idx %arg12[%add3A_61, %broadcast_in_dim3A_158] : memref<80x32xf32, #tpu.memory_space<vmem>>[vector<16xi32>, vector<16xi32>], vector<16xf32>,
      %gather3A_160 = tpu.vector_load_idx %arg13[%add3A_61, %broadcast_in_dim3A_158] : memref<80x32xf32, #tpu.memory_space<vmem>>[vector<16xi32>, vector<16xi32>], vector<16xf32>,
      %get3A_161 = arith.constant 8 : i32
      %get3A_162 = arith.index_cast %get3A_161 : i32 to index
      %get3A_163 = arith.constant 0 : index
      %get3A_164 = tpu.vector_load %arg16[%get3A_162, %get3A_163] {strides = array<i32>} : memref<32x16xf32, #tpu.memory_space<vmem>>, vector<16xf32>,
      %sub3A_165 = arith.subf %gather3A_159, %gather3A_160 : vector<16xf32>
      %abs3A_166 = math.absf %sub3A_165 : vector<16xf32>
      %mul3A_167 = arith.mulf %get3A_164, %abs3A_166 : vector<16xf32>
      %add3A_168 = arith.addf %add3A_156, %mul3A_167 : vector<16xf32>
      %broadcast_in_dim3A_169 = arith.constant 9 : i32
      %broadcast_in_dim3A_170 = vector.broadcast %broadcast_in_dim3A_169 : i32 to vector<16xi32>
      %gather3A_171 = tpu.vector_load_idx %arg12[%add3A_61, %broadcast_in_dim3A_170] : memref<80x32xf32, #tpu.memory_space<vmem>>[vector<16xi32>, vector<16xi32>], vector<16xf32>,
      %gather3A_172 = tpu.vector_load_idx %arg13[%add3A_61, %broadcast_in_dim3A_170] : memref<80x32xf32, #tpu.memory_space<vmem>>[vector<16xi32>, vector<16xi32>], vector<16xf32>,
      %get3A_173 = arith.constant 9 : i32
      %get3A_174 = arith.index_cast %get3A_173 : i32 to index
      %get3A_175 = arith.constant 0 : index
      %get3A_176 = tpu.vector_load %arg16[%get3A_174, %get3A_175] {strides = array<i32>} : memref<32x16xf32, #tpu.memory_space<vmem>>, vector<16xf32>,
      %sub3A_177 = arith.subf %gather3A_171, %gather3A_172 : vector<16xf32>
      %abs3A_178 = math.absf %sub3A_177 : vector<16xf32>
      %mul3A_179 = arith.mulf %get3A_176, %abs3A_178 : vector<16xf32>
      %add3A_180 = arith.addf %add3A_168, %mul3A_179 : vector<16xf32>
      %broadcast_in_dim3A_181 = arith.constant 10 : i32
      %broadcast_in_dim3A_182 = vector.broadcast %broadcast_in_dim3A_181 : i32 to vector<16xi32>
      %gather3A_183 = tpu.vector_load_idx %arg12[%add3A_61, %broadcast_in_dim3A_182] : memref<80x32xf32, #tpu.memory_space<vmem>>[vector<16xi32>, vector<16xi32>], vector<16xf32>,
      %gather3A_184 = tpu.vector_load_idx %arg13[%add3A_61, %broadcast_in_dim3A_182] : memref<80x32xf32, #tpu.memory_space<vmem>>[vector<16xi32>, vector<16xi32>], vector<16xf32>,
      %get3A_185 = arith.constant 10 : i32
      %get3A_186 = arith.index_cast %get3A_185 : i32 to index
      %get3A_187 = arith.constant 0 : index
      %get3A_188 = tpu.vector_load %arg16[%get3A_186, %get3A_187] {strides = array<i32>} : memref<32x16xf32, #tpu.memory_space<vmem>>, vector<16xf32>,
      %sub3A_189 = arith.subf %gather3A_183, %gather3A_184 : vector<16xf32>
      %abs3A_190 = math.absf %sub3A_189 : vector<16xf32>
      %mul3A_191 = arith.mulf %get3A_188, %abs3A_190 : vector<16xf32>
      %add3A_192 = arith.addf %add3A_180, %mul3A_191 : vector<16xf32>
      %broadcast_in_dim3A_193 = arith.constant 11 : i32
      %broadcast_in_dim3A_194 = vector.broadcast %broadcast_in_dim3A_193 : i32 to vector<16xi32>
      %gather3A_195 = tpu.vector_load_idx %arg12[%add3A_61, %broadcast_in_dim3A_194] : memref<80x32xf32, #tpu.memory_space<vmem>>[vector<16xi32>, vector<16xi32>], vector<16xf32>,
      %gather3A_196 = tpu.vector_load_idx %arg13[%add3A_61, %broadcast_in_dim3A_194] : memref<80x32xf32, #tpu.memory_space<vmem>>[vector<16xi32>, vector<16xi32>], vector<16xf32>,
      %get3A_197 = arith.constant 11 : i32
      %get3A_198 = arith.index_cast %get3A_197 : i32 to index
      %get3A_199 = arith.constant 0 : index
      %get3A_200 = tpu.vector_load %arg16[%get3A_198, %get3A_199] {strides = array<i32>} : memref<32x16xf32, #tpu.memory_space<vmem>>, vector<16xf32>,
      %sub3A_201 = arith.subf %gather3A_195, %gather3A_196 : vector<16xf32>
      %abs3A_202 = math.absf %sub3A_201 : vector<16xf32>
      %mul3A_203 = arith.mulf %get3A_200, %abs3A_202 : vector<16xf32>
      %add3A_204 = arith.addf %add3A_192, %mul3A_203 : vector<16xf32>
      %broadcast_in_dim3A_205 = arith.constant 12 : i32
      %broadcast_in_dim3A_206 = vector.broadcast %broadcast_in_dim3A_205 : i32 to vector<16xi32>
      %gather3A_207 = tpu.vector_load_idx %arg12[%add3A_61, %broadcast_in_dim3A_206] : memref<80x32xf32, #tpu.memory_space<vmem>>[vector<16xi32>, vector<16xi32>], vector<16xf32>,
      %gather3A_208 = tpu.vector_load_idx %arg13[%add3A_61, %broadcast_in_dim3A_206] : memref<80x32xf32, #tpu.memory_space<vmem>>[vector<16xi32>, vector<16xi32>], vector<16xf32>,
      %get3A_209 = arith.constant 12 : i32
      %get3A_210 = arith.index_cast %get3A_209 : i32 to index
      %get3A_211 = arith.constant 0 : index
      %get3A_212 = tpu.vector_load %arg16[%get3A_210, %get3A_211] {strides = array<i32>} : memref<32x16xf32, #tpu.memory_space<vmem>>, vector<16xf32>,
      %sub3A_213 = arith.subf %gather3A_207, %gather3A_208 : vector<16xf32>
      %abs3A_214 = math.absf %sub3A_213 : vector<16xf32>
      %mul3A_215 = arith.mulf %get3A_212, %abs3A_214 : vector<16xf32>
      %add3A_216 = arith.addf %add3A_204, %mul3A_215 : vector<16xf32>
      %broadcast_in_dim3A_217 = arith.constant 13 : i32
      %broadcast_in_dim3A_218 = vector.broadcast %broadcast_in_dim3A_217 : i32 to vector<16xi32>
      %gather3A_219 = tpu.vector_load_idx %arg12[%add3A_61, %broadcast_in_dim3A_218] : memref<80x32xf32, #tpu.memory_space<vmem>>[vector<16xi32>, vector<16xi32>], vector<16xf32>,
      %gather3A_220 = tpu.vector_load_idx %arg13[%add3A_61, %broadcast_in_dim3A_218] : memref<80x32xf32, #tpu.memory_space<vmem>>[vector<16xi32>, vector<16xi32>], vector<16xf32>,
      %get3A_221 = arith.constant 13 : i32
      %get3A_222 = arith.index_cast %get3A_221 : i32 to index
      %get3A_223 = arith.constant 0 : index
      %get3A_224 = tpu.vector_load %arg16[%get3A_222, %get3A_223] {strides = array<i32>} : memref<32x16xf32, #tpu.memory_space<vmem>>, vector<16xf32>,
      %sub3A_225 = arith.subf %gather3A_219, %gather3A_220 : vector<16xf32>
      %abs3A_226 = math.absf %sub3A_225 : vector<16xf32>
      %mul3A_227 = arith.mulf %get3A_224, %abs3A_226 : vector<16xf32>
      %add3A_228 = arith.addf %add3A_216, %mul3A_227 : vector<16xf32>
      %broadcast_in_dim3A_229 = arith.constant 14 : i32
      %broadcast_in_dim3A_230 = vector.broadcast %broadcast_in_dim3A_229 : i32 to vector<16xi32>
      %gather3A_231 = tpu.vector_load_idx %arg12[%add3A_61, %broadcast_in_dim3A_230] : memref<80x32xf32, #tpu.memory_space<vmem>>[vector<16xi32>, vector<16xi32>], vector<16xf32>,
      %gather3A_232 = tpu.vector_load_idx %arg13[%add3A_61, %broadcast_in_dim3A_230] : memref<80x32xf32, #tpu.memory_space<vmem>>[vector<16xi32>, vector<16xi32>], vector<16xf32>,
      %get3A_233 = arith.constant 14 : i32
      %get3A_234 = arith.index_cast %get3A_233 : i32 to index
      %get3A_235 = arith.constant 0 : index
      %get3A_236 = tpu.vector_load %arg16[%get3A_234, %get3A_235] {strides = array<i32>} : memref<32x16xf32, #tpu.memory_space<vmem>>, vector<16xf32>,
      %sub3A_237 = arith.subf %gather3A_231, %gather3A_232 : vector<16xf32>
      %abs3A_238 = math.absf %sub3A_237 : vector<16xf32>
      %mul3A_239 = arith.mulf %get3A_236, %abs3A_238 : vector<16xf32>
      %add3A_240 = arith.addf %add3A_228, %mul3A_239 : vector<16xf32>
      %broadcast_in_dim3A_241 = arith.constant 15 : i32
      %broadcast_in_dim3A_242 = vector.broadcast %broadcast_in_dim3A_241 : i32 to vector<16xi32>
      %gather3A_243 = tpu.vector_load_idx %arg12[%add3A_61, %broadcast_in_dim3A_242] : memref<80x32xf32, #tpu.memory_space<vmem>>[vector<16xi32>, vector<16xi32>], vector<16xf32>,
      %gather3A_244 = tpu.vector_load_idx %arg13[%add3A_61, %broadcast_in_dim3A_242] : memref<80x32xf32, #tpu.memory_space<vmem>>[vector<16xi32>, vector<16xi32>], vector<16xf32>,
      %get3A_245 = arith.constant 15 : i32
      %get3A_246 = arith.index_cast %get3A_245 : i32 to index
      %get3A_247 = arith.constant 0 : index
      %get3A_248 = tpu.vector_load %arg16[%get3A_246, %get3A_247] {strides = array<i32>} : memref<32x16xf32, #tpu.memory_space<vmem>>, vector<16xf32>,
      %sub3A_249 = arith.subf %gather3A_243, %gather3A_244 : vector<16xf32>
      %abs3A_250 = math.absf %sub3A_249 : vector<16xf32>
      %mul3A_251 = arith.mulf %get3A_248, %abs3A_250 : vector<16xf32>
      %add3A_252 = arith.addf %add3A_240, %mul3A_251 : vector<16xf32>
      %broadcast_in_dim3A_253 = arith.constant 16 : i32
      %broadcast_in_dim3A_254 = vector.broadcast %broadcast_in_dim3A_253 : i32 to vector<16xi32>
      %gather3A_255 = tpu.vector_load_idx %arg12[%add3A_61, %broadcast_in_dim3A_254] : memref<80x32xf32, #tpu.memory_space<vmem>>[vector<16xi32>, vector<16xi32>], vector<16xf32>,
      %gather3A_256 = tpu.vector_load_idx %arg13[%add3A_61, %broadcast_in_dim3A_254] : memref<80x32xf32, #tpu.memory_space<vmem>>[vector<16xi32>, vector<16xi32>], vector<16xf32>,
      %get3A_257 = arith.constant 16 : i32
      %get3A_258 = arith.index_cast %get3A_257 : i32 to index
      %get3A_259 = arith.constant 0 : index
      %get3A_260 = tpu.vector_load %arg16[%get3A_258, %get3A_259] {strides = array<i32>} : memref<32x16xf32, #tpu.memory_space<vmem>>, vector<16xf32>,
      %sub3A_261 = arith.subf %gather3A_255, %gather3A_256 : vector<16xf32>
      %abs3A_262 = math.absf %sub3A_261 : vector<16xf32>
      %mul3A_263 = arith.mulf %get3A_260, %abs3A_262 : vector<16xf32>
      %add3A_264 = arith.addf %add3A_252, %mul3A_263 : vector<16xf32>
      %broadcast_in_dim3A_265 = arith.constant 17 : i32
      %broadcast_in_dim3A_266 = vector.broadcast %broadcast_in_dim3A_265 : i32 to vector<16xi32>
      %gather3A_267 = tpu.vector_load_idx %arg12[%add3A_61, %broadcast_in_dim3A_266] : memref<80x32xf32, #tpu.memory_space<vmem>>[vector<16xi32>, vector<16xi32>], vector<16xf32>,
      %gather3A_268 = tpu.vector_load_idx %arg13[%add3A_61, %broadcast_in_dim3A_266] : memref<80x32xf32, #tpu.memory_space<vmem>>[vector<16xi32>, vector<16xi32>], vector<16xf32>,
      %get3A_269 = arith.constant 17 : i32
      %get3A_270 = arith.index_cast %get3A_269 : i32 to index
      %get3A_271 = arith.constant 0 : index
      %get3A_272 = tpu.vector_load %arg16[%get3A_270, %get3A_271] {strides = array<i32>} : memref<32x16xf32, #tpu.memory_space<vmem>>, vector<16xf32>,
      %sub3A_273 = arith.subf %gather3A_267, %gather3A_268 : vector<16xf32>
      %abs3A_274 = math.absf %sub3A_273 : vector<16xf32>
      %mul3A_275 = arith.mulf %get3A_272, %abs3A_274 : vector<16xf32>
      %add3A_276 = arith.addf %add3A_264, %mul3A_275 : vector<16xf32>
      %broadcast_in_dim3A_277 = arith.constant 18 : i32
      %broadcast_in_dim3A_278 = vector.broadcast %broadcast_in_dim3A_277 : i32 to vector<16xi32>
      %gather3A_279 = tpu.vector_load_idx %arg12[%add3A_61, %broadcast_in_dim3A_278] : memref<80x32xf32, #tpu.memory_space<vmem>>[vector<16xi32>, vector<16xi32>], vector<16xf32>,
      %gather3A_280 = tpu.vector_load_idx %arg13[%add3A_61, %broadcast_in_dim3A_278] : memref<80x32xf32, #tpu.memory_space<vmem>>[vector<16xi32>, vector<16xi32>], vector<16xf32>,
      %get3A_281 = arith.constant 18 : i32
      %get3A_282 = arith.index_cast %get3A_281 : i32 to index
      %get3A_283 = arith.constant 0 : index
      %get3A_284 = tpu.vector_load %arg16[%get3A_282, %get3A_283] {strides = array<i32>} : memref<32x16xf32, #tpu.memory_space<vmem>>, vector<16xf32>,
      %sub3A_285 = arith.subf %gather3A_279, %gather3A_280 : vector<16xf32>
      %abs3A_286 = math.absf %sub3A_285 : vector<16xf32>
      %mul3A_287 = arith.mulf %get3A_284, %abs3A_286 : vector<16xf32>
      %add3A_288 = arith.addf %add3A_276, %mul3A_287 : vector<16xf32>
      %broadcast_in_dim3A_289 = arith.constant 19 : i32
      %broadcast_in_dim3A_290 = vector.broadcast %broadcast_in_dim3A_289 : i32 to vector<16xi32>
      %gather3A_291 = tpu.vector_load_idx %arg12[%add3A_61, %broadcast_in_dim3A_290] : memref<80x32xf32, #tpu.memory_space<vmem>>[vector<16xi32>, vector<16xi32>], vector<16xf32>,
      %gather3A_292 = tpu.vector_load_idx %arg13[%add3A_61, %broadcast_in_dim3A_290] : memref<80x32xf32, #tpu.memory_space<vmem>>[vector<16xi32>, vector<16xi32>], vector<16xf32>,
      %get3A_293 = arith.constant 19 : i32
      %get3A_294 = arith.index_cast %get3A_293 : i32 to index
      %get3A_295 = arith.constant 0 : index
      %get3A_296 = tpu.vector_load %arg16[%get3A_294, %get3A_295] {strides = array<i32>} : memref<32x16xf32, #tpu.memory_space<vmem>>, vector<16xf32>,
      %sub3A_297 = arith.subf %gather3A_291, %gather3A_292 : vector<16xf32>
      %abs3A_298 = math.absf %sub3A_297 : vector<16xf32>
      %mul3A_299 = arith.mulf %get3A_296, %abs3A_298 : vector<16xf32>
      %add3A_300 = arith.addf %add3A_288, %mul3A_299 : vector<16xf32>
      %broadcast_in_dim3A_301 = arith.constant 20 : i32
      %broadcast_in_dim3A_302 = vector.broadcast %broadcast_in_dim3A_301 : i32 to vector<16xi32>
      %gather3A_303 = tpu.vector_load_idx %arg12[%add3A_61, %broadcast_in_dim3A_302] : memref<80x32xf32, #tpu.memory_space<vmem>>[vector<16xi32>, vector<16xi32>], vector<16xf32>,
      %gather3A_304 = tpu.vector_load_idx %arg13[%add3A_61, %broadcast_in_dim3A_302] : memref<80x32xf32, #tpu.memory_space<vmem>>[vector<16xi32>, vector<16xi32>], vector<16xf32>,
      %get3A_305 = arith.constant 20 : i32
      %get3A_306 = arith.index_cast %get3A_305 : i32 to index
      %get3A_307 = arith.constant 0 : index
      %get3A_308 = tpu.vector_load %arg16[%get3A_306, %get3A_307] {strides = array<i32>} : memref<32x16xf32, #tpu.memory_space<vmem>>, vector<16xf32>,
      %sub3A_309 = arith.subf %gather3A_303, %gather3A_304 : vector<16xf32>
      %abs3A_310 = math.absf %sub3A_309 : vector<16xf32>
      %mul3A_311 = arith.mulf %get3A_308, %abs3A_310 : vector<16xf32>
      %add3A_312 = arith.addf %add3A_300, %mul3A_311 : vector<16xf32>
      %broadcast_in_dim3A_313 = arith.constant 21 : i32
      %broadcast_in_dim3A_314 = vector.broadcast %broadcast_in_dim3A_313 : i32 to vector<16xi32>
      %gather3A_315 = tpu.vector_load_idx %arg12[%add3A_61, %broadcast_in_dim3A_314] : memref<80x32xf32, #tpu.memory_space<vmem>>[vector<16xi32>, vector<16xi32>], vector<16xf32>,
      %gather3A_316 = tpu.vector_load_idx %arg13[%add3A_61, %broadcast_in_dim3A_314] : memref<80x32xf32, #tpu.memory_space<vmem>>[vector<16xi32>, vector<16xi32>], vector<16xf32>,
      %get3A_317 = arith.constant 21 : i32
      %get3A_318 = arith.index_cast %get3A_317 : i32 to index
      %get3A_319 = arith.constant 0 : index
      %get3A_320 = tpu.vector_load %arg16[%get3A_318, %get3A_319] {strides = array<i32>} : memref<32x16xf32, #tpu.memory_space<vmem>>, vector<16xf32>,
      %sub3A_321 = arith.subf %gather3A_315, %gather3A_316 : vector<16xf32>
      %abs3A_322 = math.absf %sub3A_321 : vector<16xf32>
      %mul3A_323 = arith.mulf %get3A_320, %abs3A_322 : vector<16xf32>
      %add3A_324 = arith.addf %add3A_312, %mul3A_323 : vector<16xf32>
      %broadcast_in_dim3A_325 = arith.constant 22 : i32
      %broadcast_in_dim3A_326 = vector.broadcast %broadcast_in_dim3A_325 : i32 to vector<16xi32>
      %gather3A_327 = tpu.vector_load_idx %arg12[%add3A_61, %broadcast_in_dim3A_326] : memref<80x32xf32, #tpu.memory_space<vmem>>[vector<16xi32>, vector<16xi32>], vector<16xf32>,
      %gather3A_328 = tpu.vector_load_idx %arg13[%add3A_61, %broadcast_in_dim3A_326] : memref<80x32xf32, #tpu.memory_space<vmem>>[vector<16xi32>, vector<16xi32>], vector<16xf32>,
      %get3A_329 = arith.constant 22 : i32
      %get3A_330 = arith.index_cast %get3A_329 : i32 to index
      %get3A_331 = arith.constant 0 : index
      %get3A_332 = tpu.vector_load %arg16[%get3A_330, %get3A_331] {strides = array<i32>} : memref<32x16xf32, #tpu.memory_space<vmem>>, vector<16xf32>,
      %sub3A_333 = arith.subf %gather3A_327, %gather3A_328 : vector<16xf32>
      %abs3A_334 = math.absf %sub3A_333 : vector<16xf32>
      %mul3A_335 = arith.mulf %get3A_332, %abs3A_334 : vector<16xf32>
      %add3A_336 = arith.addf %add3A_324, %mul3A_335 : vector<16xf32>
      %broadcast_in_dim3A_337 = arith.constant 23 : i32
      %broadcast_in_dim3A_338 = vector.broadcast %broadcast_in_dim3A_337 : i32 to vector<16xi32>
      %gather3A_339 = tpu.vector_load_idx %arg12[%add3A_61, %broadcast_in_dim3A_338] : memref<80x32xf32, #tpu.memory_space<vmem>>[vector<16xi32>, vector<16xi32>], vector<16xf32>,
      %gather3A_340 = tpu.vector_load_idx %arg13[%add3A_61, %broadcast_in_dim3A_338] : memref<80x32xf32, #tpu.memory_space<vmem>>[vector<16xi32>, vector<16xi32>], vector<16xf32>,
      %get3A_341 = arith.constant 23 : i32
      %get3A_342 = arith.index_cast %get3A_341 : i32 to index
      %get3A_343 = arith.constant 0 : index
      %get3A_344 = tpu.vector_load %arg16[%get3A_342, %get3A_343] {strides = array<i32>} : memref<32x16xf32, #tpu.memory_space<vmem>>, vector<16xf32>,
      %sub3A_345 = arith.subf %gather3A_339, %gather3A_340 : vector<16xf32>
      %abs3A_346 = math.absf %sub3A_345 : vector<16xf32>
      %mul3A_347 = arith.mulf %get3A_344, %abs3A_346 : vector<16xf32>
      %add3A_348 = arith.addf %add3A_336, %mul3A_347 : vector<16xf32>
      %broadcast_in_dim3A_349 = arith.constant 24 : i32
      %broadcast_in_dim3A_350 = vector.broadcast %broadcast_in_dim3A_349 : i32 to vector<16xi32>
      %gather3A_351 = tpu.vector_load_idx %arg12[%add3A_61, %broadcast_in_dim3A_350] : memref<80x32xf32, #tpu.memory_space<vmem>>[vector<16xi32>, vector<16xi32>], vector<16xf32>,
      %gather3A_352 = tpu.vector_load_idx %arg13[%add3A_61, %broadcast_in_dim3A_350] : memref<80x32xf32, #tpu.memory_space<vmem>>[vector<16xi32>, vector<16xi32>], vector<16xf32>,
      %get3A_353 = arith.constant 24 : i32
      %get3A_354 = arith.index_cast %get3A_353 : i32 to index
      %get3A_355 = arith.constant 0 : index
      %get3A_356 = tpu.vector_load %arg16[%get3A_354, %get3A_355] {strides = array<i32>} : memref<32x16xf32, #tpu.memory_space<vmem>>, vector<16xf32>,
      %sub3A_357 = arith.subf %gather3A_351, %gather3A_352 : vector<16xf32>
      %abs3A_358 = math.absf %sub3A_357 : vector<16xf32>
      %mul3A_359 = arith.mulf %get3A_356, %abs3A_358 : vector<16xf32>
      %add3A_360 = arith.addf %add3A_348, %mul3A_359 : vector<16xf32>
      %broadcast_in_dim3A_361 = arith.constant 25 : i32
      %broadcast_in_dim3A_362 = vector.broadcast %broadcast_in_dim3A_361 : i32 to vector<16xi32>
      %gather3A_363 = tpu.vector_load_idx %arg12[%add3A_61, %broadcast_in_dim3A_362] : memref<80x32xf32, #tpu.memory_space<vmem>>[vector<16xi32>, vector<16xi32>], vector<16xf32>,
      %gather3A_364 = tpu.vector_load_idx %arg13[%add3A_61, %broadcast_in_dim3A_362] : memref<80x32xf32, #tpu.memory_space<vmem>>[vector<16xi32>, vector<16xi32>], vector<16xf32>,
      %get3A_365 = arith.constant 25 : i32
      %get3A_366 = arith.index_cast %get3A_365 : i32 to index
      %get3A_367 = arith.constant 0 : index
      %get3A_368 = tpu.vector_load %arg16[%get3A_366, %get3A_367] {strides = array<i32>} : memref<32x16xf32, #tpu.memory_space<vmem>>, vector<16xf32>,
      %sub3A_369 = arith.subf %gather3A_363, %gather3A_364 : vector<16xf32>
      %abs3A_370 = math.absf %sub3A_369 : vector<16xf32>
      %mul3A_371 = arith.mulf %get3A_368, %abs3A_370 : vector<16xf32>
      %add3A_372 = arith.addf %add3A_360, %mul3A_371 : vector<16xf32>
      %broadcast_in_dim3A_373 = arith.constant 26 : i32
      %broadcast_in_dim3A_374 = vector.broadcast %broadcast_in_dim3A_373 : i32 to vector<16xi32>
      %gather3A_375 = tpu.vector_load_idx %arg12[%add3A_61, %broadcast_in_dim3A_374] : memref<80x32xf32, #tpu.memory_space<vmem>>[vector<16xi32>, vector<16xi32>], vector<16xf32>,
      %gather3A_376 = tpu.vector_load_idx %arg13[%add3A_61, %broadcast_in_dim3A_374] : memref<80x32xf32, #tpu.memory_space<vmem>>[vector<16xi32>, vector<16xi32>], vector<16xf32>,
      %get3A_377 = arith.constant 26 : i32
      %get3A_378 = arith.index_cast %get3A_377 : i32 to index
      %get3A_379 = arith.constant 0 : index
      %get3A_380 = tpu.vector_load %arg16[%get3A_378, %get3A_379] {strides = array<i32>} : memref<32x16xf32, #tpu.memory_space<vmem>>, vector<16xf32>,
      %sub3A_381 = arith.subf %gather3A_375, %gather3A_376 : vector<16xf32>
      %abs3A_382 = math.absf %sub3A_381 : vector<16xf32>
      %mul3A_383 = arith.mulf %get3A_380, %abs3A_382 : vector<16xf32>
      %add3A_384 = arith.addf %add3A_372, %mul3A_383 : vector<16xf32>
      %broadcast_in_dim3A_385 = arith.constant 27 : i32
      %broadcast_in_dim3A_386 = vector.broadcast %broadcast_in_dim3A_385 : i32 to vector<16xi32>
      %gather3A_387 = tpu.vector_load_idx %arg12[%add3A_61, %broadcast_in_dim3A_386] : memref<80x32xf32, #tpu.memory_space<vmem>>[vector<16xi32>, vector<16xi32>], vector<16xf32>,
      %gather3A_388 = tpu.vector_load_idx %arg13[%add3A_61, %broadcast_in_dim3A_386] : memref<80x32xf32, #tpu.memory_space<vmem>>[vector<16xi32>, vector<16xi32>], vector<16xf32>,
      %get3A_389 = arith.constant 27 : i32
      %get3A_390 = arith.index_cast %get3A_389 : i32 to index
      %get3A_391 = arith.constant 0 : index
      %get3A_392 = tpu.vector_load %arg16[%get3A_390, %get3A_391] {strides = array<i32>} : memref<32x16xf32, #tpu.memory_space<vmem>>, vector<16xf32>,
      %sub3A_393 = arith.subf %gather3A_387, %gather3A_388 : vector<16xf32>
      %abs3A_394 = math.absf %sub3A_393 : vector<16xf32>
      %mul3A_395 = arith.mulf %get3A_392, %abs3A_394 : vector<16xf32>
      %add3A_396 = arith.addf %add3A_384, %mul3A_395 : vector<16xf32>
      %broadcast_in_dim3A_397 = arith.constant 28 : i32
      %broadcast_in_dim3A_398 = vector.broadcast %broadcast_in_dim3A_397 : i32 to vector<16xi32>
      %gather3A_399 = tpu.vector_load_idx %arg12[%add3A_61, %broadcast_in_dim3A_398] : memref<80x32xf32, #tpu.memory_space<vmem>>[vector<16xi32>, vector<16xi32>], vector<16xf32>,
      %gather3A_400 = tpu.vector_load_idx %arg13[%add3A_61, %broadcast_in_dim3A_398] : memref<80x32xf32, #tpu.memory_space<vmem>>[vector<16xi32>, vector<16xi32>], vector<16xf32>,
      %get3A_401 = arith.constant 28 : i32
      %get3A_402 = arith.index_cast %get3A_401 : i32 to index
      %get3A_403 = arith.constant 0 : index
      %get3A_404 = tpu.vector_load %arg16[%get3A_402, %get3A_403] {strides = array<i32>} : memref<32x16xf32, #tpu.memory_space<vmem>>, vector<16xf32>,
      %sub3A_405 = arith.subf %gather3A_399, %gather3A_400 : vector<16xf32>
      %abs3A_406 = math.absf %sub3A_405 : vector<16xf32>
      %mul3A_407 = arith.mulf %get3A_404, %abs3A_406 : vector<16xf32>
      %add3A_408 = arith.addf %add3A_396, %mul3A_407 : vector<16xf32>
      %broadcast_in_dim3A_409 = arith.constant 29 : i32
      %broadcast_in_dim3A_410 = vector.broadcast %broadcast_in_dim3A_409 : i32 to vector<16xi32>
      %gather3A_411 = tpu.vector_load_idx %arg12[%add3A_61, %broadcast_in_dim3A_410] : memref<80x32xf32, #tpu.memory_space<vmem>>[vector<16xi32>, vector<16xi32>], vector<16xf32>,
      %gather3A_412 = tpu.vector_load_idx %arg13[%add3A_61, %broadcast_in_dim3A_410] : memref<80x32xf32, #tpu.memory_space<vmem>>[vector<16xi32>, vector<16xi32>], vector<16xf32>,
      %get3A_413 = arith.constant 29 : i32
      %get3A_414 = arith.index_cast %get3A_413 : i32 to index
      %get3A_415 = arith.constant 0 : index
      %get3A_416 = tpu.vector_load %arg16[%get3A_414, %get3A_415] {strides = array<i32>} : memref<32x16xf32, #tpu.memory_space<vmem>>, vector<16xf32>,
      %sub3A_417 = arith.subf %gather3A_411, %gather3A_412 : vector<16xf32>
      %abs3A_418 = math.absf %sub3A_417 : vector<16xf32>
      %mul3A_419 = arith.mulf %get3A_416, %abs3A_418 : vector<16xf32>
      %add3A_420 = arith.addf %add3A_408, %mul3A_419 : vector<16xf32>
      %broadcast_in_dim3A_421 = arith.constant 30 : i32
      %broadcast_in_dim3A_422 = vector.broadcast %broadcast_in_dim3A_421 : i32 to vector<16xi32>
      %gather3A_423 = tpu.vector_load_idx %arg12[%add3A_61, %broadcast_in_dim3A_422] : memref<80x32xf32, #tpu.memory_space<vmem>>[vector<16xi32>, vector<16xi32>], vector<16xf32>,
      %gather3A_424 = tpu.vector_load_idx %arg13[%add3A_61, %broadcast_in_dim3A_422] : memref<80x32xf32, #tpu.memory_space<vmem>>[vector<16xi32>, vector<16xi32>], vector<16xf32>,
      %get3A_425 = arith.constant 30 : i32
      %get3A_426 = arith.index_cast %get3A_425 : i32 to index
      %get3A_427 = arith.constant 0 : index
      %get3A_428 = tpu.vector_load %arg16[%get3A_426, %get3A_427] {strides = array<i32>} : memref<32x16xf32, #tpu.memory_space<vmem>>, vector<16xf32>,
      %sub3A_429 = arith.subf %gather3A_423, %gather3A_424 : vector<16xf32>
      %abs3A_430 = math.absf %sub3A_429 : vector<16xf32>
      %mul3A_431 = arith.mulf %get3A_428, %abs3A_430 : vector<16xf32>
      %add3A_432 = arith.addf %add3A_420, %mul3A_431 : vector<16xf32>
      %broadcast_in_dim3A_433 = arith.constant 31 : i32
      %broadcast_in_dim3A_434 = vector.broadcast %broadcast_in_dim3A_433 : i32 to vector<16xi32>
      %gather3A_435 = tpu.vector_load_idx %arg12[%add3A_61, %broadcast_in_dim3A_434] : memref<80x32xf32, #tpu.memory_space<vmem>>[vector<16xi32>, vector<16xi32>], vector<16xf32>,
      %gather3A_436 = tpu.vector_load_idx %arg13[%add3A_61, %broadcast_in_dim3A_434] : memref<80x32xf32, #tpu.memory_space<vmem>>[vector<16xi32>, vector<16xi32>], vector<16xf32>,
      %get3A_437 = arith.constant 31 : i32
      %get3A_438 = arith.index_cast %get3A_437 : i32 to index
      %get3A_439 = arith.constant 0 : index
      %get3A_440 = tpu.vector_load %arg16[%get3A_438, %get3A_439] {strides = array<i32>} : memref<32x16xf32, #tpu.memory_space<vmem>>, vector<16xf32>,
      %sub3A_441 = arith.subf %gather3A_435, %gather3A_436 : vector<16xf32>
      %abs3A_442 = math.absf %sub3A_441 : vector<16xf32>
      %mul3A_443 = arith.mulf %get3A_440, %abs3A_442 : vector<16xf32>
      %add3A_444 = arith.addf %add3A_432, %mul3A_443 : vector<16xf32>
      %max3A = arith.constant 0.000000e+00 : f32
      %max3A_445 = vector.broadcast %max3A : f32 to vector<16xf32>
      %max3A_446 = arith.maximumf %add3A_444, %max3A_445 : vector<16xf32>
      %swap3A_447 = arith.constant 124 : i32
      %swap3A_448 = arith.index_cast %swap3A_447 : i32 to index
      %swap3A_449 = arith.index_cast %add3A_59 : i32 to index
      %swap3A_450 = tpu.vector_load %arg11[%swap3A_448, %swap3A_449] {strides = array<i32>} : memref<125x80xf32, #tpu.memory_space<vmem>>, vector<16xf32>,
      tpu.vector_store %arg11[%swap3A_448, %swap3A_449], %max3A_446 {strides = array<i32>} : memref<125x80xf32, #tpu.memory_space<vmem>>, vector<16xf32>,
      %get3A_451 = arith.constant 0 : index
      %get3A_452 = tpu.vector_load %arg17[%get3A_451] {strides = array<i32>} : memref<16xf32, #tpu.memory_space<vmem>>, vector<16xf32>,
      %max3A_453 = arith.maximumf %get3A_452, %max3A_446 : vector<16xf32>
      %swap3A_454 = arith.constant 0 : index
      %swap3A_455 = tpu.vector_load %arg17[%swap3A_454] {strides = array<i32>} : memref<16xf32, #tpu.memory_space<vmem>>, vector<16xf32>,
      tpu.vector_store %arg17[%swap3A_454], %max3A_453 {strides = array<i32>} : memref<16xf32, #tpu.memory_space<vmem>>, vector<16xf32>,
    }
    %scan3A_39 = arith.constant 5 : i32
    %get3A = arith.constant 0 : index
    %get3A_40 = tpu.vector_load %arg17[%get3A] {strides = array<i32>} : memref<16xf32, #tpu.memory_space<vmem>>, vector<16xf32>,
    %reduce_max3A = arith.constant true
    %reduce_max3A_41 = vector.broadcast %reduce_max3A : i1 to vector<16xi1>
    %reduce_max3A_42 = tpu.scan <max>, %get3A_40 masked %reduce_max3A_41 : vector<16xf32>, vector<16xi1> -> vector<16xf32>
    %reduce_max3A_43 = vector.extract %reduce_max3A_42[15] : f32 from vector<16xf32>
    %broadcast_in_dim3A_44 = vector.broadcast %reduce_max3A_43 : f32 to vector<16xf32>
    %scan3A_45 = arith.constant 0 : i32
    %scan3A_46 = arith.constant 625 : i32
    %scan3A_47 = arith.addi %scan3A_45, %scan3A_46 : i32
    %scan3A_48 = arith.constant 1 : i32
    scf.for %scan3A_55 = %scan3A_45 to %scan3A_47 step %scan3A_48  : i32 {
      %mul3A_56 = arith.constant 16 : i32
      %mul3A_57 = arith.muli %scan3A_55, %mul3A_56 : i32
      %add3A_58 = arith.constant 0 : i32
      %add3A_59 = arith.addi %add3A_58, %mul3A_57 : i32
      %broadcast_in_dim3A_60 = arith.constant 0.000000e+00 : f32
      %broadcast_in_dim3A_61 = vector.broadcast %broadcast_in_dim3A_60 : f32 to vector<16xf32>
      %swap3A_62 = arith.index_cast %add3A_59 : i32 to index
      %swap3A_63 = tpu.vector_load %arg18[%swap3A_62] {strides = array<i32>} : memref<10000xf32, #tpu.memory_space<vmem>>, vector<16xf32>,
      tpu.vector_store %arg18[%swap3A_62], %broadcast_in_dim3A_61 {strides = array<i32>} : memref<10000xf32, #tpu.memory_space<vmem>>, vector<16xf32>,
    }
    %scan3A_49 = arith.constant 625 : i32
    %scan3A_50 = arith.constant 0 : i32
    %scan3A_51 = arith.constant 125 : i32
    %scan3A_52 = arith.addi %scan3A_50, %scan3A_51 : i32
    %scan3A_53 = arith.constant 1 : i32
    scf.for %scan3A_55 = %scan3A_50 to %scan3A_52 step %scan3A_53  : i32 {
      %mul3A_56 = arith.constant 1 : i32
      %mul3A_57 = arith.muli %scan3A_55, %mul3A_56 : i32
      %add3A_58 = arith.constant 0 : i32
      %add3A_59 = arith.addi %add3A_58, %mul3A_57 : i32
      %scan3A_60 = arith.constant 0 : i32
      %scan3A_61 = arith.constant 5 : i32
      %scan3A_62 = arith.addi %scan3A_60, %scan3A_61 : i32
      %scan3A_63 = arith.constant 1 : i32
      scf.for %scan3A_65 = %scan3A_60 to %scan3A_62 step %scan3A_63  : i32 {
        %mul3A_66 = arith.constant 16 : i32
        %mul3A_67 = arith.muli %scan3A_65, %mul3A_66 : i32
        %add3A_68 = arith.constant 0 : i32
        %add3A_69 = arith.addi %add3A_68, %mul3A_67 : i32
        %get3A_70 = arith.index_cast %add3A_59 : i32 to index
        %get3A_71 = arith.index_cast %add3A_69 : i32 to index
        %get3A_72 = tpu.vector_load %arg11[%get3A_70, %get3A_71] {strides = array<i32>} : memref<125x80xf32, #tpu.memory_space<vmem>>, vector<16xf32>,
        %sub3A = arith.subf %get3A_72, %broadcast_in_dim3A_44 : vector<16xf32>
        %exp3A = math.exp %sub3A : vector<16xf32>
        %get3A_73 = arith.index_cast %add3A_59 : i32 to index
        %get3A_74 = arith.index_cast %add3A_69 : i32 to index
        %get3A_75 = tpu.vector_load %arg9[%get3A_73, %get3A_74] {strides = array<i32>} : memref<125x80xi32, #tpu.memory_space<vmem>>, vector<16xi32>,
        tpu.vector_store_idx %arg18[%get3A_75], %exp3A {add = true} : memref<10000xf32, #tpu.memory_space<vmem>>[vector<16xi32>], vector<16xf32>,
      }
      %scan3A_64 = arith.constant 5 : i32
    }
    %scan3A_54 = arith.constant 125 : i32
    "tpu.region"() ({
      %run_scoped3A = tpu.sem_alloc : memref<!tpu.dma_semaphore, #tpu.memory_space<semaphore_mem>>
      %dma_start3A_55 = arith.constant 0 : i32
      %dma_start3A_56 = arith.constant 0 : i32
      %dma_start3A_57 = tpu.memref_slice %arg6[%add3A, %dma_start3A_55, %dma_start3A_56] : memref<32x125x80xf32, #tpu.memory_space<hbm>> -> memref<1x125x80xf32, #tpu.memory_space<hbm>>
      %dma_start3A_58 = tpu.memref_squeeze %dma_start3A_57 : memref<1x125x80xf32, #tpu.memory_space<hbm>> -> memref<125x80xf32, #tpu.memory_space<hbm>>
      %dma_start3A_59 = arith.constant 0 : i32
      %dma_start3A_60 = arith.constant 0 : i32
      %dma_start3A_61 = tpu.memref_slice %arg6[%add3A, %dma_start3A_59, %dma_start3A_60] : memref<32x125x80xf32, #tpu.memory_space<hbm>> -> memref<1x125x80xf32, #tpu.memory_space<hbm>>
      %dma_start3A_62 = tpu.memref_squeeze %dma_start3A_61 : memref<1x125x80xf32, #tpu.memory_space<hbm>> -> memref<125x80xf32, #tpu.memory_space<hbm>>
      tpu.enqueue_dma source(%arg11 : memref<125x80xf32, #tpu.memory_space<vmem>>) target(%dma_start3A_62 : memref<125x80xf32, #tpu.memory_space<hbm>>) target_semaphore(%run_scoped3A : memref<!tpu.dma_semaphore, #tpu.memory_space<semaphore_mem>>)
      %dma_wait3A_63 = arith.constant 0 : i32
      %dma_wait3A_64 = arith.constant 0 : i32
      %dma_wait3A_65 = tpu.memref_slice %arg6[%add3A, %dma_wait3A_63, %dma_wait3A_64] : memref<32x125x80xf32, #tpu.memory_space<hbm>> -> memref<1x125x80xf32, #tpu.memory_space<hbm>>
      %dma_wait3A_66 = tpu.memref_squeeze %dma_wait3A_65 : memref<1x125x80xf32, #tpu.memory_space<hbm>> -> memref<125x80xf32, #tpu.memory_space<hbm>>
      %dma_wait3A_67 = arith.constant 0 : i32
      %dma_wait3A_68 = arith.constant 0 : i32
      %dma_wait3A_69 = tpu.memref_slice %arg6[%add3A, %dma_wait3A_67, %dma_wait3A_68] : memref<32x125x80xf32, #tpu.memory_space<hbm>> -> memref<1x125x80xf32, #tpu.memory_space<hbm>>
      %dma_wait3A_70 = tpu.memref_squeeze %dma_wait3A_69 : memref<1x125x80xf32, #tpu.memory_space<hbm>> -> memref<125x80xf32, #tpu.memory_space<hbm>>
      tpu.wait_dma2 semaphore(%run_scoped3A : memref<!tpu.dma_semaphore, #tpu.memory_space<semaphore_mem>>) src(%arg11 : memref<125x80xf32, #tpu.memory_space<vmem>>) dst(%dma_wait3A_70 : memref<125x80xf32, #tpu.memory_space<hbm>>)
      tpu.yield
    }) : () -> ()
    "tpu.region"() ({
      %run_scoped3A = tpu.sem_alloc : memref<!tpu.dma_semaphore, #tpu.memory_space<semaphore_mem>>
      %dma_start3A_55 = arith.constant 0 : i32
      %dma_start3A_56 = tpu.memref_slice %arg7[%add3A, %dma_start3A_55] : memref<32x16xf32, #tpu.memory_space<hbm>> -> memref<1x16xf32, #tpu.memory_space<hbm>>
      %dma_start3A_57 = tpu.memref_squeeze %dma_start3A_56 : memref<1x16xf32, #tpu.memory_space<hbm>> -> memref<16xf32, #tpu.memory_space<hbm>>
      %dma_start3A_58 = arith.constant 0 : i32
      %dma_start3A_59 = tpu.memref_slice %arg7[%add3A, %dma_start3A_58] : memref<32x16xf32, #tpu.memory_space<hbm>> -> memref<1x16xf32, #tpu.memory_space<hbm>>
      %dma_start3A_60 = tpu.memref_squeeze %dma_start3A_59 : memref<1x16xf32, #tpu.memory_space<hbm>> -> memref<16xf32, #tpu.memory_space<hbm>>
      tpu.enqueue_dma source(%arg17 : memref<16xf32, #tpu.memory_space<vmem>>) target(%dma_start3A_60 : memref<16xf32, #tpu.memory_space<hbm>>) target_semaphore(%run_scoped3A : memref<!tpu.dma_semaphore, #tpu.memory_space<semaphore_mem>>)
      %dma_wait3A_61 = arith.constant 0 : i32
      %dma_wait3A_62 = tpu.memref_slice %arg7[%add3A, %dma_wait3A_61] : memref<32x16xf32, #tpu.memory_space<hbm>> -> memref<1x16xf32, #tpu.memory_space<hbm>>
      %dma_wait3A_63 = tpu.memref_squeeze %dma_wait3A_62 : memref<1x16xf32, #tpu.memory_space<hbm>> -> memref<16xf32, #tpu.memory_space<hbm>>
      %dma_wait3A_64 = arith.constant 0 : i32
      %dma_wait3A_65 = tpu.memref_slice %arg7[%add3A, %dma_wait3A_64] : memref<32x16xf32, #tpu.memory_space<hbm>> -> memref<1x16xf32, #tpu.memory_space<hbm>>
      %dma_wait3A_66 = tpu.memref_squeeze %dma_wait3A_65 : memref<1x16xf32, #tpu.memory_space<hbm>> -> memref<16xf32, #tpu.memory_space<hbm>>
      tpu.wait_dma2 semaphore(%run_scoped3A : memref<!tpu.dma_semaphore, #tpu.memory_space<semaphore_mem>>) src(%arg17 : memref<16xf32, #tpu.memory_space<vmem>>) dst(%dma_wait3A_66 : memref<16xf32, #tpu.memory_space<hbm>>)
      tpu.yield
    }) : () -> ()
    "tpu.region"() ({
      %run_scoped3A = tpu.sem_alloc : memref<!tpu.dma_semaphore, #tpu.memory_space<semaphore_mem>>
      %dma_start3A_55 = arith.constant 0 : i32
      %dma_start3A_56 = tpu.memref_slice %arg8[%add3A, %dma_start3A_55] : memref<32x10000xf32, #tpu.memory_space<hbm>> -> memref<1x10000xf32, #tpu.memory_space<hbm>>
      %dma_start3A_57 = tpu.memref_squeeze %dma_start3A_56 : memref<1x10000xf32, #tpu.memory_space<hbm>> -> memref<10000xf32, #tpu.memory_space<hbm>>
      %dma_start3A_58 = arith.constant 0 : i32
      %dma_start3A_59 = tpu.memref_slice %arg8[%add3A, %dma_start3A_58] : memref<32x10000xf32, #tpu.memory_space<hbm>> -> memref<1x10000xf32, #tpu.memory_space<hbm>>
      %dma_start3A_60 = tpu.memref_squeeze %dma_start3A_59 : memref<1x10000xf32, #tpu.memory_space<hbm>> -> memref<10000xf32, #tpu.memory_space<hbm>>
      tpu.enqueue_dma source(%arg18 : memref<10000xf32, #tpu.memory_space<vmem>>) target(%dma_start3A_60 : memref<10000xf32, #tpu.memory_space<hbm>>) target_semaphore(%run_scoped3A : memref<!tpu.dma_semaphore, #tpu.memory_space<semaphore_mem>>)
      %dma_wait3A_61 = arith.constant 0 : i32
      %dma_wait3A_62 = tpu.memref_slice %arg8[%add3A, %dma_wait3A_61] : memref<32x10000xf32, #tpu.memory_space<hbm>> -> memref<1x10000xf32, #tpu.memory_space<hbm>>
      %dma_wait3A_63 = tpu.memref_squeeze %dma_wait3A_62 : memref<1x10000xf32, #tpu.memory_space<hbm>> -> memref<10000xf32, #tpu.memory_space<hbm>>
      %dma_wait3A_64 = arith.constant 0 : i32
      %dma_wait3A_65 = tpu.memref_slice %arg8[%add3A, %dma_wait3A_64] : memref<32x10000xf32, #tpu.memory_space<hbm>> -> memref<1x10000xf32, #tpu.memory_space<hbm>>
      %dma_wait3A_66 = tpu.memref_squeeze %dma_wait3A_65 : memref<1x10000xf32, #tpu.memory_space<hbm>> -> memref<10000xf32, #tpu.memory_space<hbm>>
      tpu.wait_dma2 semaphore(%run_scoped3A : memref<!tpu.dma_semaphore, #tpu.memory_space<semaphore_mem>>) src(%arg18 : memref<10000xf32, #tpu.memory_space<vmem>>) dst(%dma_wait3A_66 : memref<10000xf32, #tpu.memory_space<hbm>>)
      tpu.yield
    }) : () -> ()
    return
  }
}

#map = affine_map<(d0, d1) -> (0, 0, 0)>
#map1 = affine_map<(d0, d1) -> (0, 0)>
#map2 = affine_map<(d0, d1) -> (0)>
module attributes {stable_mosaic.version = 14 : i64} {
  func.func @k(%arg0: i32, %arg1: i32, %arg2: memref<32x125x80xf32, #tpu.memory_space<hbm>>, %arg3: memref<32x125x80xi32, #tpu.memory_space<hbm>>, %arg4: memref<32x125x80xi32, #tpu.memory_space<hbm>>, %arg5: memref<32x16xf32, #tpu.memory_space<hbm>>, %arg6: memref<10000xf32, #tpu.memory_space<hbm>>, %arg7: memref<10000x16xf32, #tpu.memory_space<hbm>>, %arg8: memref<10000x16xf32, #tpu.memory_space<hbm>>, %arg9: memref<2x10000x16xf32, #tpu.memory_space<hbm>>, %arg10: memref<125x80xi32, #tpu.memory_space<vmem>>, %arg11: memref<125x80xi32, #tpu.memory_space<vmem>>, %arg12: memref<125x80xf32, #tpu.memory_space<vmem>>, %arg13: memref<80x16xf32, #tpu.memory_space<vmem>>, %arg14: memref<80x16xf32, #tpu.memory_space<vmem>>, %arg15: memref<80x16xf32, #tpu.memory_space<vmem>>, %arg16: memref<80x16xf32, #tpu.memory_space<vmem>>, %arg17: memref<80xf32, #tpu.memory_space<vmem>>, %arg18: memref<10000xf32, #tpu.memory_space<vmem>>, %arg19: memref<32x16xf32, #tpu.memory_space<vmem>>, %arg20: memref<10000x16xf32, #tpu.memory_space<vmem_shared>>, %arg21: memref<10000x16xf32, #tpu.memory_space<vmem_shared>>, %arg22: memref<!tpu.dma_semaphore, #tpu.memory_space<semaphore_mem>>, %arg23: memref<!tpu.dma_semaphore, #tpu.memory_space<semaphore_mem>>) attributes {dimension_semantics = [#tpu.dimension_semantics<core_parallel>, #tpu.dimension_semantics<subcore_parallel>], iteration_bounds = array<i64: 2, 16>, scalar_prefetch = 0 : i64, scratch_operands = 14 : i64, tpu.core_type = #tpu.core_type<sc_vector_subcore>, window_params = [{transform_indices = #map}, {transform_indices = #map}, {transform_indices = #map}, {transform_indices = #map1}, {transform_indices = #map2}, {transform_indices = #map1}, {transform_indices = #map1}, {transform_indices = #map}]} {
    %mul3A = arith.constant 2 : i32
    %mul3A_0 = arith.muli %arg1, %mul3A : i32
    %add3A = arith.addi %mul3A_0, %arg0 : i32
    %eq3A = arith.constant 0 : i32
    %eq3A_1 = arith.cmpi eq, %arg1, %eq3A : i32
    %convert_element_type3A = arith.extui %eq3A_1 : i1 to i32
    %cond3A = arith.constant 0 : i32
    %cond3A_2 = arith.cmpi ne, %convert_element_type3A, %cond3A : i32
    scf.if %cond3A_2 {
      "tpu.region"() ({
        %run_scoped3A_203 = tpu.sem_alloc : memref<!tpu.dma_semaphore, #tpu.memory_space<semaphore_mem>>
        tpu.enqueue_dma source(%arg8 : memref<10000x16xf32, #tpu.memory_space<hbm>>) target(%arg20 : memref<10000x16xf32, #tpu.memory_space<vmem_shared>>) target_semaphore(%run_scoped3A_203 : memref<!tpu.dma_semaphore, #tpu.memory_space<semaphore_mem>>)
        tpu.wait_dma2 semaphore(%run_scoped3A_203 : memref<!tpu.dma_semaphore, #tpu.memory_space<semaphore_mem>>) src(%arg8 : memref<10000x16xf32, #tpu.memory_space<hbm>>) dst(%arg20 : memref<10000x16xf32, #tpu.memory_space<vmem_shared>>)
        tpu.yield
      }) : () -> ()
    } else {
    }
    %eq3A_3 = arith.constant 1 : i32
    %eq3A_4 = arith.cmpi eq, %arg1, %eq3A_3 : i32
    %convert_element_type3A_5 = arith.extui %eq3A_4 : i1 to i32
    %cond3A_6 = arith.constant 0 : i32
    %cond3A_7 = arith.cmpi ne, %convert_element_type3A_5, %cond3A_6 : i32
    scf.if %cond3A_7 {
      "tpu.region"() ({
        %run_scoped3A_203 = tpu.sem_alloc : memref<!tpu.dma_semaphore, #tpu.memory_space<semaphore_mem>>
        tpu.enqueue_dma source(%arg7 : memref<10000x16xf32, #tpu.memory_space<hbm>>) target(%arg21 : memref<10000x16xf32, #tpu.memory_space<vmem_shared>>) target_semaphore(%run_scoped3A_203 : memref<!tpu.dma_semaphore, #tpu.memory_space<semaphore_mem>>)
        tpu.wait_dma2 semaphore(%run_scoped3A_203 : memref<!tpu.dma_semaphore, #tpu.memory_space<semaphore_mem>>) src(%arg7 : memref<10000x16xf32, #tpu.memory_space<hbm>>) dst(%arg21 : memref<10000x16xf32, #tpu.memory_space<vmem_shared>>)
        tpu.yield
      }) : () -> ()
    } else {
    }
    "tpu.region"() ({
      %run_scoped3A_203 = tpu.sem_alloc : memref<!tpu.dma_semaphore, #tpu.memory_space<semaphore_mem>>
      %dma_start3A_204 = arith.constant 0 : i32
      %dma_start3A_205 = arith.constant 0 : i32
      %dma_start3A_206 = tpu.memref_slice %arg3[%add3A, %dma_start3A_204, %dma_start3A_205] : memref<32x125x80xi32, #tpu.memory_space<hbm>> -> memref<1x125x80xi32, #tpu.memory_space<hbm>>
      %dma_start3A_207 = tpu.memref_squeeze %dma_start3A_206 : memref<1x125x80xi32, #tpu.memory_space<hbm>> -> memref<125x80xi32, #tpu.memory_space<hbm>>
      %dma_start3A_208 = arith.constant 0 : i32
      %dma_start3A_209 = arith.constant 0 : i32
      %dma_start3A_210 = tpu.memref_slice %arg3[%add3A, %dma_start3A_208, %dma_start3A_209] : memref<32x125x80xi32, #tpu.memory_space<hbm>> -> memref<1x125x80xi32, #tpu.memory_space<hbm>>
      %dma_start3A_211 = tpu.memref_squeeze %dma_start3A_210 : memref<1x125x80xi32, #tpu.memory_space<hbm>> -> memref<125x80xi32, #tpu.memory_space<hbm>>
      tpu.enqueue_dma source(%dma_start3A_211 : memref<125x80xi32, #tpu.memory_space<hbm>>) target(%arg10 : memref<125x80xi32, #tpu.memory_space<vmem>>) target_semaphore(%run_scoped3A_203 : memref<!tpu.dma_semaphore, #tpu.memory_space<semaphore_mem>>)
      %dma_wait3A_212 = arith.constant 0 : i32
      %dma_wait3A_213 = arith.constant 0 : i32
      %dma_wait3A_214 = tpu.memref_slice %arg3[%add3A, %dma_wait3A_212, %dma_wait3A_213] : memref<32x125x80xi32, #tpu.memory_space<hbm>> -> memref<1x125x80xi32, #tpu.memory_space<hbm>>
      %dma_wait3A_215 = tpu.memref_squeeze %dma_wait3A_214 : memref<1x125x80xi32, #tpu.memory_space<hbm>> -> memref<125x80xi32, #tpu.memory_space<hbm>>
      %dma_wait3A_216 = arith.constant 0 : i32
      %dma_wait3A_217 = arith.constant 0 : i32
      %dma_wait3A_218 = tpu.memref_slice %arg3[%add3A, %dma_wait3A_216, %dma_wait3A_217] : memref<32x125x80xi32, #tpu.memory_space<hbm>> -> memref<1x125x80xi32, #tpu.memory_space<hbm>>
      %dma_wait3A_219 = tpu.memref_squeeze %dma_wait3A_218 : memref<1x125x80xi32, #tpu.memory_space<hbm>> -> memref<125x80xi32, #tpu.memory_space<hbm>>
      tpu.wait_dma2 semaphore(%run_scoped3A_203 : memref<!tpu.dma_semaphore, #tpu.memory_space<semaphore_mem>>) src(%dma_wait3A_219 : memref<125x80xi32, #tpu.memory_space<hbm>>) dst(%arg10 : memref<125x80xi32, #tpu.memory_space<vmem>>)
      tpu.yield
    }) : () -> ()
    "tpu.region"() ({
      %run_scoped3A_203 = tpu.sem_alloc : memref<!tpu.dma_semaphore, #tpu.memory_space<semaphore_mem>>
      %dma_start3A_204 = arith.constant 0 : i32
      %dma_start3A_205 = arith.constant 0 : i32
      %dma_start3A_206 = tpu.memref_slice %arg4[%add3A, %dma_start3A_204, %dma_start3A_205] : memref<32x125x80xi32, #tpu.memory_space<hbm>> -> memref<1x125x80xi32, #tpu.memory_space<hbm>>
      %dma_start3A_207 = tpu.memref_squeeze %dma_start3A_206 : memref<1x125x80xi32, #tpu.memory_space<hbm>> -> memref<125x80xi32, #tpu.memory_space<hbm>>
      %dma_start3A_208 = arith.constant 0 : i32
      %dma_start3A_209 = arith.constant 0 : i32
      %dma_start3A_210 = tpu.memref_slice %arg4[%add3A, %dma_start3A_208, %dma_start3A_209] : memref<32x125x80xi32, #tpu.memory_space<hbm>> -> memref<1x125x80xi32, #tpu.memory_space<hbm>>
      %dma_start3A_211 = tpu.memref_squeeze %dma_start3A_210 : memref<1x125x80xi32, #tpu.memory_space<hbm>> -> memref<125x80xi32, #tpu.memory_space<hbm>>
      tpu.enqueue_dma source(%dma_start3A_211 : memref<125x80xi32, #tpu.memory_space<hbm>>) target(%arg11 : memref<125x80xi32, #tpu.memory_space<vmem>>) target_semaphore(%run_scoped3A_203 : memref<!tpu.dma_semaphore, #tpu.memory_space<semaphore_mem>>)
      %dma_wait3A_212 = arith.constant 0 : i32
      %dma_wait3A_213 = arith.constant 0 : i32
      %dma_wait3A_214 = tpu.memref_slice %arg4[%add3A, %dma_wait3A_212, %dma_wait3A_213] : memref<32x125x80xi32, #tpu.memory_space<hbm>> -> memref<1x125x80xi32, #tpu.memory_space<hbm>>
      %dma_wait3A_215 = tpu.memref_squeeze %dma_wait3A_214 : memref<1x125x80xi32, #tpu.memory_space<hbm>> -> memref<125x80xi32, #tpu.memory_space<hbm>>
      %dma_wait3A_216 = arith.constant 0 : i32
      %dma_wait3A_217 = arith.constant 0 : i32
      %dma_wait3A_218 = tpu.memref_slice %arg4[%add3A, %dma_wait3A_216, %dma_wait3A_217] : memref<32x125x80xi32, #tpu.memory_space<hbm>> -> memref<1x125x80xi32, #tpu.memory_space<hbm>>
      %dma_wait3A_219 = tpu.memref_squeeze %dma_wait3A_218 : memref<1x125x80xi32, #tpu.memory_space<hbm>> -> memref<125x80xi32, #tpu.memory_space<hbm>>
      tpu.wait_dma2 semaphore(%run_scoped3A_203 : memref<!tpu.dma_semaphore, #tpu.memory_space<semaphore_mem>>) src(%dma_wait3A_219 : memref<125x80xi32, #tpu.memory_space<hbm>>) dst(%arg11 : memref<125x80xi32, #tpu.memory_space<vmem>>)
      tpu.yield
    }) : () -> ()
    "tpu.region"() ({
      %run_scoped3A_203 = tpu.sem_alloc : memref<!tpu.dma_semaphore, #tpu.memory_space<semaphore_mem>>
      %dma_start3A_204 = arith.constant 0 : i32
      %dma_start3A_205 = arith.constant 0 : i32
      %dma_start3A_206 = tpu.memref_slice %arg2[%add3A, %dma_start3A_204, %dma_start3A_205] : memref<32x125x80xf32, #tpu.memory_space<hbm>> -> memref<1x125x80xf32, #tpu.memory_space<hbm>>
      %dma_start3A_207 = tpu.memref_squeeze %dma_start3A_206 : memref<1x125x80xf32, #tpu.memory_space<hbm>> -> memref<125x80xf32, #tpu.memory_space<hbm>>
      %dma_start3A_208 = arith.constant 0 : i32
      %dma_start3A_209 = arith.constant 0 : i32
      %dma_start3A_210 = tpu.memref_slice %arg2[%add3A, %dma_start3A_208, %dma_start3A_209] : memref<32x125x80xf32, #tpu.memory_space<hbm>> -> memref<1x125x80xf32, #tpu.memory_space<hbm>>
      %dma_start3A_211 = tpu.memref_squeeze %dma_start3A_210 : memref<1x125x80xf32, #tpu.memory_space<hbm>> -> memref<125x80xf32, #tpu.memory_space<hbm>>
      tpu.enqueue_dma source(%dma_start3A_211 : memref<125x80xf32, #tpu.memory_space<hbm>>) target(%arg12 : memref<125x80xf32, #tpu.memory_space<vmem>>) target_semaphore(%run_scoped3A_203 : memref<!tpu.dma_semaphore, #tpu.memory_space<semaphore_mem>>)
      %dma_wait3A_212 = arith.constant 0 : i32
      %dma_wait3A_213 = arith.constant 0 : i32
      %dma_wait3A_214 = tpu.memref_slice %arg2[%add3A, %dma_wait3A_212, %dma_wait3A_213] : memref<32x125x80xf32, #tpu.memory_space<hbm>> -> memref<1x125x80xf32, #tpu.memory_space<hbm>>
      %dma_wait3A_215 = tpu.memref_squeeze %dma_wait3A_214 : memref<1x125x80xf32, #tpu.memory_space<hbm>> -> memref<125x80xf32, #tpu.memory_space<hbm>>
      %dma_wait3A_216 = arith.constant 0 : i32
      %dma_wait3A_217 = arith.constant 0 : i32
      %dma_wait3A_218 = tpu.memref_slice %arg2[%add3A, %dma_wait3A_216, %dma_wait3A_217] : memref<32x125x80xf32, #tpu.memory_space<hbm>> -> memref<1x125x80xf32, #tpu.memory_space<hbm>>
      %dma_wait3A_219 = tpu.memref_squeeze %dma_wait3A_218 : memref<1x125x80xf32, #tpu.memory_space<hbm>> -> memref<125x80xf32, #tpu.memory_space<hbm>>
      tpu.wait_dma2 semaphore(%run_scoped3A_203 : memref<!tpu.dma_semaphore, #tpu.memory_space<semaphore_mem>>) src(%dma_wait3A_219 : memref<125x80xf32, #tpu.memory_space<hbm>>) dst(%arg12 : memref<125x80xf32, #tpu.memory_space<vmem>>)
      tpu.yield
    }) : () -> ()
    "tpu.region"() ({
      %run_scoped3A_203 = tpu.sem_alloc : memref<!tpu.dma_semaphore, #tpu.memory_space<semaphore_mem>>
      tpu.enqueue_dma source(%arg6 : memref<10000xf32, #tpu.memory_space<hbm>>) target(%arg18 : memref<10000xf32, #tpu.memory_space<vmem>>) target_semaphore(%run_scoped3A_203 : memref<!tpu.dma_semaphore, #tpu.memory_space<semaphore_mem>>)
      tpu.wait_dma2 semaphore(%run_scoped3A_203 : memref<!tpu.dma_semaphore, #tpu.memory_space<semaphore_mem>>) src(%arg6 : memref<10000xf32, #tpu.memory_space<hbm>>) dst(%arg18 : memref<10000xf32, #tpu.memory_space<vmem>>)
      tpu.yield
    }) : () -> ()
    "tpu.region"() ({
      %run_scoped3A_203 = tpu.sem_alloc : memref<!tpu.dma_semaphore, #tpu.memory_space<semaphore_mem>>
      tpu.enqueue_dma source(%arg5 : memref<32x16xf32, #tpu.memory_space<hbm>>) target(%arg19 : memref<32x16xf32, #tpu.memory_space<vmem>>) target_semaphore(%run_scoped3A_203 : memref<!tpu.dma_semaphore, #tpu.memory_space<semaphore_mem>>)
      tpu.wait_dma2 semaphore(%run_scoped3A_203 : memref<!tpu.dma_semaphore, #tpu.memory_space<semaphore_mem>>) src(%arg5 : memref<32x16xf32, #tpu.memory_space<hbm>>) dst(%arg19 : memref<32x16xf32, #tpu.memory_space<vmem>>)
      tpu.yield
    }) : () -> ()
    %broadcast_in_dim3A = arith.constant 0.000000e+00 : f32
    %broadcast_in_dim3A_8 = vector.broadcast %broadcast_in_dim3A : f32 to vector<16xf32>
    %get3A = arith.constant 0 : i32
    %get3A_9 = arith.index_cast %get3A : i32 to index
    %get3A_10 = arith.constant 0 : index
    %get3A_11 = tpu.vector_load %arg19[%get3A_9, %get3A_10] {strides = array<i32>} : memref<32x16xf32, #tpu.memory_space<vmem>>, vector<16xf32>,
    %max3A = arith.maximumf %broadcast_in_dim3A_8, %get3A_11 : vector<16xf32>
    %get3A_12 = arith.constant 1 : i32
    %get3A_13 = arith.index_cast %get3A_12 : i32 to index
    %get3A_14 = arith.constant 0 : index
    %get3A_15 = tpu.vector_load %arg19[%get3A_13, %get3A_14] {strides = array<i32>} : memref<32x16xf32, #tpu.memory_space<vmem>>, vector<16xf32>,
    %max3A_16 = arith.maximumf %max3A, %get3A_15 : vector<16xf32>
    %get3A_17 = arith.constant 2 : i32
    %get3A_18 = arith.index_cast %get3A_17 : i32 to index
    %get3A_19 = arith.constant 0 : index
    %get3A_20 = tpu.vector_load %arg19[%get3A_18, %get3A_19] {strides = array<i32>} : memref<32x16xf32, #tpu.memory_space<vmem>>, vector<16xf32>,
    %max3A_21 = arith.maximumf %max3A_16, %get3A_20 : vector<16xf32>
    %get3A_22 = arith.constant 3 : i32
    %get3A_23 = arith.index_cast %get3A_22 : i32 to index
    %get3A_24 = arith.constant 0 : index
    %get3A_25 = tpu.vector_load %arg19[%get3A_23, %get3A_24] {strides = array<i32>} : memref<32x16xf32, #tpu.memory_space<vmem>>, vector<16xf32>,
    %max3A_26 = arith.maximumf %max3A_21, %get3A_25 : vector<16xf32>
    %get3A_27 = arith.constant 4 : i32
    %get3A_28 = arith.index_cast %get3A_27 : i32 to index
    %get3A_29 = arith.constant 0 : index
    %get3A_30 = tpu.vector_load %arg19[%get3A_28, %get3A_29] {strides = array<i32>} : memref<32x16xf32, #tpu.memory_space<vmem>>, vector<16xf32>,
    %max3A_31 = arith.maximumf %max3A_26, %get3A_30 : vector<16xf32>
    %get3A_32 = arith.constant 5 : i32
    %get3A_33 = arith.index_cast %get3A_32 : i32 to index
    %get3A_34 = arith.constant 0 : index
    %get3A_35 = tpu.vector_load %arg19[%get3A_33, %get3A_34] {strides = array<i32>} : memref<32x16xf32, #tpu.memory_space<vmem>>, vector<16xf32>,
    %max3A_36 = arith.maximumf %max3A_31, %get3A_35 : vector<16xf32>
    %get3A_37 = arith.constant 6 : i32
    %get3A_38 = arith.index_cast %get3A_37 : i32 to index
    %get3A_39 = arith.constant 0 : index
    %get3A_40 = tpu.vector_load %arg19[%get3A_38, %get3A_39] {strides = array<i32>} : memref<32x16xf32, #tpu.memory_space<vmem>>, vector<16xf32>,
    %max3A_41 = arith.maximumf %max3A_36, %get3A_40 : vector<16xf32>
    %get3A_42 = arith.constant 7 : i32
    %get3A_43 = arith.index_cast %get3A_42 : i32 to index
    %get3A_44 = arith.constant 0 : index
    %get3A_45 = tpu.vector_load %arg19[%get3A_43, %get3A_44] {strides = array<i32>} : memref<32x16xf32, #tpu.memory_space<vmem>>, vector<16xf32>,
    %max3A_46 = arith.maximumf %max3A_41, %get3A_45 : vector<16xf32>
    %get3A_47 = arith.constant 8 : i32
    %get3A_48 = arith.index_cast %get3A_47 : i32 to index
    %get3A_49 = arith.constant 0 : index
    %get3A_50 = tpu.vector_load %arg19[%get3A_48, %get3A_49] {strides = array<i32>} : memref<32x16xf32, #tpu.memory_space<vmem>>, vector<16xf32>,
    %max3A_51 = arith.maximumf %max3A_46, %get3A_50 : vector<16xf32>
    %get3A_52 = arith.constant 9 : i32
    %get3A_53 = arith.index_cast %get3A_52 : i32 to index
    %get3A_54 = arith.constant 0 : index
    %get3A_55 = tpu.vector_load %arg19[%get3A_53, %get3A_54] {strides = array<i32>} : memref<32x16xf32, #tpu.memory_space<vmem>>, vector<16xf32>,
    %max3A_56 = arith.maximumf %max3A_51, %get3A_55 : vector<16xf32>
    %get3A_57 = arith.constant 10 : i32
    %get3A_58 = arith.index_cast %get3A_57 : i32 to index
    %get3A_59 = arith.constant 0 : index
    %get3A_60 = tpu.vector_load %arg19[%get3A_58, %get3A_59] {strides = array<i32>} : memref<32x16xf32, #tpu.memory_space<vmem>>, vector<16xf32>,
    %max3A_61 = arith.maximumf %max3A_56, %get3A_60 : vector<16xf32>
    %get3A_62 = arith.constant 11 : i32
    %get3A_63 = arith.index_cast %get3A_62 : i32 to index
    %get3A_64 = arith.constant 0 : index
    %get3A_65 = tpu.vector_load %arg19[%get3A_63, %get3A_64] {strides = array<i32>} : memref<32x16xf32, #tpu.memory_space<vmem>>, vector<16xf32>,
    %max3A_66 = arith.maximumf %max3A_61, %get3A_65 : vector<16xf32>
    %get3A_67 = arith.constant 12 : i32
    %get3A_68 = arith.index_cast %get3A_67 : i32 to index
    %get3A_69 = arith.constant 0 : index
    %get3A_70 = tpu.vector_load %arg19[%get3A_68, %get3A_69] {strides = array<i32>} : memref<32x16xf32, #tpu.memory_space<vmem>>, vector<16xf32>,
    %max3A_71 = arith.maximumf %max3A_66, %get3A_70 : vector<16xf32>
    %get3A_72 = arith.constant 13 : i32
    %get3A_73 = arith.index_cast %get3A_72 : i32 to index
    %get3A_74 = arith.constant 0 : index
    %get3A_75 = tpu.vector_load %arg19[%get3A_73, %get3A_74] {strides = array<i32>} : memref<32x16xf32, #tpu.memory_space<vmem>>, vector<16xf32>,
    %max3A_76 = arith.maximumf %max3A_71, %get3A_75 : vector<16xf32>
    %get3A_77 = arith.constant 14 : i32
    %get3A_78 = arith.index_cast %get3A_77 : i32 to index
    %get3A_79 = arith.constant 0 : index
    %get3A_80 = tpu.vector_load %arg19[%get3A_78, %get3A_79] {strides = array<i32>} : memref<32x16xf32, #tpu.memory_space<vmem>>, vector<16xf32>,
    %max3A_81 = arith.maximumf %max3A_76, %get3A_80 : vector<16xf32>
    %get3A_82 = arith.constant 15 : i32
    %get3A_83 = arith.index_cast %get3A_82 : i32 to index
    %get3A_84 = arith.constant 0 : index
    %get3A_85 = tpu.vector_load %arg19[%get3A_83, %get3A_84] {strides = array<i32>} : memref<32x16xf32, #tpu.memory_space<vmem>>, vector<16xf32>,
    %max3A_86 = arith.maximumf %max3A_81, %get3A_85 : vector<16xf32>
    %get3A_87 = arith.constant 16 : i32
    %get3A_88 = arith.index_cast %get3A_87 : i32 to index
    %get3A_89 = arith.constant 0 : index
    %get3A_90 = tpu.vector_load %arg19[%get3A_88, %get3A_89] {strides = array<i32>} : memref<32x16xf32, #tpu.memory_space<vmem>>, vector<16xf32>,
    %max3A_91 = arith.maximumf %max3A_86, %get3A_90 : vector<16xf32>
    %get3A_92 = arith.constant 17 : i32
    %get3A_93 = arith.index_cast %get3A_92 : i32 to index
    %get3A_94 = arith.constant 0 : index
    %get3A_95 = tpu.vector_load %arg19[%get3A_93, %get3A_94] {strides = array<i32>} : memref<32x16xf32, #tpu.memory_space<vmem>>, vector<16xf32>,
    %max3A_96 = arith.maximumf %max3A_91, %get3A_95 : vector<16xf32>
    %get3A_97 = arith.constant 18 : i32
    %get3A_98 = arith.index_cast %get3A_97 : i32 to index
    %get3A_99 = arith.constant 0 : index
    %get3A_100 = tpu.vector_load %arg19[%get3A_98, %get3A_99] {strides = array<i32>} : memref<32x16xf32, #tpu.memory_space<vmem>>, vector<16xf32>,
    %max3A_101 = arith.maximumf %max3A_96, %get3A_100 : vector<16xf32>
    %get3A_102 = arith.constant 19 : i32
    %get3A_103 = arith.index_cast %get3A_102 : i32 to index
    %get3A_104 = arith.constant 0 : index
    %get3A_105 = tpu.vector_load %arg19[%get3A_103, %get3A_104] {strides = array<i32>} : memref<32x16xf32, #tpu.memory_space<vmem>>, vector<16xf32>,
    %max3A_106 = arith.maximumf %max3A_101, %get3A_105 : vector<16xf32>
    %get3A_107 = arith.constant 20 : i32
    %get3A_108 = arith.index_cast %get3A_107 : i32 to index
    %get3A_109 = arith.constant 0 : index
    %get3A_110 = tpu.vector_load %arg19[%get3A_108, %get3A_109] {strides = array<i32>} : memref<32x16xf32, #tpu.memory_space<vmem>>, vector<16xf32>,
    %max3A_111 = arith.maximumf %max3A_106, %get3A_110 : vector<16xf32>
    %get3A_112 = arith.constant 21 : i32
    %get3A_113 = arith.index_cast %get3A_112 : i32 to index
    %get3A_114 = arith.constant 0 : index
    %get3A_115 = tpu.vector_load %arg19[%get3A_113, %get3A_114] {strides = array<i32>} : memref<32x16xf32, #tpu.memory_space<vmem>>, vector<16xf32>,
    %max3A_116 = arith.maximumf %max3A_111, %get3A_115 : vector<16xf32>
    %get3A_117 = arith.constant 22 : i32
    %get3A_118 = arith.index_cast %get3A_117 : i32 to index
    %get3A_119 = arith.constant 0 : index
    %get3A_120 = tpu.vector_load %arg19[%get3A_118, %get3A_119] {strides = array<i32>} : memref<32x16xf32, #tpu.memory_space<vmem>>, vector<16xf32>,
    %max3A_121 = arith.maximumf %max3A_116, %get3A_120 : vector<16xf32>
    %get3A_122 = arith.constant 23 : i32
    %get3A_123 = arith.index_cast %get3A_122 : i32 to index
    %get3A_124 = arith.constant 0 : index
    %get3A_125 = tpu.vector_load %arg19[%get3A_123, %get3A_124] {strides = array<i32>} : memref<32x16xf32, #tpu.memory_space<vmem>>, vector<16xf32>,
    %max3A_126 = arith.maximumf %max3A_121, %get3A_125 : vector<16xf32>
    %get3A_127 = arith.constant 24 : i32
    %get3A_128 = arith.index_cast %get3A_127 : i32 to index
    %get3A_129 = arith.constant 0 : index
    %get3A_130 = tpu.vector_load %arg19[%get3A_128, %get3A_129] {strides = array<i32>} : memref<32x16xf32, #tpu.memory_space<vmem>>, vector<16xf32>,
    %max3A_131 = arith.maximumf %max3A_126, %get3A_130 : vector<16xf32>
    %get3A_132 = arith.constant 25 : i32
    %get3A_133 = arith.index_cast %get3A_132 : i32 to index
    %get3A_134 = arith.constant 0 : index
    %get3A_135 = tpu.vector_load %arg19[%get3A_133, %get3A_134] {strides = array<i32>} : memref<32x16xf32, #tpu.memory_space<vmem>>, vector<16xf32>,
    %max3A_136 = arith.maximumf %max3A_131, %get3A_135 : vector<16xf32>
    %get3A_137 = arith.constant 26 : i32
    %get3A_138 = arith.index_cast %get3A_137 : i32 to index
    %get3A_139 = arith.constant 0 : index
    %get3A_140 = tpu.vector_load %arg19[%get3A_138, %get3A_139] {strides = array<i32>} : memref<32x16xf32, #tpu.memory_space<vmem>>, vector<16xf32>,
    %max3A_141 = arith.maximumf %max3A_136, %get3A_140 : vector<16xf32>
    %get3A_142 = arith.constant 27 : i32
    %get3A_143 = arith.index_cast %get3A_142 : i32 to index
    %get3A_144 = arith.constant 0 : index
    %get3A_145 = tpu.vector_load %arg19[%get3A_143, %get3A_144] {strides = array<i32>} : memref<32x16xf32, #tpu.memory_space<vmem>>, vector<16xf32>,
    %max3A_146 = arith.maximumf %max3A_141, %get3A_145 : vector<16xf32>
    %get3A_147 = arith.constant 28 : i32
    %get3A_148 = arith.index_cast %get3A_147 : i32 to index
    %get3A_149 = arith.constant 0 : index
    %get3A_150 = tpu.vector_load %arg19[%get3A_148, %get3A_149] {strides = array<i32>} : memref<32x16xf32, #tpu.memory_space<vmem>>, vector<16xf32>,
    %max3A_151 = arith.maximumf %max3A_146, %get3A_150 : vector<16xf32>
    %get3A_152 = arith.constant 29 : i32
    %get3A_153 = arith.index_cast %get3A_152 : i32 to index
    %get3A_154 = arith.constant 0 : index
    %get3A_155 = tpu.vector_load %arg19[%get3A_153, %get3A_154] {strides = array<i32>} : memref<32x16xf32, #tpu.memory_space<vmem>>, vector<16xf32>,
    %max3A_156 = arith.maximumf %max3A_151, %get3A_155 : vector<16xf32>
    %get3A_157 = arith.constant 30 : i32
    %get3A_158 = arith.index_cast %get3A_157 : i32 to index
    %get3A_159 = arith.constant 0 : index
    %get3A_160 = tpu.vector_load %arg19[%get3A_158, %get3A_159] {strides = array<i32>} : memref<32x16xf32, #tpu.memory_space<vmem>>, vector<16xf32>,
    %max3A_161 = arith.maximumf %max3A_156, %get3A_160 : vector<16xf32>
    %get3A_162 = arith.constant 31 : i32
    %get3A_163 = arith.index_cast %get3A_162 : i32 to index
    %get3A_164 = arith.constant 0 : index
    %get3A_165 = tpu.vector_load %arg19[%get3A_163, %get3A_164] {strides = array<i32>} : memref<32x16xf32, #tpu.memory_space<vmem>>, vector<16xf32>,
    %max3A_166 = arith.maximumf %max3A_161, %get3A_165 : vector<16xf32>
    %reduce_max3A = arith.constant true
    %reduce_max3A_167 = vector.broadcast %reduce_max3A : i1 to vector<16xi1>
    %reduce_max3A_168 = tpu.scan <max>, %max3A_166 masked %reduce_max3A_167 : vector<16xf32>, vector<16xi1> -> vector<16xf32>
    %reduce_max3A_169 = vector.extract %reduce_max3A_168[15] : f32 from vector<16xf32>
    %broadcast_in_dim3A_170 = vector.broadcast %reduce_max3A_169 : f32 to vector<16xf32>
    %barrier3A = arith.constant 0 : index
    tpu.barrier barrier_id(%barrier3A)
    %dma_start3A = arith.constant 0 : i32
    %dma_start3A_171 = arith.constant 0 : i32
    %dma_start3A_172 = tpu.memref_slice %arg11[%dma_start3A, %dma_start3A_171] : memref<125x80xi32, #tpu.memory_space<vmem>> -> memref<1x80xi32, #tpu.memory_space<vmem>>
    %dma_start3A_173 = tpu.memref_squeeze %dma_start3A_172 : memref<1x80xi32, #tpu.memory_space<vmem>> -> memref<80xi32, #tpu.memory_space<vmem>>
    %dma_start3A_174 = arith.constant 0 : i32
    %dma_start3A_175 = arith.constant 0 : i32
    %dma_start3A_176 = tpu.memref_slice %arg21[%dma_start3A_174, %dma_start3A_175] : memref<10000x16xf32, #tpu.memory_space<vmem_shared>> -> memref<10000x16xf32, #tpu.memory_space<vmem_shared>>
    tpu.enqueue_indirect_dma source(%dma_start3A_176 : memref<10000x16xf32, #tpu.memory_space<vmem_shared>>) target(%arg13 : memref<80x16xf32, #tpu.memory_space<vmem>>) offsets(%dma_start3A_173 : memref<80xi32, #tpu.memory_space<vmem>>) semaphore(%arg22 : memref<!tpu.dma_semaphore, #tpu.memory_space<semaphore_mem>>)
    %scan3A = arith.constant 0 : i32
    %scan3A_177 = arith.constant 62 : i32
    %scan3A_178 = arith.addi %scan3A, %scan3A_177 : i32
    %scan3A_179 = arith.constant 1 : i32
    scf.for %scan3A_203 = %scan3A to %scan3A_178 step %scan3A_179  : i32 {
      %mul3A_204 = arith.constant 1 : i32
      %mul3A_205 = arith.muli %scan3A_203, %mul3A_204 : i32
      %add3A_206 = arith.constant 0 : i32
      %add3A_207 = arith.addi %add3A_206, %mul3A_205 : i32
      %mul3A_208 = arith.constant 2 : i32
      %mul3A_209 = arith.muli %mul3A_208, %add3A_207 : i32
      %add3A_210 = arith.constant 1 : i32
      %add3A_211 = arith.addi %mul3A_209, %add3A_210 : i32
      %dma_start3A_212 = arith.constant 0 : i32
      %dma_start3A_213 = tpu.memref_slice %arg11[%add3A_211, %dma_start3A_212] : memref<125x80xi32, #tpu.memory_space<vmem>> -> memref<1x80xi32, #tpu.memory_space<vmem>>
      %dma_start3A_214 = tpu.memref_squeeze %dma_start3A_213 : memref<1x80xi32, #tpu.memory_space<vmem>> -> memref<80xi32, #tpu.memory_space<vmem>>
      %dma_start3A_215 = arith.constant 0 : i32
      %dma_start3A_216 = arith.constant 0 : i32
      %dma_start3A_217 = tpu.memref_slice %arg21[%dma_start3A_215, %dma_start3A_216] : memref<10000x16xf32, #tpu.memory_space<vmem_shared>> -> memref<10000x16xf32, #tpu.memory_space<vmem_shared>>
      tpu.enqueue_indirect_dma source(%dma_start3A_217 : memref<10000x16xf32, #tpu.memory_space<vmem_shared>>) target(%arg15 : memref<80x16xf32, #tpu.memory_space<vmem>>) offsets(%dma_start3A_214 : memref<80xi32, #tpu.memory_space<vmem>>) semaphore(%arg23 : memref<!tpu.dma_semaphore, #tpu.memory_space<semaphore_mem>>)
      %dma_wait3A_218 = arith.constant 0 : i32
      %dma_wait3A_219 = tpu.memref_slice %arg11[%mul3A_209, %dma_wait3A_218] : memref<125x80xi32, #tpu.memory_space<vmem>> -> memref<1x80xi32, #tpu.memory_space<vmem>>
      %dma_wait3A_220 = tpu.memref_squeeze %dma_wait3A_219 : memref<1x80xi32, #tpu.memory_space<vmem>> -> memref<80xi32, #tpu.memory_space<vmem>>
      %dma_wait3A_221 = arith.constant 0 : i32
      %dma_wait3A_222 = arith.constant 0 : i32
      %dma_wait3A_223 = tpu.memref_slice %arg21[%dma_wait3A_221, %dma_wait3A_222] : memref<10000x16xf32, #tpu.memory_space<vmem_shared>> -> memref<10000x16xf32, #tpu.memory_space<vmem_shared>>
      tpu.wait_indirect_dma semaphore(%arg22 : memref<!tpu.dma_semaphore, #tpu.memory_space<semaphore_mem>>) src(%dma_wait3A_223 : memref<10000x16xf32, #tpu.memory_space<vmem_shared>>) dst(%arg13 : memref<80x16xf32, #tpu.memory_space<vmem>>)
      %scan3A_224 = arith.constant 0 : i32
      %scan3A_225 = arith.constant 5 : i32
      %scan3A_226 = arith.addi %scan3A_224, %scan3A_225 : i32
      %scan3A_227 = arith.constant 1 : i32
      scf.for %scan3A_262 = %scan3A_224 to %scan3A_226 step %scan3A_227  : i32 {
        %mul3A_263 = arith.constant 16 : i32
        %mul3A_264 = arith.muli %scan3A_262, %mul3A_263 : i32
        %add3A_265 = arith.constant 0 : i32
        %add3A_266 = arith.addi %add3A_265, %mul3A_264 : i32
        %get3A_267 = arith.index_cast %mul3A_209 : i32 to index
        %get3A_268 = arith.index_cast %add3A_266 : i32 to index
        %get3A_269 = tpu.vector_load %arg12[%get3A_267, %get3A_268] {strides = array<i32>} : memref<125x80xf32, #tpu.memory_space<vmem>>, vector<16xf32>,
        %sub3A = arith.subf %get3A_269, %broadcast_in_dim3A_170 : vector<16xf32>
        %exp3A = math.exp %sub3A : vector<16xf32>
        %get3A_270 = arith.index_cast %mul3A_209 : i32 to index
        %get3A_271 = arith.index_cast %add3A_266 : i32 to index
        %get3A_272 = tpu.vector_load %arg10[%get3A_270, %get3A_271] {strides = array<i32>} : memref<125x80xi32, #tpu.memory_space<vmem>>, vector<16xi32>,
        %gather3A = tpu.vector_load_idx %arg18[%get3A_272] : memref<10000xf32, #tpu.memory_space<vmem>>[vector<16xi32>], vector<16xf32>,
        %mul3A_273 = arith.mulf %exp3A, %gather3A : vector<16xf32>
        %swap3A = arith.index_cast %add3A_266 : i32 to index
        %swap3A_274 = tpu.vector_load %arg17[%swap3A] {strides = array<i32>} : memref<80xf32, #tpu.memory_space<vmem>>, vector<16xf32>,
        tpu.vector_store %arg17[%swap3A], %mul3A_273 {strides = array<i32>} : memref<80xf32, #tpu.memory_space<vmem>>, vector<16xf32>,
      }
      %scan3A_228 = arith.constant 5 : i32
      %scan3A_229 = arith.constant 0 : i32
      %scan3A_230 = arith.constant 80 : i32
      %scan3A_231 = arith.addi %scan3A_229, %scan3A_230 : i32
      %scan3A_232 = arith.constant 1 : i32
      scf.for %scan3A_262 = %scan3A_229 to %scan3A_231 step %scan3A_232  : i32 {
        %mul3A_263 = arith.constant 1 : i32
        %mul3A_264 = arith.muli %scan3A_262, %mul3A_263 : i32
        %add3A_265 = arith.constant 0 : i32
        %add3A_266 = arith.addi %add3A_265, %mul3A_264 : i32
        %broadcast_in_dim3A_267 = vector.broadcast %add3A_266 : i32 to vector<16xi32>
        %gather3A = tpu.vector_load_idx %arg17[%broadcast_in_dim3A_267] : memref<80xf32, #tpu.memory_space<vmem>>[vector<16xi32>], vector<16xf32>,
        %get3A_268 = arith.index_cast %add3A_266 : i32 to index
        %get3A_269 = arith.constant 0 : index
        %get3A_270 = tpu.vector_load %arg13[%get3A_268, %get3A_269] {strides = array<i32>} : memref<80x16xf32, #tpu.memory_space<vmem>>, vector<16xf32>,
        %mul3A_271 = arith.mulf %get3A_270, %gather3A : vector<16xf32>
        %swap3A = arith.index_cast %add3A_266 : i32 to index
        %swap3A_272 = arith.constant 0 : index
        %swap3A_273 = tpu.vector_load %arg14[%swap3A, %swap3A_272] {strides = array<i32>} : memref<80x16xf32, #tpu.memory_space<vmem>>, vector<16xf32>,
        tpu.vector_store %arg14[%swap3A, %swap3A_272], %mul3A_271 {strides = array<i32>} : memref<80x16xf32, #tpu.memory_space<vmem>>, vector<16xf32>,
      }
      %scan3A_233 = arith.constant 80 : i32
      "tpu.region"() ({
        %run_scoped3A_262 = tpu.sem_alloc : memref<!tpu.dma_semaphore, #tpu.memory_space<semaphore_mem>>
        %dma_start3A_263 = arith.constant 0 : i32
        %dma_start3A_264 = tpu.memref_slice %arg10[%mul3A_209, %dma_start3A_263] : memref<125x80xi32, #tpu.memory_space<vmem>> -> memref<1x80xi32, #tpu.memory_space<vmem>>
        %dma_start3A_265 = tpu.memref_squeeze %dma_start3A_264 : memref<1x80xi32, #tpu.memory_space<vmem>> -> memref<80xi32, #tpu.memory_space<vmem>>
        %dma_start3A_266 = arith.constant 0 : i32
        %dma_start3A_267 = arith.constant 0 : i32
        %dma_start3A_268 = tpu.memref_slice %arg20[%dma_start3A_266, %dma_start3A_267] : memref<10000x16xf32, #tpu.memory_space<vmem_shared>> -> memref<10000x16xf32, #tpu.memory_space<vmem_shared>>
        tpu.enqueue_indirect_dma source(%arg14 : memref<80x16xf32, #tpu.memory_space<vmem>>) target(%dma_start3A_268 : memref<10000x16xf32, #tpu.memory_space<vmem_shared>>) offsets(%dma_start3A_265 : memref<80xi32, #tpu.memory_space<vmem>>) semaphore(%run_scoped3A_262 : memref<!tpu.dma_semaphore, #tpu.memory_space<semaphore_mem>>) {add = true}
        %dma_wait3A_269 = arith.constant 0 : i32
        %dma_wait3A_270 = tpu.memref_slice %arg10[%mul3A_209, %dma_wait3A_269] : memref<125x80xi32, #tpu.memory_space<vmem>> -> memref<1x80xi32, #tpu.memory_space<vmem>>
        %dma_wait3A_271 = tpu.memref_squeeze %dma_wait3A_270 : memref<1x80xi32, #tpu.memory_space<vmem>> -> memref<80xi32, #tpu.memory_space<vmem>>
        %dma_wait3A_272 = arith.constant 0 : i32
        %dma_wait3A_273 = arith.constant 0 : i32
        %dma_wait3A_274 = tpu.memref_slice %arg20[%dma_wait3A_272, %dma_wait3A_273] : memref<10000x16xf32, #tpu.memory_space<vmem_shared>> -> memref<10000x16xf32, #tpu.memory_space<vmem_shared>>
        tpu.wait_indirect_dma semaphore(%run_scoped3A_262 : memref<!tpu.dma_semaphore, #tpu.memory_space<semaphore_mem>>) src(%arg14 : memref<80x16xf32, #tpu.memory_space<vmem>>) dst(%dma_wait3A_274 : memref<10000x16xf32, #tpu.memory_space<vmem_shared>>)
        tpu.yield
      }) : () -> ()
      %add3A_234 = arith.constant 2 : i32
      %add3A_235 = arith.addi %mul3A_209, %add3A_234 : i32
      %dma_start3A_236 = arith.constant 0 : i32
      %dma_start3A_237 = tpu.memref_slice %arg11[%add3A_235, %dma_start3A_236] : memref<125x80xi32, #tpu.memory_space<vmem>> -> memref<1x80xi32, #tpu.memory_space<vmem>>
      %dma_start3A_238 = tpu.memref_squeeze %dma_start3A_237 : memref<1x80xi32, #tpu.memory_space<vmem>> -> memref<80xi32, #tpu.memory_space<vmem>>
      %dma_start3A_239 = arith.constant 0 : i32
      %dma_start3A_240 = arith.constant 0 : i32
      %dma_start3A_241 = tpu.memref_slice %arg21[%dma_start3A_239, %dma_start3A_240] : memref<10000x16xf32, #tpu.memory_space<vmem_shared>> -> memref<10000x16xf32, #tpu.memory_space<vmem_shared>>
      tpu.enqueue_indirect_dma source(%dma_start3A_241 : memref<10000x16xf32, #tpu.memory_space<vmem_shared>>) target(%arg13 : memref<80x16xf32, #tpu.memory_space<vmem>>) offsets(%dma_start3A_238 : memref<80xi32, #tpu.memory_space<vmem>>) semaphore(%arg22 : memref<!tpu.dma_semaphore, #tpu.memory_space<semaphore_mem>>)
      %add3A_242 = arith.constant 1 : i32
      %add3A_243 = arith.addi %mul3A_209, %add3A_242 : i32
      %dma_wait3A_244 = arith.constant 0 : i32
      %dma_wait3A_245 = tpu.memref_slice %arg11[%add3A_243, %dma_wait3A_244] : memref<125x80xi32, #tpu.memory_space<vmem>> -> memref<1x80xi32, #tpu.memory_space<vmem>>
      %dma_wait3A_246 = tpu.memref_squeeze %dma_wait3A_245 : memref<1x80xi32, #tpu.memory_space<vmem>> -> memref<80xi32, #tpu.memory_space<vmem>>
      %dma_wait3A_247 = arith.constant 0 : i32
      %dma_wait3A_248 = arith.constant 0 : i32
      %dma_wait3A_249 = tpu.memref_slice %arg21[%dma_wait3A_247, %dma_wait3A_248] : memref<10000x16xf32, #tpu.memory_space<vmem_shared>> -> memref<10000x16xf32, #tpu.memory_space<vmem_shared>>
      tpu.wait_indirect_dma semaphore(%arg23 : memref<!tpu.dma_semaphore, #tpu.memory_space<semaphore_mem>>) src(%dma_wait3A_249 : memref<10000x16xf32, #tpu.memory_space<vmem_shared>>) dst(%arg15 : memref<80x16xf32, #tpu.memory_space<vmem>>)
      %add3A_250 = arith.constant 1 : i32
      %add3A_251 = arith.addi %mul3A_209, %add3A_250 : i32
      %scan3A_252 = arith.constant 0 : i32
      %scan3A_253 = arith.constant 5 : i32
      %scan3A_254 = arith.addi %scan3A_252, %scan3A_253 : i32
      %scan3A_255 = arith.constant 1 : i32
      scf.for %scan3A_262 = %scan3A_252 to %scan3A_254 step %scan3A_255  : i32 {
        %mul3A_263 = arith.constant 16 : i32
        %mul3A_264 = arith.muli %scan3A_262, %mul3A_263 : i32
        %add3A_265 = arith.constant 0 : i32
        %add3A_266 = arith.addi %add3A_265, %mul3A_264 : i32
        %get3A_267 = arith.index_cast %add3A_251 : i32 to index
        %get3A_268 = arith.index_cast %add3A_266 : i32 to index
        %get3A_269 = tpu.vector_load %arg12[%get3A_267, %get3A_268] {strides = array<i32>} : memref<125x80xf32, #tpu.memory_space<vmem>>, vector<16xf32>,
        %sub3A = arith.subf %get3A_269, %broadcast_in_dim3A_170 : vector<16xf32>
        %exp3A = math.exp %sub3A : vector<16xf32>
        %get3A_270 = arith.index_cast %add3A_251 : i32 to index
        %get3A_271 = arith.index_cast %add3A_266 : i32 to index
        %get3A_272 = tpu.vector_load %arg10[%get3A_270, %get3A_271] {strides = array<i32>} : memref<125x80xi32, #tpu.memory_space<vmem>>, vector<16xi32>,
        %gather3A = tpu.vector_load_idx %arg18[%get3A_272] : memref<10000xf32, #tpu.memory_space<vmem>>[vector<16xi32>], vector<16xf32>,
        %mul3A_273 = arith.mulf %exp3A, %gather3A : vector<16xf32>
        %swap3A = arith.index_cast %add3A_266 : i32 to index
        %swap3A_274 = tpu.vector_load %arg17[%swap3A] {strides = array<i32>} : memref<80xf32, #tpu.memory_space<vmem>>, vector<16xf32>,
        tpu.vector_store %arg17[%swap3A], %mul3A_273 {strides = array<i32>} : memref<80xf32, #tpu.memory_space<vmem>>, vector<16xf32>,
      }
      %scan3A_256 = arith.constant 5 : i32
      %scan3A_257 = arith.constant 0 : i32
      %scan3A_258 = arith.constant 80 : i32
      %scan3A_259 = arith.addi %scan3A_257, %scan3A_258 : i32
      %scan3A_260 = arith.constant 1 : i32
      scf.for %scan3A_262 = %scan3A_257 to %scan3A_259 step %scan3A_260  : i32 {
        %mul3A_263 = arith.constant 1 : i32
        %mul3A_264 = arith.muli %scan3A_262, %mul3A_263 : i32
        %add3A_265 = arith.constant 0 : i32
        %add3A_266 = arith.addi %add3A_265, %mul3A_264 : i32
        %broadcast_in_dim3A_267 = vector.broadcast %add3A_266 : i32 to vector<16xi32>
        %gather3A = tpu.vector_load_idx %arg17[%broadcast_in_dim3A_267] : memref<80xf32, #tpu.memory_space<vmem>>[vector<16xi32>], vector<16xf32>,
        %get3A_268 = arith.index_cast %add3A_266 : i32 to index
        %get3A_269 = arith.constant 0 : index
        %get3A_270 = tpu.vector_load %arg15[%get3A_268, %get3A_269] {strides = array<i32>} : memref<80x16xf32, #tpu.memory_space<vmem>>, vector<16xf32>,
        %mul3A_271 = arith.mulf %get3A_270, %gather3A : vector<16xf32>
        %swap3A = arith.index_cast %add3A_266 : i32 to index
        %swap3A_272 = arith.constant 0 : index
        %swap3A_273 = tpu.vector_load %arg16[%swap3A, %swap3A_272] {strides = array<i32>} : memref<80x16xf32, #tpu.memory_space<vmem>>, vector<16xf32>,
        tpu.vector_store %arg16[%swap3A, %swap3A_272], %mul3A_271 {strides = array<i32>} : memref<80x16xf32, #tpu.memory_space<vmem>>, vector<16xf32>,
      }
      %scan3A_261 = arith.constant 80 : i32
      "tpu.region"() ({
        %run_scoped3A_262 = tpu.sem_alloc : memref<!tpu.dma_semaphore, #tpu.memory_space<semaphore_mem>>
        %dma_start3A_263 = arith.constant 0 : i32
        %dma_start3A_264 = tpu.memref_slice %arg10[%add3A_251, %dma_start3A_263] : memref<125x80xi32, #tpu.memory_space<vmem>> -> memref<1x80xi32, #tpu.memory_space<vmem>>
        %dma_start3A_265 = tpu.memref_squeeze %dma_start3A_264 : memref<1x80xi32, #tpu.memory_space<vmem>> -> memref<80xi32, #tpu.memory_space<vmem>>
        %dma_start3A_266 = arith.constant 0 : i32
        %dma_start3A_267 = arith.constant 0 : i32
        %dma_start3A_268 = tpu.memref_slice %arg20[%dma_start3A_266, %dma_start3A_267] : memref<10000x16xf32, #tpu.memory_space<vmem_shared>> -> memref<10000x16xf32, #tpu.memory_space<vmem_shared>>
        tpu.enqueue_indirect_dma source(%arg16 : memref<80x16xf32, #tpu.memory_space<vmem>>) target(%dma_start3A_268 : memref<10000x16xf32, #tpu.memory_space<vmem_shared>>) offsets(%dma_start3A_265 : memref<80xi32, #tpu.memory_space<vmem>>) semaphore(%run_scoped3A_262 : memref<!tpu.dma_semaphore, #tpu.memory_space<semaphore_mem>>) {add = true}
        %dma_wait3A_269 = arith.constant 0 : i32
        %dma_wait3A_270 = tpu.memref_slice %arg10[%add3A_251, %dma_wait3A_269] : memref<125x80xi32, #tpu.memory_space<vmem>> -> memref<1x80xi32, #tpu.memory_space<vmem>>
        %dma_wait3A_271 = tpu.memref_squeeze %dma_wait3A_270 : memref<1x80xi32, #tpu.memory_space<vmem>> -> memref<80xi32, #tpu.memory_space<vmem>>
        %dma_wait3A_272 = arith.constant 0 : i32
        %dma_wait3A_273 = arith.constant 0 : i32
        %dma_wait3A_274 = tpu.memref_slice %arg20[%dma_wait3A_272, %dma_wait3A_273] : memref<10000x16xf32, #tpu.memory_space<vmem_shared>> -> memref<10000x16xf32, #tpu.memory_space<vmem_shared>>
        tpu.wait_indirect_dma semaphore(%run_scoped3A_262 : memref<!tpu.dma_semaphore, #tpu.memory_space<semaphore_mem>>) src(%arg16 : memref<80x16xf32, #tpu.memory_space<vmem>>) dst(%dma_wait3A_274 : memref<10000x16xf32, #tpu.memory_space<vmem_shared>>)
        tpu.yield
      }) : () -> ()
    }
    %scan3A_180 = arith.constant 62 : i32
    %dma_wait3A = arith.constant 124 : i32
    %dma_wait3A_181 = arith.constant 0 : i32
    %dma_wait3A_182 = tpu.memref_slice %arg11[%dma_wait3A, %dma_wait3A_181] : memref<125x80xi32, #tpu.memory_space<vmem>> -> memref<1x80xi32, #tpu.memory_space<vmem>>
    %dma_wait3A_183 = tpu.memref_squeeze %dma_wait3A_182 : memref<1x80xi32, #tpu.memory_space<vmem>> -> memref<80xi32, #tpu.memory_space<vmem>>
    %dma_wait3A_184 = arith.constant 0 : i32
    %dma_wait3A_185 = arith.constant 0 : i32
    %dma_wait3A_186 = tpu.memref_slice %arg21[%dma_wait3A_184, %dma_wait3A_185] : memref<10000x16xf32, #tpu.memory_space<vmem_shared>> -> memref<10000x16xf32, #tpu.memory_space<vmem_shared>>
    tpu.wait_indirect_dma semaphore(%arg22 : memref<!tpu.dma_semaphore, #tpu.memory_space<semaphore_mem>>) src(%dma_wait3A_186 : memref<10000x16xf32, #tpu.memory_space<vmem_shared>>) dst(%arg13 : memref<80x16xf32, #tpu.memory_space<vmem>>)
    %scan3A_187 = arith.constant 0 : i32
    %scan3A_188 = arith.constant 5 : i32
    %scan3A_189 = arith.addi %scan3A_187, %scan3A_188 : i32
    %scan3A_190 = arith.constant 1 : i32
    scf.for %scan3A_203 = %scan3A_187 to %scan3A_189 step %scan3A_190  : i32 {
      %mul3A_204 = arith.constant 16 : i32
      %mul3A_205 = arith.muli %scan3A_203, %mul3A_204 : i32
      %add3A_206 = arith.constant 0 : i32
      %add3A_207 = arith.addi %add3A_206, %mul3A_205 : i32
      %get3A_208 = arith.constant 124 : i32
      %get3A_209 = arith.index_cast %get3A_208 : i32 to index
      %get3A_210 = arith.index_cast %add3A_207 : i32 to index
      %get3A_211 = tpu.vector_load %arg12[%get3A_209, %get3A_210] {strides = array<i32>} : memref<125x80xf32, #tpu.memory_space<vmem>>, vector<16xf32>,
      %sub3A = arith.subf %get3A_211, %broadcast_in_dim3A_170 : vector<16xf32>
      %exp3A = math.exp %sub3A : vector<16xf32>
      %get3A_212 = arith.constant 124 : i32
      %get3A_213 = arith.index_cast %get3A_212 : i32 to index
      %get3A_214 = arith.index_cast %add3A_207 : i32 to index
      %get3A_215 = tpu.vector_load %arg10[%get3A_213, %get3A_214] {strides = array<i32>} : memref<125x80xi32, #tpu.memory_space<vmem>>, vector<16xi32>,
      %gather3A = tpu.vector_load_idx %arg18[%get3A_215] : memref<10000xf32, #tpu.memory_space<vmem>>[vector<16xi32>], vector<16xf32>,
      %mul3A_216 = arith.mulf %exp3A, %gather3A : vector<16xf32>
      %swap3A = arith.index_cast %add3A_207 : i32 to index
      %swap3A_217 = tpu.vector_load %arg17[%swap3A] {strides = array<i32>} : memref<80xf32, #tpu.memory_space<vmem>>, vector<16xf32>,
      tpu.vector_store %arg17[%swap3A], %mul3A_216 {strides = array<i32>} : memref<80xf32, #tpu.memory_space<vmem>>, vector<16xf32>,
    }
    %scan3A_191 = arith.constant 5 : i32
    %scan3A_192 = arith.constant 0 : i32
    %scan3A_193 = arith.constant 80 : i32
    %scan3A_194 = arith.addi %scan3A_192, %scan3A_193 : i32
    %scan3A_195 = arith.constant 1 : i32
    scf.for %scan3A_203 = %scan3A_192 to %scan3A_194 step %scan3A_195  : i32 {
      %mul3A_204 = arith.constant 1 : i32
      %mul3A_205 = arith.muli %scan3A_203, %mul3A_204 : i32
      %add3A_206 = arith.constant 0 : i32
      %add3A_207 = arith.addi %add3A_206, %mul3A_205 : i32
      %broadcast_in_dim3A_208 = vector.broadcast %add3A_207 : i32 to vector<16xi32>
      %gather3A = tpu.vector_load_idx %arg17[%broadcast_in_dim3A_208] : memref<80xf32, #tpu.memory_space<vmem>>[vector<16xi32>], vector<16xf32>,
      %get3A_209 = arith.index_cast %add3A_207 : i32 to index
      %get3A_210 = arith.constant 0 : index
      %get3A_211 = tpu.vector_load %arg13[%get3A_209, %get3A_210] {strides = array<i32>} : memref<80x16xf32, #tpu.memory_space<vmem>>, vector<16xf32>,
      %mul3A_212 = arith.mulf %get3A_211, %gather3A : vector<16xf32>
      %swap3A = arith.index_cast %add3A_207 : i32 to index
      %swap3A_213 = arith.constant 0 : index
      %swap3A_214 = tpu.vector_load %arg14[%swap3A, %swap3A_213] {strides = array<i32>} : memref<80x16xf32, #tpu.memory_space<vmem>>, vector<16xf32>,
      tpu.vector_store %arg14[%swap3A, %swap3A_213], %mul3A_212 {strides = array<i32>} : memref<80x16xf32, #tpu.memory_space<vmem>>, vector<16xf32>,
    }
    %scan3A_196 = arith.constant 80 : i32
    %run_scoped3A = arith.constant 124 : i32
    "tpu.region"() ({
      %run_scoped3A_203 = tpu.sem_alloc : memref<!tpu.dma_semaphore, #tpu.memory_space<semaphore_mem>>
      %dma_start3A_204 = arith.constant 0 : i32
      %dma_start3A_205 = tpu.memref_slice %arg10[%run_scoped3A, %dma_start3A_204] : memref<125x80xi32, #tpu.memory_space<vmem>> -> memref<1x80xi32, #tpu.memory_space<vmem>>
      %dma_start3A_206 = tpu.memref_squeeze %dma_start3A_205 : memref<1x80xi32, #tpu.memory_space<vmem>> -> memref<80xi32, #tpu.memory_space<vmem>>
      %dma_start3A_207 = arith.constant 0 : i32
      %dma_start3A_208 = arith.constant 0 : i32
      %dma_start3A_209 = tpu.memref_slice %arg20[%dma_start3A_207, %dma_start3A_208] : memref<10000x16xf32, #tpu.memory_space<vmem_shared>> -> memref<10000x16xf32, #tpu.memory_space<vmem_shared>>
      tpu.enqueue_indirect_dma source(%arg14 : memref<80x16xf32, #tpu.memory_space<vmem>>) target(%dma_start3A_209 : memref<10000x16xf32, #tpu.memory_space<vmem_shared>>) offsets(%dma_start3A_206 : memref<80xi32, #tpu.memory_space<vmem>>) semaphore(%run_scoped3A_203 : memref<!tpu.dma_semaphore, #tpu.memory_space<semaphore_mem>>) {add = true}
      %dma_wait3A_210 = arith.constant 0 : i32
      %dma_wait3A_211 = tpu.memref_slice %arg10[%run_scoped3A, %dma_wait3A_210] : memref<125x80xi32, #tpu.memory_space<vmem>> -> memref<1x80xi32, #tpu.memory_space<vmem>>
      %dma_wait3A_212 = tpu.memref_squeeze %dma_wait3A_211 : memref<1x80xi32, #tpu.memory_space<vmem>> -> memref<80xi32, #tpu.memory_space<vmem>>
      %dma_wait3A_213 = arith.constant 0 : i32
      %dma_wait3A_214 = arith.constant 0 : i32
      %dma_wait3A_215 = tpu.memref_slice %arg20[%dma_wait3A_213, %dma_wait3A_214] : memref<10000x16xf32, #tpu.memory_space<vmem_shared>> -> memref<10000x16xf32, #tpu.memory_space<vmem_shared>>
      tpu.wait_indirect_dma semaphore(%run_scoped3A_203 : memref<!tpu.dma_semaphore, #tpu.memory_space<semaphore_mem>>) src(%arg14 : memref<80x16xf32, #tpu.memory_space<vmem>>) dst(%dma_wait3A_215 : memref<10000x16xf32, #tpu.memory_space<vmem_shared>>)
      tpu.yield
    }) : () -> ()
    %barrier3A_197 = arith.constant 0 : index
    tpu.barrier barrier_id(%barrier3A_197)
    %eq3A_198 = arith.constant 0 : i32
    %eq3A_199 = arith.cmpi eq, %arg1, %eq3A_198 : i32
    %convert_element_type3A_200 = arith.extui %eq3A_199 : i1 to i32
    %cond3A_201 = arith.constant 0 : i32
    %cond3A_202 = arith.cmpi ne, %convert_element_type3A_200, %cond3A_201 : i32
    scf.if %cond3A_202 {
      "tpu.region"() ({
        %run_scoped3A_203 = tpu.sem_alloc : memref<!tpu.dma_semaphore, #tpu.memory_space<semaphore_mem>>
        %dma_start3A_204 = arith.constant 0 : i32
        %dma_start3A_205 = arith.constant 0 : i32
        %dma_start3A_206 = tpu.memref_slice %arg9[%arg0, %dma_start3A_204, %dma_start3A_205] : memref<2x10000x16xf32, #tpu.memory_space<hbm>> -> memref<1x10000x16xf32, #tpu.memory_space<hbm>>
        %dma_start3A_207 = tpu.memref_squeeze %dma_start3A_206 : memref<1x10000x16xf32, #tpu.memory_space<hbm>> -> memref<10000x16xf32, #tpu.memory_space<hbm>>
        tpu.enqueue_dma source(%arg20 : memref<10000x16xf32, #tpu.memory_space<vmem_shared>>) target(%dma_start3A_207 : memref<10000x16xf32, #tpu.memory_space<hbm>>) target_semaphore(%run_scoped3A_203 : memref<!tpu.dma_semaphore, #tpu.memory_space<semaphore_mem>>)
        %dma_wait3A_208 = arith.constant 0 : i32
        %dma_wait3A_209 = arith.constant 0 : i32
        %dma_wait3A_210 = tpu.memref_slice %arg9[%arg0, %dma_wait3A_208, %dma_wait3A_209] : memref<2x10000x16xf32, #tpu.memory_space<hbm>> -> memref<1x10000x16xf32, #tpu.memory_space<hbm>>
        %dma_wait3A_211 = tpu.memref_squeeze %dma_wait3A_210 : memref<1x10000x16xf32, #tpu.memory_space<hbm>> -> memref<10000x16xf32, #tpu.memory_space<hbm>>
        tpu.wait_dma2 semaphore(%run_scoped3A_203 : memref<!tpu.dma_semaphore, #tpu.memory_space<semaphore_mem>>) src(%arg20 : memref<10000x16xf32, #tpu.memory_space<vmem_shared>>) dst(%dma_wait3A_211 : memref<10000x16xf32, #tpu.memory_space<hbm>>)
        tpu.yield
      }) : () -> ()
    } else {
    }
    return
  }
}

#map = affine_map<(d0, d1) -> (0, 0, 0)>
#map1 = affine_map<(d0, d1) -> (0, 0)>
#map2 = affine_map<(d0, d1) -> (0)>
module attributes {stable_mosaic.version = 14 : i64} {
  func.func @k(%arg0: i32, %arg1: i32, %arg2: memref<32x125x80xf32, #tpu.memory_space<hbm>>, %arg3: memref<32x125x80xi32, #tpu.memory_space<hbm>>, %arg4: memref<32x125x80xi32, #tpu.memory_space<hbm>>, %arg5: memref<32x16xf32, #tpu.memory_space<hbm>>, %arg6: memref<10000xf32, #tpu.memory_space<hbm>>, %arg7: memref<10000x32xf32, #tpu.memory_space<hbm>>, %arg8: memref<10000x32xf32, #tpu.memory_space<hbm>>, %arg9: memref<2x10000x32xf32, #tpu.memory_space<hbm>>, %arg10: memref<125x80xi32, #tpu.memory_space<vmem>>, %arg11: memref<125x80xi32, #tpu.memory_space<vmem>>, %arg12: memref<125x80xf32, #tpu.memory_space<vmem>>, %arg13: memref<80x32xf32, #tpu.memory_space<vmem>>, %arg14: memref<80x32xf32, #tpu.memory_space<vmem>>, %arg15: memref<80x32xf32, #tpu.memory_space<vmem>>, %arg16: memref<80x32xf32, #tpu.memory_space<vmem>>, %arg17: memref<80xf32, #tpu.memory_space<vmem>>, %arg18: memref<10000xf32, #tpu.memory_space<vmem>>, %arg19: memref<32x16xf32, #tpu.memory_space<vmem>>, %arg20: memref<10000x32xf32, #tpu.memory_space<vmem_shared>>, %arg21: memref<10000x32xf32, #tpu.memory_space<vmem_shared>>, %arg22: memref<!tpu.dma_semaphore, #tpu.memory_space<semaphore_mem>>, %arg23: memref<!tpu.dma_semaphore, #tpu.memory_space<semaphore_mem>>) attributes {dimension_semantics = [#tpu.dimension_semantics<core_parallel>, #tpu.dimension_semantics<subcore_parallel>], iteration_bounds = array<i64: 2, 16>, scalar_prefetch = 0 : i64, scratch_operands = 14 : i64, tpu.core_type = #tpu.core_type<sc_vector_subcore>, window_params = [{transform_indices = #map}, {transform_indices = #map}, {transform_indices = #map}, {transform_indices = #map1}, {transform_indices = #map2}, {transform_indices = #map1}, {transform_indices = #map1}, {transform_indices = #map}]} {
    %mul3A = arith.constant 2 : i32
    %mul3A_0 = arith.muli %arg1, %mul3A : i32
    %add3A = arith.addi %mul3A_0, %arg0 : i32
    %eq3A = arith.constant 0 : i32
    %eq3A_1 = arith.cmpi eq, %arg1, %eq3A : i32
    %convert_element_type3A = arith.extui %eq3A_1 : i1 to i32
    %cond3A = arith.constant 0 : i32
    %cond3A_2 = arith.cmpi ne, %convert_element_type3A, %cond3A : i32
    scf.if %cond3A_2 {
      "tpu.region"() ({
        %run_scoped3A_203 = tpu.sem_alloc : memref<!tpu.dma_semaphore, #tpu.memory_space<semaphore_mem>>
        tpu.enqueue_dma source(%arg8 : memref<10000x32xf32, #tpu.memory_space<hbm>>) target(%arg20 : memref<10000x32xf32, #tpu.memory_space<vmem_shared>>) target_semaphore(%run_scoped3A_203 : memref<!tpu.dma_semaphore, #tpu.memory_space<semaphore_mem>>)
        tpu.wait_dma2 semaphore(%run_scoped3A_203 : memref<!tpu.dma_semaphore, #tpu.memory_space<semaphore_mem>>) src(%arg8 : memref<10000x32xf32, #tpu.memory_space<hbm>>) dst(%arg20 : memref<10000x32xf32, #tpu.memory_space<vmem_shared>>)
        tpu.yield
      }) : () -> ()
    } else {
    }
    %eq3A_3 = arith.constant 1 : i32
    %eq3A_4 = arith.cmpi eq, %arg1, %eq3A_3 : i32
    %convert_element_type3A_5 = arith.extui %eq3A_4 : i1 to i32
    %cond3A_6 = arith.constant 0 : i32
    %cond3A_7 = arith.cmpi ne, %convert_element_type3A_5, %cond3A_6 : i32
    scf.if %cond3A_7 {
      "tpu.region"() ({
        %run_scoped3A_203 = tpu.sem_alloc : memref<!tpu.dma_semaphore, #tpu.memory_space<semaphore_mem>>
        tpu.enqueue_dma source(%arg7 : memref<10000x32xf32, #tpu.memory_space<hbm>>) target(%arg21 : memref<10000x32xf32, #tpu.memory_space<vmem_shared>>) target_semaphore(%run_scoped3A_203 : memref<!tpu.dma_semaphore, #tpu.memory_space<semaphore_mem>>)
        tpu.wait_dma2 semaphore(%run_scoped3A_203 : memref<!tpu.dma_semaphore, #tpu.memory_space<semaphore_mem>>) src(%arg7 : memref<10000x32xf32, #tpu.memory_space<hbm>>) dst(%arg21 : memref<10000x32xf32, #tpu.memory_space<vmem_shared>>)
        tpu.yield
      }) : () -> ()
    } else {
    }
    "tpu.region"() ({
      %run_scoped3A_203 = tpu.sem_alloc : memref<!tpu.dma_semaphore, #tpu.memory_space<semaphore_mem>>
      %dma_start3A_204 = arith.constant 0 : i32
      %dma_start3A_205 = arith.constant 0 : i32
      %dma_start3A_206 = tpu.memref_slice %arg3[%add3A, %dma_start3A_204, %dma_start3A_205] : memref<32x125x80xi32, #tpu.memory_space<hbm>> -> memref<1x125x80xi32, #tpu.memory_space<hbm>>
      %dma_start3A_207 = tpu.memref_squeeze %dma_start3A_206 : memref<1x125x80xi32, #tpu.memory_space<hbm>> -> memref<125x80xi32, #tpu.memory_space<hbm>>
      %dma_start3A_208 = arith.constant 0 : i32
      %dma_start3A_209 = arith.constant 0 : i32
      %dma_start3A_210 = tpu.memref_slice %arg3[%add3A, %dma_start3A_208, %dma_start3A_209] : memref<32x125x80xi32, #tpu.memory_space<hbm>> -> memref<1x125x80xi32, #tpu.memory_space<hbm>>
      %dma_start3A_211 = tpu.memref_squeeze %dma_start3A_210 : memref<1x125x80xi32, #tpu.memory_space<hbm>> -> memref<125x80xi32, #tpu.memory_space<hbm>>
      tpu.enqueue_dma source(%dma_start3A_211 : memref<125x80xi32, #tpu.memory_space<hbm>>) target(%arg10 : memref<125x80xi32, #tpu.memory_space<vmem>>) target_semaphore(%run_scoped3A_203 : memref<!tpu.dma_semaphore, #tpu.memory_space<semaphore_mem>>)
      %dma_wait3A_212 = arith.constant 0 : i32
      %dma_wait3A_213 = arith.constant 0 : i32
      %dma_wait3A_214 = tpu.memref_slice %arg3[%add3A, %dma_wait3A_212, %dma_wait3A_213] : memref<32x125x80xi32, #tpu.memory_space<hbm>> -> memref<1x125x80xi32, #tpu.memory_space<hbm>>
      %dma_wait3A_215 = tpu.memref_squeeze %dma_wait3A_214 : memref<1x125x80xi32, #tpu.memory_space<hbm>> -> memref<125x80xi32, #tpu.memory_space<hbm>>
      %dma_wait3A_216 = arith.constant 0 : i32
      %dma_wait3A_217 = arith.constant 0 : i32
      %dma_wait3A_218 = tpu.memref_slice %arg3[%add3A, %dma_wait3A_216, %dma_wait3A_217] : memref<32x125x80xi32, #tpu.memory_space<hbm>> -> memref<1x125x80xi32, #tpu.memory_space<hbm>>
      %dma_wait3A_219 = tpu.memref_squeeze %dma_wait3A_218 : memref<1x125x80xi32, #tpu.memory_space<hbm>> -> memref<125x80xi32, #tpu.memory_space<hbm>>
      tpu.wait_dma2 semaphore(%run_scoped3A_203 : memref<!tpu.dma_semaphore, #tpu.memory_space<semaphore_mem>>) src(%dma_wait3A_219 : memref<125x80xi32, #tpu.memory_space<hbm>>) dst(%arg10 : memref<125x80xi32, #tpu.memory_space<vmem>>)
      tpu.yield
    }) : () -> ()
    "tpu.region"() ({
      %run_scoped3A_203 = tpu.sem_alloc : memref<!tpu.dma_semaphore, #tpu.memory_space<semaphore_mem>>
      %dma_start3A_204 = arith.constant 0 : i32
      %dma_start3A_205 = arith.constant 0 : i32
      %dma_start3A_206 = tpu.memref_slice %arg4[%add3A, %dma_start3A_204, %dma_start3A_205] : memref<32x125x80xi32, #tpu.memory_space<hbm>> -> memref<1x125x80xi32, #tpu.memory_space<hbm>>
      %dma_start3A_207 = tpu.memref_squeeze %dma_start3A_206 : memref<1x125x80xi32, #tpu.memory_space<hbm>> -> memref<125x80xi32, #tpu.memory_space<hbm>>
      %dma_start3A_208 = arith.constant 0 : i32
      %dma_start3A_209 = arith.constant 0 : i32
      %dma_start3A_210 = tpu.memref_slice %arg4[%add3A, %dma_start3A_208, %dma_start3A_209] : memref<32x125x80xi32, #tpu.memory_space<hbm>> -> memref<1x125x80xi32, #tpu.memory_space<hbm>>
      %dma_start3A_211 = tpu.memref_squeeze %dma_start3A_210 : memref<1x125x80xi32, #tpu.memory_space<hbm>> -> memref<125x80xi32, #tpu.memory_space<hbm>>
      tpu.enqueue_dma source(%dma_start3A_211 : memref<125x80xi32, #tpu.memory_space<hbm>>) target(%arg11 : memref<125x80xi32, #tpu.memory_space<vmem>>) target_semaphore(%run_scoped3A_203 : memref<!tpu.dma_semaphore, #tpu.memory_space<semaphore_mem>>)
      %dma_wait3A_212 = arith.constant 0 : i32
      %dma_wait3A_213 = arith.constant 0 : i32
      %dma_wait3A_214 = tpu.memref_slice %arg4[%add3A, %dma_wait3A_212, %dma_wait3A_213] : memref<32x125x80xi32, #tpu.memory_space<hbm>> -> memref<1x125x80xi32, #tpu.memory_space<hbm>>
      %dma_wait3A_215 = tpu.memref_squeeze %dma_wait3A_214 : memref<1x125x80xi32, #tpu.memory_space<hbm>> -> memref<125x80xi32, #tpu.memory_space<hbm>>
      %dma_wait3A_216 = arith.constant 0 : i32
      %dma_wait3A_217 = arith.constant 0 : i32
      %dma_wait3A_218 = tpu.memref_slice %arg4[%add3A, %dma_wait3A_216, %dma_wait3A_217] : memref<32x125x80xi32, #tpu.memory_space<hbm>> -> memref<1x125x80xi32, #tpu.memory_space<hbm>>
      %dma_wait3A_219 = tpu.memref_squeeze %dma_wait3A_218 : memref<1x125x80xi32, #tpu.memory_space<hbm>> -> memref<125x80xi32, #tpu.memory_space<hbm>>
      tpu.wait_dma2 semaphore(%run_scoped3A_203 : memref<!tpu.dma_semaphore, #tpu.memory_space<semaphore_mem>>) src(%dma_wait3A_219 : memref<125x80xi32, #tpu.memory_space<hbm>>) dst(%arg11 : memref<125x80xi32, #tpu.memory_space<vmem>>)
      tpu.yield
    }) : () -> ()
    "tpu.region"() ({
      %run_scoped3A_203 = tpu.sem_alloc : memref<!tpu.dma_semaphore, #tpu.memory_space<semaphore_mem>>
      %dma_start3A_204 = arith.constant 0 : i32
      %dma_start3A_205 = arith.constant 0 : i32
      %dma_start3A_206 = tpu.memref_slice %arg2[%add3A, %dma_start3A_204, %dma_start3A_205] : memref<32x125x80xf32, #tpu.memory_space<hbm>> -> memref<1x125x80xf32, #tpu.memory_space<hbm>>
      %dma_start3A_207 = tpu.memref_squeeze %dma_start3A_206 : memref<1x125x80xf32, #tpu.memory_space<hbm>> -> memref<125x80xf32, #tpu.memory_space<hbm>>
      %dma_start3A_208 = arith.constant 0 : i32
      %dma_start3A_209 = arith.constant 0 : i32
      %dma_start3A_210 = tpu.memref_slice %arg2[%add3A, %dma_start3A_208, %dma_start3A_209] : memref<32x125x80xf32, #tpu.memory_space<hbm>> -> memref<1x125x80xf32, #tpu.memory_space<hbm>>
      %dma_start3A_211 = tpu.memref_squeeze %dma_start3A_210 : memref<1x125x80xf32, #tpu.memory_space<hbm>> -> memref<125x80xf32, #tpu.memory_space<hbm>>
      tpu.enqueue_dma source(%dma_start3A_211 : memref<125x80xf32, #tpu.memory_space<hbm>>) target(%arg12 : memref<125x80xf32, #tpu.memory_space<vmem>>) target_semaphore(%run_scoped3A_203 : memref<!tpu.dma_semaphore, #tpu.memory_space<semaphore_mem>>)
      %dma_wait3A_212 = arith.constant 0 : i32
      %dma_wait3A_213 = arith.constant 0 : i32
      %dma_wait3A_214 = tpu.memref_slice %arg2[%add3A, %dma_wait3A_212, %dma_wait3A_213] : memref<32x125x80xf32, #tpu.memory_space<hbm>> -> memref<1x125x80xf32, #tpu.memory_space<hbm>>
      %dma_wait3A_215 = tpu.memref_squeeze %dma_wait3A_214 : memref<1x125x80xf32, #tpu.memory_space<hbm>> -> memref<125x80xf32, #tpu.memory_space<hbm>>
      %dma_wait3A_216 = arith.constant 0 : i32
      %dma_wait3A_217 = arith.constant 0 : i32
      %dma_wait3A_218 = tpu.memref_slice %arg2[%add3A, %dma_wait3A_216, %dma_wait3A_217] : memref<32x125x80xf32, #tpu.memory_space<hbm>> -> memref<1x125x80xf32, #tpu.memory_space<hbm>>
      %dma_wait3A_219 = tpu.memref_squeeze %dma_wait3A_218 : memref<1x125x80xf32, #tpu.memory_space<hbm>> -> memref<125x80xf32, #tpu.memory_space<hbm>>
      tpu.wait_dma2 semaphore(%run_scoped3A_203 : memref<!tpu.dma_semaphore, #tpu.memory_space<semaphore_mem>>) src(%dma_wait3A_219 : memref<125x80xf32, #tpu.memory_space<hbm>>) dst(%arg12 : memref<125x80xf32, #tpu.memory_space<vmem>>)
      tpu.yield
    }) : () -> ()
    "tpu.region"() ({
      %run_scoped3A_203 = tpu.sem_alloc : memref<!tpu.dma_semaphore, #tpu.memory_space<semaphore_mem>>
      tpu.enqueue_dma source(%arg6 : memref<10000xf32, #tpu.memory_space<hbm>>) target(%arg18 : memref<10000xf32, #tpu.memory_space<vmem>>) target_semaphore(%run_scoped3A_203 : memref<!tpu.dma_semaphore, #tpu.memory_space<semaphore_mem>>)
      tpu.wait_dma2 semaphore(%run_scoped3A_203 : memref<!tpu.dma_semaphore, #tpu.memory_space<semaphore_mem>>) src(%arg6 : memref<10000xf32, #tpu.memory_space<hbm>>) dst(%arg18 : memref<10000xf32, #tpu.memory_space<vmem>>)
      tpu.yield
    }) : () -> ()
    "tpu.region"() ({
      %run_scoped3A_203 = tpu.sem_alloc : memref<!tpu.dma_semaphore, #tpu.memory_space<semaphore_mem>>
      tpu.enqueue_dma source(%arg5 : memref<32x16xf32, #tpu.memory_space<hbm>>) target(%arg19 : memref<32x16xf32, #tpu.memory_space<vmem>>) target_semaphore(%run_scoped3A_203 : memref<!tpu.dma_semaphore, #tpu.memory_space<semaphore_mem>>)
      tpu.wait_dma2 semaphore(%run_scoped3A_203 : memref<!tpu.dma_semaphore, #tpu.memory_space<semaphore_mem>>) src(%arg5 : memref<32x16xf32, #tpu.memory_space<hbm>>) dst(%arg19 : memref<32x16xf32, #tpu.memory_space<vmem>>)
      tpu.yield
    }) : () -> ()
    %broadcast_in_dim3A = arith.constant 0.000000e+00 : f32
    %broadcast_in_dim3A_8 = vector.broadcast %broadcast_in_dim3A : f32 to vector<16xf32>
    %get3A = arith.constant 0 : i32
    %get3A_9 = arith.index_cast %get3A : i32 to index
    %get3A_10 = arith.constant 0 : index
    %get3A_11 = tpu.vector_load %arg19[%get3A_9, %get3A_10] {strides = array<i32>} : memref<32x16xf32, #tpu.memory_space<vmem>>, vector<16xf32>,
    %max3A = arith.maximumf %broadcast_in_dim3A_8, %get3A_11 : vector<16xf32>
    %get3A_12 = arith.constant 1 : i32
    %get3A_13 = arith.index_cast %get3A_12 : i32 to index
    %get3A_14 = arith.constant 0 : index
    %get3A_15 = tpu.vector_load %arg19[%get3A_13, %get3A_14] {strides = array<i32>} : memref<32x16xf32, #tpu.memory_space<vmem>>, vector<16xf32>,
    %max3A_16 = arith.maximumf %max3A, %get3A_15 : vector<16xf32>
    %get3A_17 = arith.constant 2 : i32
    %get3A_18 = arith.index_cast %get3A_17 : i32 to index
    %get3A_19 = arith.constant 0 : index
    %get3A_20 = tpu.vector_load %arg19[%get3A_18, %get3A_19] {strides = array<i32>} : memref<32x16xf32, #tpu.memory_space<vmem>>, vector<16xf32>,
    %max3A_21 = arith.maximumf %max3A_16, %get3A_20 : vector<16xf32>
    %get3A_22 = arith.constant 3 : i32
    %get3A_23 = arith.index_cast %get3A_22 : i32 to index
    %get3A_24 = arith.constant 0 : index
    %get3A_25 = tpu.vector_load %arg19[%get3A_23, %get3A_24] {strides = array<i32>} : memref<32x16xf32, #tpu.memory_space<vmem>>, vector<16xf32>,
    %max3A_26 = arith.maximumf %max3A_21, %get3A_25 : vector<16xf32>
    %get3A_27 = arith.constant 4 : i32
    %get3A_28 = arith.index_cast %get3A_27 : i32 to index
    %get3A_29 = arith.constant 0 : index
    %get3A_30 = tpu.vector_load %arg19[%get3A_28, %get3A_29] {strides = array<i32>} : memref<32x16xf32, #tpu.memory_space<vmem>>, vector<16xf32>,
    %max3A_31 = arith.maximumf %max3A_26, %get3A_30 : vector<16xf32>
    %get3A_32 = arith.constant 5 : i32
    %get3A_33 = arith.index_cast %get3A_32 : i32 to index
    %get3A_34 = arith.constant 0 : index
    %get3A_35 = tpu.vector_load %arg19[%get3A_33, %get3A_34] {strides = array<i32>} : memref<32x16xf32, #tpu.memory_space<vmem>>, vector<16xf32>,
    %max3A_36 = arith.maximumf %max3A_31, %get3A_35 : vector<16xf32>
    %get3A_37 = arith.constant 6 : i32
    %get3A_38 = arith.index_cast %get3A_37 : i32 to index
    %get3A_39 = arith.constant 0 : index
    %get3A_40 = tpu.vector_load %arg19[%get3A_38, %get3A_39] {strides = array<i32>} : memref<32x16xf32, #tpu.memory_space<vmem>>, vector<16xf32>,
    %max3A_41 = arith.maximumf %max3A_36, %get3A_40 : vector<16xf32>
    %get3A_42 = arith.constant 7 : i32
    %get3A_43 = arith.index_cast %get3A_42 : i32 to index
    %get3A_44 = arith.constant 0 : index
    %get3A_45 = tpu.vector_load %arg19[%get3A_43, %get3A_44] {strides = array<i32>} : memref<32x16xf32, #tpu.memory_space<vmem>>, vector<16xf32>,
    %max3A_46 = arith.maximumf %max3A_41, %get3A_45 : vector<16xf32>
    %get3A_47 = arith.constant 8 : i32
    %get3A_48 = arith.index_cast %get3A_47 : i32 to index
    %get3A_49 = arith.constant 0 : index
    %get3A_50 = tpu.vector_load %arg19[%get3A_48, %get3A_49] {strides = array<i32>} : memref<32x16xf32, #tpu.memory_space<vmem>>, vector<16xf32>,
    %max3A_51 = arith.maximumf %max3A_46, %get3A_50 : vector<16xf32>
    %get3A_52 = arith.constant 9 : i32
    %get3A_53 = arith.index_cast %get3A_52 : i32 to index
    %get3A_54 = arith.constant 0 : index
    %get3A_55 = tpu.vector_load %arg19[%get3A_53, %get3A_54] {strides = array<i32>} : memref<32x16xf32, #tpu.memory_space<vmem>>, vector<16xf32>,
    %max3A_56 = arith.maximumf %max3A_51, %get3A_55 : vector<16xf32>
    %get3A_57 = arith.constant 10 : i32
    %get3A_58 = arith.index_cast %get3A_57 : i32 to index
    %get3A_59 = arith.constant 0 : index
    %get3A_60 = tpu.vector_load %arg19[%get3A_58, %get3A_59] {strides = array<i32>} : memref<32x16xf32, #tpu.memory_space<vmem>>, vector<16xf32>,
    %max3A_61 = arith.maximumf %max3A_56, %get3A_60 : vector<16xf32>
    %get3A_62 = arith.constant 11 : i32
    %get3A_63 = arith.index_cast %get3A_62 : i32 to index
    %get3A_64 = arith.constant 0 : index
    %get3A_65 = tpu.vector_load %arg19[%get3A_63, %get3A_64] {strides = array<i32>} : memref<32x16xf32, #tpu.memory_space<vmem>>, vector<16xf32>,
    %max3A_66 = arith.maximumf %max3A_61, %get3A_65 : vector<16xf32>
    %get3A_67 = arith.constant 12 : i32
    %get3A_68 = arith.index_cast %get3A_67 : i32 to index
    %get3A_69 = arith.constant 0 : index
    %get3A_70 = tpu.vector_load %arg19[%get3A_68, %get3A_69] {strides = array<i32>} : memref<32x16xf32, #tpu.memory_space<vmem>>, vector<16xf32>,
    %max3A_71 = arith.maximumf %max3A_66, %get3A_70 : vector<16xf32>
    %get3A_72 = arith.constant 13 : i32
    %get3A_73 = arith.index_cast %get3A_72 : i32 to index
    %get3A_74 = arith.constant 0 : index
    %get3A_75 = tpu.vector_load %arg19[%get3A_73, %get3A_74] {strides = array<i32>} : memref<32x16xf32, #tpu.memory_space<vmem>>, vector<16xf32>,
    %max3A_76 = arith.maximumf %max3A_71, %get3A_75 : vector<16xf32>
    %get3A_77 = arith.constant 14 : i32
    %get3A_78 = arith.index_cast %get3A_77 : i32 to index
    %get3A_79 = arith.constant 0 : index
    %get3A_80 = tpu.vector_load %arg19[%get3A_78, %get3A_79] {strides = array<i32>} : memref<32x16xf32, #tpu.memory_space<vmem>>, vector<16xf32>,
    %max3A_81 = arith.maximumf %max3A_76, %get3A_80 : vector<16xf32>
    %get3A_82 = arith.constant 15 : i32
    %get3A_83 = arith.index_cast %get3A_82 : i32 to index
    %get3A_84 = arith.constant 0 : index
    %get3A_85 = tpu.vector_load %arg19[%get3A_83, %get3A_84] {strides = array<i32>} : memref<32x16xf32, #tpu.memory_space<vmem>>, vector<16xf32>,
    %max3A_86 = arith.maximumf %max3A_81, %get3A_85 : vector<16xf32>
    %get3A_87 = arith.constant 16 : i32
    %get3A_88 = arith.index_cast %get3A_87 : i32 to index
    %get3A_89 = arith.constant 0 : index
    %get3A_90 = tpu.vector_load %arg19[%get3A_88, %get3A_89] {strides = array<i32>} : memref<32x16xf32, #tpu.memory_space<vmem>>, vector<16xf32>,
    %max3A_91 = arith.maximumf %max3A_86, %get3A_90 : vector<16xf32>
    %get3A_92 = arith.constant 17 : i32
    %get3A_93 = arith.index_cast %get3A_92 : i32 to index
    %get3A_94 = arith.constant 0 : index
    %get3A_95 = tpu.vector_load %arg19[%get3A_93, %get3A_94] {strides = array<i32>} : memref<32x16xf32, #tpu.memory_space<vmem>>, vector<16xf32>,
    %max3A_96 = arith.maximumf %max3A_91, %get3A_95 : vector<16xf32>
    %get3A_97 = arith.constant 18 : i32
    %get3A_98 = arith.index_cast %get3A_97 : i32 to index
    %get3A_99 = arith.constant 0 : index
    %get3A_100 = tpu.vector_load %arg19[%get3A_98, %get3A_99] {strides = array<i32>} : memref<32x16xf32, #tpu.memory_space<vmem>>, vector<16xf32>,
    %max3A_101 = arith.maximumf %max3A_96, %get3A_100 : vector<16xf32>
    %get3A_102 = arith.constant 19 : i32
    %get3A_103 = arith.index_cast %get3A_102 : i32 to index
    %get3A_104 = arith.constant 0 : index
    %get3A_105 = tpu.vector_load %arg19[%get3A_103, %get3A_104] {strides = array<i32>} : memref<32x16xf32, #tpu.memory_space<vmem>>, vector<16xf32>,
    %max3A_106 = arith.maximumf %max3A_101, %get3A_105 : vector<16xf32>
    %get3A_107 = arith.constant 20 : i32
    %get3A_108 = arith.index_cast %get3A_107 : i32 to index
    %get3A_109 = arith.constant 0 : index
    %get3A_110 = tpu.vector_load %arg19[%get3A_108, %get3A_109] {strides = array<i32>} : memref<32x16xf32, #tpu.memory_space<vmem>>, vector<16xf32>,
    %max3A_111 = arith.maximumf %max3A_106, %get3A_110 : vector<16xf32>
    %get3A_112 = arith.constant 21 : i32
    %get3A_113 = arith.index_cast %get3A_112 : i32 to index
    %get3A_114 = arith.constant 0 : index
    %get3A_115 = tpu.vector_load %arg19[%get3A_113, %get3A_114] {strides = array<i32>} : memref<32x16xf32, #tpu.memory_space<vmem>>, vector<16xf32>,
    %max3A_116 = arith.maximumf %max3A_111, %get3A_115 : vector<16xf32>
    %get3A_117 = arith.constant 22 : i32
    %get3A_118 = arith.index_cast %get3A_117 : i32 to index
    %get3A_119 = arith.constant 0 : index
    %get3A_120 = tpu.vector_load %arg19[%get3A_118, %get3A_119] {strides = array<i32>} : memref<32x16xf32, #tpu.memory_space<vmem>>, vector<16xf32>,
    %max3A_121 = arith.maximumf %max3A_116, %get3A_120 : vector<16xf32>
    %get3A_122 = arith.constant 23 : i32
    %get3A_123 = arith.index_cast %get3A_122 : i32 to index
    %get3A_124 = arith.constant 0 : index
    %get3A_125 = tpu.vector_load %arg19[%get3A_123, %get3A_124] {strides = array<i32>} : memref<32x16xf32, #tpu.memory_space<vmem>>, vector<16xf32>,
    %max3A_126 = arith.maximumf %max3A_121, %get3A_125 : vector<16xf32>
    %get3A_127 = arith.constant 24 : i32
    %get3A_128 = arith.index_cast %get3A_127 : i32 to index
    %get3A_129 = arith.constant 0 : index
    %get3A_130 = tpu.vector_load %arg19[%get3A_128, %get3A_129] {strides = array<i32>} : memref<32x16xf32, #tpu.memory_space<vmem>>, vector<16xf32>,
    %max3A_131 = arith.maximumf %max3A_126, %get3A_130 : vector<16xf32>
    %get3A_132 = arith.constant 25 : i32
    %get3A_133 = arith.index_cast %get3A_132 : i32 to index
    %get3A_134 = arith.constant 0 : index
    %get3A_135 = tpu.vector_load %arg19[%get3A_133, %get3A_134] {strides = array<i32>} : memref<32x16xf32, #tpu.memory_space<vmem>>, vector<16xf32>,
    %max3A_136 = arith.maximumf %max3A_131, %get3A_135 : vector<16xf32>
    %get3A_137 = arith.constant 26 : i32
    %get3A_138 = arith.index_cast %get3A_137 : i32 to index
    %get3A_139 = arith.constant 0 : index
    %get3A_140 = tpu.vector_load %arg19[%get3A_138, %get3A_139] {strides = array<i32>} : memref<32x16xf32, #tpu.memory_space<vmem>>, vector<16xf32>,
    %max3A_141 = arith.maximumf %max3A_136, %get3A_140 : vector<16xf32>
    %get3A_142 = arith.constant 27 : i32
    %get3A_143 = arith.index_cast %get3A_142 : i32 to index
    %get3A_144 = arith.constant 0 : index
    %get3A_145 = tpu.vector_load %arg19[%get3A_143, %get3A_144] {strides = array<i32>} : memref<32x16xf32, #tpu.memory_space<vmem>>, vector<16xf32>,
    %max3A_146 = arith.maximumf %max3A_141, %get3A_145 : vector<16xf32>
    %get3A_147 = arith.constant 28 : i32
    %get3A_148 = arith.index_cast %get3A_147 : i32 to index
    %get3A_149 = arith.constant 0 : index
    %get3A_150 = tpu.vector_load %arg19[%get3A_148, %get3A_149] {strides = array<i32>} : memref<32x16xf32, #tpu.memory_space<vmem>>, vector<16xf32>,
    %max3A_151 = arith.maximumf %max3A_146, %get3A_150 : vector<16xf32>
    %get3A_152 = arith.constant 29 : i32
    %get3A_153 = arith.index_cast %get3A_152 : i32 to index
    %get3A_154 = arith.constant 0 : index
    %get3A_155 = tpu.vector_load %arg19[%get3A_153, %get3A_154] {strides = array<i32>} : memref<32x16xf32, #tpu.memory_space<vmem>>, vector<16xf32>,
    %max3A_156 = arith.maximumf %max3A_151, %get3A_155 : vector<16xf32>
    %get3A_157 = arith.constant 30 : i32
    %get3A_158 = arith.index_cast %get3A_157 : i32 to index
    %get3A_159 = arith.constant 0 : index
    %get3A_160 = tpu.vector_load %arg19[%get3A_158, %get3A_159] {strides = array<i32>} : memref<32x16xf32, #tpu.memory_space<vmem>>, vector<16xf32>,
    %max3A_161 = arith.maximumf %max3A_156, %get3A_160 : vector<16xf32>
    %get3A_162 = arith.constant 31 : i32
    %get3A_163 = arith.index_cast %get3A_162 : i32 to index
    %get3A_164 = arith.constant 0 : index
    %get3A_165 = tpu.vector_load %arg19[%get3A_163, %get3A_164] {strides = array<i32>} : memref<32x16xf32, #tpu.memory_space<vmem>>, vector<16xf32>,
    %max3A_166 = arith.maximumf %max3A_161, %get3A_165 : vector<16xf32>
    %reduce_max3A = arith.constant true
    %reduce_max3A_167 = vector.broadcast %reduce_max3A : i1 to vector<16xi1>
    %reduce_max3A_168 = tpu.scan <max>, %max3A_166 masked %reduce_max3A_167 : vector<16xf32>, vector<16xi1> -> vector<16xf32>
    %reduce_max3A_169 = vector.extract %reduce_max3A_168[15] : f32 from vector<16xf32>
    %broadcast_in_dim3A_170 = vector.broadcast %reduce_max3A_169 : f32 to vector<16xf32>
    %barrier3A = arith.constant 0 : index
    tpu.barrier barrier_id(%barrier3A)
    %dma_start3A = arith.constant 0 : i32
    %dma_start3A_171 = arith.constant 0 : i32
    %dma_start3A_172 = tpu.memref_slice %arg11[%dma_start3A, %dma_start3A_171] : memref<125x80xi32, #tpu.memory_space<vmem>> -> memref<1x80xi32, #tpu.memory_space<vmem>>
    %dma_start3A_173 = tpu.memref_squeeze %dma_start3A_172 : memref<1x80xi32, #tpu.memory_space<vmem>> -> memref<80xi32, #tpu.memory_space<vmem>>
    %dma_start3A_174 = arith.constant 0 : i32
    %dma_start3A_175 = arith.constant 0 : i32
    %dma_start3A_176 = tpu.memref_slice %arg21[%dma_start3A_174, %dma_start3A_175] : memref<10000x32xf32, #tpu.memory_space<vmem_shared>> -> memref<10000x32xf32, #tpu.memory_space<vmem_shared>>
    tpu.enqueue_indirect_dma source(%dma_start3A_176 : memref<10000x32xf32, #tpu.memory_space<vmem_shared>>) target(%arg13 : memref<80x32xf32, #tpu.memory_space<vmem>>) offsets(%dma_start3A_173 : memref<80xi32, #tpu.memory_space<vmem>>) semaphore(%arg22 : memref<!tpu.dma_semaphore, #tpu.memory_space<semaphore_mem>>)
    %scan3A = arith.constant 0 : i32
    %scan3A_177 = arith.constant 62 : i32
    %scan3A_178 = arith.addi %scan3A, %scan3A_177 : i32
    %scan3A_179 = arith.constant 1 : i32
    scf.for %scan3A_203 = %scan3A to %scan3A_178 step %scan3A_179  : i32 {
      %mul3A_204 = arith.constant 1 : i32
      %mul3A_205 = arith.muli %scan3A_203, %mul3A_204 : i32
      %add3A_206 = arith.constant 0 : i32
      %add3A_207 = arith.addi %add3A_206, %mul3A_205 : i32
      %mul3A_208 = arith.constant 2 : i32
      %mul3A_209 = arith.muli %mul3A_208, %add3A_207 : i32
      %add3A_210 = arith.constant 1 : i32
      %add3A_211 = arith.addi %mul3A_209, %add3A_210 : i32
      %dma_start3A_212 = arith.constant 0 : i32
      %dma_start3A_213 = tpu.memref_slice %arg11[%add3A_211, %dma_start3A_212] : memref<125x80xi32, #tpu.memory_space<vmem>> -> memref<1x80xi32, #tpu.memory_space<vmem>>
      %dma_start3A_214 = tpu.memref_squeeze %dma_start3A_213 : memref<1x80xi32, #tpu.memory_space<vmem>> -> memref<80xi32, #tpu.memory_space<vmem>>
      %dma_start3A_215 = arith.constant 0 : i32
      %dma_start3A_216 = arith.constant 0 : i32
      %dma_start3A_217 = tpu.memref_slice %arg21[%dma_start3A_215, %dma_start3A_216] : memref<10000x32xf32, #tpu.memory_space<vmem_shared>> -> memref<10000x32xf32, #tpu.memory_space<vmem_shared>>
      tpu.enqueue_indirect_dma source(%dma_start3A_217 : memref<10000x32xf32, #tpu.memory_space<vmem_shared>>) target(%arg15 : memref<80x32xf32, #tpu.memory_space<vmem>>) offsets(%dma_start3A_214 : memref<80xi32, #tpu.memory_space<vmem>>) semaphore(%arg23 : memref<!tpu.dma_semaphore, #tpu.memory_space<semaphore_mem>>)
      %dma_wait3A_218 = arith.constant 0 : i32
      %dma_wait3A_219 = tpu.memref_slice %arg11[%mul3A_209, %dma_wait3A_218] : memref<125x80xi32, #tpu.memory_space<vmem>> -> memref<1x80xi32, #tpu.memory_space<vmem>>
      %dma_wait3A_220 = tpu.memref_squeeze %dma_wait3A_219 : memref<1x80xi32, #tpu.memory_space<vmem>> -> memref<80xi32, #tpu.memory_space<vmem>>
      %dma_wait3A_221 = arith.constant 0 : i32
      %dma_wait3A_222 = arith.constant 0 : i32
      %dma_wait3A_223 = tpu.memref_slice %arg21[%dma_wait3A_221, %dma_wait3A_222] : memref<10000x32xf32, #tpu.memory_space<vmem_shared>> -> memref<10000x32xf32, #tpu.memory_space<vmem_shared>>
      tpu.wait_indirect_dma semaphore(%arg22 : memref<!tpu.dma_semaphore, #tpu.memory_space<semaphore_mem>>) src(%dma_wait3A_223 : memref<10000x32xf32, #tpu.memory_space<vmem_shared>>) dst(%arg13 : memref<80x32xf32, #tpu.memory_space<vmem>>)
      %scan3A_224 = arith.constant 0 : i32
      %scan3A_225 = arith.constant 5 : i32
      %scan3A_226 = arith.addi %scan3A_224, %scan3A_225 : i32
      %scan3A_227 = arith.constant 1 : i32
      scf.for %scan3A_262 = %scan3A_224 to %scan3A_226 step %scan3A_227  : i32 {
        %mul3A_263 = arith.constant 16 : i32
        %mul3A_264 = arith.muli %scan3A_262, %mul3A_263 : i32
        %add3A_265 = arith.constant 0 : i32
        %add3A_266 = arith.addi %add3A_265, %mul3A_264 : i32
        %get3A_267 = arith.index_cast %mul3A_209 : i32 to index
        %get3A_268 = arith.index_cast %add3A_266 : i32 to index
        %get3A_269 = tpu.vector_load %arg12[%get3A_267, %get3A_268] {strides = array<i32>} : memref<125x80xf32, #tpu.memory_space<vmem>>, vector<16xf32>,
        %sub3A = arith.subf %get3A_269, %broadcast_in_dim3A_170 : vector<16xf32>
        %exp3A = math.exp %sub3A : vector<16xf32>
        %get3A_270 = arith.index_cast %mul3A_209 : i32 to index
        %get3A_271 = arith.index_cast %add3A_266 : i32 to index
        %get3A_272 = tpu.vector_load %arg10[%get3A_270, %get3A_271] {strides = array<i32>} : memref<125x80xi32, #tpu.memory_space<vmem>>, vector<16xi32>,
        %gather3A = tpu.vector_load_idx %arg18[%get3A_272] : memref<10000xf32, #tpu.memory_space<vmem>>[vector<16xi32>], vector<16xf32>,
        %mul3A_273 = arith.mulf %exp3A, %gather3A : vector<16xf32>
        %swap3A = arith.index_cast %add3A_266 : i32 to index
        %swap3A_274 = tpu.vector_load %arg17[%swap3A] {strides = array<i32>} : memref<80xf32, #tpu.memory_space<vmem>>, vector<16xf32>,
        tpu.vector_store %arg17[%swap3A], %mul3A_273 {strides = array<i32>} : memref<80xf32, #tpu.memory_space<vmem>>, vector<16xf32>,
      }
      %scan3A_228 = arith.constant 5 : i32
      %scan3A_229 = arith.constant 0 : i32
      %scan3A_230 = arith.constant 80 : i32
      %scan3A_231 = arith.addi %scan3A_229, %scan3A_230 : i32
      %scan3A_232 = arith.constant 1 : i32
      scf.for %scan3A_262 = %scan3A_229 to %scan3A_231 step %scan3A_232  : i32 {
        %mul3A_263 = arith.constant 1 : i32
        %mul3A_264 = arith.muli %scan3A_262, %mul3A_263 : i32
        %add3A_265 = arith.constant 0 : i32
        %add3A_266 = arith.addi %add3A_265, %mul3A_264 : i32
        %broadcast_in_dim3A_267 = vector.broadcast %add3A_266 : i32 to vector<16xi32>
        %gather3A = tpu.vector_load_idx %arg17[%broadcast_in_dim3A_267] : memref<80xf32, #tpu.memory_space<vmem>>[vector<16xi32>], vector<16xf32>,
        %get3A_268 = arith.index_cast %add3A_266 : i32 to index
        %get3A_269 = arith.constant 0 : index
        %get3A_270 = tpu.vector_load %arg13[%get3A_268, %get3A_269] {strides = array<i32>} : memref<80x32xf32, #tpu.memory_space<vmem>>, vector<16xf32>,
        %mul3A_271 = arith.mulf %get3A_270, %gather3A : vector<16xf32>
        %swap3A = arith.index_cast %add3A_266 : i32 to index
        %swap3A_272 = arith.constant 0 : index
        %swap3A_273 = tpu.vector_load %arg14[%swap3A, %swap3A_272] {strides = array<i32>} : memref<80x32xf32, #tpu.memory_space<vmem>>, vector<16xf32>,
        tpu.vector_store %arg14[%swap3A, %swap3A_272], %mul3A_271 {strides = array<i32>} : memref<80x32xf32, #tpu.memory_space<vmem>>, vector<16xf32>,
        %get3A_274 = arith.index_cast %add3A_266 : i32 to index
        %get3A_275 = arith.constant 16 : index
        %get3A_276 = tpu.vector_load %arg13[%get3A_274, %get3A_275] {strides = array<i32>} : memref<80x32xf32, #tpu.memory_space<vmem>>, vector<16xf32>,
        %mul3A_277 = arith.mulf %get3A_276, %gather3A : vector<16xf32>
        %swap3A_278 = arith.index_cast %add3A_266 : i32 to index
        %swap3A_279 = arith.constant 16 : index
        %swap3A_280 = tpu.vector_load %arg14[%swap3A_278, %swap3A_279] {strides = array<i32>} : memref<80x32xf32, #tpu.memory_space<vmem>>, vector<16xf32>,
        tpu.vector_store %arg14[%swap3A_278, %swap3A_279], %mul3A_277 {strides = array<i32>} : memref<80x32xf32, #tpu.memory_space<vmem>>, vector<16xf32>,
      }
      %scan3A_233 = arith.constant 80 : i32
      "tpu.region"() ({
        %run_scoped3A_262 = tpu.sem_alloc : memref<!tpu.dma_semaphore, #tpu.memory_space<semaphore_mem>>
        %dma_start3A_263 = arith.constant 0 : i32
        %dma_start3A_264 = tpu.memref_slice %arg10[%mul3A_209, %dma_start3A_263] : memref<125x80xi32, #tpu.memory_space<vmem>> -> memref<1x80xi32, #tpu.memory_space<vmem>>
        %dma_start3A_265 = tpu.memref_squeeze %dma_start3A_264 : memref<1x80xi32, #tpu.memory_space<vmem>> -> memref<80xi32, #tpu.memory_space<vmem>>
        %dma_start3A_266 = arith.constant 0 : i32
        %dma_start3A_267 = arith.constant 0 : i32
        %dma_start3A_268 = tpu.memref_slice %arg20[%dma_start3A_266, %dma_start3A_267] : memref<10000x32xf32, #tpu.memory_space<vmem_shared>> -> memref<10000x32xf32, #tpu.memory_space<vmem_shared>>
        tpu.enqueue_indirect_dma source(%arg14 : memref<80x32xf32, #tpu.memory_space<vmem>>) target(%dma_start3A_268 : memref<10000x32xf32, #tpu.memory_space<vmem_shared>>) offsets(%dma_start3A_265 : memref<80xi32, #tpu.memory_space<vmem>>) semaphore(%run_scoped3A_262 : memref<!tpu.dma_semaphore, #tpu.memory_space<semaphore_mem>>) {add = true}
        %dma_wait3A_269 = arith.constant 0 : i32
        %dma_wait3A_270 = tpu.memref_slice %arg10[%mul3A_209, %dma_wait3A_269] : memref<125x80xi32, #tpu.memory_space<vmem>> -> memref<1x80xi32, #tpu.memory_space<vmem>>
        %dma_wait3A_271 = tpu.memref_squeeze %dma_wait3A_270 : memref<1x80xi32, #tpu.memory_space<vmem>> -> memref<80xi32, #tpu.memory_space<vmem>>
        %dma_wait3A_272 = arith.constant 0 : i32
        %dma_wait3A_273 = arith.constant 0 : i32
        %dma_wait3A_274 = tpu.memref_slice %arg20[%dma_wait3A_272, %dma_wait3A_273] : memref<10000x32xf32, #tpu.memory_space<vmem_shared>> -> memref<10000x32xf32, #tpu.memory_space<vmem_shared>>
        tpu.wait_indirect_dma semaphore(%run_scoped3A_262 : memref<!tpu.dma_semaphore, #tpu.memory_space<semaphore_mem>>) src(%arg14 : memref<80x32xf32, #tpu.memory_space<vmem>>) dst(%dma_wait3A_274 : memref<10000x32xf32, #tpu.memory_space<vmem_shared>>)
        tpu.yield
      }) : () -> ()
      %add3A_234 = arith.constant 2 : i32
      %add3A_235 = arith.addi %mul3A_209, %add3A_234 : i32
      %dma_start3A_236 = arith.constant 0 : i32
      %dma_start3A_237 = tpu.memref_slice %arg11[%add3A_235, %dma_start3A_236] : memref<125x80xi32, #tpu.memory_space<vmem>> -> memref<1x80xi32, #tpu.memory_space<vmem>>
      %dma_start3A_238 = tpu.memref_squeeze %dma_start3A_237 : memref<1x80xi32, #tpu.memory_space<vmem>> -> memref<80xi32, #tpu.memory_space<vmem>>
      %dma_start3A_239 = arith.constant 0 : i32
      %dma_start3A_240 = arith.constant 0 : i32
      %dma_start3A_241 = tpu.memref_slice %arg21[%dma_start3A_239, %dma_start3A_240] : memref<10000x32xf32, #tpu.memory_space<vmem_shared>> -> memref<10000x32xf32, #tpu.memory_space<vmem_shared>>
      tpu.enqueue_indirect_dma source(%dma_start3A_241 : memref<10000x32xf32, #tpu.memory_space<vmem_shared>>) target(%arg13 : memref<80x32xf32, #tpu.memory_space<vmem>>) offsets(%dma_start3A_238 : memref<80xi32, #tpu.memory_space<vmem>>) semaphore(%arg22 : memref<!tpu.dma_semaphore, #tpu.memory_space<semaphore_mem>>)
      %add3A_242 = arith.constant 1 : i32
      %add3A_243 = arith.addi %mul3A_209, %add3A_242 : i32
      %dma_wait3A_244 = arith.constant 0 : i32
      %dma_wait3A_245 = tpu.memref_slice %arg11[%add3A_243, %dma_wait3A_244] : memref<125x80xi32, #tpu.memory_space<vmem>> -> memref<1x80xi32, #tpu.memory_space<vmem>>
      %dma_wait3A_246 = tpu.memref_squeeze %dma_wait3A_245 : memref<1x80xi32, #tpu.memory_space<vmem>> -> memref<80xi32, #tpu.memory_space<vmem>>
      %dma_wait3A_247 = arith.constant 0 : i32
      %dma_wait3A_248 = arith.constant 0 : i32
      %dma_wait3A_249 = tpu.memref_slice %arg21[%dma_wait3A_247, %dma_wait3A_248] : memref<10000x32xf32, #tpu.memory_space<vmem_shared>> -> memref<10000x32xf32, #tpu.memory_space<vmem_shared>>
      tpu.wait_indirect_dma semaphore(%arg23 : memref<!tpu.dma_semaphore, #tpu.memory_space<semaphore_mem>>) src(%dma_wait3A_249 : memref<10000x32xf32, #tpu.memory_space<vmem_shared>>) dst(%arg15 : memref<80x32xf32, #tpu.memory_space<vmem>>)
      %add3A_250 = arith.constant 1 : i32
      %add3A_251 = arith.addi %mul3A_209, %add3A_250 : i32
      %scan3A_252 = arith.constant 0 : i32
      %scan3A_253 = arith.constant 5 : i32
      %scan3A_254 = arith.addi %scan3A_252, %scan3A_253 : i32
      %scan3A_255 = arith.constant 1 : i32
      scf.for %scan3A_262 = %scan3A_252 to %scan3A_254 step %scan3A_255  : i32 {
        %mul3A_263 = arith.constant 16 : i32
        %mul3A_264 = arith.muli %scan3A_262, %mul3A_263 : i32
        %add3A_265 = arith.constant 0 : i32
        %add3A_266 = arith.addi %add3A_265, %mul3A_264 : i32
        %get3A_267 = arith.index_cast %add3A_251 : i32 to index
        %get3A_268 = arith.index_cast %add3A_266 : i32 to index
        %get3A_269 = tpu.vector_load %arg12[%get3A_267, %get3A_268] {strides = array<i32>} : memref<125x80xf32, #tpu.memory_space<vmem>>, vector<16xf32>,
        %sub3A = arith.subf %get3A_269, %broadcast_in_dim3A_170 : vector<16xf32>
        %exp3A = math.exp %sub3A : vector<16xf32>
        %get3A_270 = arith.index_cast %add3A_251 : i32 to index
        %get3A_271 = arith.index_cast %add3A_266 : i32 to index
        %get3A_272 = tpu.vector_load %arg10[%get3A_270, %get3A_271] {strides = array<i32>} : memref<125x80xi32, #tpu.memory_space<vmem>>, vector<16xi32>,
        %gather3A = tpu.vector_load_idx %arg18[%get3A_272] : memref<10000xf32, #tpu.memory_space<vmem>>[vector<16xi32>], vector<16xf32>,
        %mul3A_273 = arith.mulf %exp3A, %gather3A : vector<16xf32>
        %swap3A = arith.index_cast %add3A_266 : i32 to index
        %swap3A_274 = tpu.vector_load %arg17[%swap3A] {strides = array<i32>} : memref<80xf32, #tpu.memory_space<vmem>>, vector<16xf32>,
        tpu.vector_store %arg17[%swap3A], %mul3A_273 {strides = array<i32>} : memref<80xf32, #tpu.memory_space<vmem>>, vector<16xf32>,
      }
      %scan3A_256 = arith.constant 5 : i32
      %scan3A_257 = arith.constant 0 : i32
      %scan3A_258 = arith.constant 80 : i32
      %scan3A_259 = arith.addi %scan3A_257, %scan3A_258 : i32
      %scan3A_260 = arith.constant 1 : i32
      scf.for %scan3A_262 = %scan3A_257 to %scan3A_259 step %scan3A_260  : i32 {
        %mul3A_263 = arith.constant 1 : i32
        %mul3A_264 = arith.muli %scan3A_262, %mul3A_263 : i32
        %add3A_265 = arith.constant 0 : i32
        %add3A_266 = arith.addi %add3A_265, %mul3A_264 : i32
        %broadcast_in_dim3A_267 = vector.broadcast %add3A_266 : i32 to vector<16xi32>
        %gather3A = tpu.vector_load_idx %arg17[%broadcast_in_dim3A_267] : memref<80xf32, #tpu.memory_space<vmem>>[vector<16xi32>], vector<16xf32>,
        %get3A_268 = arith.index_cast %add3A_266 : i32 to index
        %get3A_269 = arith.constant 0 : index
        %get3A_270 = tpu.vector_load %arg15[%get3A_268, %get3A_269] {strides = array<i32>} : memref<80x32xf32, #tpu.memory_space<vmem>>, vector<16xf32>,
        %mul3A_271 = arith.mulf %get3A_270, %gather3A : vector<16xf32>
        %swap3A = arith.index_cast %add3A_266 : i32 to index
        %swap3A_272 = arith.constant 0 : index
        %swap3A_273 = tpu.vector_load %arg16[%swap3A, %swap3A_272] {strides = array<i32>} : memref<80x32xf32, #tpu.memory_space<vmem>>, vector<16xf32>,
        tpu.vector_store %arg16[%swap3A, %swap3A_272], %mul3A_271 {strides = array<i32>} : memref<80x32xf32, #tpu.memory_space<vmem>>, vector<16xf32>,
        %get3A_274 = arith.index_cast %add3A_266 : i32 to index
        %get3A_275 = arith.constant 16 : index
        %get3A_276 = tpu.vector_load %arg15[%get3A_274, %get3A_275] {strides = array<i32>} : memref<80x32xf32, #tpu.memory_space<vmem>>, vector<16xf32>,
        %mul3A_277 = arith.mulf %get3A_276, %gather3A : vector<16xf32>
        %swap3A_278 = arith.index_cast %add3A_266 : i32 to index
        %swap3A_279 = arith.constant 16 : index
        %swap3A_280 = tpu.vector_load %arg16[%swap3A_278, %swap3A_279] {strides = array<i32>} : memref<80x32xf32, #tpu.memory_space<vmem>>, vector<16xf32>,
        tpu.vector_store %arg16[%swap3A_278, %swap3A_279], %mul3A_277 {strides = array<i32>} : memref<80x32xf32, #tpu.memory_space<vmem>>, vector<16xf32>,
      }
      %scan3A_261 = arith.constant 80 : i32
      "tpu.region"() ({
        %run_scoped3A_262 = tpu.sem_alloc : memref<!tpu.dma_semaphore, #tpu.memory_space<semaphore_mem>>
        %dma_start3A_263 = arith.constant 0 : i32
        %dma_start3A_264 = tpu.memref_slice %arg10[%add3A_251, %dma_start3A_263] : memref<125x80xi32, #tpu.memory_space<vmem>> -> memref<1x80xi32, #tpu.memory_space<vmem>>
        %dma_start3A_265 = tpu.memref_squeeze %dma_start3A_264 : memref<1x80xi32, #tpu.memory_space<vmem>> -> memref<80xi32, #tpu.memory_space<vmem>>
        %dma_start3A_266 = arith.constant 0 : i32
        %dma_start3A_267 = arith.constant 0 : i32
        %dma_start3A_268 = tpu.memref_slice %arg20[%dma_start3A_266, %dma_start3A_267] : memref<10000x32xf32, #tpu.memory_space<vmem_shared>> -> memref<10000x32xf32, #tpu.memory_space<vmem_shared>>
        tpu.enqueue_indirect_dma source(%arg16 : memref<80x32xf32, #tpu.memory_space<vmem>>) target(%dma_start3A_268 : memref<10000x32xf32, #tpu.memory_space<vmem_shared>>) offsets(%dma_start3A_265 : memref<80xi32, #tpu.memory_space<vmem>>) semaphore(%run_scoped3A_262 : memref<!tpu.dma_semaphore, #tpu.memory_space<semaphore_mem>>) {add = true}
        %dma_wait3A_269 = arith.constant 0 : i32
        %dma_wait3A_270 = tpu.memref_slice %arg10[%add3A_251, %dma_wait3A_269] : memref<125x80xi32, #tpu.memory_space<vmem>> -> memref<1x80xi32, #tpu.memory_space<vmem>>
        %dma_wait3A_271 = tpu.memref_squeeze %dma_wait3A_270 : memref<1x80xi32, #tpu.memory_space<vmem>> -> memref<80xi32, #tpu.memory_space<vmem>>
        %dma_wait3A_272 = arith.constant 0 : i32
        %dma_wait3A_273 = arith.constant 0 : i32
        %dma_wait3A_274 = tpu.memref_slice %arg20[%dma_wait3A_272, %dma_wait3A_273] : memref<10000x32xf32, #tpu.memory_space<vmem_shared>> -> memref<10000x32xf32, #tpu.memory_space<vmem_shared>>
        tpu.wait_indirect_dma semaphore(%run_scoped3A_262 : memref<!tpu.dma_semaphore, #tpu.memory_space<semaphore_mem>>) src(%arg16 : memref<80x32xf32, #tpu.memory_space<vmem>>) dst(%dma_wait3A_274 : memref<10000x32xf32, #tpu.memory_space<vmem_shared>>)
        tpu.yield
      }) : () -> ()
    }
    %scan3A_180 = arith.constant 62 : i32
    %dma_wait3A = arith.constant 124 : i32
    %dma_wait3A_181 = arith.constant 0 : i32
    %dma_wait3A_182 = tpu.memref_slice %arg11[%dma_wait3A, %dma_wait3A_181] : memref<125x80xi32, #tpu.memory_space<vmem>> -> memref<1x80xi32, #tpu.memory_space<vmem>>
    %dma_wait3A_183 = tpu.memref_squeeze %dma_wait3A_182 : memref<1x80xi32, #tpu.memory_space<vmem>> -> memref<80xi32, #tpu.memory_space<vmem>>
    %dma_wait3A_184 = arith.constant 0 : i32
    %dma_wait3A_185 = arith.constant 0 : i32
    %dma_wait3A_186 = tpu.memref_slice %arg21[%dma_wait3A_184, %dma_wait3A_185] : memref<10000x32xf32, #tpu.memory_space<vmem_shared>> -> memref<10000x32xf32, #tpu.memory_space<vmem_shared>>
    tpu.wait_indirect_dma semaphore(%arg22 : memref<!tpu.dma_semaphore, #tpu.memory_space<semaphore_mem>>) src(%dma_wait3A_186 : memref<10000x32xf32, #tpu.memory_space<vmem_shared>>) dst(%arg13 : memref<80x32xf32, #tpu.memory_space<vmem>>)
    %scan3A_187 = arith.constant 0 : i32
    %scan3A_188 = arith.constant 5 : i32
    %scan3A_189 = arith.addi %scan3A_187, %scan3A_188 : i32
    %scan3A_190 = arith.constant 1 : i32
    scf.for %scan3A_203 = %scan3A_187 to %scan3A_189 step %scan3A_190  : i32 {
      %mul3A_204 = arith.constant 16 : i32
      %mul3A_205 = arith.muli %scan3A_203, %mul3A_204 : i32
      %add3A_206 = arith.constant 0 : i32
      %add3A_207 = arith.addi %add3A_206, %mul3A_205 : i32
      %get3A_208 = arith.constant 124 : i32
      %get3A_209 = arith.index_cast %get3A_208 : i32 to index
      %get3A_210 = arith.index_cast %add3A_207 : i32 to index
      %get3A_211 = tpu.vector_load %arg12[%get3A_209, %get3A_210] {strides = array<i32>} : memref<125x80xf32, #tpu.memory_space<vmem>>, vector<16xf32>,
      %sub3A = arith.subf %get3A_211, %broadcast_in_dim3A_170 : vector<16xf32>
      %exp3A = math.exp %sub3A : vector<16xf32>
      %get3A_212 = arith.constant 124 : i32
      %get3A_213 = arith.index_cast %get3A_212 : i32 to index
      %get3A_214 = arith.index_cast %add3A_207 : i32 to index
      %get3A_215 = tpu.vector_load %arg10[%get3A_213, %get3A_214] {strides = array<i32>} : memref<125x80xi32, #tpu.memory_space<vmem>>, vector<16xi32>,
      %gather3A = tpu.vector_load_idx %arg18[%get3A_215] : memref<10000xf32, #tpu.memory_space<vmem>>[vector<16xi32>], vector<16xf32>,
      %mul3A_216 = arith.mulf %exp3A, %gather3A : vector<16xf32>
      %swap3A = arith.index_cast %add3A_207 : i32 to index
      %swap3A_217 = tpu.vector_load %arg17[%swap3A] {strides = array<i32>} : memref<80xf32, #tpu.memory_space<vmem>>, vector<16xf32>,
      tpu.vector_store %arg17[%swap3A], %mul3A_216 {strides = array<i32>} : memref<80xf32, #tpu.memory_space<vmem>>, vector<16xf32>,
    }
    %scan3A_191 = arith.constant 5 : i32
    %scan3A_192 = arith.constant 0 : i32
    %scan3A_193 = arith.constant 80 : i32
    %scan3A_194 = arith.addi %scan3A_192, %scan3A_193 : i32
    %scan3A_195 = arith.constant 1 : i32
    scf.for %scan3A_203 = %scan3A_192 to %scan3A_194 step %scan3A_195  : i32 {
      %mul3A_204 = arith.constant 1 : i32
      %mul3A_205 = arith.muli %scan3A_203, %mul3A_204 : i32
      %add3A_206 = arith.constant 0 : i32
      %add3A_207 = arith.addi %add3A_206, %mul3A_205 : i32
      %broadcast_in_dim3A_208 = vector.broadcast %add3A_207 : i32 to vector<16xi32>
      %gather3A = tpu.vector_load_idx %arg17[%broadcast_in_dim3A_208] : memref<80xf32, #tpu.memory_space<vmem>>[vector<16xi32>], vector<16xf32>,
      %get3A_209 = arith.index_cast %add3A_207 : i32 to index
      %get3A_210 = arith.constant 0 : index
      %get3A_211 = tpu.vector_load %arg13[%get3A_209, %get3A_210] {strides = array<i32>} : memref<80x32xf32, #tpu.memory_space<vmem>>, vector<16xf32>,
      %mul3A_212 = arith.mulf %get3A_211, %gather3A : vector<16xf32>
      %swap3A = arith.index_cast %add3A_207 : i32 to index
      %swap3A_213 = arith.constant 0 : index
      %swap3A_214 = tpu.vector_load %arg14[%swap3A, %swap3A_213] {strides = array<i32>} : memref<80x32xf32, #tpu.memory_space<vmem>>, vector<16xf32>,
      tpu.vector_store %arg14[%swap3A, %swap3A_213], %mul3A_212 {strides = array<i32>} : memref<80x32xf32, #tpu.memory_space<vmem>>, vector<16xf32>,
      %get3A_215 = arith.index_cast %add3A_207 : i32 to index
      %get3A_216 = arith.constant 16 : index
      %get3A_217 = tpu.vector_load %arg13[%get3A_215, %get3A_216] {strides = array<i32>} : memref<80x32xf32, #tpu.memory_space<vmem>>, vector<16xf32>,
      %mul3A_218 = arith.mulf %get3A_217, %gather3A : vector<16xf32>
      %swap3A_219 = arith.index_cast %add3A_207 : i32 to index
      %swap3A_220 = arith.constant 16 : index
      %swap3A_221 = tpu.vector_load %arg14[%swap3A_219, %swap3A_220] {strides = array<i32>} : memref<80x32xf32, #tpu.memory_space<vmem>>, vector<16xf32>,
      tpu.vector_store %arg14[%swap3A_219, %swap3A_220], %mul3A_218 {strides = array<i32>} : memref<80x32xf32, #tpu.memory_space<vmem>>, vector<16xf32>,
    }
    %scan3A_196 = arith.constant 80 : i32
    %run_scoped3A = arith.constant 124 : i32
    "tpu.region"() ({
      %run_scoped3A_203 = tpu.sem_alloc : memref<!tpu.dma_semaphore, #tpu.memory_space<semaphore_mem>>
      %dma_start3A_204 = arith.constant 0 : i32
      %dma_start3A_205 = tpu.memref_slice %arg10[%run_scoped3A, %dma_start3A_204] : memref<125x80xi32, #tpu.memory_space<vmem>> -> memref<1x80xi32, #tpu.memory_space<vmem>>
      %dma_start3A_206 = tpu.memref_squeeze %dma_start3A_205 : memref<1x80xi32, #tpu.memory_space<vmem>> -> memref<80xi32, #tpu.memory_space<vmem>>
      %dma_start3A_207 = arith.constant 0 : i32
      %dma_start3A_208 = arith.constant 0 : i32
      %dma_start3A_209 = tpu.memref_slice %arg20[%dma_start3A_207, %dma_start3A_208] : memref<10000x32xf32, #tpu.memory_space<vmem_shared>> -> memref<10000x32xf32, #tpu.memory_space<vmem_shared>>
      tpu.enqueue_indirect_dma source(%arg14 : memref<80x32xf32, #tpu.memory_space<vmem>>) target(%dma_start3A_209 : memref<10000x32xf32, #tpu.memory_space<vmem_shared>>) offsets(%dma_start3A_206 : memref<80xi32, #tpu.memory_space<vmem>>) semaphore(%run_scoped3A_203 : memref<!tpu.dma_semaphore, #tpu.memory_space<semaphore_mem>>) {add = true}
      %dma_wait3A_210 = arith.constant 0 : i32
      %dma_wait3A_211 = tpu.memref_slice %arg10[%run_scoped3A, %dma_wait3A_210] : memref<125x80xi32, #tpu.memory_space<vmem>> -> memref<1x80xi32, #tpu.memory_space<vmem>>
      %dma_wait3A_212 = tpu.memref_squeeze %dma_wait3A_211 : memref<1x80xi32, #tpu.memory_space<vmem>> -> memref<80xi32, #tpu.memory_space<vmem>>
      %dma_wait3A_213 = arith.constant 0 : i32
      %dma_wait3A_214 = arith.constant 0 : i32
      %dma_wait3A_215 = tpu.memref_slice %arg20[%dma_wait3A_213, %dma_wait3A_214] : memref<10000x32xf32, #tpu.memory_space<vmem_shared>> -> memref<10000x32xf32, #tpu.memory_space<vmem_shared>>
      tpu.wait_indirect_dma semaphore(%run_scoped3A_203 : memref<!tpu.dma_semaphore, #tpu.memory_space<semaphore_mem>>) src(%arg14 : memref<80x32xf32, #tpu.memory_space<vmem>>) dst(%dma_wait3A_215 : memref<10000x32xf32, #tpu.memory_space<vmem_shared>>)
      tpu.yield
    }) : () -> ()
    %barrier3A_197 = arith.constant 0 : index
    tpu.barrier barrier_id(%barrier3A_197)
    %eq3A_198 = arith.constant 0 : i32
    %eq3A_199 = arith.cmpi eq, %arg1, %eq3A_198 : i32
    %convert_element_type3A_200 = arith.extui %eq3A_199 : i1 to i32
    %cond3A_201 = arith.constant 0 : i32
    %cond3A_202 = arith.cmpi ne, %convert_element_type3A_200, %cond3A_201 : i32
    scf.if %cond3A_202 {
      "tpu.region"() ({
        %run_scoped3A_203 = tpu.sem_alloc : memref<!tpu.dma_semaphore, #tpu.memory_space<semaphore_mem>>
        %dma_start3A_204 = arith.constant 0 : i32
        %dma_start3A_205 = arith.constant 0 : i32
        %dma_start3A_206 = tpu.memref_slice %arg9[%arg0, %dma_start3A_204, %dma_start3A_205] : memref<2x10000x32xf32, #tpu.memory_space<hbm>> -> memref<1x10000x32xf32, #tpu.memory_space<hbm>>
        %dma_start3A_207 = tpu.memref_squeeze %dma_start3A_206 : memref<1x10000x32xf32, #tpu.memory_space<hbm>> -> memref<10000x32xf32, #tpu.memory_space<hbm>>
        tpu.enqueue_dma source(%arg20 : memref<10000x32xf32, #tpu.memory_space<vmem_shared>>) target(%dma_start3A_207 : memref<10000x32xf32, #tpu.memory_space<hbm>>) target_semaphore(%run_scoped3A_203 : memref<!tpu.dma_semaphore, #tpu.memory_space<semaphore_mem>>)
        %dma_wait3A_208 = arith.constant 0 : i32
        %dma_wait3A_209 = arith.constant 0 : i32
        %dma_wait3A_210 = tpu.memref_slice %arg9[%arg0, %dma_wait3A_208, %dma_wait3A_209] : memref<2x10000x32xf32, #tpu.memory_space<hbm>> -> memref<1x10000x32xf32, #tpu.memory_space<hbm>>
        %dma_wait3A_211 = tpu.memref_squeeze %dma_wait3A_210 : memref<1x10000x32xf32, #tpu.memory_space<hbm>> -> memref<10000x32xf32, #tpu.memory_space<hbm>>
        tpu.wait_dma2 semaphore(%run_scoped3A_203 : memref<!tpu.dma_semaphore, #tpu.memory_space<semaphore_mem>>) src(%arg20 : memref<10000x32xf32, #tpu.memory_space<vmem_shared>>) dst(%dma_wait3A_211 : memref<10000x32xf32, #tpu.memory_space<hbm>>)
        tpu.yield
      }) : () -> ()
    } else {
    }
    return
  }
}

module attributes {stable_mosaic.version = 14 : i64} {
  func.func @body(%arg0: i32, %arg1: memref<1000x128xf32, #tpu.memory_space<vmem>>, %arg2: memref<128x32xf32, #tpu.memory_space<vmem>>, %arg3: memref<128x32xf32, #tpu.memory_space<vmem>>, %arg4: memref<1000x32xf32, #tpu.memory_space<vmem>>, %arg5: memref<1000x32xf32, #tpu.memory_space<vmem>>) attributes {dimension_semantics = [#tpu.dimension_semantics<arbitrary>], iteration_bounds = array<i64: 10>, scalar_prefetch = 0 : i64, scratch_operands = 0 : i64, tpu.core_type = #tpu.core_type<tc>, window_params = [{transform_indices = @transform_0, window_bounds = array<i64: 1000, 128>}, {pipeline_mode = #tpu.pipeline_mode<synchronous>, transform_indices = @transform_1, window_bounds = array<i64: 128, 32>}, {pipeline_mode = #tpu.pipeline_mode<synchronous>, transform_indices = @transform_2, window_bounds = array<i64: 128, 32>}, {transform_indices = @transform_3, window_bounds = array<i64: 1000, 32>}, {transform_indices = @transform_4, window_bounds = array<i64: 1000, 32>}]} {
    %get3A = arith.constant 0 : index
    %get3A_0 = arith.constant 0 : index
    %get3A_1 = vector.load %arg1[%get3A, %get3A_0] : memref<1000x128xf32, #tpu.memory_space<vmem>>, vector<1000x128xf32>
    %get3A_2 = arith.constant 0 : index
    %get3A_3 = arith.constant 0 : index
    %get3A_4 = vector.load %arg2[%get3A_2, %get3A_3] : memref<128x32xf32, #tpu.memory_space<vmem>>, vector<128x32xf32>
    %dot_general3A = arith.constant dense<0.000000e+00> : vector<1000x32xf32>
    %dot_general3A_5 = tpu.matmul %get3A_1, %get3A_4, %dot_general3A {dimension_numbers = #tpu.dot_dimension_numbers<[1], [0], [0], [1], [0, 0, 1, 1], [], []>, transpose_lhs_hint = false} : vector<1000x128xf32>, vector<128x32xf32>, vector<1000x32xf32> -> vector<1000x32xf32>
    %swap3A = arith.constant 0 : index
    %swap3A_6 = arith.constant 0 : index
    %swap3A_7 = vector.load %arg4[%swap3A, %swap3A_6] : memref<1000x32xf32, #tpu.memory_space<vmem>>, vector<1000x32xf32>
    tpu.vector_store %arg4[%swap3A, %swap3A_6], %dot_general3A_5 {strides = array<i32>} : memref<1000x32xf32, #tpu.memory_space<vmem>>, vector<1000x32xf32>,
    %get3A_8 = arith.constant 0 : index
    %get3A_9 = arith.constant 0 : index
    %get3A_10 = vector.load %arg1[%get3A_8, %get3A_9] : memref<1000x128xf32, #tpu.memory_space<vmem>>, vector<1000x128xf32>
    %get3A_11 = arith.constant 0 : index
    %get3A_12 = arith.constant 0 : index
    %get3A_13 = vector.load %arg3[%get3A_11, %get3A_12] : memref<128x32xf32, #tpu.memory_space<vmem>>, vector<128x32xf32>
    %dot_general3A_14 = arith.constant dense<0.000000e+00> : vector<1000x32xf32>
    %dot_general3A_15 = tpu.matmul %get3A_10, %get3A_13, %dot_general3A_14 {dimension_numbers = #tpu.dot_dimension_numbers<[1], [0], [0], [1], [0, 0, 1, 1], [], []>, transpose_lhs_hint = false} : vector<1000x128xf32>, vector<128x32xf32>, vector<1000x32xf32> -> vector<1000x32xf32>
    %swap3A_16 = arith.constant 0 : index
    %swap3A_17 = arith.constant 0 : index
    %swap3A_18 = vector.load %arg5[%swap3A_16, %swap3A_17] : memref<1000x32xf32, #tpu.memory_space<vmem>>, vector<1000x32xf32>
    tpu.vector_store %arg5[%swap3A_16, %swap3A_17], %dot_general3A_15 {strides = array<i32>} : memref<1000x32xf32, #tpu.memory_space<vmem>>, vector<1000x32xf32>,
    return
  }
  func.func @transform_0(%arg0: i32) -> (i32, i32) {
    %c0_i32 = arith.constant 0 : i32
    %c0_i32_0 = arith.constant 0 : i32
    return %arg0, %c0_i32 : i32, i32
  }
  func.func @transform_1(%arg0: i32) -> (i32, i32) {
    %c0_i32 = arith.constant 0 : i32
    %c0_i32_0 = arith.constant 0 : i32
    %c0_i32_1 = arith.constant 0 : i32
    return %c0_i32, %c0_i32_0 : i32, i32
  }
  func.func @transform_2(%arg0: i32) -> (i32, i32) {
    %c0_i32 = arith.constant 0 : i32
    %c0_i32_0 = arith.constant 0 : i32
    %c0_i32_1 = arith.constant 0 : i32
    return %c0_i32, %c0_i32_0 : i32, i32
  }
  func.func @transform_3(%arg0: i32) -> (i32, i32) {
    %c0_i32 = arith.constant 0 : i32
    %c0_i32_0 = arith.constant 0 : i32
    return %arg0, %c0_i32 : i32, i32
  }
  func.func @transform_4(%arg0: i32) -> (i32, i32) {
    %c0_i32 = arith.constant 0 : i32
    %c0_i32_0 = arith.constant 0 : i32
    return %arg0, %c0_i32 : i32, i32
  }
}

module attributes {stable_mosaic.version = 14 : i64} {
  func.func @body(%arg0: memref<32x10000xf32, #tpu.memory_space<vmem>>, %arg1: memref<32x16xf32, #tpu.memory_space<vmem>>, %arg2: memref<1x10000xf32, #tpu.memory_space<vmem>>) attributes {dimension_semantics = [], scalar_prefetch = 0 : i64, scratch_operands = 0 : i64, tpu.core_type = #tpu.core_type<tc>} {
    %get3A = arith.constant 0 : index
    %get3A_0 = arith.constant 0 : index
    %get3A_1 = vector.load %arg1[%get3A, %get3A_0] : memref<32x16xf32, #tpu.memory_space<vmem>>, vector<32x16xf32>
    %reduce_max3A = arith.constant dense<0xFF800000> : vector<32xf32>
    %reduce_max3A_2 = vector.multi_reduction <maximumf>, %get3A_1, %reduce_max3A [1] : vector<32x16xf32> to vector<32xf32>
    %broadcast_in_dim3A = vector.shape_cast %reduce_max3A_2 : vector<32xf32> to vector<32x1xf32>
    %reduce_max3A_3 = vector.shape_cast %broadcast_in_dim3A : vector<32x1xf32> to vector<1x32x1xf32>
    %reduce_max3A_4 = arith.constant dense<0xFF800000> : vector<1xf32>
    %reduce_max3A_5 = vector.multi_reduction <maximumf>, %reduce_max3A_3, %reduce_max3A_4 [1, 2] : vector<1x32x1xf32> to vector<1xf32>
    %reduce_max3A_6 = vector.shape_cast %reduce_max3A_5 : vector<1xf32> to vector<1x1x1xf32>
    %reduce_max3A_7 = vector.extract %reduce_max3A_6[0, 0, 0] : f32 from vector<1x1x1xf32>
    %sub3A = vector.broadcast %reduce_max3A_7 : f32 to vector<32x1xf32>
    %sub3A_8 = arith.subf %broadcast_in_dim3A, %sub3A : vector<32x1xf32>
    %exp3A = math.exp %sub3A_8 : vector<32x1xf32>
    %get3A_9 = arith.constant 0 : index
    %get3A_10 = arith.constant 0 : index
    %get3A_11 = vector.load %arg0[%get3A_9, %get3A_10] : memref<32x10000xf32, #tpu.memory_space<vmem>>, vector<32x10000xf32>
    %mul3A = vector.broadcast %exp3A : vector<32x1xf32> to vector<32x10000xf32>
    %mul3A_12 = arith.mulf %get3A_11, %mul3A : vector<32x10000xf32>
    %reduce_sum3A = arith.constant dense<0.000000e+00> : vector<10000xf32>
    %reduce_sum3A_13 = vector.multi_reduction <add>, %mul3A_12, %reduce_sum3A [0] : vector<32x10000xf32> to vector<10000xf32>
    %broadcast_in_dim3A_14 = vector.shape_cast %reduce_sum3A_13 : vector<10000xf32> to vector<1x10000xf32>
    %max3A = arith.constant 1.000000e-16 : f32
    %max3A_15 = vector.broadcast %max3A : f32 to vector<1x10000xf32>
    %max3A_16 = arith.maximumf %broadcast_in_dim3A_14, %max3A_15 : vector<1x10000xf32>
    %div3A = arith.constant 1.000000e+00 : f32
    %div3A_17 = vector.broadcast %div3A : f32 to vector<1x10000xf32>
    %div3A_18 = arith.divf %div3A_17, %max3A_16 : vector<1x10000xf32>
    %swap3A = arith.constant 0 : index
    %swap3A_19 = arith.constant 0 : index
    %swap3A_20 = vector.load %arg2[%swap3A, %swap3A_19] : memref<1x10000xf32, #tpu.memory_space<vmem>>, vector<1x10000xf32>
    tpu.vector_store %arg2[%swap3A, %swap3A_19], %div3A_18 {strides = array<i32>} : memref<1x10000xf32, #tpu.memory_space<vmem>>, vector<1x10000xf32>,
    return
  }
}

module attributes {stable_mosaic.version = 14 : i64} {
  func.func @body(%arg0: memref<2x10000x32xf32, #tpu.memory_space<vmem>>, %arg1: memref<32x16xf32, #tpu.memory_space<vmem>>, %arg2: memref<10000x16xf32, #tpu.memory_space<vmem>>) attributes {dimension_semantics = [], scalar_prefetch = 0 : i64, scratch_operands = 0 : i64, tpu.core_type = #tpu.core_type<tc>} {
    %get3A = arith.constant 0 : index
    %get3A_0 = arith.constant 0 : index
    %get3A_1 = arith.constant 0 : index
    %get3A_2 = vector.load %arg0[%get3A, %get3A_0, %get3A_1] : memref<2x10000x32xf32, #tpu.memory_space<vmem>>, vector<1x10000x32xf32>
    %get3A_3 = vector.shape_cast %get3A_2 : vector<1x10000x32xf32> to vector<10000x32xf32>
    %get3A_4 = arith.constant 1 : index
    %get3A_5 = arith.constant 0 : index
    %get3A_6 = arith.constant 0 : index
    %get3A_7 = vector.load %arg0[%get3A_4, %get3A_5, %get3A_6] : memref<2x10000x32xf32, #tpu.memory_space<vmem>>, vector<1x10000x32xf32>
    %get3A_8 = vector.shape_cast %get3A_7 : vector<1x10000x32xf32> to vector<10000x32xf32>
    %add3A = arith.addf %get3A_3, %get3A_8 : vector<10000x32xf32>
    %max3A = arith.constant 0.000000e+00 : f32
    %max3A_9 = vector.broadcast %max3A : f32 to vector<10000x32xf32>
    %max3A_10 = arith.maximumf %add3A, %max3A_9 : vector<10000x32xf32>
    %get3A_11 = arith.constant 0 : index
    %get3A_12 = arith.constant 0 : index
    %get3A_13 = vector.load %arg1[%get3A_11, %get3A_12] : memref<32x16xf32, #tpu.memory_space<vmem>>, vector<32x16xf32>
    %dot_general3A = arith.constant dense<0.000000e+00> : vector<10000x16xf32>
    %dot_general3A_14 = tpu.matmul %max3A_10, %get3A_13, %dot_general3A {dimension_numbers = #tpu.dot_dimension_numbers<[1], [0], [0], [1], [0, 0, 1, 1], [], []>, transpose_lhs_hint = false} : vector<10000x32xf32>, vector<32x16xf32>, vector<10000x16xf32> -> vector<10000x16xf32>
    %swap3A = arith.constant 0 : index
    %swap3A_15 = arith.constant 0 : index
    %swap3A_16 = vector.load %arg2[%swap3A, %swap3A_15] : memref<10000x16xf32, #tpu.memory_space<vmem>>, vector<10000x16xf32>
    tpu.vector_store %arg2[%swap3A, %swap3A_15], %dot_general3A_14 {strides = array<i32>} : memref<10000x16xf32, #tpu.memory_space<vmem>>, vector<10000x16xf32>,
    return
  }
}

module attributes {stable_mosaic.version = 14 : i64} {
  func.func @body(%arg0: memref<2x10000x16xf32, #tpu.memory_space<vmem>>, %arg1: memref<10000x16xf32, #tpu.memory_space<vmem>>, %arg2: memref<10000x1xf32, #tpu.memory_space<vmem>>, %arg3: memref<10000x16xf32, #tpu.memory_space<vmem>>, %arg4: memref<1x1xf32, #tpu.memory_space<vmem>>) attributes {dimension_semantics = [], scalar_prefetch = 0 : i64, scratch_operands = 0 : i64, tpu.core_type = #tpu.core_type<tc>} {
    %get3A = arith.constant 0 : index
    %get3A_0 = arith.constant 0 : index
    %get3A_1 = arith.constant 0 : index
    %get3A_2 = vector.load %arg0[%get3A, %get3A_0, %get3A_1] : memref<2x10000x16xf32, #tpu.memory_space<vmem>>, vector<1x10000x16xf32>
    %get3A_3 = vector.shape_cast %get3A_2 : vector<1x10000x16xf32> to vector<10000x16xf32>
    %get3A_4 = arith.constant 1 : index
    %get3A_5 = arith.constant 0 : index
    %get3A_6 = arith.constant 0 : index
    %get3A_7 = vector.load %arg0[%get3A_4, %get3A_5, %get3A_6] : memref<2x10000x16xf32, #tpu.memory_space<vmem>>, vector<1x10000x16xf32>
    %get3A_8 = vector.shape_cast %get3A_7 : vector<1x10000x16xf32> to vector<10000x16xf32>
    %add3A = arith.addf %get3A_3, %get3A_8 : vector<10000x16xf32>
    %reduce_max3A = arith.constant dense<0xFF800000> : vector<10000xf32>
    %reduce_max3A_9 = vector.multi_reduction <maximumf>, %add3A, %reduce_max3A [1] : vector<10000x16xf32> to vector<10000xf32>
    %broadcast_in_dim3A = vector.shape_cast %reduce_max3A_9 : vector<10000xf32> to vector<10000x1xf32>
    %sub3A = vector.broadcast %broadcast_in_dim3A : vector<10000x1xf32> to vector<10000x16xf32>
    %sub3A_10 = arith.subf %add3A, %sub3A : vector<10000x16xf32>
    %exp3A = math.exp %sub3A_10 : vector<10000x16xf32>
    %reduce_sum3A = arith.constant dense<0.000000e+00> : vector<10000xf32>
    %reduce_sum3A_11 = vector.multi_reduction <add>, %exp3A, %reduce_sum3A [1] : vector<10000x16xf32> to vector<10000xf32>
    %broadcast_in_dim3A_12 = vector.shape_cast %reduce_sum3A_11 : vector<10000xf32> to vector<10000x1xf32>
    %div3A = vector.broadcast %broadcast_in_dim3A_12 : vector<10000x1xf32> to vector<10000x16xf32>
    %div3A_13 = arith.divf %exp3A, %div3A : vector<10000x16xf32>
    %swap3A = arith.constant 0 : index
    %swap3A_14 = arith.constant 0 : index
    %swap3A_15 = vector.load %arg3[%swap3A, %swap3A_14] : memref<10000x16xf32, #tpu.memory_space<vmem>>, vector<10000x16xf32>
    tpu.vector_store %arg3[%swap3A, %swap3A_14], %div3A_13 {strides = array<i32>} : memref<10000x16xf32, #tpu.memory_space<vmem>>, vector<10000x16xf32>,
    %iota3A = tpu.iota {dimensions = array<i32: 1>} : vector<10000x16xi32>
    %eq3A = vector.broadcast %broadcast_in_dim3A : vector<10000x1xf32> to vector<10000x16xf32>
    %eq3A_16 = arith.cmpf oeq, %add3A, %eq3A : vector<10000x16xf32>
    %jit3A = arith.constant 16 : i32
    %broadcast_in_dim3A_17 = vector.broadcast %jit3A : i32 to vector<10000x16xi32>
    %select_n3A = arith.select %eq3A_16, %iota3A, %broadcast_in_dim3A_17 : vector<10000x16xi1>, vector<10000x16xi32>
    %reduce_min3A = arith.constant dense<2147483647> : vector<10000xi32>
    %reduce_min3A_18 = vector.multi_reduction <minsi>, %select_n3A, %reduce_min3A [1] : vector<10000x16xi32> to vector<10000xi32>
    %broadcast_in_dim3A_19 = vector.shape_cast %reduce_min3A_18 : vector<10000xi32> to vector<10000x1xi32>
    %get3A_20 = arith.constant 0 : index
    %get3A_21 = arith.constant 0 : index
    %get3A_22 = vector.load %arg1[%get3A_20, %get3A_21] : memref<10000x16xf32, #tpu.memory_space<vmem>>, vector<10000x16xf32>
    %reduce_max3A_23 = arith.constant dense<0xFF800000> : vector<10000xf32>
    %reduce_max3A_24 = vector.multi_reduction <maximumf>, %get3A_22, %reduce_max3A_23 [1] : vector<10000x16xf32> to vector<10000xf32>
    %broadcast_in_dim3A_25 = vector.shape_cast %reduce_max3A_24 : vector<10000xf32> to vector<10000x1xf32>
    %eq3A_26 = vector.broadcast %broadcast_in_dim3A_25 : vector<10000x1xf32> to vector<10000x16xf32>
    %eq3A_27 = arith.cmpf oeq, %get3A_22, %eq3A_26 : vector<10000x16xf32>
    %jit3A_28 = arith.constant 16 : i32
    %broadcast_in_dim3A_29 = vector.broadcast %jit3A_28 : i32 to vector<10000x16xi32>
    %select_n3A_30 = arith.select %eq3A_27, %iota3A, %broadcast_in_dim3A_29 : vector<10000x16xi1>, vector<10000x16xi32>
    %reduce_min3A_31 = arith.constant dense<2147483647> : vector<10000xi32>
    %reduce_min3A_32 = vector.multi_reduction <minsi>, %select_n3A_30, %reduce_min3A_31 [1] : vector<10000x16xi32> to vector<10000xi32>
    %broadcast_in_dim3A_33 = vector.shape_cast %reduce_min3A_32 : vector<10000xi32> to vector<10000x1xi32>
    %eq3A_34 = arith.cmpi eq, %broadcast_in_dim3A_19, %broadcast_in_dim3A_33 : vector<10000x1xi32>
    %convert_element_type3A = arith.extui %eq3A_34 : vector<10000x1xi1> to vector<10000x1xi32>
    %convert_element_type3A_35 = arith.sitofp %convert_element_type3A : vector<10000x1xi32> to vector<10000x1xf32>
    %get3A_36 = arith.constant 0 : index
    %get3A_37 = arith.constant 0 : index
    %get3A_38 = vector.load %arg2[%get3A_36, %get3A_37] : memref<10000x1xf32, #tpu.memory_space<vmem>>, vector<10000x1xf32>
    %reduce_sum3A_39 = vector.shape_cast %get3A_38 : vector<10000x1xf32> to vector<1x10000x1xf32>
    %reduce_sum3A_40 = arith.constant dense<0.000000e+00> : vector<1xf32>
    %reduce_sum3A_41 = vector.multi_reduction <add>, %reduce_sum3A_39, %reduce_sum3A_40 [1, 2] : vector<1x10000x1xf32> to vector<1xf32>
    %reduce_sum3A_42 = vector.shape_cast %reduce_sum3A_41 : vector<1xf32> to vector<1x1x1xf32>
    %reduce_sum3A_43 = vector.extract %reduce_sum3A_42[0, 0, 0] : f32 from vector<1x1x1xf32>
    %div3A_44 = arith.constant 1.000000e+04 : f32
    %div3A_45 = arith.divf %reduce_sum3A_43, %div3A_44 : f32
    %mul3A = arith.mulf %convert_element_type3A_35, %get3A_38 : vector<10000x1xf32>
    %reduce_sum3A_46 = vector.shape_cast %mul3A : vector<10000x1xf32> to vector<1x10000x1xf32>
    %reduce_sum3A_47 = arith.constant dense<0.000000e+00> : vector<1xf32>
    %reduce_sum3A_48 = vector.multi_reduction <add>, %reduce_sum3A_46, %reduce_sum3A_47 [1, 2] : vector<1x10000x1xf32> to vector<1xf32>
    %reduce_sum3A_49 = vector.shape_cast %reduce_sum3A_48 : vector<1xf32> to vector<1x1x1xf32>
    %reduce_sum3A_50 = vector.extract %reduce_sum3A_49[0, 0, 0] : f32 from vector<1x1x1xf32>
    %max3A = arith.constant 1.000000e-16 : f32
    %max3A_51 = arith.maximumf %div3A_45, %max3A : f32
    %mul3A_52 = arith.constant 1.000000e+04 : f32
    %mul3A_53 = arith.mulf %mul3A_52, %max3A_51 : f32
    %div3A_54 = arith.divf %reduce_sum3A_50, %mul3A_53 : f32
    %reshape3A = vector.broadcast %div3A_54 : f32 to vector<1x1xf32>
    %swap3A_55 = arith.constant 0 : index
    %swap3A_56 = arith.constant 0 : index
    %swap3A_57 = vector.load %arg4[%swap3A_55, %swap3A_56] : memref<1x1xf32, #tpu.memory_space<vmem>>, vector<1x1xf32>
    tpu.vector_store %arg4[%swap3A_55, %swap3A_56], %reshape3A {strides = array<i32>} : memref<1x1xf32, #tpu.memory_space<vmem>>, vector<1x1xf32>,
    return
  }
}

</mosaic_0001>

<sc_bundles>
// kernel: kernel.12.cloned.1.call-start
scs
__scs_entry_jumppad:
0x0: {  	(pc) =	sbr.rel $0x88, $3  }
0x1: {  	(tag) =	ssettag $0x0;
	lr =	simm.s32 $0x1  }
0x2: {  	[smem:$0x3F99] =	sst lr;
	_ =	strace $0xD0000000  }
0x3: {  	_ = 	snop  }
0x4: {  	_ = 	snop  }
0x5: {  	_ = 	snop  }
0x6: {  	_ = 	snop  }
0x7: {  	_ = 	snop  }
__scs_overlays_trampoline_lowered:
0x8: {  	[smem:$0x3FA8] =	sst s0  }
0x9: {  	[smem:$0x3FA9] =	sst s1  }
0xa: {  	[smem:$0x3FAA] =	sst s2  }
0xb: {  	[smem:$0x3FAB] =	sst s3  }
0xc: {  	[smem:$0x3FAC] =	sst s4  }
0xd: {  	[smem:$0x3FAD] =	sst s5  }
0xe: {  	[smem:$0x3FAE] =	sst s6  }
0xf: {  	[smem:$0x3FAF] =	sst s7  }
0x10: {  	[smem:$0x3FB0] =	sst s8  }
0x11: {  	[smem:$0x3FB1] =	sst s9;
	s0 =	simm.s32 @!p0 $0x0  }
0x12: {  	s1 =	sld [smem:$0x3F97];
	s0 =	simm.s32 @p0 $0x1  }
0x13: {  	[smem:$0x3FB2] =	sst s0;
	s0 =	simm.s32 @!p1 $0x0  }
0x14: {  	s2 =	sld [smem:$0x3F96];
	s0 =	simm.s32 @p1 $0x1  }
0x15: {  	[smem:$0x3FB3] =	sst s0;
	s0 =	simm.s32 @!p2 $0x0  }
0x16: {  	s3 =	sld [smem:$0x3FDB];
	s0 =	simm.s32 @p2 $0x1  }
0x17: {  	s4 =	simm.s32 $0x1BF5;
	[smem:$0x3FB5] =	sst s0  }
0x18: {  	s0 =	sld [smem:$0x3F98];
	_ =	swait.ge [sflag:s4], $0x0  }
0x19: {  	s7 =	sld [smem:$0x3F99]  }
0x1a: {  	s8 =	sadd.s32 $0xFFFFE003, lr  }
0x1b: {  	s9 =	sadd.s32 $0xFFFFFEF7, lr;
	s5 =	simm.s32 $0xFFFFFFFF;
	p2 =	slt.u32 s8, $0xFFFFF086  }
0x1c: {  	p1 =	slt.u32 s9, $0xF7A;
	s5 =	simm.s32 @!p2 $0x0  }
0x1d: {  	s5 =	simm.s32 @p1 $0x1;
	p0 =	seq.s32 s7, s2  }
0x1e: {  	s7 =	smul.u32 @!p0 $0xF7A, s2;
	p2 =	seq.s32 @!p0 s5, $0x0  }
0x1f: {  	s9 =	smul.u32 $0xF7A, s1;
	s8 =	simm.s32 @!p0 $0x1BF5;
	p2 =	por !p2, p0  }
0x20: {  	[sflag:s8] =	ssyncset.s32 @!p0 $0xFFFFF086;
	s6 =	sadd.s32 @!p0 s3, s7;
	s7 =	simm.s32 @!p0 $0x108  }
0x21: {  	s3 =	sadd.s32 s3, s9;
	s6 =	sadd.s32 @!p0 $0x88, s6;
	s7 =	simm.s32 @p2 $0x1082  }
0x22: {  	[simem:s7], [sflag:s8] =	dma.local @!p0 [hbm:s6], $0xF7A  }
0x23: {  	s9 =	sor.u32 $0xD0000000, s2;
	s6 =	simm.s32 $0x108;
	_ =	swait.ge @!p0 [sflag:s8], $0x0  }
0x24: {  	s3 =	sadd.s32 $0x88, s3;
	s6 =	simm.s32 @!p1 $0x1082;
	[sflag:s4] =	ssyncset.s32 $0xFFFFF086  }
0x25: {  	[simem:s6], [sflag:s4] =	dma.local [hbm:s3], $0xF7A  }
0x26: {  	[smem:$0x3F99] =	sst s1;
	(tag) =	ssettag s2;
	_ =	strace s9  }
0x27: {  	s1 =	sld [smem:$0x3FA9]  }
0x28: {  	s2 =	sld [smem:$0x3FAA]  }
0x29: {  	s4 =	sld [smem:$0x3FAC]  }
0x2a: {  	p0 =	seq.s32 s5, $0x0;
	s5 =	sld [smem:$0x3FAD]  }
0x2b: {  	s6 =	sld [smem:$0x3FAE]  }
0x2c: {  	s7 =	sld [smem:$0x3FAF]  }
0x2d: {  	s3 =	simm.s32 $0x108;
	s8 =	sld [smem:$0x3FB0]  }
0x2e: {  	s3 =	simm.s32 @!p0 $0x1082;
	s9 =	sld [smem:$0x3FB1]  }
0x2f: {  	lr =	sadd.s32 s0, s3;
	s0 =	sld [smem:$0x3FA8]  }
0x30: {  	s3 =	sld [smem:$0x3FAB]  }
0x31: {  	[smem:$0x3FB4] =	sst s10  }
0x32: {  	s10 =	sld [smem:$0x3FB2];
	_ =	sdelay $0x3  }
0x33: {  	p0 =	seq.s32 s10, $0x1;
	s10 =	sld [smem:$0x3FB4];
	_ =	sdelay $0x3  }
0x34: {  	[smem:$0x3FB4] =	sst s10  }
0x35: {  	s10 =	sld [smem:$0x3FB3];
	_ =	sdelay $0x3  }
0x36: {  	p1 =	seq.s32 s10, $0x1;
	s10 =	sld [smem:$0x3FB4];
	_ =	sdelay $0x3  }
0x37: {  	[smem:$0x3FB4] =	sst s10  }
0x38: {  	s10 =	sld [smem:$0x3FB5]  }
0x39: {  	_ = 	snop;
	(pc) =	sbr.ind lr, $3  }
0x3a: {  	_ = 	snop  }
0x3b: {  	_ = 	snop  }
0x3c: {  	p2 =	seq.s32 s10, $0x1;
	s10 =	sld [smem:$0x3FB4]  }
0x3d: {  	_ =	shalt  }
0x3e: {  	_ =	shalt  }
0x3f: {  	_ =	shalt  }
0x40: {  	_ =	shalt  }
0x41: {  	_ =	shalt  }
0x42: {  	_ =	shalt  }
0x43: {  	_ =	shalt  }
0x44: {  	_ =	shalt  }
0x45: {  	_ =	shalt  }
0x46: {  	_ =	shalt  }
0x47: {  	_ =	shalt  }
0x48: {  	_ =	shalt  }
0x49: {  	_ =	shalt  }
0x4a: {  	_ =	shalt  }
0x4b: {  	_ =	shalt  }
0x4c: {  	_ =	shalt  }
0x4d: {  	_ =	shalt  }
0x4e: {  	_ =	shalt  }
0x4f: {  	_ =	shalt  }
0x50: {  	_ =	shalt  }
0x51: {  	_ =	shalt  }
0x52: {  	_ =	shalt  }
0x53: {  	_ =	shalt  }
0x54: {  	_ =	shalt  }
0x55: {  	_ =	shalt  }
0x56: {  	_ =	shalt  }
0x57: {  	_ =	shalt  }
0x58: {  	_ =	shalt  }
0x59: {  	_ =	shalt  }
0x5a: {  	_ =	shalt  }
0x5b: {  	_ =	shalt  }
0x5c: {  	_ =	shalt  }
0x5d: {  	_ =	shalt  }
0x5e: {  	_ =	shalt  }
0x5f: {  	_ =	shalt  }
0x60: {  	_ =	shalt  }
0x61: {  	_ =	shalt  }
0x62: {  	_ =	shalt  }
0x63: {  	_ =	shalt  }
0x64: {  	_ =	shalt  }
0x65: {  	_ =	shalt  }
0x66: {  	_ =	shalt  }
0x67: {  	_ =	shalt  }
0x68: {  	_ =	shalt  }
0x69: {  	_ =	shalt  }
0x6a: {  	_ =	shalt  }
0x6b: {  	_ =	shalt  }
0x6c: {  	_ =	shalt  }
0x6d: {  	_ =	shalt  }
0x6e: {  	_ =	shalt  }
0x6f: {  	_ =	shalt  }
0x70: {  	_ =	shalt  }
0x71: {  	_ =	shalt  }
0x72: {  	_ =	shalt  }
0x73: {  	_ =	shalt  }
0x74: {  	_ =	shalt  }
0x75: {  	_ =	shalt  }
0x76: {  	_ =	shalt  }
0x77: {  	_ =	shalt  }
0x78: {  	_ =	shalt  }
0x79: {  	_ =	shalt  }
0x7a: {  	_ =	shalt  }
0x7b: {  	_ =	shalt  }
0x7c: {  	_ =	shalt  }
0x7d: {  	_ =	shalt  }
0x7e: {  	_ =	shalt  }
0x7f: {  	_ =	shalt  }
0x80: {  	_ =	shalt  }
0x81: {  	_ =	shalt  }
0x82: {  	_ =	shalt  }
0x83: {  	_ =	shalt  }
0x84: {  	_ =	shalt  }
0x85: {  	_ =	shalt  }
0x86: {  	_ =	shalt  }
0x87: {  	_ =	shalt  }
.Lfunc_end0:
.L_simem_size_0:
called_computation.1_lowered:
.L_overlay_start_0:
0x88: {  	s2 =	sld [smem:$0x3FD9]  }
0x89: {  	s3 =	sld [smem:$0x3FFE];
	_ =	sdelay $0x1  }
0x8a: {  	s1 =	srdreg.scid  }
0x8b: {  	s0 =	sand.u32 $0x1, s1  }
0x8c: {  	s16 =	sshll.u32 s0, $0xA;
	s2 =	sadd.s32 s3, s2  }
0x8d: {  	s2 =	sadd.s32 s2, s16  }
0x8e: {  	[smem:$0x3FC0] =	sst s2  }
0x8f: {  	_ = 	snop  }
0x90: {  	(tm) =	ssettm $0x1  }
0x91: {  	s17 =	sld [smem:$0x3FFB];
	_ =	sdelay $0x3  }
0x92: {  	_ =	strace s17  }
0x93: {  	s2 =	sld [smem:$0x3FFC];
	_ =	sdelay $0x3  }
0x94: {  	_ =	strace s2  }
0x95: {  	s2 =	sld [smem:$0x3FFD];
	_ =	sdelay $0x3  }
0x96: {  	_ =	strace s2  }
0x97: {  	_ =	strace $0x8FFFFFFF  }
0x98: {  	s18 =	sld [smem:$0x3FDB];
	_ =	sdelay $0x1  }
0x99: {  	s19 =	simm.s32 $_scs_section_size  }
0x9a: {  	s4 =	simm.s32 $_size__tile_overlayer_lowered;
	s5 =	simm.s32 $_tile_overlayer_lowered  }
0x9b: {  	s22 =	simm.s32 $0x1BFF;
	s21 =	sshll.u32 s5, $0x1;
	s2 =	sadd.s32 s19, s18  }
0x9c: {  	s6 =	simm.s32 $0x0;
	s20 =	sshll.u32 s4, $0x1;
	s4 =	sadd.s32 s21, s2  }
0x9d: {  	[timem:s6], [sflag:s22] =	dma.local [hbm:s4], s20  }
0x9e: {  	_ =	swait.ge [sflag:s22], s20  }
0x9f: {  	s3 =	ssub.s32 $0x0, s20;
	[sflag:s22] =	ssyncset.done $0x0  }
0xa0: {  	[sflag:s22] =	ssyncadd.s32 s3;
	_ =	sdelay $0x1  }
0xa1: {  	s23 =	simm.s32 $0x1B8B  }
0xa2: {  	_ =	swait.ge [sflag:s23], $0x1  }
0xa3: {  	[sflag:s23] =	ssyncset.done $0x0  }
0xa4: {  	s25 =	simm.s32 $0x1B8E;
	s24 =	sld [smem:$0x3FFE];
	[sflag:s23] =	ssyncadd.s32 $0xFFFFFFFF  }
0xa5: {  	s26 =	simm.s32 $execute0_lowered;
	[smem:$0x3FD2] =	sst s25  }
0xa6: {  	s4 =	sshll.u32 s26, $0x1;
	_ =	strace $0x80000049;
	[dreg:$0x1] =	wrdreg $0xFFFFFFFF  }
0xa7: {  	s28 =	simm.s32 $_size_execute0_lowered;
	s2 =	sadd.s32 s2, s4;
	[dreg:$0x0] =	wrdreg $0x0  }
0xa8: {  	s4 =	sshll.u32 s28, $0x1;
	[dreg:$0x2] =	wrdreg s2  }
0xa9: {  	[dreg:$0x3] =	wrdreg s4  }
0xaa: {  	[dreg:$0x4] =	wrdreg $0xC0  }
0xab: {  	_ =	task [dreg:s6], $0x5FFFF  }
0xac: {  	[dreg:$0x1] =	wrdreg $0xFFFFFFFF  }
0xad: {  	[dreg:$0x0] =	wrdreg $0x60  }
0xae: {  	[dreg:$0x2] =	wrdreg s24  }
0xaf: {  	[dreg:$0x3] =	wrdreg $0xC6900  }
0xb0: {  	[dreg:$0x4] =	wrdreg $0x114B00  }
0xb1: {  	[dreg:$0x5] =	wrdreg $0x9  }
0xb2: {  	_ =	task.clear_ibuf [dreg:s6], $0x6FFFF;
	_ =	strace $0x90000049  }
0xb3: {  	s29 =	simm.s32 $0x9;
	_ =	strace $0x8000004B  }
0xb4: {  	_ =	swait.ge [sflag:s29], $0x1  }
0xb5: {  	[sflag:s29] =	ssyncadd.s32 $0xFFFFFFFF  }
0xb6: {  	_ =	strace $0x9000004B  }
0xb7: {  	_ =	sfence  }
0xb8: {  	s30 =	sld [smem:$0x0];
	_ =	sdelay $0x2  }
0xb9: {  	s31 =	sshll.u32 s1, $0xD;
	s1 =	sshrl.u32 s1, $0x2  }
0xba: {  	s3 =	sand.u32 $0x4000, s31;
	s1 =	sadd.s32 s1, s30  }
0xbb: {  	s0 =	sor.u32 s3, s0;
	s1 =	sshll.u32 s1, $0x11  }
0xbc: {  	s0 =	sor.u32 s1, s0  }
0xbd: {  	s0 =	sadd.s32 $0x8F2B, s0  }
0xbe: {  	[sflag:s0] =	ssyncadd.remote.s32 $0x1  }
0xbf: {  	_ =	sfence.sel $0xFFFF  }
0xc0: {  	[dreg:$0x0] =	wrdreg $0xFFFFFFFF;
	(pc) =	sbr.abs _section_cstart, $3  }
0xc1: {  	[dreg:$0x1] =	wrdreg $0xFFFFFFFF  }
0xc2: {  	_ =	task.clear_ibuf [dreg:s6], $0x2FFFF;
	_ =	strace $0x9FFFFFFF  }
0xc3: {  	(tm) =	ssettm $0x7FFFFFFF  }
tec
execute0_lowered:
.L_overlay_start_1:
0x0: {  	(tag) =	ssettag $0x1  }
0x1: {  	s0 =	rddreg [dreg:$0x0]  }
0x2: {  	s2 =	srdreg.scid;
	s6 =	stileid.u32  }
0x3: {  	s1 =	rddreg [dreg:$0x1];
	s15 =	simm.s32 $0x3;
	s16 =	simm.s32 $0x2710  }
0x4: {  	s17 =	simm.s32 $0x4E20;
	s18 =	simm.s32 $0x9D80;
	s19 =	simm.s32 $0xC490  }
0x5: {  	s20 =	simm.s32 $0x50;
	s21 =	simm.s32 $0x7530;
	s22 =	simm.s32 $0x8930  }
0x6: {  	s23 =	simm.s32 $0x1;
	s24 =	simm.s32 $0x9D30;
	s25 =	simm.s32 $0x7F30  }
0x7: {  	s28 =	simm.s32 $0x9330;
	s29 =	simm.s32 $0x26C0;
	s31 =	simm.s32 $0x0  }
0x8: {  	s5 =	sand.u32 $0x1, s2;
	s3 =	sshll.u32 s6, $0x1;
	s2 =	rddreg [dreg:$0x2]  }
0x9: {  	s10 =	sadd.s32 $0x32A00, s0;
	s11 =	sadd.s32 $0x15400, s0;
	p0 =	seq.s32 s6, $0x1  }
0xa: {  	p1 =	sne.s32 s6, $0x0;
	s4 =	sor.u32 s5, s3;
	s3 =	simm.s32 $0x0  }
0xb: {  	s8 =	smul.u32 $0x9C40, s5;
	s9 =	ssub.s32 $0x2, s5;
	[smem:$0x7FF] =	sst s3  }
0xc: {  	s30 =	sshrl.u32 s2, $0x3;
	_ =	strace $0x8000004A;
	[dreg:$0x4] =	wrdreg s10  }
0xd: {  	s4 =	smul.u32 $0x4E2, s4;
	s26 =	sshrl.u32 s9, $0x1;
	[dreg:$0x5] =	wrdreg s11  }
0xe: {  	s5 =	sadd.s32 $0x14E00, s0;
	s12 =	ssub.s32 s9, s26;
	[dreg:$0x6] =	wrdreg s30  }
0xf: {  	s26 =	simm.s32 $0x2;
	s7 =	sadd.s32 s4, s0;
	s4 =	sadd.s32 $0x32800, s0  }
0x10: {  	s0 =	sadd.s32 s8, s0;
	s12 =	smax.u32 s12, $0x1;
	s8 =	sadd.s32 $0xB000, s7  }
0x11: {  	s9 =	sadd.s32 $0x1200, s7;
	s10 =	sadd.s32 $0x28A00, s7;
	s11 =	sadd.s32 $0x3C800, s0  }
.LBB2_1:
.Ltmp0:
0x12: {  	(pc) =	sbr.rel @p0 .LBB2_4-.Ltmp0, $1  }
0x13: {  	_ =	sdelay $0x3  }
.Ltmp1:
0x14: {  	(pc) =	sbr.rel @p1 .LBB2_6-.Ltmp1, $1  }
0x15: {  	_ =	sdelay $0x3  }
.Ltmp2:
0x16: {  	(pc) =	sbr.rel .LBB2_5-.Ltmp2, $3  }
0x17: {  	_ =	sdelay $0x1  }
0x18: {  	s0 =	sshrl.u32 s1, $0x3;
	s6 =	rddreg [dreg:$0x5];
	s7 =	simm.s32 $0x1C03  }
0x19: {  	[spmem:s0], [sflag:s7] =	dma.local [hbm:s6], $0x9C40  }
.LBB2_4:
0x1a: {  	s0 =	rddreg [dreg:$0x4]  }
0x1b: {  	s6 =	rddreg [dreg:$0x6];
	s7 =	simm.s32 $0x1C43  }
0x1c: {  	[spmem:s6], [sflag:s7] =	dma.local [hbm:s0], $0x9C40  }
.LBB2_5:
0x1d: {  	_ =	swait.ge [sflag:s15], $0x9C40  }
0x1e: {  	[sflag:s15] =	ssyncset.done $0x0  }
0x1f: {  	[sflag:s15] =	ssyncadd.s32 $0xFFFF63C0  }
.LBB2_6:
0x20: {  	[tilespmem:s31], [sflag:$0x3] =	stream.linear.gather [hbm4b:s8+s31], $0x2710, $0x38;
	[tilespmem:$0x162D0] =	vst v63  }
0x21: {  	_ =	swait.ge [sflag:s15], $0x2710  }
0x22: {  	[sflag:s15] =	ssyncset.done $0x0  }
0x23: {  	[sflag:s15] =	ssyncadd.s32 $0xFFFFD8F0  }
0x24: {  	[tilespmem:s16], [sflag:$0x3] =	stream.linear.gather [hbm4b:s9+s31], $0x2710, $0x38;
	[tilespmem:$0x162D0] =	vst v63  }
0x25: {  	_ =	swait.ge [sflag:s15], $0x2710  }
0x26: {  	[sflag:s15] =	ssyncset.done $0x0  }
0x27: {  	[sflag:s15] =	ssyncadd.s32 $0xFFFFD8F0  }
0x28: {  	[tilespmem:s17], [sflag:$0x3] =	stream.linear.gather [hbm4b:s10+s31], $0x2710, $0x38;
	[tilespmem:$0x162D0] =	vst v63  }
0x29: {  	_ =	swait.ge [sflag:s15], $0x2710  }
0x2a: {  	[sflag:s15] =	ssyncset.done $0x0  }
0x2b: {  	[sflag:s15] =	ssyncadd.s32 $0xFFFFD8F0  }
0x2c: {  	[tilespmem:s18], [sflag:$0x3] =	stream.linear.gather [hbm4b:s5+s31], $0x2710, $0x38;
	[tilespmem:$0x162D0] =	vst v63  }
0x2d: {  	_ =	swait.ge [sflag:s15], $0x2710  }
0x2e: {  	[sflag:s15] =	ssyncset.done $0x0  }
0x2f: {  	[sflag:s15] =	ssyncadd.s32 $0xFFFFD8F0  }
0x30: {  	[tilespmem:s19], [sflag:$0x3] =	stream.linear.gather [hbm4b:s4+s31], $0x200, $0x38;
	[tilespmem:$0x162D0] =	vst v63  }
0x31: {  	_ =	swait.ge [sflag:s15], $0x200  }
0x32: {  	[sflag:s15] =	ssyncset.done $0x0  }
0x33: {  	[sflag:s15] =	ssyncadd.s32 $0xFFFFFE00  }
0x34: {  	v0 =	vld [tilespmem:$0xC490]  }
0x35: {  	v1 =	vld [tilespmem:$0xC4A0]  }
0x36: {  	v2 =	vld [tilespmem:$0xC4B0]  }
0x37: {  	v3 =	vld [tilespmem:$0xC4C0]  }
0x38: {  	v4 =	vld [tilespmem:$0xC4D0]  }
0x39: {  	v5 =	vld [tilespmem:$0xC4E0];
	v0 =	vmax.f32 v0, $0.0e+00  }
0x3a: {  	v0 =	vmax.f32 v0, v1;
	v1 =	vld [tilespmem:$0xC4F0]  }
0x3b: {  	v0 =	vmax.f32 v0, v2;
	v2 =	vld [tilespmem:$0xC500]  }
0x3c: {  	v0 =	vmax.f32 v0, v3;
	v3 =	vld [tilespmem:$0xC510]  }
0x3d: {  	v54 =	vld [tilespmem:$0xC520];
	v0 =	vmax.f32 v0, v4  }
0x3e: {  	v55 =	vld [tilespmem:$0xC530];
	v0 =	vmax.f32 v0, v5  }
0x3f: {  	v0 =	vmax.f32 v0, v1;
	v1 =	vld [tilespmem:$0xC540]  }
0x40: {  	v0 =	vmax.f32 v0, v2;
	v2 =	vld [tilespmem:$0xC550]  }
0x41: {  	v0 =	vmax.f32 v0, v3;
	v3 =	vld [tilespmem:$0xC560]  }
0x42: {  	v56 =	vld [tilespmem:$0xC570];
	v0 =	vmax.f32 v0, v54  }
0x43: {  	v57 =	vld [tilespmem:$0xC580];
	v0 =	vmax.f32 v0, v55  }
0x44: {  	v0 =	vmax.f32 v0, v1;
	v1 =	vld [tilespmem:$0xC590]  }
0x45: {  	v0 =	vmax.f32 v0, v2;
	v2 =	vld [tilespmem:$0xC5A0]  }
0x46: {  	v0 =	vmax.f32 v0, v3;
	v3 =	vld [tilespmem:$0xC5B0]  }
0x47: {  	v58 =	vld [tilespmem:$0xC5C0];
	v0 =	vmax.f32 v0, v56  }
0x48: {  	v59 =	vld [tilespmem:$0xC5D0];
	v0 =	vmax.f32 v0, v57  }
0x49: {  	v0 =	vmax.f32 v0, v1;
	v1 =	vld [tilespmem:$0xC5E0]  }
0x4a: {  	v0 =	vmax.f32 v0, v2;
	v2 =	vld [tilespmem:$0xC5F0]  }
0x4b: {  	v0 =	vmax.f32 v0, v3;
	v3 =	vld [tilespmem:$0xC600]  }
0x4c: {  	v60 =	vld [tilespmem:$0xC610];
	v0 =	vmax.f32 v0, v58  }
0x4d: {  	v61 =	vld [tilespmem:$0xC620];
	v0 =	vmax.f32 v0, v59  }
0x4e: {  	v0 =	vmax.f32 v0, v1;
	v1 =	vld [tilespmem:$0xC630]  }
0x4f: {  	v0 =	vmax.f32 v0, v2;
	v2 =	vld [tilespmem:$0xC640]  }
0x50: {  	v0 =	vmax.f32 v0, v3;
	v3 =	vld [tilespmem:$0xC650]  }
0x51: {  	v62 =	vld [tilespmem:$0xC660];
	v0 =	vmax.f32 v0, v60  }
0x52: {  	v63 =	vld [tilespmem:$0xC670];
	v0 =	vmax.f32 v0, v61  }
0x53: {  	v0 =	vmax.f32 v0, v1;
	v1 =	vld [tilespmem:$0xC680]  }
0x54: {  	v0 =	vmax.f32 v0, v2  }
0x55: {  	v0 =	vmax.f32 v0, v3  }
0x56: {  	v0 =	vmax.f32 v0, v62  }
0x57: {  	v0 =	vmax.f32 v0, v63  }
0x58: {  	v0 =	vmax.f32 v0, v1  }
0x59: {  	(xrf0) =	vmax.scan.msk.f32 $0xffff, v0;
	_ =	sdelay $0x5  }
0x5a: {  	v0, _, _ =	vpop (xrf0)  }
0x5b: {  	s0 =	simm.s32 $0x0;
	[bflag:$0x0] =	sbarrier.arrive $0xFFFF  }
0x5c: {  	v0 =	vbroadcast v0, $0xF;
	[tilespmem:s21], [sflag:$0x1] =	stream.indirect.gather [spmem:s2], $0x20, s16, s20, $0xb8;
	[tilespmem:$0x162D0] =	vst v63  }
.LBB2_7:
0x5d: {  	s30 =	smul.u32 $0xA0, s0;
	_ =	sdelay $0x1  }
0x5e: {  	s6 =	sadd.s32 $0x2760, s30  }
0x5f: {  	[tilespmem:s22], [sflag:$0x2] =	stream.indirect.gather [spmem:s2], $0x20, s6, s20, $0xb8;
	[tilespmem:$0x162D0] =	vst v63  }
0x60: {  	_ =	swait.ge [sflag:s23], $0xA00  }
0x61: {  	[sflag:s23] =	ssyncset.done $0x0  }
0x62: {  	[sflag:s23] =	ssyncadd.s32 $0xFFFFF600  }
0x63: {  	v1 =	vld [tilespmem:s30+$0x4E20];
	_ =	sdelay $0x4  }
0x64: {  	v1 =	vsub.f32 v1, v0  }
0x65: {  	v2 =	vld [tilespmem:s30+$0x0]  }
0x66: {  	v1 =	vmul.f32 $1.442695020e+00, v1;
	_ =	sdelay $0x1  }
0x67: {  	(erf) = vpow2.f32 v1;
	_ =	sdelay $0x4  }
0x68: {  	v1 =	vld.idx.msk [tilespmem:v2+s18+$0x0], $0xffff;
	_ =	sdelay $0x3  }
0x69: {  	v2 =	vpop (erf)  }
0x6a: {  	v1 =	vmul.f32 v2, v1;
	_ =	sdelay $0x1  }
0x6b: {  	[tilespmem:$0x9D30] =	vst v1  }
0x6c: {  	v1 =	vld [tilespmem:s30+$0x4E30];
	_ =	sdelay $0x4  }
0x6d: {  	v1 =	vsub.f32 v1, v0  }
0x6e: {  	v2 =	vld [tilespmem:s30+$0x10]  }
0x6f: {  	v1 =	vmul.f32 $1.442695020e+00, v1;
	_ =	sdelay $0x1  }
0x70: {  	(erf) = vpow2.f32 v1;
	_ =	sdelay $0x4  }
0x71: {  	v1 =	vld.idx.msk [tilespmem:v2+s18+$0x0], $0xffff;
	_ =	sdelay $0x3  }
0x72: {  	v2 =	vpop (erf)  }
0x73: {  	v1 =	vmul.f32 v2, v1;
	_ =	sdelay $0x1  }
0x74: {  	[tilespmem:$0x9D40] =	vst v1  }
0x75: {  	v1 =	vld [tilespmem:s30+$0x4E40];
	_ =	sdelay $0x4  }
0x76: {  	v1 =	vsub.f32 v1, v0  }
0x77: {  	v2 =	vld [tilespmem:s30+$0x20]  }
0x78: {  	v1 =	vmul.f32 $1.442695020e+00, v1;
	_ =	sdelay $0x1  }
0x79: {  	(erf) = vpow2.f32 v1;
	_ =	sdelay $0x4  }
0x7a: {  	v1 =	vld.idx.msk [tilespmem:v2+s18+$0x0], $0xffff;
	_ =	sdelay $0x3  }
0x7b: {  	v2 =	vpop (erf)  }
0x7c: {  	v1 =	vmul.f32 v2, v1;
	_ =	sdelay $0x1  }
0x7d: {  	[tilespmem:$0x9D50] =	vst v1  }
0x7e: {  	v1 =	vld [tilespmem:s30+$0x4E50];
	_ =	sdelay $0x4  }
0x7f: {  	v1 =	vsub.f32 v1, v0  }
0x80: {  	v2 =	vld [tilespmem:s30+$0x30]  }
0x81: {  	v1 =	vmul.f32 $1.442695020e+00, v1;
	_ =	sdelay $0x1  }
0x82: {  	(erf) = vpow2.f32 v1;
	_ =	sdelay $0x4  }
0x83: {  	v1 =	vld.idx.msk [tilespmem:v2+s18+$0x0], $0xffff;
	_ =	sdelay $0x3  }
0x84: {  	v2 =	vpop (erf)  }
0x85: {  	v1 =	vmul.f32 v2, v1;
	_ =	sdelay $0x1  }
0x86: {  	[tilespmem:$0x9D60] =	vst v1  }
0x87: {  	v1 =	vld [tilespmem:s30+$0x4E60];
	_ =	sdelay $0x4  }
0x88: {  	v1 =	vsub.f32 v1, v0  }
0x89: {  	v2 =	vld [tilespmem:s30+$0x40]  }
0x8a: {  	v1 =	vmul.f32 $1.442695020e+00, v1;
	_ =	sdelay $0x1  }
0x8b: {  	(erf) = vpow2.f32 v1;
	_ =	sdelay $0x4  }
0x8c: {  	v1 =	vld.idx.msk [tilespmem:v2+s18+$0x0], $0xffff;
	_ =	sdelay $0x2  }
0x8d: {  	v2 =	vmov s31  }
0x8e: {  	v3 =	vpop (erf)  }
0x8f: {  	v1 =	vmul.f32 v3, v1;
	_ =	sdelay $0x1  }
0x90: {  	[tilespmem:$0x9D70] =	vst v1  }
0x91: {  	s6 =	simm.s32 $0x7540;
	v1 =	vld.idx.msk [tilespmem:v2+s24+$0x0], $0xffff  }
0x92: {  	v2 =	vld [tilespmem:s6+$0xFFFFFFF0];
	_ =	sdelay $0x4  }
0x93: {  	v2 =	vmul.f32 v2, v1  }
0x94: {  	s7 =	simm.s32 $0x7F40  }
0x95: {  	[tilespmem:s7+$0xFFFFFFF0] =	vst v2  }
0x96: {  	v3 =	vld [tilespmem:s6+$0x0];
	_ =	sdelay $0x1  }
0x97: {  	s13 =	simm.s32 $0x1  }
0x98: {  	s14 =	sadd.s32 $0x50, s30;
	v2 =	vmov s13;
	s13 =	simm.s32 $0x2  }
.LBB2_8:
0x99: {  	p2 =	sne.s32 s13, $0x4F  }
0x9a: {  	v1 =	vmul.f32 v3, v1;
	_ =	sdelay $0x1  }
0x9b: {  	[tilespmem:s7+$0x0] =	vst v1  }
0x9c: {  	s6 =	sadd.s32 $0x20, s6;
	v1 =	vld.idx.msk [tilespmem:v2+s24+$0x0], $0xffff  }
0x9d: {  	v2 =	vld [tilespmem:s6+$0xFFFFFFF0];
	_ =	sdelay $0x4  }
0x9e: {  	v2 =	vmul.f32 v2, v1  }
0x9f: {  	s7 =	sadd.s32 $0x20, s7  }
.Ltmp3:
0xa0: {  	[tilespmem:s7+$0xFFFFFFF0] =	vst v2;
	(pc) =	sbr.rel @p2 .LBB2_8-.Ltmp3, $2  }
0xa1: {  	v3 =	vld [tilespmem:s6+$0x0];
	_ =	sdelay $0x2  }
0xa2: {  	v2 =	vmov s13;
	s13 =	sadd.s32 $0x1, s13  }
0xa3: {  	_ = 	snop  }
0xa4: {  	v1 =	vmul.f32 v3, v1;
	_ =	sdelay $0x1  }
0xa5: {  	[tilespmem:s7+$0x0] =	vst v1  }
0xa6: {  	s6 =	sadd.s32 $0x20, s6;
	v1 =	vld.idx.msk [tilespmem:v2+s24+$0x0], $0xffff  }
0xa7: {  	v2 =	vld [tilespmem:s6+$0xFFFFFFF0];
	_ =	sdelay $0x4  }
0xa8: {  	v2 =	vmul.f32 v2, v1  }
0xa9: {  	s7 =	sadd.s32 $0x20, s7  }
0xaa: {  	[tilespmem:s7+$0xFFFFFFF0] =	vst v2  }
0xab: {  	v2 =	vld [tilespmem:s6+$0x0];
	_ =	sdelay $0x4  }
0xac: {  	s13 =	smul.u32 $0x280, s0;
	v1 =	vmul.f32 v2, v1;
	_ =	sdelay $0x1  }
0xad: {  	s6 =	sshra.s32 s13, $0x2;
	[tilespmem:s7+$0x0] =	vst v1  }
0xae: {  	[spmem:s1] =	stream.indirect.scatter.add.f32 [tilespmem:s25], [sflag:$0x3], $0x20, s6, s20, $0xb8;
	[tilespmem:$0x162D0] =	vst v63  }
0xaf: {  	_ =	swait.ge [sflag:s15], $0xA00  }
0xb0: {  	[sflag:s15] =	ssyncset.done $0x0  }
0xb1: {  	s6 =	sadd.s32 $0x27B0, s6;
	[sflag:s15] =	ssyncadd.s32 $0xFFFFF600  }
0xb2: {  	[tilespmem:s21], [sflag:$0x1] =	stream.indirect.gather [spmem:s2], $0x20, s6, s20, $0xb8;
	[tilespmem:$0x162D0] =	vst v63  }
0xb3: {  	_ =	swait.ge [sflag:s26], $0xA00  }
0xb4: {  	[sflag:s26] =	ssyncset.done $0x0  }
0xb5: {  	[sflag:s26] =	ssyncadd.s32 $0xFFFFF600  }
0xb6: {  	v1 =	vld [tilespmem:s14+$0x4E20];
	_ =	sdelay $0x4  }
0xb7: {  	v1 =	vsub.f32 v1, v0  }
0xb8: {  	v2 =	vld [tilespmem:s30+$0x50]  }
0xb9: {  	v1 =	vmul.f32 $1.442695020e+00, v1;
	_ =	sdelay $0x1  }
0xba: {  	(erf) = vpow2.f32 v1;
	_ =	sdelay $0x4  }
0xbb: {  	v1 =	vld.idx.msk [tilespmem:v2+s18+$0x0], $0xffff;
	_ =	sdelay $0x3  }
0xbc: {  	v2 =	vpop (erf)  }
0xbd: {  	v1 =	vmul.f32 v2, v1;
	_ =	sdelay $0x1  }
0xbe: {  	[tilespmem:$0x9D30] =	vst v1  }
0xbf: {  	v1 =	vld [tilespmem:s30+$0x4E80];
	_ =	sdelay $0x4  }
0xc0: {  	v1 =	vsub.f32 v1, v0  }
0xc1: {  	v2 =	vld [tilespmem:s30+$0x60]  }
0xc2: {  	v1 =	vmul.f32 $1.442695020e+00, v1;
	_ =	sdelay $0x1  }
0xc3: {  	(erf) = vpow2.f32 v1;
	_ =	sdelay $0x4  }
0xc4: {  	v1 =	vld.idx.msk [tilespmem:v2+s18+$0x0], $0xffff;
	_ =	sdelay $0x3  }
0xc5: {  	v2 =	vpop (erf)  }
0xc6: {  	v1 =	vmul.f32 v2, v1;
	_ =	sdelay $0x1  }
0xc7: {  	[tilespmem:$0x9D40] =	vst v1  }
0xc8: {  	v1 =	vld [tilespmem:s30+$0x4E90];
	_ =	sdelay $0x4  }
0xc9: {  	v1 =	vsub.f32 v1, v0  }
0xca: {  	v2 =	vld [tilespmem:s30+$0x70]  }
0xcb: {  	v1 =	vmul.f32 $1.442695020e+00, v1;
	_ =	sdelay $0x1  }
0xcc: {  	(erf) = vpow2.f32 v1;
	_ =	sdelay $0x4  }
0xcd: {  	v1 =	vld.idx.msk [tilespmem:v2+s18+$0x0], $0xffff;
	_ =	sdelay $0x3  }
0xce: {  	v2 =	vpop (erf)  }
0xcf: {  	v1 =	vmul.f32 v2, v1;
	_ =	sdelay $0x1  }
0xd0: {  	[tilespmem:$0x9D50] =	vst v1  }
0xd1: {  	v1 =	vld [tilespmem:s30+$0x4EA0];
	_ =	sdelay $0x4  }
0xd2: {  	v1 =	vsub.f32 v1, v0  }
0xd3: {  	v2 =	vld [tilespmem:s30+$0x80]  }
0xd4: {  	v1 =	vmul.f32 $1.442695020e+00, v1;
	_ =	sdelay $0x1  }
0xd5: {  	(erf) = vpow2.f32 v1;
	_ =	sdelay $0x4  }
0xd6: {  	v1 =	vld.idx.msk [tilespmem:v2+s18+$0x0], $0xffff;
	_ =	sdelay $0x3  }
0xd7: {  	v2 =	vpop (erf)  }
0xd8: {  	v1 =	vmul.f32 v2, v1;
	_ =	sdelay $0x1  }
0xd9: {  	[tilespmem:$0x9D60] =	vst v1  }
0xda: {  	v1 =	vld [tilespmem:s30+$0x4EB0];
	_ =	sdelay $0x4  }
0xdb: {  	v1 =	vsub.f32 v1, v0  }
0xdc: {  	v2 =	vld [tilespmem:s30+$0x90]  }
0xdd: {  	v1 =	vmul.f32 $1.442695020e+00, v1;
	_ =	sdelay $0x1  }
0xde: {  	(erf) = vpow2.f32 v1;
	_ =	sdelay $0x4  }
0xdf: {  	v1 =	vld.idx.msk [tilespmem:v2+s18+$0x0], $0xffff;
	_ =	sdelay $0x1  }
0xe0: {  	s30 =	simm.s32 $0x0  }
0xe1: {  	v2 =	vmov s30  }
0xe2: {  	v3 =	vpop (erf)  }
0xe3: {  	v1 =	vmul.f32 v3, v1;
	_ =	sdelay $0x1  }
0xe4: {  	[tilespmem:$0x9D70] =	vst v1  }
0xe5: {  	s6 =	simm.s32 $0x8940;
	v1 =	vld.idx.msk [tilespmem:v2+s24+$0x0], $0xffff  }
0xe6: {  	v2 =	vld [tilespmem:s6+$0xFFFFFFF0];
	_ =	sdelay $0x4  }
0xe7: {  	v2 =	vmul.f32 v2, v1  }
0xe8: {  	s7 =	simm.s32 $0x9340  }
0xe9: {  	[tilespmem:s7+$0xFFFFFFF0] =	vst v2  }
0xea: {  	v3 =	vld [tilespmem:s6+$0x0];
	_ =	sdelay $0x1  }
0xeb: {  	s13 =	simm.s32 $0x1  }
0xec: {  	v2 =	vmov s13;
	s13 =	simm.s32 $0x2  }
.LBB2_10:
0xed: {  	p2 =	sne.s32 s13, $0x4F  }
0xee: {  	v1 =	vmul.f32 v3, v1;
	_ =	sdelay $0x1  }
0xef: {  	[tilespmem:s7+$0x0] =	vst v1  }
0xf0: {  	s6 =	sadd.s32 $0x20, s6;
	v1 =	vld.idx.msk [tilespmem:v2+s24+$0x0], $0xffff  }
0xf1: {  	v2 =	vld [tilespmem:s6+$0xFFFFFFF0];
	_ =	sdelay $0x4  }
0xf2: {  	v2 =	vmul.f32 v2, v1  }
0xf3: {  	s7 =	sadd.s32 $0x20, s7  }
.Ltmp4:
0xf4: {  	[tilespmem:s7+$0xFFFFFFF0] =	vst v2;
	(pc) =	sbr.rel @p2 .LBB2_10-.Ltmp4, $2  }
0xf5: {  	v3 =	vld [tilespmem:s6+$0x0];
	_ =	sdelay $0x2  }
0xf6: {  	v2 =	vmov s13;
	s13 =	sadd.s32 $0x1, s13  }
0xf7: {  	_ = 	snop  }
0xf8: {  	v1 =	vmul.f32 v3, v1;
	_ =	sdelay $0x1  }
0xf9: {  	[tilespmem:s7+$0x0] =	vst v1  }
0xfa: {  	s6 =	sadd.s32 $0x20, s6;
	v1 =	vld.idx.msk [tilespmem:v2+s24+$0x0], $0xffff  }
0xfb: {  	v2 =	vld [tilespmem:s6+$0xFFFFFFF0];
	_ =	sdelay $0x4  }
0xfc: {  	v2 =	vmul.f32 v2, v1  }
0xfd: {  	s30 =	sadd.s32 $0x20, s7  }
0xfe: {  	[tilespmem:s30+$0xFFFFFFF0] =	vst v2  }
0xff: {  	v2 =	vld [tilespmem:s6+$0x0];
	_ =	sdelay $0x4  }
0x100: {  	s0 =	sadd.s32 $0x1, s0;
	v1 =	vmul.f32 v2, v1  }
0x101: {  	p2 =	sne.s32 s0, $0x3E  }
.Ltmp5:
0x102: {  	[tilespmem:s30+$0x0] =	vst v1;
	(pc) =	sbr.rel @p2 .LBB2_7-.Ltmp5, $4  }
0x103: {  	[spmem:s1] =	stream.indirect.scatter.add.f32 [tilespmem:s28], [sflag:$0x3], $0x20, s14, s20, $0xb8;
	[tilespmem:$0x162D0] =	vst v63  }
0x104: {  	_ =	swait.ge [sflag:s15], $0xA00  }
0x105: {  	[sflag:s15] =	ssyncset.done $0x0  }
0x106: {  	[sflag:s15] =	ssyncadd.s32 $0xFFFFF600  }
0x107: {  	_ =	swait.ge [sflag:s23], $0xA00  }
0x108: {  	[sflag:s23] =	ssyncset.done $0x0  }
0x109: {  	[sflag:s23] =	ssyncadd.s32 $0xFFFFF600  }
0x10a: {  	v1 =	vld [tilespmem:$0x74E0];
	_ =	sdelay $0x4  }
0x10b: {  	v1 =	vsub.f32 v1, v0;
	_ =	sdelay $0x1  }
0x10c: {  	v1 =	vmul.f32 $1.442695020e+00, v1  }
0x10d: {  	v2 =	vld [tilespmem:$0x26C0]  }
0x10e: {  	(erf) = vpow2.f32 v1;
	v1 =	vld [tilespmem:$0x74F0];
	_ =	sdelay $0x4  }
0x10f: {  	v1 =	vsub.f32 v1, v0  }
0x110: {  	v3 =	vld [tilespmem:$0x26D0]  }
0x111: {  	v2 =	vld.idx.msk [tilespmem:v2+s18+$0x0], $0xffff;
	v1 =	vmul.f32 $1.442695020e+00, v1;
	_ =	sdelay $0x1  }
0x112: {  	(erf) = vpow2.f32 v1;
	v1 =	vld [tilespmem:$0x7500];
	_ =	sdelay $0x1  }
0x113: {  	v4 =	vpop (erf)  }
0x114: {  	v2 =	vmul.f32 v4, v2;
	_ =	sdelay $0x1  }
0x115: {  	[tilespmem:$0x9D30] =	vst v2;
	v1 =	vsub.f32 v1, v0  }
0x116: {  	v2 =	vld.idx.msk [tilespmem:v3+s18+$0x0], $0xffff  }
0x117: {  	v3 =	vld [tilespmem:$0x26E0];
	v1 =	vmul.f32 $1.442695020e+00, v1;
	_ =	sdelay $0x1  }
0x118: {  	(erf) = vpow2.f32 v1;
	v1 =	vld [tilespmem:$0x7510];
	_ =	sdelay $0x1  }
0x119: {  	v62 =	vpop (erf)  }
0x11a: {  	v2 =	vmul.f32 v62, v2;
	_ =	sdelay $0x1  }
0x11b: {  	[tilespmem:$0x9D40] =	vst v2;
	v1 =	vsub.f32 v1, v0  }
0x11c: {  	v2 =	vld.idx.msk [tilespmem:v3+s18+$0x0], $0xffff  }
0x11d: {  	v3 =	vld [tilespmem:$0x26F0];
	v1 =	vmul.f32 $1.442695020e+00, v1  }
0x11e: {  	v63 =	vld [tilespmem:$0x7520];
	_ =	sdelay $0x1  }
0x11f: {  	(erf) = vpow2.f32 v1  }
0x120: {  	v1 =	vpop (erf)  }
0x121: {  	v1 =	vmul.f32 v1, v2  }
0x122: {  	v0 =	vsub.f32 v63, v0  }
0x123: {  	v2 =	vld [tilespmem:$0x2700];
	[tilespmem:$0x9D50] =	vst v1  }
0x124: {  	v0 =	vmul.f32 $1.442695020e+00, v0;
	v1 =	vld.idx.msk [tilespmem:v3+s18+$0x0], $0xffff;
	_ =	sdelay $0x2  }
0x125: {  	(erf) = vpow2.f32 v0  }
0x126: {  	v0 =	vpop (erf)  }
0x127: {  	v0 =	vmul.f32 v0, v1;
	_ =	sdelay $0x1  }
0x128: {  	[tilespmem:$0x9D60] =	vst v0  }
0x129: {  	v0 =	vld.idx.msk [tilespmem:v2+s18+$0x0], $0xffff;
	_ =	sdelay $0x1  }
0x12a: {  	s0 =	simm.s32 $0x0  }
0x12b: {  	v1 =	vmov s0  }
0x12c: {  	v2 =	vpop (erf)  }
0x12d: {  	v0 =	vmul.f32 v2, v0;
	_ =	sdelay $0x1  }
0x12e: {  	[tilespmem:$0x9D70] =	vst v0  }
0x12f: {  	s0 =	simm.s32 $0x7540;
	v0 =	vld.idx.msk [tilespmem:v1+s24+$0x0], $0xffff  }
0x130: {  	v1 =	vld [tilespmem:s0+$0xFFFFFFF0];
	_ =	sdelay $0x4  }
0x131: {  	v1 =	vmul.f32 v1, v0  }
0x132: {  	s6 =	simm.s32 $0x7F40  }
0x133: {  	[tilespmem:s6+$0xFFFFFFF0] =	vst v1  }
0x134: {  	v2 =	vld [tilespmem:s0+$0x0];
	_ =	sdelay $0x1  }
0x135: {  	s7 =	simm.s32 $0x1  }
0x136: {  	v1 =	vmov s7;
	s7 =	simm.s32 $0x2  }
.LBB2_13:
0x137: {  	p2 =	sne.s32 s7, $0x4F  }
0x138: {  	v0 =	vmul.f32 v2, v0;
	_ =	sdelay $0x1  }
0x139: {  	[tilespmem:s6+$0x0] =	vst v0  }
0x13a: {  	s0 =	sadd.s32 $0x20, s0;
	v0 =	vld.idx.msk [tilespmem:v1+s24+$0x0], $0xffff  }
0x13b: {  	v1 =	vld [tilespmem:s0+$0xFFFFFFF0];
	_ =	sdelay $0x4  }
0x13c: {  	v1 =	vmul.f32 v1, v0  }
0x13d: {  	s6 =	sadd.s32 $0x20, s6  }
.Ltmp6:
0x13e: {  	[tilespmem:s6+$0xFFFFFFF0] =	vst v1;
	(pc) =	sbr.rel @p2 .LBB2_13-.Ltmp6, $2  }
0x13f: {  	v2 =	vld [tilespmem:s0+$0x0];
	_ =	sdelay $0x2  }
0x140: {  	v1 =	vmov s7;
	s7 =	sadd.s32 $0x1, s7  }
0x141: {  	_ = 	snop  }
0x142: {  	v0 =	vmul.f32 v2, v0;
	_ =	sdelay $0x1  }
0x143: {  	[tilespmem:s6+$0x0] =	vst v0  }
0x144: {  	s0 =	sadd.s32 $0x20, s0;
	v0 =	vld.idx.msk [tilespmem:v1+s24+$0x0], $0xffff  }
0x145: {  	v63 =	vld [tilespmem:s0+$0xFFFFFFF0];
	_ =	sdelay $0x4  }
0x146: {  	v1 =	vmul.f32 v63, v0  }
0x147: {  	s30 =	sadd.s32 $0x20, s6  }
0x148: {  	[tilespmem:s30+$0xFFFFFFF0] =	vst v1  }
0x149: {  	v1 =	vld [tilespmem:s0+$0x0];
	_ =	sdelay $0x4  }
0x14a: {  	v0 =	vmul.f32 v1, v0;
	_ =	sdelay $0x1  }
0x14b: {  	[tilespmem:s30+$0x0] =	vst v0  }
0x14c: {  	[spmem:s1] =	stream.indirect.scatter.add.f32 [tilespmem:s25], [sflag:$0x3], $0x20, s29, s20, $0xb8;
	[tilespmem:$0x162D0] =	vst v63  }
0x14d: {  	_ =	swait.ge [sflag:s15], $0xA00  }
0x14e: {  	s3 =	sadd.s32 $0x1, s3;
	[sflag:s15] =	ssyncset.done $0x0  }
0x14f: {  	p2 =	sne.s32 s3, s12;
	[sflag:s15] =	ssyncadd.s32 $0xFFFFF600  }
0x150: {  	s6 =	simm.s32 @!p1 $0x1C03;
	s0 =	sshrl.u32 @!p1 s1, $0x3;
	[bflag:$0x0] =	sbarrier.arrive $0xFFFF  }
0x151: {  	[hbm:s11], [sflag:s6] =	dma.local @!p1 [spmem:s0], $0x9C40  }
.Ltmp7:
0x152: {  	_ = 	snop;
	(pc) =	sbr.rel @p2 .LBB2_1-.Ltmp7, $4  }
0x153: {  	s0 =	simm.s32 @!p1 $0x3  }
0x154: {  	_ =	swait.ge @!p1 [sflag:s0], $0x9C40  }
0x155: {  	[sflag:s0] =	ssyncset.done @!p1 $0x0  }
0x156: {  	[sflag:s0] =	ssyncadd.s32 @!p1 $0xFFFF63C0  }
0x157: {  	_ =	sfence.sel $0x180000  }
0x158: {  	[bflag:$0x0] =	sbarrier.arrive $0xFFFF  }
0x159: {  	_ =	strace $0x9000004A  }
0x15a: {  	[bflag:$0x2] =	sbarrier.arrive $0xFFFF  }
0x15b: {  	s0 =	rddreg [dreg:$0x3]  }
0x15c: {  	s0 =	sadd.s32 @!p1 $0x100000, s0  }
0x15d: {  	[sflag:s0] =	ssyncadd.tile.s32 @!p1 $0x1;
	_ =	shalt  }
.Lfunc_end2:
_tile_overlayer_lowered:
.L_overlay_start_2:
0x15e: {  	(tag) =	ssettag $0x2  }
0x15f: {  	s0 =	rddreg [dreg:$0x0];
	s2 =	stileid.u32  }
0x160: {  	s1 =	rddreg [dreg:$0x1];
	p0 =	sne.s32 s2, $0x0  }
0x161: {  	s3 =	rddreg [dreg:$0x2];
	[bflag:$0x3] =	sbarrier.arrive $0xFFFF;
	s2 =	simm.s32 @!p0 $0x1C03  }
0x162: {  	[timem:s3], [sflag:s2] =	dma.local @!p0 [hbm:s0], s1  }
0x163: {  	s0 =	simm.s32 @!p0 $0x3  }
0x164: {  	_ =	swait.ge @!p0 [sflag:s0], s1  }
0x165: {  	s1 =	ssub.s32 @!p0 $0x0, s1;
	[sflag:s0] =	ssyncset.done @!p0 $0x0  }
0x166: {  	[sflag:s0] =	ssyncadd.s32 @!p0 s1  }
0x167: {  	[bflag:$0x3] =	sbarrier.arrive $0xFFFF  }
0x168: {  	_ =	shalt  }

// kernel: kernel.15.cloned.1.call-start
scs
__scs_entry_jumppad:
0x0: {  	(pc) =	sbr.rel $0x88, $3  }
0x1: {  	(tag) =	ssettag $0x0;
	lr =	simm.s32 $0x1  }
0x2: {  	[smem:$0x3F99] =	sst lr;
	_ =	strace $0xD0000000  }
0x3: {  	_ = 	snop  }
0x4: {  	_ = 	snop  }
0x5: {  	_ = 	snop  }
0x6: {  	_ = 	snop  }
0x7: {  	_ = 	snop  }
__scs_overlays_trampoline_lowered:
0x8: {  	[smem:$0x3FA8] =	sst s0  }
0x9: {  	[smem:$0x3FA9] =	sst s1  }
0xa: {  	[smem:$0x3FAA] =	sst s2  }
0xb: {  	[smem:$0x3FAB] =	sst s3  }
0xc: {  	[smem:$0x3FAC] =	sst s4  }
0xd: {  	[smem:$0x3FAD] =	sst s5  }
0xe: {  	[smem:$0x3FAE] =	sst s6  }
0xf: {  	[smem:$0x3FAF] =	sst s7  }
0x10: {  	[smem:$0x3FB0] =	sst s8  }
0x11: {  	[smem:$0x3FB1] =	sst s9;
	s0 =	simm.s32 @!p0 $0x0  }
0x12: {  	s1 =	sld [smem:$0x3F97];
	s0 =	simm.s32 @p0 $0x1  }
0x13: {  	[smem:$0x3FB2] =	sst s0;
	s0 =	simm.s32 @!p1 $0x0  }
0x14: {  	s2 =	sld [smem:$0x3F96];
	s0 =	simm.s32 @p1 $0x1  }
0x15: {  	[smem:$0x3FB3] =	sst s0;
	s0 =	simm.s32 @!p2 $0x0  }
0x16: {  	s3 =	sld [smem:$0x3FDB];
	s0 =	simm.s32 @p2 $0x1  }
0x17: {  	s4 =	simm.s32 $0x1BF5;
	[smem:$0x3FB5] =	sst s0  }
0x18: {  	s0 =	sld [smem:$0x3F98];
	_ =	swait.ge [sflag:s4], $0x0  }
0x19: {  	s7 =	sld [smem:$0x3F99]  }
0x1a: {  	s8 =	sadd.s32 $0xFFFFE003, lr  }
0x1b: {  	s9 =	sadd.s32 $0xFFFFFEF7, lr;
	s5 =	simm.s32 $0xFFFFFFFF;
	p2 =	slt.u32 s8, $0xFFFFF086  }
0x1c: {  	p1 =	slt.u32 s9, $0xF7A;
	s5 =	simm.s32 @!p2 $0x0  }
0x1d: {  	s5 =	simm.s32 @p1 $0x1;
	p0 =	seq.s32 s7, s2  }
0x1e: {  	s7 =	smul.u32 @!p0 $0xF7A, s2;
	p2 =	seq.s32 @!p0 s5, $0x0  }
0x1f: {  	s9 =	smul.u32 $0xF7A, s1;
	s8 =	simm.s32 @!p0 $0x1BF5;
	p2 =	por !p2, p0  }
0x20: {  	[sflag:s8] =	ssyncset.s32 @!p0 $0xFFFFF086;
	s6 =	sadd.s32 @!p0 s3, s7;
	s7 =	simm.s32 @!p0 $0x108  }
0x21: {  	s3 =	sadd.s32 s3, s9;
	s6 =	sadd.s32 @!p0 $0x88, s6;
	s7 =	simm.s32 @p2 $0x1082  }
0x22: {  	[simem:s7], [sflag:s8] =	dma.local @!p0 [hbm:s6], $0xF7A  }
0x23: {  	s9 =	sor.u32 $0xD0000000, s2;
	s6 =	simm.s32 $0x108;
	_ =	swait.ge @!p0 [sflag:s8], $0x0  }
0x24: {  	s3 =	sadd.s32 $0x88, s3;
	s6 =	simm.s32 @!p1 $0x1082;
	[sflag:s4] =	ssyncset.s32 $0xFFFFF086  }
0x25: {  	[simem:s6], [sflag:s4] =	dma.local [hbm:s3], $0xF7A  }
0x26: {  	[smem:$0x3F99] =	sst s1;
	(tag) =	ssettag s2;
	_ =	strace s9  }
0x27: {  	s1 =	sld [smem:$0x3FA9]  }
0x28: {  	s2 =	sld [smem:$0x3FAA]  }
0x29: {  	s4 =	sld [smem:$0x3FAC]  }
0x2a: {  	p0 =	seq.s32 s5, $0x0;
	s5 =	sld [smem:$0x3FAD]  }
0x2b: {  	s6 =	sld [smem:$0x3FAE]  }
0x2c: {  	s7 =	sld [smem:$0x3FAF]  }
0x2d: {  	s3 =	simm.s32 $0x108;
	s8 =	sld [smem:$0x3FB0]  }
0x2e: {  	s3 =	simm.s32 @!p0 $0x1082;
	s9 =	sld [smem:$0x3FB1]  }
0x2f: {  	lr =	sadd.s32 s0, s3;
	s0 =	sld [smem:$0x3FA8]  }
0x30: {  	s3 =	sld [smem:$0x3FAB]  }
0x31: {  	[smem:$0x3FB4] =	sst s10  }
0x32: {  	s10 =	sld [smem:$0x3FB2];
	_ =	sdelay $0x3  }
0x33: {  	p0 =	seq.s32 s10, $0x1;
	s10 =	sld [smem:$0x3FB4];
	_ =	sdelay $0x3  }
0x34: {  	[smem:$0x3FB4] =	sst s10  }
0x35: {  	s10 =	sld [smem:$0x3FB3];
	_ =	sdelay $0x3  }
0x36: {  	p1 =	seq.s32 s10, $0x1;
	s10 =	sld [smem:$0x3FB4];
	_ =	sdelay $0x3  }
0x37: {  	[smem:$0x3FB4] =	sst s10  }
0x38: {  	s10 =	sld [smem:$0x3FB5]  }
0x39: {  	_ = 	snop;
	(pc) =	sbr.ind lr, $3  }
0x3a: {  	_ = 	snop  }
0x3b: {  	_ = 	snop  }
0x3c: {  	p2 =	seq.s32 s10, $0x1;
	s10 =	sld [smem:$0x3FB4]  }
0x3d: {  	_ =	shalt  }
0x3e: {  	_ =	shalt  }
0x3f: {  	_ =	shalt  }
0x40: {  	_ =	shalt  }
0x41: {  	_ =	shalt  }
0x42: {  	_ =	shalt  }
0x43: {  	_ =	shalt  }
0x44: {  	_ =	shalt  }
0x45: {  	_ =	shalt  }
0x46: {  	_ =	shalt  }
0x47: {  	_ =	shalt  }
0x48: {  	_ =	shalt  }
0x49: {  	_ =	shalt  }
0x4a: {  	_ =	shalt  }
0x4b: {  	_ =	shalt  }
0x4c: {  	_ =	shalt  }
0x4d: {  	_ =	shalt  }
0x4e: {  	_ =	shalt  }
0x4f: {  	_ =	shalt  }
0x50: {  	_ =	shalt  }
0x51: {  	_ =	shalt  }
0x52: {  	_ =	shalt  }
0x53: {  	_ =	shalt  }
0x54: {  	_ =	shalt  }
0x55: {  	_ =	shalt  }
0x56: {  	_ =	shalt  }
0x57: {  	_ =	shalt  }
0x58: {  	_ =	shalt  }
0x59: {  	_ =	shalt  }
0x5a: {  	_ =	shalt  }
0x5b: {  	_ =	shalt  }
0x5c: {  	_ =	shalt  }
0x5d: {  	_ =	shalt  }
0x5e: {  	_ =	shalt  }
0x5f: {  	_ =	shalt  }
0x60: {  	_ =	shalt  }
0x61: {  	_ =	shalt  }
0x62: {  	_ =	shalt  }
0x63: {  	_ =	shalt  }
0x64: {  	_ =	shalt  }
0x65: {  	_ =	shalt  }
0x66: {  	_ =	shalt  }
0x67: {  	_ =	shalt  }
0x68: {  	_ =	shalt  }
0x69: {  	_ =	shalt  }
0x6a: {  	_ =	shalt  }
0x6b: {  	_ =	shalt  }
0x6c: {  	_ =	shalt  }
0x6d: {  	_ =	shalt  }
0x6e: {  	_ =	shalt  }
0x6f: {  	_ =	shalt  }
0x70: {  	_ =	shalt  }
0x71: {  	_ =	shalt  }
0x72: {  	_ =	shalt  }
0x73: {  	_ =	shalt  }
0x74: {  	_ =	shalt  }
0x75: {  	_ =	shalt  }
0x76: {  	_ =	shalt  }
0x77: {  	_ =	shalt  }
0x78: {  	_ =	shalt  }
0x79: {  	_ =	shalt  }
0x7a: {  	_ =	shalt  }
0x7b: {  	_ =	shalt  }
0x7c: {  	_ =	shalt  }
0x7d: {  	_ =	shalt  }
0x7e: {  	_ =	shalt  }
0x7f: {  	_ =	shalt  }
0x80: {  	_ =	shalt  }
0x81: {  	_ =	shalt  }
0x82: {  	_ =	shalt  }
0x83: {  	_ =	shalt  }
0x84: {  	_ =	shalt  }
0x85: {  	_ =	shalt  }
0x86: {  	_ =	shalt  }
0x87: {  	_ =	shalt  }
.Lfunc_end0:
.L_simem_size_0:
called_computation.2_lowered:
.L_overlay_start_0:
0x88: {  	s2 =	sld [smem:$0x3FD9]  }
0x89: {  	s3 =	sld [smem:$0x3FFE];
	_ =	sdelay $0x1  }
0x8a: {  	s1 =	srdreg.scid  }
0x8b: {  	s0 =	sand.u32 $0x1, s1  }
0x8c: {  	s14 =	sshll.u32 s0, $0xA;
	s2 =	sadd.s32 s3, s2  }
0x8d: {  	s2 =	sadd.s32 s2, s14  }
0x8e: {  	[smem:$0x3FC0] =	sst s2  }
0x8f: {  	_ = 	snop  }
0x90: {  	s2 =	sld [smem:$0x3FD0];
	_ =	sdelay $0x2  }
0x91: {  	s15 =	simm.s32 $0xA;
	s4 =	simm.s32 $0x10  }
0x92: {  	[smem:s4], [sflag:s15] =	dma.local [hbm:s2], $0x1  }
0x93: {  	_ =	swait.eq [sflag:s15], $0x1  }
0x94: {  	[sflag:s15] =	ssyncset.done $0x0  }
0x95: {  	[sflag:s15] =	ssyncadd.s32 $0xFFFFFFFF  }
0x96: {  	s16 =	sld [smem:$0x10];
	(tm) =	ssettm $0x1  }
0x97: {  	s17 =	sld [smem:$0x3FFB];
	_ =	sdelay $0x3  }
0x98: {  	_ =	strace s17  }
0x99: {  	s3 =	sld [smem:$0x3FFC];
	_ =	sdelay $0x3  }
0x9a: {  	_ =	strace s3  }
0x9b: {  	s3 =	sld [smem:$0x3FFD];
	_ =	sdelay $0x3  }
0x9c: {  	_ =	strace s3  }
0x9d: {  	_ =	strace $0x8FFFFFFF  }
0x9e: {  	s18 =	sld [smem:$0x3FDB];
	_ =	sdelay $0x1  }
0x9f: {  	s19 =	simm.s32 $_scs_section_size  }
0xa0: {  	s5 =	simm.s32 $_size__tile_overlayer_lowered;
	s6 =	simm.s32 $_tile_overlayer_lowered  }
0xa1: {  	s22 =	simm.s32 $0x1BFF;
	s21 =	sshll.u32 s6, $0x1;
	s3 =	sadd.s32 s19, s18  }
0xa2: {  	s7 =	simm.s32 $0x0;
	s20 =	sshll.u32 s5, $0x1;
	s5 =	sadd.s32 s21, s3  }
0xa3: {  	[timem:s7], [sflag:s22] =	dma.local [hbm:s5], s20  }
0xa4: {  	_ =	swait.ge [sflag:s22], s20  }
0xa5: {  	s4 =	ssub.s32 $0x0, s20;
	[sflag:s22] =	ssyncset.done $0x0  }
0xa6: {  	[sflag:s22] =	ssyncadd.s32 s4;
	_ =	sdelay $0x1  }
0xa7: {  	s23 =	simm.s32 $0x1B8B  }
0xa8: {  	_ =	swait.ge [sflag:s23], $0x1  }
0xa9: {  	[sflag:s23] =	ssyncset.done $0x0  }
0xaa: {  	s25 =	simm.s32 $0x1B8E;
	s24 =	sld [smem:$0x3FFE];
	[sflag:s23] =	ssyncadd.s32 $0xFFFFFFFF  }
0xab: {  	s26 =	simm.s32 $execute0_lowered;
	[smem:$0x3FD2] =	sst s25  }
0xac: {  	s5 =	sshll.u32 s26, $0x1;
	_ =	strace $0x8000004C;
	[dreg:$0x1] =	wrdreg $0xFFFFFFFF  }
0xad: {  	s28 =	simm.s32 $_size_execute0_lowered;
	s3 =	sadd.s32 s3, s5;
	[dreg:$0x0] =	wrdreg $0x0  }
0xae: {  	s5 =	sshll.u32 s28, $0x1;
	[dreg:$0x2] =	wrdreg s3  }
0xaf: {  	[dreg:$0x3] =	wrdreg s5  }
0xb0: {  	[dreg:$0x4] =	wrdreg $0xC0  }
0xb1: {  	_ =	task [dreg:s7], $0x5FFFF  }
0xb2: {  	[dreg:$0x1] =	wrdreg $0xFFFFFFFF  }
0xb3: {  	[dreg:$0x0] =	wrdreg $0x60  }
0xb4: {  	[dreg:$0x2] =	wrdreg s24  }
0xb5: {  	[dreg:$0x3] =	wrdreg s16  }
0xb6: {  	[dreg:$0x4] =	wrdreg $0xB2900  }
0xb7: {  	[dreg:$0x5] =	wrdreg $0xD9A00  }
0xb8: {  	[dreg:$0x6] =	wrdreg $0x9  }
0xb9: {  	_ =	task.clear_ibuf [dreg:s7], $0x7FFFF;
	_ =	strace $0x9000004C  }
0xba: {  	s29 =	simm.s32 $0x9;
	_ =	strace $0x8000004E  }
0xbb: {  	_ =	swait.ge [sflag:s29], $0x1  }
0xbc: {  	[sflag:s29] =	ssyncadd.s32 $0xFFFFFFFF  }
0xbd: {  	_ =	strace $0x9000004E  }
0xbe: {  	_ =	sfence  }
0xbf: {  	s30 =	sld [smem:$0x0];
	_ =	sdelay $0x2  }
0xc0: {  	s31 =	sshll.u32 s1, $0xD;
	s1 =	sshrl.u32 s1, $0x2  }
0xc1: {  	s3 =	sand.u32 $0x4000, s31;
	s1 =	sadd.s32 s1, s30  }
0xc2: {  	s0 =	sor.u32 s3, s0;
	s1 =	sshll.u32 s1, $0x11  }
0xc3: {  	s0 =	sor.u32 s1, s0  }
0xc4: {  	s0 =	sadd.s32 $0x8F2B, s0  }
0xc5: {  	[sflag:s0] =	ssyncadd.remote.s32 $0x1  }
0xc6: {  	_ =	sfence.sel $0xFFFF  }
0xc7: {  	[dreg:$0x0] =	wrdreg $0xFFFFFFFF;
	(pc) =	sbr.abs _section_cstart, $3  }
0xc8: {  	[dreg:$0x1] =	wrdreg $0xFFFFFFFF  }
0xc9: {  	_ =	task.clear_ibuf [dreg:s7], $0x2FFFF;
	_ =	strace $0x9FFFFFFF  }
0xca: {  	(tm) =	ssettm $0x7FFFFFFF  }
0xcb: {  	_ =	shalt  }
tec
execute0_lowered:
.L_overlay_start_1:
0x0: {  	(tag) =	ssettag $0x1  }
0x1: {  	s0 =	rddreg [dreg:$0x0]  }
0x2: {  	s1 =	rddreg [dreg:$0x2]  }
0x3: {  	s2 =	srdreg.scid;
	s7 =	stileid.u32  }
0x4: {  	s3 =	rddreg [dreg:$0x3];
	s4 =	simm.s32 $0x0;
	s15 =	simm.s32 $0x3  }
0x5: {  	s16 =	simm.s32 $0x2710;
	s17 =	simm.s32 $0x4E20;
	s18 =	simm.s32 $0x8980  }
0x6: {  	s19 =	simm.s32 $0xB090;
	s20 =	simm.s32 $0x50;
	s21 =	simm.s32 $0x7530  }
0x7: {  	s22 =	simm.s32 $0x7F30;
	s23 =	simm.s32 $0x1;
	s24 =	simm.s32 $0x8930  }
0x8: {  	s25 =	simm.s32 $0x7A30;
	s26 =	simm.s32 $0x2;
	s28 =	simm.s32 $0x8430  }
0x9: {  	s29 =	simm.s32 $0x26C0;
	s31 =	simm.s32 $0x0;
	s2 =	sand.u32 $0x1, s2  }
0xa: {  	s5 =	sshll.u32 s7, $0x1;
	[smem:$0x7FF] =	sst s4;
	s6 =	sadd.s32 $0x14E00, s0  }
0xb: {  	s11 =	sadd.s32 $0x15400, s0;
	p0 =	seq.s32 s7, $0x1;
	s30 =	sshrl.u32 s3, $0x3  }
0xc: {  	s5 =	sor.u32 s2, s5;
	_ =	strace $0x8000004D;
	s8 =	smul.u32 $0x4E20, s2  }
0xd: {  	s2 =	ssub.s32 $0x2, s2;
	[dreg:$0x5] =	wrdreg s11;
	s5 =	smul.u32 $0x4E2, s5  }
0xe: {  	p1 =	sne.s32 s7, $0x0;
	[dreg:$0x6] =	wrdreg s30;
	s9 =	sshrl.u32 s2, $0x1  }
0xf: {  	s2 =	ssub.s32 s2, s9;
	s10 =	sadd.s32 s5, s0;
	s5 =	sadd.s32 $0x32800, s0  }
0x10: {  	s0 =	sadd.s32 s8, s0;
	s12 =	smax.u32 s2, $0x1;
	s8 =	sadd.s32 $0xB000, s10  }
0x11: {  	s9 =	sadd.s32 $0x1200, s10;
	s10 =	sadd.s32 $0x28A00, s10;
	s11 =	sadd.s32 $0x1A400, s0  }
.LBB2_1:
.Ltmp0:
0x12: {  	(pc) =	sbr.rel @p0 .LBB2_4-.Ltmp0, $1  }
0x13: {  	_ =	sdelay $0x3  }
.Ltmp1:
0x14: {  	(pc) =	sbr.rel @p1 .LBB2_6-.Ltmp1, $1  }
0x15: {  	_ =	sdelay $0x3  }
.Ltmp2:
0x16: {  	(pc) =	sbr.rel .LBB2_5-.Ltmp2, $3  }
0x17: {  	_ =	sdelay $0x1  }
0x18: {  	s0 =	sshrl.u32 s1, $0x3;
	s2 =	rddreg [dreg:$0x5];
	s7 =	simm.s32 $0x1C03  }
0x19: {  	[spmem:s0], [sflag:s7] =	dma.local [hbm:s2], $0x4E20  }
.LBB2_4:
0x1a: {  	s0 =	rddreg [dreg:$0x1]  }
0x1b: {  	s2 =	rddreg [dreg:$0x6];
	s7 =	simm.s32 $0x1C43  }
0x1c: {  	[spmem:s2], [sflag:s7] =	dma.local [hbm:s0], $0x4E20  }
.LBB2_5:
0x1d: {  	_ =	swait.ge [sflag:s15], $0x4E20  }
0x1e: {  	[sflag:s15] =	ssyncset.done $0x0  }
0x1f: {  	[sflag:s15] =	ssyncadd.s32 $0xFFFFB1E0  }
.LBB2_6:
0x20: {  	[tilespmem:s31], [sflag:$0x3] =	stream.linear.gather [hbm4b:s8+s31], $0x2710, $0x38;
	[tilespmem:$0x100B0] =	vst v63  }
0x21: {  	_ =	swait.ge [sflag:s15], $0x2710  }
0x22: {  	[sflag:s15] =	ssyncset.done $0x0  }
0x23: {  	[sflag:s15] =	ssyncadd.s32 $0xFFFFD8F0  }
0x24: {  	[tilespmem:s16], [sflag:$0x3] =	stream.linear.gather [hbm4b:s9+s31], $0x2710, $0x38;
	[tilespmem:$0x100B0] =	vst v63  }
0x25: {  	_ =	swait.ge [sflag:s15], $0x2710  }
0x26: {  	[sflag:s15] =	ssyncset.done $0x0  }
0x27: {  	[sflag:s15] =	ssyncadd.s32 $0xFFFFD8F0  }
0x28: {  	[tilespmem:s17], [sflag:$0x3] =	stream.linear.gather [hbm4b:s10+s31], $0x2710, $0x38;
	[tilespmem:$0x100B0] =	vst v63  }
0x29: {  	_ =	swait.ge [sflag:s15], $0x2710  }
0x2a: {  	[sflag:s15] =	ssyncset.done $0x0  }
0x2b: {  	[sflag:s15] =	ssyncadd.s32 $0xFFFFD8F0  }
0x2c: {  	[tilespmem:s18], [sflag:$0x3] =	stream.linear.gather [hbm4b:s6+s31], $0x2710, $0x38;
	[tilespmem:$0x100B0] =	vst v63  }
0x2d: {  	_ =	swait.ge [sflag:s15], $0x2710  }
0x2e: {  	[sflag:s15] =	ssyncset.done $0x0  }
0x2f: {  	[sflag:s15] =	ssyncadd.s32 $0xFFFFD8F0  }
0x30: {  	[tilespmem:s19], [sflag:$0x3] =	stream.linear.gather [hbm4b:s5+s31], $0x200, $0x38;
	[tilespmem:$0x100B0] =	vst v63  }
0x31: {  	_ =	swait.ge [sflag:s15], $0x200  }
0x32: {  	[sflag:s15] =	ssyncset.done $0x0  }
0x33: {  	[sflag:s15] =	ssyncadd.s32 $0xFFFFFE00  }
0x34: {  	v0 =	vld [tilespmem:$0xB090]  }
0x35: {  	v1 =	vld [tilespmem:$0xB0A0]  }
0x36: {  	v2 =	vld [tilespmem:$0xB0B0]  }
0x37: {  	v3 =	vld [tilespmem:$0xB0C0]  }
0x38: {  	v4 =	vld [tilespmem:$0xB0D0]  }
0x39: {  	v5 =	vld [tilespmem:$0xB0E0];
	v0 =	vmax.f32 v0, $0.0e+00  }
0x3a: {  	v0 =	vmax.f32 v0, v1;
	v1 =	vld [tilespmem:$0xB0F0]  }
0x3b: {  	v0 =	vmax.f32 v0, v2;
	v2 =	vld [tilespmem:$0xB100]  }
0x3c: {  	v0 =	vmax.f32 v0, v3;
	v3 =	vld [tilespmem:$0xB110]  }
0x3d: {  	v54 =	vld [tilespmem:$0xB120];
	v0 =	vmax.f32 v0, v4  }
0x3e: {  	v55 =	vld [tilespmem:$0xB130];
	v0 =	vmax.f32 v0, v5  }
0x3f: {  	v0 =	vmax.f32 v0, v1;
	v1 =	vld [tilespmem:$0xB140]  }
0x40: {  	v0 =	vmax.f32 v0, v2;
	v2 =	vld [tilespmem:$0xB150]  }
0x41: {  	v0 =	vmax.f32 v0, v3;
	v3 =	vld [tilespmem:$0xB160]  }
0x42: {  	v56 =	vld [tilespmem:$0xB170];
	v0 =	vmax.f32 v0, v54  }
0x43: {  	v57 =	vld [tilespmem:$0xB180];
	v0 =	vmax.f32 v0, v55  }
0x44: {  	v0 =	vmax.f32 v0, v1;
	v1 =	vld [tilespmem:$0xB190]  }
0x45: {  	v0 =	vmax.f32 v0, v2;
	v2 =	vld [tilespmem:$0xB1A0]  }
0x46: {  	v0 =	vmax.f32 v0, v3;
	v3 =	vld [tilespmem:$0xB1B0]  }
0x47: {  	v58 =	vld [tilespmem:$0xB1C0];
	v0 =	vmax.f32 v0, v56  }
0x48: {  	v59 =	vld [tilespmem:$0xB1D0];
	v0 =	vmax.f32 v0, v57  }
0x49: {  	v0 =	vmax.f32 v0, v1;
	v1 =	vld [tilespmem:$0xB1E0]  }
0x4a: {  	v0 =	vmax.f32 v0, v2;
	v2 =	vld [tilespmem:$0xB1F0]  }
0x4b: {  	v0 =	vmax.f32 v0, v3;
	v3 =	vld [tilespmem:$0xB200]  }
0x4c: {  	v60 =	vld [tilespmem:$0xB210];
	v0 =	vmax.f32 v0, v58  }
0x4d: {  	v61 =	vld [tilespmem:$0xB220];
	v0 =	vmax.f32 v0, v59  }
0x4e: {  	v0 =	vmax.f32 v0, v1;
	v1 =	vld [tilespmem:$0xB230]  }
0x4f: {  	v0 =	vmax.f32 v0, v2;
	v2 =	vld [tilespmem:$0xB240]  }
0x50: {  	v0 =	vmax.f32 v0, v3;
	v3 =	vld [tilespmem:$0xB250]  }
0x51: {  	v62 =	vld [tilespmem:$0xB260];
	v0 =	vmax.f32 v0, v60  }
0x52: {  	v63 =	vld [tilespmem:$0xB270];
	v0 =	vmax.f32 v0, v61  }
0x53: {  	v0 =	vmax.f32 v0, v1;
	v1 =	vld [tilespmem:$0xB280]  }
0x54: {  	v0 =	vmax.f32 v0, v2  }
0x55: {  	v0 =	vmax.f32 v0, v3  }
0x56: {  	v0 =	vmax.f32 v0, v62  }
0x57: {  	v0 =	vmax.f32 v0, v63  }
0x58: {  	v0 =	vmax.f32 v0, v1  }
0x59: {  	(xrf0) =	vmax.scan.msk.f32 $0xffff, v0;
	_ =	sdelay $0x5  }
0x5a: {  	v0, _, _ =	vpop (xrf0)  }
0x5b: {  	s2 =	simm.s32 $0x0;
	[bflag:$0x0] =	sbarrier.arrive $0xFFFF  }
0x5c: {  	v0 =	vbroadcast v0, $0xF;
	[tilespmem:s21], [sflag:$0x1] =	stream.indirect.gather [spmem:s3], $0x10, s16, s20, $0xb8;
	[tilespmem:$0x100B0] =	vst v63  }
.LBB2_7:
0x5d: {  	s0 =	smul.u32 $0xA0, s2;
	_ =	sdelay $0x1  }
0x5e: {  	s7 =	sadd.s32 $0x2760, s0  }
0x5f: {  	[tilespmem:s22], [sflag:$0x2] =	stream.indirect.gather [spmem:s3], $0x10, s7, s20, $0xb8;
	[tilespmem:$0x100B0] =	vst v63  }
0x60: {  	_ =	swait.ge [sflag:s23], $0x500  }
0x61: {  	[sflag:s23] =	ssyncset.done $0x0  }
0x62: {  	[sflag:s23] =	ssyncadd.s32 $0xFFFFFB00  }
0x63: {  	v1 =	vld [tilespmem:s0+$0x4E20];
	_ =	sdelay $0x4  }
0x64: {  	v1 =	vsub.f32 v1, v0  }
0x65: {  	v2 =	vld [tilespmem:s0+$0x0]  }
0x66: {  	v1 =	vmul.f32 $1.442695020e+00, v1;
	_ =	sdelay $0x1  }
0x67: {  	(erf) = vpow2.f32 v1;
	_ =	sdelay $0x4  }
0x68: {  	v1 =	vld.idx.msk [tilespmem:v2+s18+$0x0], $0xffff;
	_ =	sdelay $0x3  }
0x69: {  	v2 =	vpop (erf)  }
0x6a: {  	v1 =	vmul.f32 v2, v1;
	_ =	sdelay $0x1  }
0x6b: {  	[tilespmem:$0x8930] =	vst v1  }
0x6c: {  	v1 =	vld [tilespmem:s0+$0x4E30];
	_ =	sdelay $0x4  }
0x6d: {  	v1 =	vsub.f32 v1, v0  }
0x6e: {  	v2 =	vld [tilespmem:s0+$0x10]  }
0x6f: {  	v1 =	vmul.f32 $1.442695020e+00, v1;
	_ =	sdelay $0x1  }
0x70: {  	(erf) = vpow2.f32 v1;
	_ =	sdelay $0x4  }
0x71: {  	v1 =	vld.idx.msk [tilespmem:v2+s18+$0x0], $0xffff;
	_ =	sdelay $0x3  }
0x72: {  	v2 =	vpop (erf)  }
0x73: {  	v1 =	vmul.f32 v2, v1;
	_ =	sdelay $0x1  }
0x74: {  	[tilespmem:$0x8940] =	vst v1  }
0x75: {  	v1 =	vld [tilespmem:s0+$0x4E40];
	_ =	sdelay $0x4  }
0x76: {  	v1 =	vsub.f32 v1, v0  }
0x77: {  	v2 =	vld [tilespmem:s0+$0x20]  }
0x78: {  	v1 =	vmul.f32 $1.442695020e+00, v1;
	_ =	sdelay $0x1  }
0x79: {  	(erf) = vpow2.f32 v1;
	_ =	sdelay $0x4  }
0x7a: {  	v1 =	vld.idx.msk [tilespmem:v2+s18+$0x0], $0xffff;
	_ =	sdelay $0x3  }
0x7b: {  	v2 =	vpop (erf)  }
0x7c: {  	v1 =	vmul.f32 v2, v1;
	_ =	sdelay $0x1  }
0x7d: {  	[tilespmem:$0x8950] =	vst v1  }
0x7e: {  	v1 =	vld [tilespmem:s0+$0x4E50];
	_ =	sdelay $0x4  }
0x7f: {  	v1 =	vsub.f32 v1, v0  }
0x80: {  	v2 =	vld [tilespmem:s0+$0x30]  }
0x81: {  	v1 =	vmul.f32 $1.442695020e+00, v1;
	_ =	sdelay $0x1  }
0x82: {  	(erf) = vpow2.f32 v1;
	_ =	sdelay $0x4  }
0x83: {  	v1 =	vld.idx.msk [tilespmem:v2+s18+$0x0], $0xffff;
	_ =	sdelay $0x3  }
0x84: {  	v2 =	vpop (erf)  }
0x85: {  	v1 =	vmul.f32 v2, v1;
	_ =	sdelay $0x1  }
0x86: {  	[tilespmem:$0x8960] =	vst v1  }
0x87: {  	v1 =	vld [tilespmem:s0+$0x4E60];
	_ =	sdelay $0x4  }
0x88: {  	v1 =	vsub.f32 v1, v0  }
0x89: {  	v2 =	vld [tilespmem:s0+$0x40]  }
0x8a: {  	v1 =	vmul.f32 $1.442695020e+00, v1;
	_ =	sdelay $0x1  }
0x8b: {  	(erf) = vpow2.f32 v1;
	_ =	sdelay $0x4  }
0x8c: {  	v1 =	vld.idx.msk [tilespmem:v2+s18+$0x0], $0xffff;
	_ =	sdelay $0x2  }
0x8d: {  	v2 =	vmov s31  }
0x8e: {  	v3 =	vpop (erf)  }
0x8f: {  	v1 =	vmul.f32 v3, v1;
	_ =	sdelay $0x1  }
0x90: {  	[tilespmem:$0x8970] =	vst v1  }
0x91: {  	s13 =	simm.s32 $0x7530;
	v1 =	vld.idx.msk [tilespmem:v2+s24+$0x0], $0xffff  }
0x92: {  	v2 =	vld [tilespmem:s13+$0x0];
	_ =	sdelay $0x1  }
0x93: {  	s14 =	simm.s32 $0x1  }
0x94: {  	v3 =	vmov s14;
	_ =	sdelay $0x1  }
0x95: {  	v1 =	vmul.f32 v2, v1  }
0x96: {  	s30 =	simm.s32 $0x7A30  }
0x97: {  	[tilespmem:s30+$0x0] =	vst v1  }
0x98: {  	s7 =	simm.s32 $0x7540;
	v1 =	vld.idx.msk [tilespmem:v3+s24+$0x0], $0xffff  }
0x99: {  	v3 =	vld [tilespmem:s7+$0x0];
	_ =	sdelay $0x1  }
0x9a: {  	s13 =	simm.s32 $0x2  }
0x9b: {  	s14 =	sadd.s32 $0x50, s0;
	v2 =	vmov s13;
	s13 =	simm.s32 $0x3  }
.LBB2_8:
0x9c: {  	p2 =	sne.s32 s13, $0x4F  }
0x9d: {  	v1 =	vmul.f32 v3, v1  }
0x9e: {  	s30 =	sadd.s32 $0x10, s30  }
0x9f: {  	[tilespmem:s30+$0x0] =	vst v1  }
.Ltmp3:
0xa0: {  	s7 =	sadd.s32 $0x10, s7;
	v1 =	vld.idx.msk [tilespmem:v2+s24+$0x0], $0xffff;
	(pc) =	sbr.rel @p2 .LBB2_8-.Ltmp3, $2  }
0xa1: {  	v3 =	vld [tilespmem:s7+$0x0];
	_ =	sdelay $0x2  }
0xa2: {  	v2 =	vmov s13;
	s13 =	sadd.s32 $0x1, s13  }
0xa3: {  	_ = 	snop  }
0xa4: {  	v1 =	vmul.f32 v3, v1  }
0xa5: {  	s13 =	sadd.s32 $0x10, s30  }
0xa6: {  	[tilespmem:s13+$0x0] =	vst v1  }
0xa7: {  	s7 =	sadd.s32 $0x10, s7;
	v1 =	vld.idx.msk [tilespmem:v2+s24+$0x0], $0xffff  }
0xa8: {  	v2 =	vld [tilespmem:s7+$0x0];
	_ =	sdelay $0x4  }
0xa9: {  	s30 =	smul.u32 $0x280, s2;
	v1 =	vmul.f32 v2, v1  }
0xaa: {  	s13 =	sadd.s32 $0x10, s13  }
0xab: {  	s7 =	sshra.s32 s30, $0x2;
	[tilespmem:s13+$0x0] =	vst v1  }
0xac: {  	[spmem:s1] =	stream.indirect.scatter.add.f32 [tilespmem:s25], [sflag:$0x3], $0x10, s7, s20, $0xb8;
	[tilespmem:$0x100B0] =	vst v63  }
0xad: {  	_ =	swait.ge [sflag:s15], $0x500  }
0xae: {  	[sflag:s15] =	ssyncset.done $0x0  }
0xaf: {  	s7 =	sadd.s32 $0x27B0, s7;
	[sflag:s15] =	ssyncadd.s32 $0xFFFFFB00  }
0xb0: {  	[tilespmem:s21], [sflag:$0x1] =	stream.indirect.gather [spmem:s3], $0x10, s7, s20, $0xb8;
	[tilespmem:$0x100B0] =	vst v63  }
0xb1: {  	_ =	swait.ge [sflag:s26], $0x500  }
0xb2: {  	[sflag:s26] =	ssyncset.done $0x0  }
0xb3: {  	[sflag:s26] =	ssyncadd.s32 $0xFFFFFB00  }
0xb4: {  	v1 =	vld [tilespmem:s14+$0x4E20];
	_ =	sdelay $0x4  }
0xb5: {  	v1 =	vsub.f32 v1, v0  }
0xb6: {  	v2 =	vld [tilespmem:s0+$0x50]  }
0xb7: {  	v1 =	vmul.f32 $1.442695020e+00, v1;
	_ =	sdelay $0x1  }
0xb8: {  	(erf) = vpow2.f32 v1;
	_ =	sdelay $0x4  }
0xb9: {  	v1 =	vld.idx.msk [tilespmem:v2+s18+$0x0], $0xffff;
	_ =	sdelay $0x3  }
0xba: {  	v2 =	vpop (erf)  }
0xbb: {  	v1 =	vmul.f32 v2, v1;
	_ =	sdelay $0x1  }
0xbc: {  	[tilespmem:$0x8930] =	vst v1  }
0xbd: {  	v1 =	vld [tilespmem:s0+$0x4E80];
	_ =	sdelay $0x4  }
0xbe: {  	v1 =	vsub.f32 v1, v0  }
0xbf: {  	v2 =	vld [tilespmem:s0+$0x60]  }
0xc0: {  	v1 =	vmul.f32 $1.442695020e+00, v1;
	_ =	sdelay $0x1  }
0xc1: {  	(erf) = vpow2.f32 v1;
	_ =	sdelay $0x4  }
0xc2: {  	v1 =	vld.idx.msk [tilespmem:v2+s18+$0x0], $0xffff;
	_ =	sdelay $0x3  }
0xc3: {  	v2 =	vpop (erf)  }
0xc4: {  	v1 =	vmul.f32 v2, v1;
	_ =	sdelay $0x1  }
0xc5: {  	[tilespmem:$0x8940] =	vst v1  }
0xc6: {  	v1 =	vld [tilespmem:s0+$0x4E90];
	_ =	sdelay $0x4  }
0xc7: {  	v1 =	vsub.f32 v1, v0  }
0xc8: {  	v2 =	vld [tilespmem:s0+$0x70]  }
0xc9: {  	v1 =	vmul.f32 $1.442695020e+00, v1;
	_ =	sdelay $0x1  }
0xca: {  	(erf) = vpow2.f32 v1;
	_ =	sdelay $0x4  }
0xcb: {  	v1 =	vld.idx.msk [tilespmem:v2+s18+$0x0], $0xffff;
	_ =	sdelay $0x3  }
0xcc: {  	v2 =	vpop (erf)  }
0xcd: {  	v1 =	vmul.f32 v2, v1;
	_ =	sdelay $0x1  }
0xce: {  	[tilespmem:$0x8950] =	vst v1  }
0xcf: {  	v1 =	vld [tilespmem:s0+$0x4EA0];
	_ =	sdelay $0x4  }
0xd0: {  	v1 =	vsub.f32 v1, v0  }
0xd1: {  	v2 =	vld [tilespmem:s0+$0x80]  }
0xd2: {  	v1 =	vmul.f32 $1.442695020e+00, v1;
	_ =	sdelay $0x1  }
0xd3: {  	(erf) = vpow2.f32 v1;
	_ =	sdelay $0x4  }
0xd4: {  	v1 =	vld.idx.msk [tilespmem:v2+s18+$0x0], $0xffff;
	_ =	sdelay $0x3  }
0xd5: {  	v2 =	vpop (erf)  }
0xd6: {  	v1 =	vmul.f32 v2, v1;
	_ =	sdelay $0x1  }
0xd7: {  	[tilespmem:$0x8960] =	vst v1  }
0xd8: {  	v1 =	vld [tilespmem:s0+$0x4EB0];
	_ =	sdelay $0x4  }
0xd9: {  	v1 =	vsub.f32 v1, v0  }
0xda: {  	v2 =	vld [tilespmem:s0+$0x90]  }
0xdb: {  	v1 =	vmul.f32 $1.442695020e+00, v1;
	_ =	sdelay $0x1  }
0xdc: {  	(erf) = vpow2.f32 v1;
	_ =	sdelay $0x4  }
0xdd: {  	v1 =	vld.idx.msk [tilespmem:v2+s18+$0x0], $0xffff;
	_ =	sdelay $0x1  }
0xde: {  	s30 =	simm.s32 $0x0  }
0xdf: {  	v2 =	vmov s30  }
0xe0: {  	v3 =	vpop (erf)  }
0xe1: {  	v1 =	vmul.f32 v3, v1;
	_ =	sdelay $0x1  }
0xe2: {  	[tilespmem:$0x8970] =	vst v1  }
0xe3: {  	s7 =	simm.s32 $0x7F30;
	v1 =	vld.idx.msk [tilespmem:v2+s24+$0x0], $0xffff  }
0xe4: {  	v2 =	vld [tilespmem:s7+$0x0];
	_ =	sdelay $0x1  }
0xe5: {  	s13 =	simm.s32 $0x1  }
0xe6: {  	v3 =	vmov s13;
	_ =	sdelay $0x1  }
0xe7: {  	v1 =	vmul.f32 v2, v1  }
0xe8: {  	s0 =	simm.s32 $0x8430  }
0xe9: {  	[tilespmem:s0+$0x0] =	vst v1  }
0xea: {  	s7 =	simm.s32 $0x7F40;
	v1 =	vld.idx.msk [tilespmem:v3+s24+$0x0], $0xffff  }
0xeb: {  	v3 =	vld [tilespmem:s7+$0x0];
	_ =	sdelay $0x1  }
0xec: {  	s30 =	simm.s32 $0x2  }
0xed: {  	s13 =	simm.s32 $0x3;
	v2 =	vmov s30  }
.LBB2_10:
0xee: {  	p2 =	sne.s32 s13, $0x4F  }
0xef: {  	v1 =	vmul.f32 v3, v1  }
0xf0: {  	s0 =	sadd.s32 $0x10, s0  }
0xf1: {  	[tilespmem:s0+$0x0] =	vst v1  }
.Ltmp4:
0xf2: {  	s7 =	sadd.s32 $0x10, s7;
	v1 =	vld.idx.msk [tilespmem:v2+s24+$0x0], $0xffff;
	(pc) =	sbr.rel @p2 .LBB2_10-.Ltmp4, $2  }
0xf3: {  	v3 =	vld [tilespmem:s7+$0x0];
	_ =	sdelay $0x2  }
0xf4: {  	v2 =	vmov s13;
	s13 =	sadd.s32 $0x1, s13  }
0xf5: {  	_ = 	snop  }
0xf6: {  	v1 =	vmul.f32 v3, v1  }
0xf7: {  	s0 =	sadd.s32 $0x10, s0  }
0xf8: {  	[tilespmem:s0+$0x0] =	vst v1  }
0xf9: {  	s7 =	sadd.s32 $0x10, s7;
	v1 =	vld.idx.msk [tilespmem:v2+s24+$0x0], $0xffff  }
0xfa: {  	v2 =	vld [tilespmem:s7+$0x0];
	_ =	sdelay $0x4  }
0xfb: {  	s2 =	sadd.s32 $0x1, s2;
	v1 =	vmul.f32 v2, v1  }
0xfc: {  	p2 =	sne.s32 s2, $0x3E;
	s0 =	sadd.s32 $0x10, s0  }
.Ltmp5:
0xfd: {  	[tilespmem:s0+$0x0] =	vst v1;
	(pc) =	sbr.rel @p2 .LBB2_7-.Ltmp5, $4  }
0xfe: {  	[spmem:s1] =	stream.indirect.scatter.add.f32 [tilespmem:s28], [sflag:$0x3], $0x10, s14, s20, $0xb8;
	[tilespmem:$0x100B0] =	vst v63  }
0xff: {  	_ =	swait.ge [sflag:s15], $0x500  }
0x100: {  	[sflag:s15] =	ssyncset.done $0x0  }
0x101: {  	[sflag:s15] =	ssyncadd.s32 $0xFFFFFB00  }
0x102: {  	_ =	swait.ge [sflag:s23], $0x500  }
0x103: {  	[sflag:s23] =	ssyncset.done $0x0  }
0x104: {  	[sflag:s23] =	ssyncadd.s32 $0xFFFFFB00  }
0x105: {  	v1 =	vld [tilespmem:$0x74E0];
	_ =	sdelay $0x4  }
0x106: {  	v1 =	vsub.f32 v1, v0;
	_ =	sdelay $0x1  }
0x107: {  	v1 =	vmul.f32 $1.442695020e+00, v1  }
0x108: {  	v2 =	vld [tilespmem:$0x26C0]  }
0x109: {  	(erf) = vpow2.f32 v1;
	v1 =	vld [tilespmem:$0x74F0];
	_ =	sdelay $0x4  }
0x10a: {  	v1 =	vsub.f32 v1, v0  }
0x10b: {  	v3 =	vld [tilespmem:$0x26D0]  }
0x10c: {  	v2 =	vld.idx.msk [tilespmem:v2+s18+$0x0], $0xffff;
	v1 =	vmul.f32 $1.442695020e+00, v1;
	_ =	sdelay $0x1  }
0x10d: {  	(erf) = vpow2.f32 v1;
	v1 =	vld [tilespmem:$0x7500];
	_ =	sdelay $0x1  }
0x10e: {  	v4 =	vpop (erf)  }
0x10f: {  	v2 =	vmul.f32 v4, v2;
	_ =	sdelay $0x1  }
0x110: {  	[tilespmem:$0x8930] =	vst v2;
	v1 =	vsub.f32 v1, v0  }
0x111: {  	v2 =	vld.idx.msk [tilespmem:v3+s18+$0x0], $0xffff  }
0x112: {  	v3 =	vld [tilespmem:$0x26E0];
	v1 =	vmul.f32 $1.442695020e+00, v1;
	_ =	sdelay $0x1  }
0x113: {  	(erf) = vpow2.f32 v1;
	v1 =	vld [tilespmem:$0x7510];
	_ =	sdelay $0x1  }
0x114: {  	v62 =	vpop (erf)  }
0x115: {  	v2 =	vmul.f32 v62, v2;
	_ =	sdelay $0x1  }
0x116: {  	[tilespmem:$0x8940] =	vst v2;
	v1 =	vsub.f32 v1, v0  }
0x117: {  	v2 =	vld.idx.msk [tilespmem:v3+s18+$0x0], $0xffff  }
0x118: {  	v3 =	vld [tilespmem:$0x26F0];
	v1 =	vmul.f32 $1.442695020e+00, v1  }
0x119: {  	v63 =	vld [tilespmem:$0x7520];
	_ =	sdelay $0x1  }
0x11a: {  	(erf) = vpow2.f32 v1  }
0x11b: {  	v1 =	vpop (erf)  }
0x11c: {  	v1 =	vmul.f32 v1, v2  }
0x11d: {  	v0 =	vsub.f32 v63, v0  }
0x11e: {  	v2 =	vld [tilespmem:$0x2700];
	[tilespmem:$0x8950] =	vst v1  }
0x11f: {  	v0 =	vmul.f32 $1.442695020e+00, v0;
	v1 =	vld.idx.msk [tilespmem:v3+s18+$0x0], $0xffff;
	_ =	sdelay $0x2  }
0x120: {  	(erf) = vpow2.f32 v0  }
0x121: {  	v0 =	vpop (erf)  }
0x122: {  	v0 =	vmul.f32 v0, v1;
	_ =	sdelay $0x1  }
0x123: {  	[tilespmem:$0x8960] =	vst v0  }
0x124: {  	v0 =	vld.idx.msk [tilespmem:v2+s18+$0x0], $0xffff;
	_ =	sdelay $0x1  }
0x125: {  	s0 =	simm.s32 $0x0  }
0x126: {  	v1 =	vmov s0  }
0x127: {  	v2 =	vpop (erf)  }
0x128: {  	v0 =	vmul.f32 v2, v0;
	_ =	sdelay $0x1  }
0x129: {  	[tilespmem:$0x8970] =	vst v0  }
0x12a: {  	s14 =	simm.s32 $0x7530;
	v0 =	vld.idx.msk [tilespmem:v1+s24+$0x0], $0xffff  }
0x12b: {  	v1 =	vld [tilespmem:s14+$0x0];
	_ =	sdelay $0x1  }
0x12c: {  	s30 =	simm.s32 $0x1  }
0x12d: {  	v2 =	vmov s30;
	_ =	sdelay $0x1  }
0x12e: {  	v0 =	vmul.f32 v1, v0  }
0x12f: {  	s0 =	simm.s32 $0x7A30  }
0x130: {  	[tilespmem:s0+$0x0] =	vst v0  }
0x131: {  	s2 =	simm.s32 $0x7540;
	v0 =	vld.idx.msk [tilespmem:v2+s24+$0x0], $0xffff  }
0x132: {  	v2 =	vld [tilespmem:s2+$0x0];
	_ =	sdelay $0x1  }
0x133: {  	s7 =	simm.s32 $0x2  }
0x134: {  	v1 =	vmov s7;
	s7 =	simm.s32 $0x3  }
.LBB2_13:
0x135: {  	p2 =	sne.s32 s7, $0x4F  }
0x136: {  	v0 =	vmul.f32 v2, v0  }
0x137: {  	s0 =	sadd.s32 $0x10, s0  }
0x138: {  	[tilespmem:s0+$0x0] =	vst v0  }
.Ltmp6:
0x139: {  	s2 =	sadd.s32 $0x10, s2;
	v0 =	vld.idx.msk [tilespmem:v1+s24+$0x0], $0xffff;
	(pc) =	sbr.rel @p2 .LBB2_13-.Ltmp6, $2  }
0x13a: {  	v2 =	vld [tilespmem:s2+$0x0];
	_ =	sdelay $0x2  }
0x13b: {  	v1 =	vmov s7;
	s7 =	sadd.s32 $0x1, s7  }
0x13c: {  	_ = 	snop  }
0x13d: {  	v0 =	vmul.f32 v2, v0  }
0x13e: {  	s0 =	sadd.s32 $0x10, s0  }
0x13f: {  	[tilespmem:s0+$0x0] =	vst v0  }
0x140: {  	s2 =	sadd.s32 $0x10, s2;
	v0 =	vld.idx.msk [tilespmem:v1+s24+$0x0], $0xffff  }
0x141: {  	v63 =	vld [tilespmem:s2+$0x0];
	_ =	sdelay $0x4  }
0x142: {  	v0 =	vmul.f32 v63, v0  }
0x143: {  	s0 =	sadd.s32 $0x10, s0  }
0x144: {  	[tilespmem:s0+$0x0] =	vst v0  }
0x145: {  	[spmem:s1] =	stream.indirect.scatter.add.f32 [tilespmem:s25], [sflag:$0x3], $0x10, s29, s20, $0xb8;
	[tilespmem:$0x100B0] =	vst v63  }
0x146: {  	_ =	swait.ge [sflag:s15], $0x500  }
0x147: {  	s4 =	sadd.s32 $0x1, s4;
	[sflag:s15] =	ssyncset.done $0x0  }
0x148: {  	p2 =	sne.s32 s4, s12;
	[sflag:s15] =	ssyncadd.s32 $0xFFFFFB00  }
0x149: {  	s2 =	simm.s32 @!p1 $0x1C03;
	s0 =	sshrl.u32 @!p1 s1, $0x3;
	[bflag:$0x0] =	sbarrier.arrive $0xFFFF  }
0x14a: {  	[hbm:s11], [sflag:s2] =	dma.local @!p1 [spmem:s0], $0x4E20  }
.Ltmp7:
0x14b: {  	_ = 	snop;
	(pc) =	sbr.rel @p2 .LBB2_1-.Ltmp7, $4  }
0x14c: {  	s0 =	simm.s32 @!p1 $0x3  }
0x14d: {  	_ =	swait.ge @!p1 [sflag:s0], $0x4E20  }
0x14e: {  	[sflag:s0] =	ssyncset.done @!p1 $0x0  }
0x14f: {  	[sflag:s0] =	ssyncadd.s32 @!p1 $0xFFFFB1E0  }
0x150: {  	_ =	sfence.sel $0x180000  }
0x151: {  	[bflag:$0x0] =	sbarrier.arrive $0xFFFF  }
0x152: {  	_ =	strace $0x9000004D  }
0x153: {  	[bflag:$0x2] =	sbarrier.arrive $0xFFFF  }
0x154: {  	s0 =	rddreg [dreg:$0x4]  }
0x155: {  	s0 =	sadd.s32 @!p1 $0x100000, s0  }
0x156: {  	[sflag:s0] =	ssyncadd.tile.s32 @!p1 $0x1;
	_ =	shalt  }
.Lfunc_end2:
_tile_overlayer_lowered:
.L_overlay_start_2:
0x157: {  	(tag) =	ssettag $0x2  }
0x158: {  	s0 =	rddreg [dreg:$0x0];
	s2 =	stileid.u32  }
0x159: {  	s1 =	rddreg [dreg:$0x1];
	p0 =	sne.s32 s2, $0x0  }
0x15a: {  	s3 =	rddreg [dreg:$0x2];
	[bflag:$0x3] =	sbarrier.arrive $0xFFFF;
	s2 =	simm.s32 @!p0 $0x1C03  }
0x15b: {  	[timem:s3], [sflag:s2] =	dma.local @!p0 [hbm:s0], s1  }
0x15c: {  	s0 =	simm.s32 @!p0 $0x3  }
0x15d: {  	_ =	swait.ge @!p0 [sflag:s0], s1  }
0x15e: {  	s1 =	ssub.s32 @!p0 $0x0, s1;
	[sflag:s0] =	ssyncset.done @!p0 $0x0  }
0x15f: {  	[sflag:s0] =	ssyncadd.s32 @!p0 s1  }
0x160: {  	[bflag:$0x3] =	sbarrier.arrive $0xFFFF  }
0x161: {  	_ =	shalt  }

// kernel: kernel.9.cloned.1.call-start
scs
__scs_entry_jumppad:
0x0: {  	(pc) =	sbr.rel $0x88, $3  }
0x1: {  	(tag) =	ssettag $0x0;
	lr =	simm.s32 $0x1  }
0x2: {  	[smem:$0x3F99] =	sst lr;
	_ =	strace $0xD0000000  }
0x3: {  	_ = 	snop  }
0x4: {  	_ = 	snop  }
0x5: {  	_ = 	snop  }
0x6: {  	_ = 	snop  }
0x7: {  	_ = 	snop  }
__scs_overlays_trampoline_lowered:
0x8: {  	[smem:$0x3FA8] =	sst s0  }
0x9: {  	[smem:$0x3FA9] =	sst s1  }
0xa: {  	[smem:$0x3FAA] =	sst s2  }
0xb: {  	[smem:$0x3FAB] =	sst s3  }
0xc: {  	[smem:$0x3FAC] =	sst s4  }
0xd: {  	[smem:$0x3FAD] =	sst s5  }
0xe: {  	[smem:$0x3FAE] =	sst s6  }
0xf: {  	[smem:$0x3FAF] =	sst s7  }
0x10: {  	[smem:$0x3FB0] =	sst s8  }
0x11: {  	[smem:$0x3FB1] =	sst s9;
	s0 =	simm.s32 @!p0 $0x0  }
0x12: {  	s1 =	sld [smem:$0x3F97];
	s0 =	simm.s32 @p0 $0x1  }
0x13: {  	[smem:$0x3FB2] =	sst s0;
	s0 =	simm.s32 @!p1 $0x0  }
0x14: {  	s2 =	sld [smem:$0x3F96];
	s0 =	simm.s32 @p1 $0x1  }
0x15: {  	[smem:$0x3FB3] =	sst s0;
	s0 =	simm.s32 @!p2 $0x0  }
0x16: {  	s3 =	sld [smem:$0x3FDB];
	s0 =	simm.s32 @p2 $0x1  }
0x17: {  	s4 =	simm.s32 $0x1BF5;
	[smem:$0x3FB5] =	sst s0  }
0x18: {  	s0 =	sld [smem:$0x3F98];
	_ =	swait.ge [sflag:s4], $0x0  }
0x19: {  	s7 =	sld [smem:$0x3F99]  }
0x1a: {  	s8 =	sadd.s32 $0xFFFFE003, lr  }
0x1b: {  	s9 =	sadd.s32 $0xFFFFFEF7, lr;
	s5 =	simm.s32 $0xFFFFFFFF;
	p2 =	slt.u32 s8, $0xFFFFF086  }
0x1c: {  	p1 =	slt.u32 s9, $0xF7A;
	s5 =	simm.s32 @!p2 $0x0  }
0x1d: {  	s5 =	simm.s32 @p1 $0x1;
	p0 =	seq.s32 s7, s2  }
0x1e: {  	s7 =	smul.u32 @!p0 $0xF7A, s2;
	p2 =	seq.s32 @!p0 s5, $0x0  }
0x1f: {  	s9 =	smul.u32 $0xF7A, s1;
	s8 =	simm.s32 @!p0 $0x1BF5;
	p2 =	por !p2, p0  }
0x20: {  	[sflag:s8] =	ssyncset.s32 @!p0 $0xFFFFF086;
	s6 =	sadd.s32 @!p0 s3, s7;
	s7 =	simm.s32 @!p0 $0x108  }
0x21: {  	s3 =	sadd.s32 s3, s9;
	s6 =	sadd.s32 @!p0 $0x88, s6;
	s7 =	simm.s32 @p2 $0x1082  }
0x22: {  	[simem:s7], [sflag:s8] =	dma.local @!p0 [hbm:s6], $0xF7A  }
0x23: {  	s9 =	sor.u32 $0xD0000000, s2;
	s6 =	simm.s32 $0x108;
	_ =	swait.ge @!p0 [sflag:s8], $0x0  }
0x24: {  	s3 =	sadd.s32 $0x88, s3;
	s6 =	simm.s32 @!p1 $0x1082;
	[sflag:s4] =	ssyncset.s32 $0xFFFFF086  }
0x25: {  	[simem:s6], [sflag:s4] =	dma.local [hbm:s3], $0xF7A  }
0x26: {  	[smem:$0x3F99] =	sst s1;
	(tag) =	ssettag s2;
	_ =	strace s9  }
0x27: {  	s1 =	sld [smem:$0x3FA9]  }
0x28: {  	s2 =	sld [smem:$0x3FAA]  }
0x29: {  	s4 =	sld [smem:$0x3FAC]  }
0x2a: {  	p0 =	seq.s32 s5, $0x0;
	s5 =	sld [smem:$0x3FAD]  }
0x2b: {  	s6 =	sld [smem:$0x3FAE]  }
0x2c: {  	s7 =	sld [smem:$0x3FAF]  }
0x2d: {  	s3 =	simm.s32 $0x108;
	s8 =	sld [smem:$0x3FB0]  }
0x2e: {  	s3 =	simm.s32 @!p0 $0x1082;
	s9 =	sld [smem:$0x3FB1]  }
0x2f: {  	lr =	sadd.s32 s0, s3;
	s0 =	sld [smem:$0x3FA8]  }
0x30: {  	s3 =	sld [smem:$0x3FAB]  }
0x31: {  	[smem:$0x3FB4] =	sst s10  }
0x32: {  	s10 =	sld [smem:$0x3FB2];
	_ =	sdelay $0x3  }
0x33: {  	p0 =	seq.s32 s10, $0x1;
	s10 =	sld [smem:$0x3FB4];
	_ =	sdelay $0x3  }
0x34: {  	[smem:$0x3FB4] =	sst s10  }
0x35: {  	s10 =	sld [smem:$0x3FB3];
	_ =	sdelay $0x3  }
0x36: {  	p1 =	seq.s32 s10, $0x1;
	s10 =	sld [smem:$0x3FB4];
	_ =	sdelay $0x3  }
0x37: {  	[smem:$0x3FB4] =	sst s10  }
0x38: {  	s10 =	sld [smem:$0x3FB5]  }
0x39: {  	_ = 	snop;
	(pc) =	sbr.ind lr, $3  }
0x3a: {  	_ = 	snop  }
0x3b: {  	_ = 	snop  }
0x3c: {  	p2 =	seq.s32 s10, $0x1;
	s10 =	sld [smem:$0x3FB4]  }
0x3d: {  	_ =	shalt  }
0x3e: {  	_ =	shalt  }
0x3f: {  	_ =	shalt  }
0x40: {  	_ =	shalt  }
0x41: {  	_ =	shalt  }
0x42: {  	_ =	shalt  }
0x43: {  	_ =	shalt  }
0x44: {  	_ =	shalt  }
0x45: {  	_ =	shalt  }
0x46: {  	_ =	shalt  }
0x47: {  	_ =	shalt  }
0x48: {  	_ =	shalt  }
0x49: {  	_ =	shalt  }
0x4a: {  	_ =	shalt  }
0x4b: {  	_ =	shalt  }
0x4c: {  	_ =	shalt  }
0x4d: {  	_ =	shalt  }
0x4e: {  	_ =	shalt  }
0x4f: {  	_ =	shalt  }
0x50: {  	_ =	shalt  }
0x51: {  	_ =	shalt  }
0x52: {  	_ =	shalt  }
0x53: {  	_ =	shalt  }
0x54: {  	_ =	shalt  }
0x55: {  	_ =	shalt  }
0x56: {  	_ =	shalt  }
0x57: {  	_ =	shalt  }
0x58: {  	_ =	shalt  }
0x59: {  	_ =	shalt  }
0x5a: {  	_ =	shalt  }
0x5b: {  	_ =	shalt  }
0x5c: {  	_ =	shalt  }
0x5d: {  	_ =	shalt  }
0x5e: {  	_ =	shalt  }
0x5f: {  	_ =	shalt  }
0x60: {  	_ =	shalt  }
0x61: {  	_ =	shalt  }
0x62: {  	_ =	shalt  }
0x63: {  	_ =	shalt  }
0x64: {  	_ =	shalt  }
0x65: {  	_ =	shalt  }
0x66: {  	_ =	shalt  }
0x67: {  	_ =	shalt  }
0x68: {  	_ =	shalt  }
0x69: {  	_ =	shalt  }
0x6a: {  	_ =	shalt  }
0x6b: {  	_ =	shalt  }
0x6c: {  	_ =	shalt  }
0x6d: {  	_ =	shalt  }
0x6e: {  	_ =	shalt  }
0x6f: {  	_ =	shalt  }
0x70: {  	_ =	shalt  }
0x71: {  	_ =	shalt  }
0x72: {  	_ =	shalt  }
0x73: {  	_ =	shalt  }
0x74: {  	_ =	shalt  }
0x75: {  	_ =	shalt  }
0x76: {  	_ =	shalt  }
0x77: {  	_ =	shalt  }
0x78: {  	_ =	shalt  }
0x79: {  	_ =	shalt  }
0x7a: {  	_ =	shalt  }
0x7b: {  	_ =	shalt  }
0x7c: {  	_ =	shalt  }
0x7d: {  	_ =	shalt  }
0x7e: {  	_ =	shalt  }
0x7f: {  	_ =	shalt  }
0x80: {  	_ =	shalt  }
0x81: {  	_ =	shalt  }
0x82: {  	_ =	shalt  }
0x83: {  	_ =	shalt  }
0x84: {  	_ =	shalt  }
0x85: {  	_ =	shalt  }
0x86: {  	_ =	shalt  }
0x87: {  	_ =	shalt  }
.Lfunc_end0:
.L_simem_size_0:
called_computation_lowered:
.L_overlay_start_0:
0x88: {  	s2 =	sld [smem:$0x3FD9]  }
0x89: {  	s3 =	sld [smem:$0x3FFE];
	_ =	sdelay $0x1  }
0x8a: {  	s1 =	srdreg.scid  }
0x8b: {  	s0 =	sand.u32 $0x1, s1  }
0x8c: {  	s14 =	sshll.u32 s0, $0xA;
	s2 =	sadd.s32 s3, s2  }
0x8d: {  	s2 =	sadd.s32 s2, s14  }
0x8e: {  	[smem:$0x3FC0] =	sst s2  }
0x8f: {  	_ = 	snop  }
0x90: {  	s2 =	sld [smem:$0x3FD0];
	_ =	sdelay $0x2  }
0x91: {  	s15 =	simm.s32 $0xA;
	s4 =	simm.s32 $0x10  }
0x92: {  	[smem:s4], [sflag:s15] =	dma.local [hbm:s2], $0x1  }
0x93: {  	_ =	swait.eq [sflag:s15], $0x1  }
0x94: {  	[sflag:s15] =	ssyncset.done $0x0  }
0x95: {  	[sflag:s15] =	ssyncadd.s32 $0xFFFFFFFF  }
0x96: {  	s16 =	sld [smem:$0x10];
	(tm) =	ssettm $0x1  }
0x97: {  	s17 =	sld [smem:$0x3FFB];
	_ =	sdelay $0x3  }
0x98: {  	_ =	strace s17  }
0x99: {  	s3 =	sld [smem:$0x3FFC];
	_ =	sdelay $0x3  }
0x9a: {  	_ =	strace s3  }
0x9b: {  	s3 =	sld [smem:$0x3FFD];
	_ =	sdelay $0x3  }
0x9c: {  	_ =	strace s3  }
0x9d: {  	_ =	strace $0x8FFFFFFF  }
0x9e: {  	s18 =	sld [smem:$0x3FDB];
	_ =	sdelay $0x1  }
0x9f: {  	s19 =	simm.s32 $_scs_section_size  }
0xa0: {  	s5 =	simm.s32 $_size__tile_overlayer_lowered;
	s6 =	simm.s32 $_tile_overlayer_lowered  }
0xa1: {  	s22 =	simm.s32 $0x1BFF;
	s21 =	sshll.u32 s6, $0x1;
	s3 =	sadd.s32 s19, s18  }
0xa2: {  	s7 =	simm.s32 $0x0;
	s20 =	sshll.u32 s5, $0x1;
	s5 =	sadd.s32 s21, s3  }
0xa3: {  	[timem:s7], [sflag:s22] =	dma.local [hbm:s5], s20  }
0xa4: {  	_ =	swait.ge [sflag:s22], s20  }
0xa5: {  	s4 =	ssub.s32 $0x0, s20;
	[sflag:s22] =	ssyncset.done $0x0  }
0xa6: {  	[sflag:s22] =	ssyncadd.s32 s4;
	_ =	sdelay $0x1  }
0xa7: {  	s23 =	simm.s32 $0x1B8B  }
0xa8: {  	_ =	swait.ge [sflag:s23], $0x1  }
0xa9: {  	[sflag:s23] =	ssyncset.done $0x0  }
0xaa: {  	s25 =	simm.s32 $0x1B8E;
	s24 =	sld [smem:$0x3FFE];
	[sflag:s23] =	ssyncadd.s32 $0xFFFFFFFF  }
0xab: {  	s26 =	simm.s32 $execute0_lowered;
	[smem:$0x3FD2] =	sst s25  }
0xac: {  	s5 =	sshll.u32 s26, $0x1;
	_ =	strace $0x80000046;
	[dreg:$0x1] =	wrdreg $0xFFFFFFFF  }
0xad: {  	s28 =	simm.s32 $_size_execute0_lowered;
	s3 =	sadd.s32 s3, s5;
	[dreg:$0x0] =	wrdreg $0x0  }
0xae: {  	s5 =	sshll.u32 s28, $0x1;
	[dreg:$0x2] =	wrdreg s3  }
0xaf: {  	[dreg:$0x3] =	wrdreg s5  }
0xb0: {  	[dreg:$0x4] =	wrdreg $0xC0  }
0xb1: {  	_ =	task [dreg:s7], $0x5FFFF  }
0xb2: {  	[dreg:$0x1] =	wrdreg $0xFFFFFFFF  }
0xb3: {  	[dreg:$0x0] =	wrdreg $0x60  }
0xb4: {  	[dreg:$0x2] =	wrdreg s24  }
0xb5: {  	[dreg:$0x3] =	wrdreg s16  }
0xb6: {  	[dreg:$0x4] =	wrdreg $0xC6500  }
0xb7: {  	[dreg:$0x5] =	wrdreg $0x9  }
0xb8: {  	_ =	task.clear_ibuf [dreg:s7], $0x6FFFF;
	_ =	strace $0x90000046  }
0xb9: {  	s29 =	simm.s32 $0x9;
	_ =	strace $0x80000048  }
0xba: {  	_ =	swait.ge [sflag:s29], $0x1  }
0xbb: {  	[sflag:s29] =	ssyncadd.s32 $0xFFFFFFFF  }
0xbc: {  	_ =	strace $0x90000048  }
0xbd: {  	_ =	sfence  }
0xbe: {  	s30 =	sld [smem:$0x0];
	_ =	sdelay $0x2  }
0xbf: {  	s31 =	sshll.u32 s1, $0xD;
	s1 =	sshrl.u32 s1, $0x2  }
0xc0: {  	s3 =	sand.u32 $0x4000, s31;
	s1 =	sadd.s32 s1, s30  }
0xc1: {  	s0 =	sor.u32 s3, s0;
	s1 =	sshll.u32 s1, $0x11  }
0xc2: {  	s0 =	sor.u32 s1, s0  }
0xc3: {  	s0 =	sadd.s32 $0x8F2B, s0  }
0xc4: {  	[sflag:s0] =	ssyncadd.remote.s32 $0x1  }
0xc5: {  	_ =	sfence.sel $0xFFFF  }
0xc6: {  	[dreg:$0x0] =	wrdreg $0xFFFFFFFF;
	(pc) =	sbr.abs _section_cstart, $3  }
0xc7: {  	[dreg:$0x1] =	wrdreg $0xFFFFFFFF  }
0xc8: {  	_ =	task.clear_ibuf [dreg:s7], $0x2FFFF;
	_ =	strace $0x9FFFFFFF  }
0xc9: {  	(tm) =	ssettm $0x7FFFFFFF  }
tec
execute0_lowered:
.L_overlay_start_1:
0x0: {  	(tag) =	ssettag $0x1  }
0x1: {  	s1 =	rddreg [dreg:$0x0];
	s3 =	srdreg.scid  }
0x2: {  	s11 =	stileid.u32;
	s2 =	rddreg [dreg:$0x2]  }
0x3: {  	s12 =	simm.s32 $0x3;
	s13 =	simm.s32 $0x2710;
	s14 =	simm.s32 $0x9D30  }
0x4: {  	s15 =	simm.s32 $0x50;
	s16 =	simm.s32 $0x7530;
	s17 =	simm.s32 $0x7F30  }
0x5: {  	s18 =	simm.s32 $0x8930;
	s19 =	simm.s32 $0x9330;
	s20 =	simm.s32 $0x1  }
0x6: {  	s21 =	simm.s32 $0x2;
	s22 =	simm.s32 $0x9F40;
	s23 =	simm.s32 $0x4E20  }
0x7: {  	s24 =	simm.s32 $0x9F30;
	s25 =	simm.s32 $0x0;
	s5 =	sand.u32 $0x1, s3  }
0x8: {  	s4 =	sshll.u32 s11, $0x1;
	s3 =	simm.s32 $0x0;
	p0 =	sne.s32 s11, $0x0  }
0x9: {  	s6 =	sor.u32 s5, s4;
	[smem:$0x7FF] =	sst s3;
	s4 =	sadd.s32 $0x14E00, s1  }
0xa: {  	s5 =	ssub.s32 $0x2, s5;
	s11 =	sshrl.u32 @!p0 s2, $0x3;
	s7 =	smul.u32 $0x4E2, s6  }
0xb: {  	v1 =	vlaneseq.u32;
	_ =	strace $0x80000047;
	s6 =	sshll.u32 s6, $0x1;
	s31 =	sshrl.u32 s5, $0x1  }
0xc: {  	v43 =	vmul.u32 $0x20, v1;
	s10 =	ssub.s32 s5, s31;
	s9 =	sadd.s32 s7, s1;
	s1 =	sadd.s32 s6, s1  }
0xd: {  	s10 =	smax.u32 s10, $0x1;
	s5 =	sadd.s32 $0xB000, s9;
	s6 =	sadd.s32 $0x1200, s9  }
0xe: {  	v3 =	vimm.f32 $0.0e+00;
	[tilespmem:$0x1FFF0] =	vst v43;
	s7 =	sadd.s32 $0x28A00, s9;
	s8 =	sadd.s32 $0x32800, s1;
	s9 =	sadd.s32 $0x1EC00, s9  }
.LBB2_1:
0xf: {  	s1 =	simm.s32 @!p0 $0x1C03  }
0x10: {  	[spmem:s11], [sflag:s1] =	dma.local @!p0 [hbm:s4], $0x9C40  }
0x11: {  	s1 =	simm.s32 @!p0 $0x3  }
0x12: {  	_ =	swait.ge @!p0 [sflag:s1], $0x9C40  }
0x13: {  	[sflag:s1] =	ssyncset.done @!p0 $0x0  }
0x14: {  	[sflag:s1] =	ssyncadd.s32 @!p0 $0xFFFF63C0  }
0x15: {  	[tilespmem:s3], [sflag:$0x3] =	stream.linear.gather [hbm4b:s5+s3], $0x2710, $0x38;
	[tilespmem:$0x11470] =	vst v63  }
0x16: {  	_ =	swait.ge [sflag:s12], $0x2710  }
0x17: {  	[sflag:s12] =	ssyncset.done $0x0  }
0x18: {  	[sflag:s12] =	ssyncadd.s32 $0xFFFFD8F0  }
0x19: {  	[tilespmem:s13], [sflag:$0x3] =	stream.linear.gather [hbm4b:s6+s3], $0x2710, $0x38;
	[tilespmem:$0x11470] =	vst v63  }
0x1a: {  	_ =	swait.ge [sflag:s12], $0x2710  }
0x1b: {  	[sflag:s12] =	ssyncset.done $0x0  }
0x1c: {  	[sflag:s12] =	ssyncadd.s32 $0xFFFFD8F0  }
0x1d: {  	s0 =	rddreg [dreg:$0x1]  }
0x1e: {  	[tilespmem:s14], [sflag:$0x3] =	stream.linear.gather [hbm4b:s0+s3], $0x200, $0x38;
	[tilespmem:$0x11470] =	vst v63  }
0x1f: {  	_ =	swait.ge [sflag:s12], $0x200  }
0x20: {  	[sflag:s12] =	ssyncset.done $0x0  }
0x21: {  	[sflag:s12] =	ssyncadd.s32 $0xFFFFFE00  }
0x22: {  	[tilespmem:$0x9F30] =	vst v3  }
0x23: {  	[bflag:$0x0] =	sbarrier.arrive $0xFFFF  }
0x24: {  	[tilespmem:s16], [sflag:$0x1] =	stream.indirect.gather [spmem:s2], $0x20, s3, s15, $0xb8;
	[tilespmem:$0x11470] =	vst v63  }
0x25: {  	s26 =	simm.s32 $0x4E70;
	s29 =	simm.s32 $0x0;
	s1 =	simm.s32 $0x4E20  }
0x26: {  	[tilespmem:s17], [sflag:$0x1] =	stream.indirect.gather [spmem:s2], $0x20, s13, s15, $0xb8;
	[tilespmem:$0x11470] =	vst v63  }
.LBB2_2:
0x27: {  	s30 =	smul.u32 $0xA0, s29;
	_ =	sdelay $0x1  }
0x28: {  	s28 =	sadd.s32 $0x50, s30  }
0x29: {  	[tilespmem:s18], [sflag:$0x2] =	stream.indirect.gather [spmem:s2], $0x20, s28, s15, $0xb8;
	[tilespmem:$0x11470] =	vst v63  }
0x2a: {  	s28 =	sadd.s32 $0x2760, s30  }
0x2b: {  	[tilespmem:s19], [sflag:$0x2] =	stream.indirect.gather [spmem:s2], $0x20, s28, s15, $0xb8;
	[tilespmem:$0x11470] =	vst v63  }
0x2c: {  	_ =	swait.ge [sflag:s20], $0xA00  }
0x2d: {  	[sflag:s20] =	ssyncset.done $0x0  }
0x2e: {  	[sflag:s20] =	ssyncadd.s32 $0xFFFFF600  }
0x2f: {  	_ =	swait.ge [sflag:s20], $0xA00  }
0x30: {  	[sflag:s20] =	ssyncset.done $0x0  }
0x31: {  	[sflag:s20] =	ssyncadd.s32 $0xFFFFF600  }
0x32: {  	v2 =	vld [tilespmem:$0x9F00]  }
0x33: {  	v3 =	vld [tilespmem:$0x9EF0]  }
0x34: {  	v4 =	vld [tilespmem:$0x9EE0]  }
0x35: {  	v5 =	vld [tilespmem:$0x9ED0]  }
0x36: {  	v6 =	vld [tilespmem:$0x9EC0]  }
0x37: {  	v7 =	vld [tilespmem:$0x9EB0]  }
0x38: {  	v8 =	vld [tilespmem:$0x9EA0]  }
0x39: {  	v9 =	vld [tilespmem:$0x9E90]  }
0x3a: {  	v11 =	vld [tilespmem:$0x9E80]  }
0x3b: {  	v12 =	vld [tilespmem:$0x9E70]  }
0x3c: {  	v13 =	vld [tilespmem:$0x9E60]  }
0x3d: {  	v14 =	vld [tilespmem:$0x9E50]  }
0x3e: {  	v15 =	vld [tilespmem:$0x9E40]  }
0x3f: {  	v16 =	vld [tilespmem:$0x9E30]  }
0x40: {  	v17 =	vld [tilespmem:$0x9E20]  }
0x41: {  	v18 =	vld [tilespmem:$0x9E10]  }
0x42: {  	v19 =	vld [tilespmem:$0x9E00]  }
0x43: {  	v20 =	vld [tilespmem:$0x9DF0]  }
0x44: {  	v21 =	vld [tilespmem:$0x9DE0]  }
0x45: {  	v22 =	vld [tilespmem:$0x9DD0]  }
0x46: {  	v23 =	vld [tilespmem:$0x9DC0]  }
0x47: {  	v24 =	vld [tilespmem:$0x9DB0]  }
0x48: {  	s28 =	simm.s32 $0x0;
	v25 =	vld [tilespmem:$0x9DA0]  }
0x49: {  	v10 =	vmov s28;
	v26 =	vld [tilespmem:$0x9D90]  }
0x4a: {  	v10 =	vshll.u32 v10, $0x5;
	v27 =	vld [tilespmem:$0x9D80]  }
0x4b: {  	v10 =	vor.u32 v43, v10;
	v29 =	vld [tilespmem:$0x9D70]  }
0x4c: {  	v30 =	vld [tilespmem:$0x9D60]  }
0x4d: {  	v28 =	vor.u32 $0x1, v10;
	v31 =	vld [tilespmem:$0x9D50]  }
0x4e: {  	v32 =	vld [tilespmem:$0x9D40]  }
0x4f: {  	v33 =	vor.u32 $0x2, v10;
	v39 =	vld [tilespmem:$0x9D30]  }
0x50: {  	v34 =	vld.idx.msk [tilespmem:v10+s16+$0x0], $0xffff  }
0x51: {  	v36 =	vor.u32 $0x3, v10;
	v37 =	vld.idx.msk [tilespmem:v10+s17+$0x0], $0xffff  }
0x52: {  	v35 =	vld.idx.msk [tilespmem:v28+s16+$0x0], $0xffff  }
0x53: {  	v38 =	vor.u32 $0x4, v10;
	v28 =	vld.idx.msk [tilespmem:v28+s17+$0x0], $0xffff  }
0x54: {  	v40 =	vld.idx.msk [tilespmem:v33+s17+$0x0], $0xffff  }
0x55: {  	v41 =	vor.u32 $0x5, v10;
	v33 =	vld.idx.msk [tilespmem:v33+s16+$0x0], $0xffff  }
0x56: {  	v42 =	vld.idx.msk [tilespmem:v36+s17+$0x0], $0xffff;
	v34 =	vsub.f32 v34, v37  }
0x57: {  	v57 =	vor.u32 $0x6, v10;
	v36 =	vld.idx.msk [tilespmem:v36+s16+$0x0], $0xffff  }
0x58: {  	v58 =	vld.idx.msk [tilespmem:v38+s17+$0x0], $0xffff;
	v28 =	vsub.f32 v35, v28;
	v34 =	vand.u32 $0x7FFFFFFF, v34  }
0x59: {  	v59 =	vor.u32 $0x7, v10;
	v38 =	vld.idx.msk [tilespmem:v38+s16+$0x0], $0xffff;
	v34 =	vmul.f32 v34, v39  }
0x5a: {  	v60 =	vld.idx.msk [tilespmem:v41+s17+$0x0], $0xffff;
	v33 =	vsub.f32 v33, v40;
	v28 =	vand.u32 $0x7FFFFFFF, v28  }
0x5b: {  	v61 =	vor.u32 $0x8, v10;
	v41 =	vld.idx.msk [tilespmem:v41+s16+$0x0], $0xffff;
	v28 =	vmul.f32 v28, v32;
	v34 =	vadd.f32 $0.0e+00, v34  }
0x5c: {  	v62 =	vld.idx.msk [tilespmem:v57+s17+$0x0], $0xffff;
	v36 =	vsub.f32 v36, v42;
	v33 =	vand.u32 $0x7FFFFFFF, v33  }
0x5d: {  	v63 =	vor.u32 $0x9, v10;
	v0 =	vld.idx.msk [tilespmem:v57+s16+$0x0], $0xffff;
	v31 =	vmul.f32 v33, v31;
	v28 =	vadd.f32 v28, v34  }
0x5e: {  	v1 =	vld.idx.msk [tilespmem:v59+s17+$0x0], $0xffff;
	v35 =	vsub.f32 v38, v58;
	v36 =	vand.u32 $0x7FFFFFFF, v36  }
0x5f: {  	v44 =	vor.u32 $0xA, v10;
	v45 =	vld.idx.msk [tilespmem:v59+s16+$0x0], $0xffff;
	v30 =	vmul.f32 v36, v30;
	v28 =	vadd.f32 v31, v28  }
0x60: {  	v47 =	vld.idx.msk [tilespmem:v61+s17+$0x0], $0xffff;
	v46 =	vsub.f32 v41, v60;
	v35 =	vand.u32 $0x7FFFFFFF, v35  }
0x61: {  	v48 =	vor.u32 $0xB, v10;
	v29 =	vmul.f32 v35, v29;
	v32 =	vld.idx.msk [tilespmem:v61+s16+$0x0], $0xffff;
	v28 =	vadd.f32 v30, v28  }
0x62: {  	v49 =	vld.idx.msk [tilespmem:v63+s17+$0x0], $0xffff;
	v38 =	vand.u32 $0x7FFFFFFF, v46;
	v34 =	vsub.f32 v0, v62  }
0x63: {  	v50 =	vor.u32 $0xC, v10;
	v27 =	vmul.f32 v38, v27;
	v33 =	vld.idx.msk [tilespmem:v63+s16+$0x0], $0xffff;
	v28 =	vadd.f32 v29, v28  }
0x64: {  	v51 =	vld.idx.msk [tilespmem:v44+s17+$0x0], $0xffff;
	v36 =	vsub.f32 v45, v1;
	v34 =	vand.u32 $0x7FFFFFFF, v34  }
0x65: {  	v52 =	vor.u32 $0xD, v10;
	v31 =	vld.idx.msk [tilespmem:v44+s16+$0x0], $0xffff;
	v26 =	vmul.f32 v34, v26;
	v27 =	vadd.f32 v27, v28  }
0x66: {  	v53 =	vld.idx.msk [tilespmem:v48+s17+$0x0], $0xffff;
	v36 =	vand.u32 $0x7FFFFFFF, v36;
	v32 =	vsub.f32 v32, v47  }
0x67: {  	v54 =	vor.u32 $0xE, v10;
	v25 =	vmul.f32 v36, v25;
	v30 =	vld.idx.msk [tilespmem:v48+s16+$0x0], $0xffff;
	v26 =	vadd.f32 v26, v27  }
0x68: {  	v55 =	vld.idx.msk [tilespmem:v50+s17+$0x0], $0xffff;
	v33 =	vsub.f32 v33, v49;
	v32 =	vand.u32 $0x7FFFFFFF, v32  }
0x69: {  	v56 =	vor.u32 $0xF, v10;
	v24 =	vmul.f32 v32, v24;
	v29 =	vld.idx.msk [tilespmem:v50+s16+$0x0], $0xffff;
	v25 =	vadd.f32 v25, v26  }
0x6a: {  	v57 =	vld.idx.msk [tilespmem:v52+s17+$0x0], $0xffff;
	v33 =	vand.u32 $0x7FFFFFFF, v33;
	v31 =	vsub.f32 v31, v51  }
0x6b: {  	v58 =	vor.u32 $0x10, v10;
	v23 =	vmul.f32 v33, v23;
	v28 =	vld.idx.msk [tilespmem:v52+s16+$0x0], $0xffff;
	v24 =	vadd.f32 v24, v25  }
0x6c: {  	v59 =	vld.idx.msk [tilespmem:v54+s17+$0x0], $0xffff;
	v30 =	vsub.f32 v30, v53;
	v31 =	vand.u32 $0x7FFFFFFF, v31  }
0x6d: {  	v60 =	vor.u32 $0x11, v10;
	v22 =	vmul.f32 v31, v22;
	v27 =	vld.idx.msk [tilespmem:v54+s16+$0x0], $0xffff;
	v23 =	vadd.f32 v23, v24  }
0x6e: {  	v61 =	vld.idx.msk [tilespmem:v56+s17+$0x0], $0xffff;
	v29 =	vsub.f32 v29, v55;
	v30 =	vand.u32 $0x7FFFFFFF, v30  }
0x6f: {  	v62 =	vor.u32 $0x12, v10;
	v21 =	vmul.f32 v30, v21;
	v26 =	vld.idx.msk [tilespmem:v56+s16+$0x0], $0xffff;
	v22 =	vadd.f32 v22, v23  }
0x70: {  	v63 =	vld.idx.msk [tilespmem:v58+s17+$0x0], $0xffff;
	v28 =	vsub.f32 v28, v57;
	v29 =	vand.u32 $0x7FFFFFFF, v29  }
0x71: {  	v0 =	vor.u32 $0x13, v10;
	v20 =	vmul.f32 v29, v20;
	v25 =	vld.idx.msk [tilespmem:v58+s16+$0x0], $0xffff;
	v21 =	vadd.f32 v21, v22  }
0x72: {  	v1 =	vld.idx.msk [tilespmem:v60+s17+$0x0], $0xffff;
	v27 =	vsub.f32 v27, v59;
	v28 =	vand.u32 $0x7FFFFFFF, v28  }
0x73: {  	v32 =	vor.u32 $0x14, v10;
	v19 =	vmul.f32 v28, v19;
	v24 =	vld.idx.msk [tilespmem:v60+s16+$0x0], $0xffff;
	v20 =	vadd.f32 v20, v21  }
0x74: {  	v33 =	vld.idx.msk [tilespmem:v62+s17+$0x0], $0xffff;
	v26 =	vsub.f32 v26, v61;
	v27 =	vand.u32 $0x7FFFFFFF, v27  }
0x75: {  	v34 =	vor.u32 $0x15, v10;
	v18 =	vmul.f32 v27, v18;
	v23 =	vld.idx.msk [tilespmem:v62+s16+$0x0], $0xffff;
	v19 =	vadd.f32 v19, v20  }
0x76: {  	v35 =	vld.idx.msk [tilespmem:v0+s17+$0x0], $0xffff;
	v25 =	vsub.f32 v25, v63;
	v26 =	vand.u32 $0x7FFFFFFF, v26  }
0x77: {  	v36 =	vor.u32 $0x16, v10;
	v17 =	vmul.f32 v26, v17;
	v22 =	vld.idx.msk [tilespmem:v0+s16+$0x0], $0xffff;
	v18 =	vadd.f32 v18, v19  }
0x78: {  	v37 =	vld.idx.msk [tilespmem:v32+s17+$0x0], $0xffff;
	v24 =	vsub.f32 v24, v1;
	v25 =	vand.u32 $0x7FFFFFFF, v25  }
0x79: {  	v38 =	vor.u32 $0x17, v10;
	v16 =	vmul.f32 v25, v16;
	v21 =	vld.idx.msk [tilespmem:v32+s16+$0x0], $0xffff;
	v17 =	vadd.f32 v17, v18  }
0x7a: {  	v39 =	vld.idx.msk [tilespmem:v34+s17+$0x0], $0xffff;
	v23 =	vsub.f32 v23, v33;
	v24 =	vand.u32 $0x7FFFFFFF, v24  }
0x7b: {  	v40 =	vor.u32 $0x18, v10;
	v15 =	vmul.f32 v24, v15;
	v20 =	vld.idx.msk [tilespmem:v34+s16+$0x0], $0xffff;
	v16 =	vadd.f32 v16, v17  }
0x7c: {  	v41 =	vld.idx.msk [tilespmem:v36+s17+$0x0], $0xffff;
	v22 =	vsub.f32 v22, v35;
	v23 =	vand.u32 $0x7FFFFFFF, v23  }
0x7d: {  	v42 =	vor.u32 $0x19, v10;
	v14 =	vmul.f32 v23, v14;
	v19 =	vld.idx.msk [tilespmem:v36+s16+$0x0], $0xffff;
	v15 =	vadd.f32 v15, v16  }
0x7e: {  	v44 =	vld.idx.msk [tilespmem:v38+s17+$0x0], $0xffff;
	v21 =	vsub.f32 v21, v37;
	v22 =	vand.u32 $0x7FFFFFFF, v22  }
0x7f: {  	v45 =	vor.u32 $0x1A, v10;
	v13 =	vmul.f32 v22, v13;
	v18 =	vld.idx.msk [tilespmem:v38+s16+$0x0], $0xffff;
	v14 =	vadd.f32 v14, v15  }
0x80: {  	v46 =	vld.idx.msk [tilespmem:v40+s17+$0x0], $0xffff;
	v20 =	vsub.f32 v20, v39;
	v21 =	vand.u32 $0x7FFFFFFF, v21  }
0x81: {  	v47 =	vor.u32 $0x1B, v10;
	v12 =	vmul.f32 v21, v12;
	v17 =	vld.idx.msk [tilespmem:v40+s16+$0x0], $0xffff;
	v13 =	vadd.f32 v13, v14  }
0x82: {  	v48 =	vld.idx.msk [tilespmem:v42+s17+$0x0], $0xffff;
	v19 =	vsub.f32 v19, v41;
	v20 =	vand.u32 $0x7FFFFFFF, v20  }
0x83: {  	v49 =	vor.u32 $0x1C, v10;
	v11 =	vmul.f32 v20, v11;
	v16 =	vld.idx.msk [tilespmem:v42+s16+$0x0], $0xffff;
	v12 =	vadd.f32 v12, v13  }
0x84: {  	v50 =	vld.idx.msk [tilespmem:v45+s17+$0x0], $0xffff;
	v18 =	vsub.f32 v18, v44;
	v19 =	vand.u32 $0x7FFFFFFF, v19  }
0x85: {  	v51 =	vor.u32 $0x1D, v10;
	v9 =	vmul.f32 v19, v9;
	v15 =	vld.idx.msk [tilespmem:v45+s16+$0x0], $0xffff;
	v11 =	vadd.f32 v11, v12  }
0x86: {  	v52 =	vld.idx.msk [tilespmem:v47+s17+$0x0], $0xffff;
	v17 =	vsub.f32 v17, v46;
	v18 =	vand.u32 $0x7FFFFFFF, v18  }
0x87: {  	v53 =	vor.u32 $0x1E, v10;
	v8 =	vmul.f32 v18, v8;
	v14 =	vld.idx.msk [tilespmem:v47+s16+$0x0], $0xffff;
	v9 =	vadd.f32 v9, v11  }
0x88: {  	v54 =	vld.idx.msk [tilespmem:v49+s17+$0x0], $0xffff;
	v16 =	vsub.f32 v16, v48;
	v17 =	vand.u32 $0x7FFFFFFF, v17  }
0x89: {  	v55 =	vor.u32 $0x1F, v10;
	v56 =	vld.idx.msk [tilespmem:v49+s16+$0x0], $0xffff;
	v7 =	vmul.f32 v17, v7;
	v8 =	vadd.f32 v8, v9  }
0x8a: {  	v58 =	vld.idx.msk [tilespmem:v51+s17+$0x0], $0xffff;
	v57 =	vsub.f32 v15, v50;
	v16 =	vand.u32 $0x7FFFFFFF, v16  }
0x8b: {  	v6 =	vmul.f32 v16, v6;
	v7 =	vadd.f32 v7, v8;
	v8 =	vld.idx.msk [tilespmem:v51+s16+$0x0], $0xffff  }
0x8c: {  	v60 =	vld.idx.msk [tilespmem:v53+s17+$0x0], $0xffff;
	v59 =	vsub.f32 v14, v52;
	v13 =	vand.u32 $0x7FFFFFFF, v57  }
0x8d: {  	v5 =	vmul.f32 v13, v5;
	v6 =	vadd.f32 v6, v7;
	v7 =	vld.idx.msk [tilespmem:v53+s16+$0x0], $0xffff  }
0x8e: {  	v10 =	vsub.f32 v56, v54;
	v61 =	vld.idx.msk [tilespmem:v55+s17+$0x0], $0xffff;
	v12 =	vand.u32 $0x7FFFFFFF, v59  }
0x8f: {  	v4 =	vmul.f32 v12, v4;
	v5 =	vadd.f32 v5, v6;
	v6 =	vld.idx.msk [tilespmem:v55+s16+$0x0], $0xffff  }
0x90: {  	v62 =	vand.u32 $0x7FFFFFFF, v10;
	v63 =	vld [tilespmem:$0x9F10];
	v8 =	vsub.f32 v8, v58  }
0x91: {  	v3 =	vmul.f32 v62, v3;
	v4 =	vadd.f32 v4, v5  }
0x92: {  	v5 =	vand.u32 $0x7FFFFFFF, v8;
	v7 =	vsub.f32 v7, v60;
	v8 =	vld [tilespmem:$0x9F20]  }
0x93: {  	v2 =	vmul.f32 v5, v2;
	v3 =	vadd.f32 v3, v4  }
0x94: {  	v4 =	vsub.f32 v6, v61;
	v5 =	vand.u32 $0x7FFFFFFF, v7  }
0x95: {  	v5 =	vmul.f32 v5, v63;
	v2 =	vadd.f32 v2, v3  }
0x96: {  	v3 =	vand.u32 $0x7FFFFFFF, v4  }
0x97: {  	v3 =	vmul.f32 v3, v8;
	v2 =	vadd.f32 v5, v2;
	_ =	sdelay $0x1  }
0x98: {  	v2 =	vadd.f32 v3, v2;
	_ =	sdelay $0x1  }
0x99: {  	v5 =	vmax.f32 v2, $0.0e+00  }
0x9a: {  	[tilespmem:s1+$0x0] =	vst v5  }
0x9b: {  	s31 =	simm.s32 $0x10;
	s28 =	smov.u32 s1;
	v6 =	vld [tilespmem:$0x9F30]  }
.LBB2_3:
0x9c: {  	v0 =	vld [tilespmem:$0x9F00]  }
0x9d: {  	v62 =	vld [tilespmem:$0x9EF0]  }
0x9e: {  	v7 =	vld [tilespmem:$0x9EB0]  }
0x9f: {  	v8 =	vld [tilespmem:$0x9EA0]  }
0xa0: {  	v9 =	vld [tilespmem:$0x9E90]  }
0xa1: {  	v10 =	vld [tilespmem:$0x9E80]  }
0xa2: {  	v11 =	vld [tilespmem:$0x9E70]  }
0xa3: {  	v12 =	vld [tilespmem:$0x9E60]  }
0xa4: {  	v13 =	vld [tilespmem:$0x9E50]  }
0xa5: {  	v14 =	vld [tilespmem:$0x9E40]  }
0xa6: {  	v17 =	vld [tilespmem:$0x9E30]  }
0xa7: {  	v19 =	vld [tilespmem:$0x9E20]  }
0xa8: {  	v22 =	vld [tilespmem:$0x9E10]  }
0xa9: {  	v24 =	vld [tilespmem:$0x9E00]  }
0xaa: {  	v27 =	vld [tilespmem:$0x9DF0]  }
0xab: {  	v30 =	vld [tilespmem:$0x9DE0]  }
0xac: {  	v32 =	vld [tilespmem:$0x9DD0]  }
0xad: {  	v35 =	vld [tilespmem:$0x9DC0]  }
0xae: {  	v37 =	vld [tilespmem:$0x9DB0]  }
0xaf: {  	s0 =	smov.u32 s31;
	v40 =	vld [tilespmem:$0x9DA0]  }
0xb0: {  	v41 =	vld [tilespmem:$0x9D90];
	v15 =	vmov s0  }
0xb1: {  	v42 =	vld [tilespmem:$0x9D80];
	v15 =	vshll.u32 v15, $0x5  }
0xb2: {  	v45 =	vld [tilespmem:$0x9D70];
	v15 =	vor.u32 v43, v15  }
0xb3: {  	v46 =	vld [tilespmem:$0x9D60]  }
0xb4: {  	v50 =	vld [tilespmem:$0x9D50];
	v16 =	vor.u32 $0x1, v15  }
0xb5: {  	v54 =	vld [tilespmem:$0x9D40];
	v6 =	vmax.f32 v6, v5  }
0xb6: {  	v3 =	vld [tilespmem:$0x9D30];
	[tilespmem:$0x9F30] =	vst v6;
	v43 =	vor.u32 $0x2, v15  }
0xb7: {  	v58 =	vld.idx.msk [tilespmem:v15+s16+$0x0], $0xffff  }
0xb8: {  	[tilespmem:$0x1FFE0] =	vst v0;
	v44 =	vor.u32 $0x3, v15;
	v0 =	vld.idx.msk [tilespmem:v15+s17+$0x0], $0xffff  }
0xb9: {  	[tilespmem:$0x1FFD0] =	vst v62;
	v62 =	vld.idx.msk [tilespmem:v16+s16+$0x0], $0xffff  }
0xba: {  	v47 =	vor.u32 $0x4, v15;
	v63 =	vld.idx.msk [tilespmem:v16+s17+$0x0], $0xffff  }
0xbb: {  	v2 =	vld.idx.msk [tilespmem:v43+s17+$0x0], $0xffff  }
0xbc: {  	v48 =	vor.u32 $0x5, v15;
	v43 =	vld.idx.msk [tilespmem:v43+s16+$0x0], $0xffff  }
0xbd: {  	v1 =	vld.idx.msk [tilespmem:v44+s17+$0x0], $0xffff  }
0xbe: {  	v49 =	vor.u32 $0x6, v15;
	v44 =	vld.idx.msk [tilespmem:v44+s16+$0x0], $0xffff;
	v0 =	vsub.f32 v58, v0  }
0xbf: {  	v58 =	vld.idx.msk [tilespmem:v47+s17+$0x0], $0xffff;
	v62 =	vsub.f32 v62, v63  }
0xc0: {  	v51 =	vor.u32 $0x7, v15;
	v47 =	vld.idx.msk [tilespmem:v47+s16+$0x0], $0xffff;
	v0 =	vand.u32 $0x7FFFFFFF, v0  }
0xc1: {  	v62 =	vand.u32 $0x7FFFFFFF, v62;
	v0 =	vmul.f32 v0, v3;
	v3 =	vld.idx.msk [tilespmem:v48+s16+$0x0], $0xffff  }
0xc2: {  	v52 =	vor.u32 $0x8, v15;
	v54 =	vmul.f32 v62, v54;
	v62 =	vld.idx.msk [tilespmem:v48+s17+$0x0], $0xffff  }
0xc3: {  	v2 =	vsub.f32 v43, v2;
	v43 =	vld.idx.msk [tilespmem:v49+s17+$0x0], $0xffff  }
0xc4: {  	v53 =	vor.u32 $0x9, v15;
	v1 =	vsub.f32 v44, v1;
	v63 =	vld.idx.msk [tilespmem:v49+s16+$0x0], $0xffff  }
0xc5: {  	v55 =	vor.u32 $0xA, v15;
	v49 =	vld.idx.msk [tilespmem:v51+s16+$0x0], $0xffff  }
0xc6: {  	v2 =	vand.u32 $0x7FFFFFFF, v2;
	v1 =	vand.u32 $0x7FFFFFFF, v1;
	v48 =	vld.idx.msk [tilespmem:v51+s17+$0x0], $0xffff;
	v0 =	vadd.f32 $0.0e+00, v0  }
0xc7: {  	v1 =	vmul.f32 v1, v46;
	v46 =	vld.idx.msk [tilespmem:v52+s17+$0x0], $0xffff;
	v47 =	vsub.f32 v47, v58;
	v3 =	vsub.f32 v3, v62  }
0xc8: {  	v56 =	vor.u32 $0xB, v15;
	v2 =	vmul.f32 v2, v50;
	v52 =	vld.idx.msk [tilespmem:v52+s16+$0x0], $0xffff;
	v0 =	vadd.f32 v54, v0  }
0xc9: {  	v58 =	vld.idx.msk [tilespmem:v53+s16+$0x0], $0xffff;
	v51 =	vand.u32 $0x7FFFFFFF, v47;
	v54 =	vand.u32 $0x7FFFFFFF, v3;
	v3 =	vsub.f32 v63, v43  }
0xca: {  	v57 =	vor.u32 $0xC, v15;
	v0 =	vadd.f32 v2, v0;
	v2 =	vmul.f32 v51, v45;
	v45 =	vld.idx.msk [tilespmem:v53+s17+$0x0], $0xffff  }
0xcb: {  	v62 =	vld.idx.msk [tilespmem:v55+s17+$0x0], $0xffff;
	v63 =	vand.u32 $0x7FFFFFFF, v3;
	v3 =	vsub.f32 v49, v48  }
0xcc: {  	v59 =	vor.u32 $0xD, v15;
	v0 =	vadd.f32 v1, v0;
	v48 =	vld.idx.msk [tilespmem:v55+s16+$0x0], $0xffff  }
0xcd: {  	v51 =	vld.idx.msk [tilespmem:v56+s16+$0x0], $0xffff;
	v50 =	vand.u32 $0x7FFFFFFF, v3;
	v3 =	vsub.f32 v52, v46  }
0xce: {  	v60 =	vor.u32 $0xE, v15;
	v1 =	vmul.f32 v54, v42;
	v0 =	vadd.f32 v2, v0;
	v49 =	vld.idx.msk [tilespmem:v56+s17+$0x0], $0xffff  }
0xcf: {  	v54 =	vld.idx.msk [tilespmem:v57+s16+$0x0], $0xffff;
	v53 =	vand.u32 $0x7FFFFFFF, v3;
	v3 =	vsub.f32 v58, v45  }
0xd0: {  	v61 =	vor.u32 $0xF, v15;
	v2 =	vmul.f32 v63, v41;
	v0 =	vadd.f32 v1, v0;
	v52 =	vld.idx.msk [tilespmem:v57+s17+$0x0], $0xffff  }
0xd1: {  	v55 =	vld.idx.msk [tilespmem:v59+s17+$0x0], $0xffff;
	v56 =	vand.u32 $0x7FFFFFFF, v3;
	v3 =	vsub.f32 v48, v62  }
0xd2: {  	v39 =	vor.u32 $0x10, v15;
	v57 =	vld.idx.msk [tilespmem:v59+s16+$0x0], $0xffff;
	v1 =	vmul.f32 v50, v40;
	v0 =	vadd.f32 v2, v0  }
0xd3: {  	v58 =	vld.idx.msk [tilespmem:v60+s17+$0x0], $0xffff;
	v59 =	vand.u32 $0x7FFFFFFF, v3;
	v3 =	vsub.f32 v51, v49  }
0xd4: {  	v38 =	vor.u32 $0x11, v15;
	v2 =	vmul.f32 v53, v37;
	v0 =	vadd.f32 v1, v0;
	v62 =	vld.idx.msk [tilespmem:v60+s16+$0x0], $0xffff  }
0xd5: {  	v63 =	vld.idx.msk [tilespmem:v61+s17+$0x0], $0xffff;
	v45 =	vand.u32 $0x7FFFFFFF, v3;
	v3 =	vsub.f32 v54, v52  }
0xd6: {  	v36 =	vor.u32 $0x12, v15;
	v46 =	vld.idx.msk [tilespmem:v61+s16+$0x0], $0xffff;
	v1 =	vmul.f32 v56, v35;
	v0 =	vadd.f32 v2, v0  }
0xd7: {  	v47 =	vld.idx.msk [tilespmem:v39+s17+$0x0], $0xffff;
	v48 =	vand.u32 $0x7FFFFFFF, v3;
	v3 =	vsub.f32 v57, v55  }
0xd8: {  	v34 =	vor.u32 $0x13, v15;
	v49 =	vld.idx.msk [tilespmem:v39+s16+$0x0], $0xffff;
	v2 =	vmul.f32 v59, v32;
	v0 =	vadd.f32 v1, v0  }
0xd9: {  	v50 =	vld.idx.msk [tilespmem:v38+s17+$0x0], $0xffff;
	v51 =	vand.u32 $0x7FFFFFFF, v3;
	v3 =	vsub.f32 v62, v58  }
0xda: {  	v33 =	vor.u32 $0x14, v15;
	v52 =	vld.idx.msk [tilespmem:v38+s16+$0x0], $0xffff;
	v1 =	vmul.f32 v45, v30;
	v0 =	vadd.f32 v2, v0  }
0xdb: {  	v53 =	vld.idx.msk [tilespmem:v36+s17+$0x0], $0xffff;
	v54 =	vand.u32 $0x7FFFFFFF, v3;
	v3 =	vsub.f32 v46, v63  }
0xdc: {  	v31 =	vor.u32 $0x15, v15;
	v55 =	vld.idx.msk [tilespmem:v36+s16+$0x0], $0xffff;
	v2 =	vmul.f32 v48, v27;
	v0 =	vadd.f32 v1, v0  }
0xdd: {  	v56 =	vld.idx.msk [tilespmem:v34+s17+$0x0], $0xffff;
	v57 =	vand.u32 $0x7FFFFFFF, v3;
	v3 =	vsub.f32 v49, v47  }
0xde: {  	v29 =	vor.u32 $0x16, v15;
	v58 =	vld.idx.msk [tilespmem:v34+s16+$0x0], $0xffff;
	v1 =	vmul.f32 v51, v24;
	v0 =	vadd.f32 v2, v0  }
0xdf: {  	v61 =	vld.idx.msk [tilespmem:v33+s16+$0x0], $0xffff;
	v60 =	vand.u32 $0x7FFFFFFF, v3;
	v3 =	vsub.f32 v52, v50  }
0xe0: {  	v28 =	vor.u32 $0x17, v15;
	v59 =	vld.idx.msk [tilespmem:v33+s17+$0x0], $0xffff;
	v2 =	vmul.f32 v54, v22;
	v0 =	vadd.f32 v1, v0  }
0xe1: {  	v33 =	vld.idx.msk [tilespmem:v31+s16+$0x0], $0xffff;
	v63 =	vand.u32 $0x7FFFFFFF, v3;
	v3 =	vsub.f32 v55, v53  }
0xe2: {  	v26 =	vor.u32 $0x18, v15;
	v62 =	vld.idx.msk [tilespmem:v31+s17+$0x0], $0xffff;
	v1 =	vmul.f32 v57, v19;
	v0 =	vadd.f32 v2, v0  }
0xe3: {  	v36 =	vld.idx.msk [tilespmem:v29+s16+$0x0], $0xffff;
	v35 =	vand.u32 $0x7FFFFFFF, v3;
	v3 =	vsub.f32 v58, v56  }
0xe4: {  	v25 =	vor.u32 $0x19, v15;
	v34 =	vld.idx.msk [tilespmem:v29+s17+$0x0], $0xffff;
	v2 =	vmul.f32 v60, v17;
	v0 =	vadd.f32 v1, v0  }
0xe5: {  	v37 =	vld.idx.msk [tilespmem:v28+s17+$0x0], $0xffff;
	v38 =	vand.u32 $0x7FFFFFFF, v3;
	v3 =	vsub.f32 v61, v59  }
0xe6: {  	v23 =	vor.u32 $0x1A, v15;
	v39 =	vld.idx.msk [tilespmem:v28+s16+$0x0], $0xffff;
	v1 =	vmul.f32 v63, v14;
	v0 =	vadd.f32 v2, v0  }
0xe7: {  	v42 =	vld.idx.msk [tilespmem:v26+s16+$0x0], $0xffff;
	v41 =	vand.u32 $0x7FFFFFFF, v3;
	v3 =	vsub.f32 v33, v62  }
0xe8: {  	v21 =	vor.u32 $0x1B, v15;
	v40 =	vld.idx.msk [tilespmem:v26+s17+$0x0], $0xffff;
	v2 =	vmul.f32 v35, v13;
	v0 =	vadd.f32 v1, v0  }
0xe9: {  	v44 =	vld.idx.msk [tilespmem:v25+s17+$0x0], $0xffff;
	v45 =	vand.u32 $0x7FFFFFFF, v3;
	v3 =	vsub.f32 v36, v34  }
0xea: {  	v20 =	vor.u32 $0x1C, v15;
	v46 =	vld.idx.msk [tilespmem:v25+s16+$0x0], $0xffff;
	v1 =	vmul.f32 v38, v12;
	v0 =	vadd.f32 v2, v0  }
0xeb: {  	v47 =	vld.idx.msk [tilespmem:v23+s17+$0x0], $0xffff;
	v48 =	vand.u32 $0x7FFFFFFF, v3;
	v3 =	vsub.f32 v39, v37  }
0xec: {  	v18 =	vor.u32 $0x1D, v15;
	v49 =	vld.idx.msk [tilespmem:v23+s16+$0x0], $0xffff;
	v2 =	vmul.f32 v41, v11;
	v0 =	vadd.f32 v1, v0  }
0xed: {  	v50 =	vld.idx.msk [tilespmem:v21+s17+$0x0], $0xffff;
	v51 =	vand.u32 $0x7FFFFFFF, v3;
	v3 =	vsub.f32 v42, v40  }
0xee: {  	v52 =	vld.idx.msk [tilespmem:v21+s16+$0x0], $0xffff;
	v1 =	vmul.f32 v45, v10;
	v0 =	vadd.f32 v2, v0  }
0xef: {  	v54 =	vld.idx.msk [tilespmem:v20+s16+$0x0], $0xffff;
	v53 =	vand.u32 $0x7FFFFFFF, v3;
	v3 =	vsub.f32 v46, v44  }
0xf0: {  	v2 =	vmul.f32 v48, v9;
	v0 =	vadd.f32 v1, v0;
	v1 =	vmul.f32 v51, v8;
	v8 =	vld.idx.msk [tilespmem:v20+s17+$0x0], $0xffff  }
0xf1: {  	v56 =	vld.idx.msk [tilespmem:v18+s16+$0x0], $0xffff;
	v55 =	vand.u32 $0x7FFFFFFF, v3;
	v3 =	vsub.f32 v49, v47  }
0xf2: {  	v0 =	vadd.f32 v2, v0;
	v2 =	vmul.f32 v53, v7;
	v7 =	vld.idx.msk [tilespmem:v18+s17+$0x0], $0xffff  }
0xf3: {  	v6 =	vld [tilespmem:$0x9EC0];
	v57 =	vand.u32 $0x7FFFFFFF, v3;
	v3 =	vsub.f32 v52, v50  }
0xf4: {  	v16 =	vor.u32 $0x1E, v15  }
0xf5: {  	v5 =	vld [tilespmem:$0x9ED0];
	v59 =	vand.u32 $0x7FFFFFFF, v3;
	v3 =	vsub.f32 v54, v8  }
0xf6: {  	v15 =	vor.u32 $0x1F, v15;
	v0 =	vadd.f32 v1, v0  }
0xf7: {  	v60 =	vand.u32 $0x7FFFFFFF, v3;
	v3 =	vsub.f32 v56, v7;
	v7 =	vld [tilespmem:$0x1FFD0]  }
0xf8: {  	v4 =	vld [tilespmem:$0x9EE0];
	v1 =	vmul.f32 v55, v6;
	v0 =	vadd.f32 v2, v0  }
0xf9: {  	v58 =	vld.idx.msk [tilespmem:v16+s16+$0x0], $0xffff  }
0xfa: {  	v6 =	vld.idx.msk [tilespmem:v16+s17+$0x0], $0xffff;
	v2 =	vmul.f32 v57, v5;
	v0 =	vadd.f32 v1, v0  }
0xfb: {  	v5 =	vld.idx.msk [tilespmem:v15+s17+$0x0], $0xffff  }
0xfc: {  	v0 =	vadd.f32 v2, v0;
	v2 =	vmul.f32 v60, v7;
	v7 =	vld [tilespmem:$0x1FFE0]  }
0xfd: {  	v8 =	vld.idx.msk [tilespmem:v15+s16+$0x0], $0xffff;
	v1 =	vmul.f32 v59, v4  }
0xfe: {  	v4 =	vld [tilespmem:$0x9F10]  }
0xff: {  	v0 =	vadd.f32 v1, v0  }
0x100: {  	v61 =	vand.u32 $0x7FFFFFFF, v3;
	v3 =	vsub.f32 v58, v6;
	v6 =	vld [tilespmem:$0x9F20]  }
0x101: {  	v0 =	vadd.f32 v2, v0;
	v1 =	vmul.f32 v61, v7  }
0x102: {  	v62 =	vand.u32 $0x7FFFFFFF, v3;
	v3 =	vsub.f32 v8, v5  }
0x103: {  	v2 =	vmul.f32 v62, v4;
	v0 =	vadd.f32 v1, v0  }
0x104: {  	v63 =	vand.u32 $0x7FFFFFFF, v3  }
0x105: {  	v1 =	vmul.f32 v63, v6;
	v0 =	vadd.f32 v2, v0  }
0x106: {  	p1 =	sne.s32 s31, $0x40  }
.Ltmp0:
0x107: {  	v0 =	vadd.f32 v1, v0;
	(pc) =	sbr.rel @p1 .LBB2_3-.Ltmp0, $4  }
0x108: {  	_ = 	snop  }
0x109: {  	s28 =	sadd.s32 $0x10, s28;
	v5 =	vmax.f32 v0, $0.0e+00  }
0x10a: {  	v43 =	vld [tilespmem:$0x1FFF0];
	[tilespmem:s28+$0x0] =	vst v5  }
0x10b: {  	s31 =	sadd.s32 $0x10, s31;
	v6 =	vld [tilespmem:$0x9F30]  }
0x10c: {  	_ =	sdelay $0x3  }
0x10d: {  	v0 =	vmax.f32 v6, v5  }
0x10e: {  	s0 =	sadd.s32 $0xA0, s30;
	[tilespmem:$0x9F30] =	vst v0  }
0x10f: {  	[tilespmem:s16], [sflag:$0x1] =	stream.indirect.gather [spmem:s2], $0x20, s0, s15, $0xb8;
	[tilespmem:$0x11470] =	vst v63  }
0x110: {  	s31 =	sadd.s32 $0x27B0, s30  }
0x111: {  	[tilespmem:s17], [sflag:$0x1] =	stream.indirect.gather [spmem:s2], $0x20, s31, s15, $0xb8;
	[tilespmem:$0x11470] =	vst v63  }
0x112: {  	_ =	swait.ge [sflag:s21], $0xA00  }
0x113: {  	[sflag:s21] =	ssyncset.done $0x0  }
0x114: {  	[sflag:s21] =	ssyncadd.s32 $0xFFFFF600  }
0x115: {  	_ =	swait.ge [sflag:s21], $0xA00  }
0x116: {  	[sflag:s21] =	ssyncset.done $0x0  }
0x117: {  	[sflag:s21] =	ssyncadd.s32 $0xFFFFF600  }
0x118: {  	v2 =	vld [tilespmem:$0x9F00]  }
0x119: {  	v3 =	vld [tilespmem:$0x9EF0]  }
0x11a: {  	v4 =	vld [tilespmem:$0x9EE0]  }
0x11b: {  	v5 =	vld [tilespmem:$0x9ED0]  }
0x11c: {  	v6 =	vld [tilespmem:$0x9EC0]  }
0x11d: {  	v7 =	vld [tilespmem:$0x9EB0]  }
0x11e: {  	v8 =	vld [tilespmem:$0x9EA0]  }
0x11f: {  	v9 =	vld [tilespmem:$0x9E90]  }
0x120: {  	v11 =	vld [tilespmem:$0x9E80]  }
0x121: {  	v12 =	vld [tilespmem:$0x9E70]  }
0x122: {  	v13 =	vld [tilespmem:$0x9E60]  }
0x123: {  	v14 =	vld [tilespmem:$0x9E50]  }
0x124: {  	v15 =	vld [tilespmem:$0x9E40]  }
0x125: {  	v16 =	vld [tilespmem:$0x9E30]  }
0x126: {  	v17 =	vld [tilespmem:$0x9E20]  }
0x127: {  	v18 =	vld [tilespmem:$0x9E10]  }
0x128: {  	v0 =	vld [tilespmem:$0x9E00]  }
0x129: {  	v1 =	vld [tilespmem:$0x9DF0]  }
0x12a: {  	v19 =	vld [tilespmem:$0x9DE0]  }
0x12b: {  	v20 =	vld [tilespmem:$0x9DD0]  }
0x12c: {  	v21 =	vld [tilespmem:$0x9DC0]  }
0x12d: {  	v22 =	vld [tilespmem:$0x9DB0]  }
0x12e: {  	s31 =	simm.s32 $0x0;
	v23 =	vld [tilespmem:$0x9DA0]  }
0x12f: {  	v10 =	vmov s31;
	v24 =	vld [tilespmem:$0x9D90]  }
0x130: {  	v10 =	vshll.u32 v10, $0x5;
	v25 =	vld [tilespmem:$0x9D80]  }
0x131: {  	v10 =	vor.u32 v43, v10;
	v27 =	vld [tilespmem:$0x9D70]  }
0x132: {  	v28 =	vld [tilespmem:$0x9D60]  }
0x133: {  	v26 =	vor.u32 $0x1, v10;
	v29 =	vld [tilespmem:$0x9D50]  }
0x134: {  	v30 =	vld [tilespmem:$0x9D40]  }
0x135: {  	v31 =	vor.u32 $0x2, v10;
	v37 =	vld [tilespmem:$0x9D30]  }
0x136: {  	v32 =	vld.idx.msk [tilespmem:v10+s18+$0x0], $0xffff  }
0x137: {  	v34 =	vor.u32 $0x3, v10;
	v35 =	vld.idx.msk [tilespmem:v10+s19+$0x0], $0xffff  }
0x138: {  	v33 =	vld.idx.msk [tilespmem:v26+s18+$0x0], $0xffff  }
0x139: {  	v36 =	vor.u32 $0x4, v10;
	v26 =	vld.idx.msk [tilespmem:v26+s19+$0x0], $0xffff  }
0x13a: {  	v38 =	vld.idx.msk [tilespmem:v31+s19+$0x0], $0xffff  }
0x13b: {  	v39 =	vor.u32 $0x5, v10;
	v31 =	vld.idx.msk [tilespmem:v31+s18+$0x0], $0xffff  }
0x13c: {  	v40 =	vld.idx.msk [tilespmem:v34+s19+$0x0], $0xffff;
	v32 =	vsub.f32 v32, v35  }
0x13d: {  	v56 =	vor.u32 $0x6, v10;
	v34 =	vld.idx.msk [tilespmem:v34+s18+$0x0], $0xffff  }
0x13e: {  	v57 =	vld.idx.msk [tilespmem:v36+s19+$0x0], $0xffff;
	v26 =	vsub.f32 v33, v26;
	v32 =	vand.u32 $0x7FFFFFFF, v32  }
0x13f: {  	v58 =	vor.u32 $0x7, v10;
	v36 =	vld.idx.msk [tilespmem:v36+s18+$0x0], $0xffff;
	v32 =	vmul.f32 v32, v37  }
0x140: {  	v59 =	vld.idx.msk [tilespmem:v39+s19+$0x0], $0xffff;
	v31 =	vsub.f32 v31, v38;
	v26 =	vand.u32 $0x7FFFFFFF, v26  }
0x141: {  	v60 =	vor.u32 $0x8, v10;
	v39 =	vld.idx.msk [tilespmem:v39+s18+$0x0], $0xffff;
	v26 =	vmul.f32 v26, v30;
	v32 =	vadd.f32 $0.0e+00, v32  }
0x142: {  	v61 =	vld.idx.msk [tilespmem:v56+s19+$0x0], $0xffff;
	v34 =	vsub.f32 v34, v40;
	v31 =	vand.u32 $0x7FFFFFFF, v31  }
0x143: {  	v62 =	vor.u32 $0x9, v10;
	v63 =	vld.idx.msk [tilespmem:v56+s18+$0x0], $0xffff;
	v29 =	vmul.f32 v31, v29;
	v26 =	vadd.f32 v26, v32  }
0x144: {  	v41 =	vld.idx.msk [tilespmem:v58+s19+$0x0], $0xffff;
	v33 =	vsub.f32 v36, v57;
	v34 =	vand.u32 $0x7FFFFFFF, v34  }
0x145: {  	v42 =	vor.u32 $0xA, v10;
	v44 =	vld.idx.msk [tilespmem:v58+s18+$0x0], $0xffff;
	v28 =	vmul.f32 v34, v28;
	v26 =	vadd.f32 v29, v26  }
0x146: {  	v46 =	vld.idx.msk [tilespmem:v60+s19+$0x0], $0xffff;
	v45 =	vsub.f32 v39, v59;
	v33 =	vand.u32 $0x7FFFFFFF, v33  }
0x147: {  	v47 =	vor.u32 $0xB, v10;
	v27 =	vmul.f32 v33, v27;
	v30 =	vld.idx.msk [tilespmem:v60+s18+$0x0], $0xffff;
	v26 =	vadd.f32 v28, v26  }
0x148: {  	v48 =	vld.idx.msk [tilespmem:v62+s19+$0x0], $0xffff;
	v36 =	vand.u32 $0x7FFFFFFF, v45;
	v32 =	vsub.f32 v63, v61  }
0x149: {  	v49 =	vor.u32 $0xC, v10;
	v25 =	vmul.f32 v36, v25;
	v31 =	vld.idx.msk [tilespmem:v62+s18+$0x0], $0xffff;
	v26 =	vadd.f32 v27, v26  }
0x14a: {  	v50 =	vld.idx.msk [tilespmem:v42+s19+$0x0], $0xffff;
	v34 =	vsub.f32 v44, v41;
	v32 =	vand.u32 $0x7FFFFFFF, v32  }
0x14b: {  	v51 =	vor.u32 $0xD, v10;
	v29 =	vld.idx.msk [tilespmem:v42+s18+$0x0], $0xffff;
	v24 =	vmul.f32 v32, v24;
	v25 =	vadd.f32 v25, v26  }
0x14c: {  	v52 =	vld.idx.msk [tilespmem:v47+s19+$0x0], $0xffff;
	v34 =	vand.u32 $0x7FFFFFFF, v34;
	v30 =	vsub.f32 v30, v46  }
0x14d: {  	v53 =	vor.u32 $0xE, v10;
	v23 =	vmul.f32 v34, v23;
	v28 =	vld.idx.msk [tilespmem:v47+s18+$0x0], $0xffff;
	v24 =	vadd.f32 v24, v25  }
0x14e: {  	v54 =	vld.idx.msk [tilespmem:v49+s19+$0x0], $0xffff;
	v31 =	vsub.f32 v31, v48;
	v30 =	vand.u32 $0x7FFFFFFF, v30  }
0x14f: {  	v55 =	vor.u32 $0xF, v10;
	v22 =	vmul.f32 v30, v22;
	v27 =	vld.idx.msk [tilespmem:v49+s18+$0x0], $0xffff;
	v23 =	vadd.f32 v23, v24  }
0x150: {  	v56 =	vld.idx.msk [tilespmem:v51+s19+$0x0], $0xffff;
	v31 =	vand.u32 $0x7FFFFFFF, v31;
	v29 =	vsub.f32 v29, v50  }
0x151: {  	v57 =	vor.u32 $0x10, v10;
	v21 =	vmul.f32 v31, v21;
	v26 =	vld.idx.msk [tilespmem:v51+s18+$0x0], $0xffff;
	v22 =	vadd.f32 v22, v23  }
0x152: {  	v58 =	vld.idx.msk [tilespmem:v53+s19+$0x0], $0xffff;
	v28 =	vsub.f32 v28, v52;
	v29 =	vand.u32 $0x7FFFFFFF, v29  }
0x153: {  	v59 =	vor.u32 $0x11, v10;
	v20 =	vmul.f32 v29, v20;
	v25 =	vld.idx.msk [tilespmem:v53+s18+$0x0], $0xffff;
	v21 =	vadd.f32 v21, v22  }
0x154: {  	v60 =	vld.idx.msk [tilespmem:v55+s19+$0x0], $0xffff;
	v27 =	vsub.f32 v27, v54;
	v28 =	vand.u32 $0x7FFFFFFF, v28  }
0x155: {  	v61 =	vor.u32 $0x12, v10;
	v19 =	vmul.f32 v28, v19;
	v24 =	vld.idx.msk [tilespmem:v55+s18+$0x0], $0xffff;
	v20 =	vadd.f32 v20, v21  }
0x156: {  	v62 =	vld.idx.msk [tilespmem:v57+s19+$0x0], $0xffff;
	v26 =	vsub.f32 v26, v56;
	v27 =	vand.u32 $0x7FFFFFFF, v27  }
0x157: {  	v63 =	vor.u32 $0x13, v10;
	v1 =	vmul.f32 v27, v1;
	v23 =	vld.idx.msk [tilespmem:v57+s18+$0x0], $0xffff;
	v19 =	vadd.f32 v19, v20  }
0x158: {  	v30 =	vld.idx.msk [tilespmem:v59+s19+$0x0], $0xffff;
	v25 =	vsub.f32 v25, v58;
	v26 =	vand.u32 $0x7FFFFFFF, v26  }
0x159: {  	v31 =	vor.u32 $0x14, v10;
	v0 =	vmul.f32 v26, v0;
	v22 =	vld.idx.msk [tilespmem:v59+s18+$0x0], $0xffff;
	v1 =	vadd.f32 v1, v19  }
0x15a: {  	v32 =	vld.idx.msk [tilespmem:v61+s19+$0x0], $0xffff;
	v24 =	vsub.f32 v24, v60;
	v25 =	vand.u32 $0x7FFFFFFF, v25  }
0x15b: {  	v33 =	vor.u32 $0x15, v10;
	v18 =	vmul.f32 v25, v18;
	v21 =	vld.idx.msk [tilespmem:v61+s18+$0x0], $0xffff;
	v0 =	vadd.f32 v0, v1  }
0x15c: {  	v34 =	vld.idx.msk [tilespmem:v63+s19+$0x0], $0xffff;
	v23 =	vsub.f32 v23, v62;
	v24 =	vand.u32 $0x7FFFFFFF, v24  }
0x15d: {  	v35 =	vor.u32 $0x16, v10;
	v17 =	vmul.f32 v24, v17;
	v20 =	vld.idx.msk [tilespmem:v63+s18+$0x0], $0xffff;
	v0 =	vadd.f32 v18, v0  }
0x15e: {  	v36 =	vld.idx.msk [tilespmem:v31+s19+$0x0], $0xffff;
	v22 =	vsub.f32 v22, v30;
	v23 =	vand.u32 $0x7FFFFFFF, v23  }
0x15f: {  	v37 =	vor.u32 $0x17, v10;
	v16 =	vmul.f32 v23, v16;
	v19 =	vld.idx.msk [tilespmem:v31+s18+$0x0], $0xffff;
	v0 =	vadd.f32 v17, v0  }
0x160: {  	v38 =	vld.idx.msk [tilespmem:v33+s19+$0x0], $0xffff;
	v21 =	vsub.f32 v21, v32;
	v22 =	vand.u32 $0x7FFFFFFF, v22  }
0x161: {  	v39 =	vor.u32 $0x18, v10;
	v15 =	vmul.f32 v22, v15;
	v1 =	vld.idx.msk [tilespmem:v33+s18+$0x0], $0xffff;
	v0 =	vadd.f32 v16, v0  }
0x162: {  	v40 =	vld.idx.msk [tilespmem:v35+s19+$0x0], $0xffff;
	v20 =	vsub.f32 v20, v34;
	v21 =	vand.u32 $0x7FFFFFFF, v21  }
0x163: {  	v41 =	vor.u32 $0x19, v10;
	v14 =	vmul.f32 v21, v14;
	v18 =	vld.idx.msk [tilespmem:v35+s18+$0x0], $0xffff;
	v0 =	vadd.f32 v15, v0  }
0x164: {  	v42 =	vld.idx.msk [tilespmem:v37+s19+$0x0], $0xffff;
	v19 =	vsub.f32 v19, v36;
	v20 =	vand.u32 $0x7FFFFFFF, v20  }
0x165: {  	v44 =	vor.u32 $0x1A, v10;
	v13 =	vmul.f32 v20, v13;
	v17 =	vld.idx.msk [tilespmem:v37+s18+$0x0], $0xffff;
	v0 =	vadd.f32 v14, v0  }
0x166: {  	v45 =	vld.idx.msk [tilespmem:v39+s19+$0x0], $0xffff;
	v1 =	vsub.f32 v1, v38;
	v19 =	vand.u32 $0x7FFFFFFF, v19  }
0x167: {  	v46 =	vor.u32 $0x1B, v10;
	v12 =	vmul.f32 v19, v12;
	v16 =	vld.idx.msk [tilespmem:v39+s18+$0x0], $0xffff;
	v0 =	vadd.f32 v13, v0  }
0x168: {  	v47 =	vld.idx.msk [tilespmem:v41+s19+$0x0], $0xffff;
	v18 =	vsub.f32 v18, v40;
	v1 =	vand.u32 $0x7FFFFFFF, v1  }
0x169: {  	v48 =	vor.u32 $0x1C, v10;
	v49 =	vld.idx.msk [tilespmem:v41+s18+$0x0], $0xffff;
	v1 =	vmul.f32 v1, v11;
	v0 =	vadd.f32 v12, v0  }
0x16a: {  	v51 =	vld.idx.msk [tilespmem:v44+s19+$0x0], $0xffff;
	v50 =	vsub.f32 v17, v42;
	v18 =	vand.u32 $0x7FFFFFFF, v18  }
0x16b: {  	v52 =	vor.u32 $0x1D, v10;
	v9 =	vmul.f32 v18, v9;
	v14 =	vld.idx.msk [tilespmem:v44+s18+$0x0], $0xffff;
	v0 =	vadd.f32 v1, v0  }
0x16c: {  	v53 =	vld.idx.msk [tilespmem:v46+s19+$0x0], $0xffff;
	v16 =	vsub.f32 v16, v45;
	v15 =	vand.u32 $0x7FFFFFFF, v50  }
0x16d: {  	v54 =	vor.u32 $0x1E, v10;
	v8 =	vmul.f32 v15, v8;
	v13 =	vld.idx.msk [tilespmem:v46+s18+$0x0], $0xffff;
	v0 =	vadd.f32 v9, v0  }
0x16e: {  	v55 =	vld.idx.msk [tilespmem:v48+s19+$0x0], $0xffff;
	v16 =	vand.u32 $0x7FFFFFFF, v16;
	v12 =	vsub.f32 v49, v47  }
0x16f: {  	v56 =	vld.idx.msk [tilespmem:v48+s18+$0x0], $0xffff;
	v7 =	vmul.f32 v16, v7;
	v0 =	vadd.f32 v8, v0;
	v8 =	vor.u32 $0x1F, v10  }
0x170: {  	v58 =	vld.idx.msk [tilespmem:v52+s19+$0x0], $0xffff;
	v57 =	vsub.f32 v14, v51;
	v12 =	vand.u32 $0x7FFFFFFF, v12  }
0x171: {  	v1 =	vld.idx.msk [tilespmem:v52+s18+$0x0], $0xffff;
	v6 =	vmul.f32 v12, v6;
	v0 =	vadd.f32 v7, v0  }
0x172: {  	v59 =	vld.idx.msk [tilespmem:v54+s19+$0x0], $0xffff;
	v11 =	vand.u32 $0x7FFFFFFF, v57;
	v7 =	vsub.f32 v13, v53  }
0x173: {  	v5 =	vmul.f32 v11, v5;
	v0 =	vadd.f32 v6, v0;
	v6 =	vld.idx.msk [tilespmem:v54+s18+$0x0], $0xffff  }
0x174: {  	v60 =	vsub.f32 v56, v55;
	v7 =	vand.u32 $0x7FFFFFFF, v7;
	v61 =	vld.idx.msk [tilespmem:v8+s19+$0x0], $0xffff  }
0x175: {  	v4 =	vmul.f32 v7, v4;
	v0 =	vadd.f32 v5, v0;
	v5 =	vld.idx.msk [tilespmem:v8+s18+$0x0], $0xffff  }
0x176: {  	v1 =	vsub.f32 v1, v58;
	v7 =	vand.u32 $0x7FFFFFFF, v60;
	v8 =	vld [tilespmem:$0x9F10]  }
0x177: {  	v3 =	vmul.f32 v7, v3;
	v0 =	vadd.f32 v4, v0  }
0x178: {  	v1 =	vand.u32 $0x7FFFFFFF, v1;
	v4 =	vsub.f32 v6, v59;
	v6 =	vld [tilespmem:$0x9F20]  }
0x179: {  	v1 =	vmul.f32 v1, v2;
	v0 =	vadd.f32 v3, v0  }
0x17a: {  	v62 =	vsub.f32 v5, v61;
	v3 =	vand.u32 $0x7FFFFFFF, v4  }
0x17b: {  	v3 =	vmul.f32 v3, v8;
	v0 =	vadd.f32 v1, v0  }
0x17c: {  	v63 =	vand.u32 $0x7FFFFFFF, v62  }
0x17d: {  	v1 =	vmul.f32 v63, v6;
	v0 =	vadd.f32 v3, v0;
	_ =	sdelay $0x1  }
0x17e: {  	v0 =	vadd.f32 v1, v0;
	_ =	sdelay $0x1  }
0x17f: {  	v5 =	vmax.f32 v0, $0.0e+00  }
0x180: {  	[tilespmem:s26+$0x0] =	vst v5  }
0x181: {  	s30 =	simm.s32 $0x10;
	s28 =	smov.u32 s26;
	v6 =	vld [tilespmem:$0x9F30]  }
.LBB2_5:
0x182: {  	v0 =	vld [tilespmem:$0x9F00]  }
0x183: {  	v60 =	vld [tilespmem:$0x9EF0]  }
0x184: {  	v4 =	vld [tilespmem:$0x9EE0]  }
0x185: {  	v7 =	vld [tilespmem:$0x9EB0]  }
0x186: {  	v8 =	vld [tilespmem:$0x9EA0]  }
0x187: {  	v9 =	vld [tilespmem:$0x9E90]  }
0x188: {  	v10 =	vld [tilespmem:$0x9E80]  }
0x189: {  	v11 =	vld [tilespmem:$0x9E70]  }
0x18a: {  	v12 =	vld [tilespmem:$0x9E60]  }
0x18b: {  	v13 =	vld [tilespmem:$0x9E50]  }
0x18c: {  	v14 =	vld [tilespmem:$0x9E40]  }
0x18d: {  	v17 =	vld [tilespmem:$0x9E30]  }
0x18e: {  	v19 =	vld [tilespmem:$0x9E20]  }
0x18f: {  	v22 =	vld [tilespmem:$0x9E10]  }
0x190: {  	v24 =	vld [tilespmem:$0x9E00]  }
0x191: {  	v27 =	vld [tilespmem:$0x9DF0]  }
0x192: {  	v30 =	vld [tilespmem:$0x9DE0]  }
0x193: {  	v32 =	vld [tilespmem:$0x9DD0]  }
0x194: {  	v35 =	vld [tilespmem:$0x9DC0]  }
0x195: {  	v37 =	vld [tilespmem:$0x9DB0]  }
0x196: {  	s0 =	smov.u32 s30;
	v2 =	vld [tilespmem:$0x9DA0]  }
0x197: {  	v40 =	vld [tilespmem:$0x9D90];
	v62 =	vmov s0  }
0x198: {  	v41 =	vld [tilespmem:$0x9D80];
	[tilespmem:$0x1FFC0] =	vst v0;
	v0 =	vshll.u32 v62, $0x5  }
0x199: {  	v44 =	vld [tilespmem:$0x9D70];
	v0 =	vor.u32 v43, v0  }
0x19a: {  	v45 =	vld [tilespmem:$0x9D60]  }
0x19b: {  	v49 =	vld [tilespmem:$0x9D50];
	v61 =	vmax.f32 v6, v5;
	v15 =	vor.u32 $0x1, v0;
	v42 =	vor.u32 $0x2, v0  }
0x19c: {  	v53 =	vld [tilespmem:$0x9D40];
	v43 =	vor.u32 $0x3, v0;
	v46 =	vor.u32 $0x4, v0;
	v47 =	vor.u32 $0x5, v0  }
0x19d: {  	v5 =	vld [tilespmem:$0x9ED0];
	[tilespmem:$0x9F30] =	vst v61;
	v48 =	vor.u32 $0x6, v0;
	v50 =	vor.u32 $0x7, v0;
	v51 =	vor.u32 $0x8, v0  }
0x19e: {  	v52 =	vor.u32 $0x9, v0;
	v54 =	vor.u32 $0xA, v0;
	v55 =	vor.u32 $0xB, v0;
	v57 =	vld.idx.msk [tilespmem:v0+s18+$0x0], $0xffff  }
0x19f: {  	v56 =	vor.u32 $0xC, v0;
	v58 =	vor.u32 $0xD, v0;
	v59 =	vor.u32 $0xE, v0;
	v63 =	vld.idx.msk [tilespmem:v0+s19+$0x0], $0xffff  }
0x1a0: {  	[tilespmem:$0x1FFB0] =	vst v60;
	v60 =	vor.u32 $0xF, v0;
	v39 =	vor.u32 $0x10, v0;
	v38 =	vor.u32 $0x11, v0;
	v61 =	vld.idx.msk [tilespmem:v15+s18+$0x0], $0xffff  }
0x1a1: {  	v36 =	vor.u32 $0x12, v0;
	v34 =	vor.u32 $0x13, v0;
	v33 =	vor.u32 $0x14, v0;
	v62 =	vld.idx.msk [tilespmem:v15+s19+$0x0], $0xffff  }
0x1a2: {  	v31 =	vor.u32 $0x15, v0;
	v29 =	vor.u32 $0x16, v0;
	v28 =	vor.u32 $0x17, v0;
	v15 =	vld [tilespmem:$0x9D30]  }
0x1a3: {  	v26 =	vor.u32 $0x18, v0;
	v25 =	vor.u32 $0x19, v0;
	v23 =	vor.u32 $0x1A, v0;
	v1 =	vld.idx.msk [tilespmem:v42+s19+$0x0], $0xffff  }
0x1a4: {  	v21 =	vor.u32 $0x1B, v0;
	v20 =	vor.u32 $0x1C, v0;
	v18 =	vor.u32 $0x1D, v0;
	v42 =	vld.idx.msk [tilespmem:v42+s18+$0x0], $0xffff  }
0x1a5: {  	v16 =	vor.u32 $0x1E, v0;
	v3 =	vor.u32 $0x1F, v0;
	v0 =	vld.idx.msk [tilespmem:v43+s19+$0x0], $0xffff;
	v57 =	vsub.f32 v57, v63  }
0x1a6: {  	v43 =	vld.idx.msk [tilespmem:v43+s18+$0x0], $0xffff  }
0x1a7: {  	v61 =	vsub.f32 v61, v62;
	v62 =	vld.idx.msk [tilespmem:v46+s19+$0x0], $0xffff;
	v57 =	vand.u32 $0x7FFFFFFF, v57  }
0x1a8: {  	v46 =	vld.idx.msk [tilespmem:v46+s18+$0x0], $0xffff;
	v15 =	vmul.f32 v57, v15  }
0x1a9: {  	v63 =	vld.idx.msk [tilespmem:v47+s18+$0x0], $0xffff;
	v1 =	vsub.f32 v42, v1;
	v61 =	vand.u32 $0x7FFFFFFF, v61  }
0x1aa: {  	v53 =	vmul.f32 v61, v53;
	v61 =	vld.idx.msk [tilespmem:v47+s19+$0x0], $0xffff;
	v15 =	vadd.f32 $0.0e+00, v15  }
0x1ab: {  	v0 =	vsub.f32 v43, v0;
	v43 =	vld.idx.msk [tilespmem:v48+s18+$0x0], $0xffff;
	v1 =	vand.u32 $0x7FFFFFFF, v1  }
0x1ac: {  	v47 =	vld.idx.msk [tilespmem:v48+s19+$0x0], $0xffff;
	v1 =	vmul.f32 v1, v49;
	v15 =	vadd.f32 v53, v15  }
0x1ad: {  	v0 =	vand.u32 $0x7FFFFFFF, v0;
	v48 =	vld.idx.msk [tilespmem:v50+s19+$0x0], $0xffff;
	v46 =	vsub.f32 v46, v62  }
0x1ae: {  	v0 =	vmul.f32 v0, v45;
	v53 =	vld.idx.msk [tilespmem:v50+s18+$0x0], $0xffff;
	v1 =	vadd.f32 v1, v15  }
0x1af: {  	v45 =	vld.idx.msk [tilespmem:v51+s19+$0x0], $0xffff;
	v57 =	vand.u32 $0x7FFFFFFF, v46;
	v42 =	vsub.f32 v63, v61  }
0x1b0: {  	v62 =	vld.idx.msk [tilespmem:v51+s18+$0x0], $0xffff;
	v15 =	vmul.f32 v57, v44;
	v0 =	vadd.f32 v0, v1  }
0x1b1: {  	v51 =	vld.idx.msk [tilespmem:v52+s18+$0x0], $0xffff;
	v50 =	vsub.f32 v43, v47;
	v63 =	vand.u32 $0x7FFFFFFF, v42  }
0x1b2: {  	v44 =	vld.idx.msk [tilespmem:v52+s19+$0x0], $0xffff;
	v1 =	vmul.f32 v63, v41;
	v0 =	vadd.f32 v15, v0  }
0x1b3: {  	v52 =	vand.u32 $0x7FFFFFFF, v50;
	v41 =	vld.idx.msk [tilespmem:v54+s19+$0x0], $0xffff;
	v53 =	vsub.f32 v53, v48  }
0x1b4: {  	v54 =	vld.idx.msk [tilespmem:v54+s18+$0x0], $0xffff;
	v15 =	vmul.f32 v52, v40;
	v0 =	vadd.f32 v1, v0  }
0x1b5: {  	v57 =	vld.idx.msk [tilespmem:v55+s19+$0x0], $0xffff;
	v62 =	vsub.f32 v62, v45;
	v61 =	vand.u32 $0x7FFFFFFF, v53  }
0x1b6: {  	v63 =	vld.idx.msk [tilespmem:v55+s18+$0x0], $0xffff;
	v1 =	vmul.f32 v61, v2;
	v0 =	vadd.f32 v15, v0  }
0x1b7: {  	v48 =	vld.idx.msk [tilespmem:v56+s19+$0x0], $0xffff;
	v49 =	vand.u32 $0x7FFFFFFF, v62;
	v50 =	vsub.f32 v51, v44  }
0x1b8: {  	v51 =	vld.idx.msk [tilespmem:v56+s18+$0x0], $0xffff;
	v15 =	vmul.f32 v49, v37;
	v0 =	vadd.f32 v1, v0  }
0x1b9: {  	v52 =	vld.idx.msk [tilespmem:v58+s19+$0x0], $0xffff;
	v53 =	vand.u32 $0x7FFFFFFF, v50;
	v41 =	vsub.f32 v54, v41  }
0x1ba: {  	v54 =	vld.idx.msk [tilespmem:v58+s18+$0x0], $0xffff;
	v1 =	vmul.f32 v53, v35;
	v0 =	vadd.f32 v15, v0  }
0x1bb: {  	v55 =	vld.idx.msk [tilespmem:v59+s19+$0x0], $0xffff;
	v40 =	vsub.f32 v63, v57;
	v56 =	vand.u32 $0x7FFFFFFF, v41  }
0x1bc: {  	v57 =	vld.idx.msk [tilespmem:v59+s18+$0x0], $0xffff;
	v15 =	vmul.f32 v56, v32;
	v0 =	vadd.f32 v1, v0  }
0x1bd: {  	v61 =	vld.idx.msk [tilespmem:v60+s18+$0x0], $0xffff;
	v59 =	vand.u32 $0x7FFFFFFF, v40;
	v2 =	vsub.f32 v51, v48  }
0x1be: {  	v58 =	vld.idx.msk [tilespmem:v60+s19+$0x0], $0xffff;
	v1 =	vmul.f32 v59, v30;
	v0 =	vadd.f32 v15, v0  }
0x1bf: {  	v42 =	vld.idx.msk [tilespmem:v39+s18+$0x0], $0xffff;
	v2 =	vand.u32 $0x7FFFFFFF, v2;
	v63 =	vsub.f32 v54, v52  }
0x1c0: {  	v62 =	vld.idx.msk [tilespmem:v39+s19+$0x0], $0xffff;
	v2 =	vmul.f32 v2, v27;
	v0 =	vadd.f32 v1, v0  }
0x1c1: {  	v47 =	vld.idx.msk [tilespmem:v38+s18+$0x0], $0xffff;
	v46 =	vsub.f32 v57, v55;
	v45 =	vand.u32 $0x7FFFFFFF, v63  }
0x1c2: {  	v44 =	vld.idx.msk [tilespmem:v38+s19+$0x0], $0xffff;
	v1 =	vmul.f32 v45, v24;
	v0 =	vadd.f32 v2, v0  }
0x1c3: {  	v48 =	vld.idx.msk [tilespmem:v36+s19+$0x0], $0xffff;
	v50 =	vsub.f32 v61, v58;
	v49 =	vand.u32 $0x7FFFFFFF, v46  }
0x1c4: {  	v51 =	vld.idx.msk [tilespmem:v36+s18+$0x0], $0xffff;
	v2 =	vmul.f32 v49, v22;
	v0 =	vadd.f32 v1, v0  }
0x1c5: {  	v52 =	vld.idx.msk [tilespmem:v34+s19+$0x0], $0xffff;
	v54 =	vsub.f32 v42, v62;
	v53 =	vand.u32 $0x7FFFFFFF, v50  }
0x1c6: {  	v55 =	vld.idx.msk [tilespmem:v34+s18+$0x0], $0xffff;
	v1 =	vmul.f32 v53, v19;
	v0 =	vadd.f32 v2, v0  }
0x1c7: {  	v56 =	vld.idx.msk [tilespmem:v33+s19+$0x0], $0xffff;
	v58 =	vsub.f32 v47, v44;
	v57 =	vand.u32 $0x7FFFFFFF, v54  }
0x1c8: {  	v59 =	vld.idx.msk [tilespmem:v33+s18+$0x0], $0xffff;
	v2 =	vmul.f32 v57, v17;
	v0 =	vadd.f32 v1, v0  }
0x1c9: {  	v60 =	vld.idx.msk [tilespmem:v31+s19+$0x0], $0xffff;
	v61 =	vand.u32 $0x7FFFFFFF, v58;
	v62 =	vsub.f32 v51, v48  }
0x1ca: {  	v63 =	vld.idx.msk [tilespmem:v31+s18+$0x0], $0xffff;
	v1 =	vmul.f32 v61, v14;
	v0 =	vadd.f32 v2, v0  }
0x1cb: {  	v38 =	vld.idx.msk [tilespmem:v28+s18+$0x0], $0xffff;
	v32 =	vand.u32 $0x7FFFFFFF, v62;
	v33 =	vsub.f32 v55, v52  }
0x1cc: {  	v35 =	vld.idx.msk [tilespmem:v28+s19+$0x0], $0xffff;
	v2 =	vmul.f32 v32, v13;
	v0 =	vadd.f32 v1, v0  }
0x1cd: {  	v34 =	vld.idx.msk [tilespmem:v29+s18+$0x0], $0xffff;
	v37 =	vsub.f32 v59, v56;
	v36 =	vand.u32 $0x7FFFFFFF, v33  }
0x1ce: {  	v31 =	vld.idx.msk [tilespmem:v29+s19+$0x0], $0xffff;
	v1 =	vmul.f32 v36, v12;
	v0 =	vadd.f32 v2, v0  }
0x1cf: {  	v39 =	vld.idx.msk [tilespmem:v26+s19+$0x0], $0xffff;
	v41 =	vsub.f32 v63, v60;
	v40 =	vand.u32 $0x7FFFFFFF, v37  }
0x1d0: {  	v42 =	vld.idx.msk [tilespmem:v26+s18+$0x0], $0xffff;
	v2 =	vmul.f32 v40, v11;
	v0 =	vadd.f32 v1, v0  }
0x1d1: {  	v44 =	vld.idx.msk [tilespmem:v25+s19+$0x0], $0xffff;
	v45 =	vand.u32 $0x7FFFFFFF, v41;
	v13 =	vsub.f32 v38, v35  }
0x1d2: {  	v46 =	vld.idx.msk [tilespmem:v25+s18+$0x0], $0xffff;
	v1 =	vmul.f32 v45, v10;
	v0 =	vadd.f32 v2, v0  }
0x1d3: {  	v54 =	vld.idx.msk [tilespmem:v20+s18+$0x0], $0xffff;
	v14 =	vsub.f32 v34, v31;
	v51 =	vand.u32 $0x7FFFFFFF, v13  }
0x1d4: {  	v0 =	vadd.f32 v1, v0;
	v1 =	vmul.f32 v51, v8;
	v8 =	vld.idx.msk [tilespmem:v20+s19+$0x0], $0xffff  }
0x1d5: {  	v47 =	vld.idx.msk [tilespmem:v23+s19+$0x0], $0xffff;
	v48 =	vand.u32 $0x7FFFFFFF, v14  }
0x1d6: {  	v49 =	vld.idx.msk [tilespmem:v23+s18+$0x0], $0xffff;
	v2 =	vmul.f32 v48, v9  }
0x1d7: {  	v6 =	vld [tilespmem:$0x9EC0];
	v12 =	vsub.f32 v42, v39  }
0x1d8: {  	v50 =	vld.idx.msk [tilespmem:v21+s19+$0x0], $0xffff;
	v0 =	vadd.f32 v2, v0  }
0x1d9: {  	v52 =	vld.idx.msk [tilespmem:v21+s18+$0x0], $0xffff;
	v53 =	vand.u32 $0x7FFFFFFF, v12;
	v11 =	vsub.f32 v46, v44;
	v8 =	vsub.f32 v54, v8  }
0x1da: {  	v58 =	vld.idx.msk [tilespmem:v16+s18+$0x0], $0xffff;
	v2 =	vmul.f32 v53, v7;
	v0 =	vadd.f32 v1, v0  }
0x1db: {  	v55 =	vand.u32 $0x7FFFFFFF, v11;
	v10 =	vsub.f32 v49, v47;
	v60 =	vand.u32 $0x7FFFFFFF, v8;
	v8 =	vld [tilespmem:$0x1FFB0]  }
0x1dc: {  	v56 =	vld.idx.msk [tilespmem:v18+s18+$0x0], $0xffff;
	v1 =	vmul.f32 v55, v6;
	v0 =	vadd.f32 v2, v0  }
0x1dd: {  	v57 =	vand.u32 $0x7FFFFFFF, v10;
	v7 =	vld.idx.msk [tilespmem:v18+s19+$0x0], $0xffff  }
0x1de: {  	v9 =	vsub.f32 v52, v50;
	v6 =	vld.idx.msk [tilespmem:v16+s19+$0x0], $0xffff;
	v2 =	vmul.f32 v57, v5;
	v0 =	vadd.f32 v1, v0  }
0x1df: {  	v5 =	vld.idx.msk [tilespmem:v3+s19+$0x0], $0xffff  }
0x1e0: {  	v59 =	vand.u32 $0x7FFFFFFF, v9;
	v0 =	vadd.f32 v2, v0;
	v2 =	vmul.f32 v60, v8;
	v8 =	vld [tilespmem:$0x1FFC0]  }
0x1e1: {  	v3 =	vld.idx.msk [tilespmem:v3+s18+$0x0], $0xffff;
	v1 =	vmul.f32 v59, v4  }
0x1e2: {  	v4 =	vsub.f32 v56, v7;
	v7 =	vld [tilespmem:$0x9F10]  }
0x1e3: {  	v0 =	vadd.f32 v1, v0  }
0x1e4: {  	v61 =	vand.u32 $0x7FFFFFFF, v4;
	v4 =	vsub.f32 v58, v6;
	v6 =	vld [tilespmem:$0x9F20]  }
0x1e5: {  	v0 =	vadd.f32 v2, v0;
	v1 =	vmul.f32 v61, v8  }
0x1e6: {  	v3 =	vsub.f32 v3, v5;
	v62 =	vand.u32 $0x7FFFFFFF, v4  }
0x1e7: {  	v2 =	vmul.f32 v62, v7;
	v0 =	vadd.f32 v1, v0  }
0x1e8: {  	v63 =	vand.u32 $0x7FFFFFFF, v3  }
0x1e9: {  	v1 =	vmul.f32 v63, v6;
	v0 =	vadd.f32 v2, v0  }
0x1ea: {  	p1 =	sne.s32 s30, $0x40  }
.Ltmp1:
0x1eb: {  	v0 =	vadd.f32 v1, v0;
	(pc) =	sbr.rel @p1 .LBB2_5-.Ltmp1, $4  }
0x1ec: {  	_ = 	snop  }
0x1ed: {  	s28 =	sadd.s32 $0x10, s28;
	v5 =	vmax.f32 v0, $0.0e+00  }
0x1ee: {  	v43 =	vld [tilespmem:$0x1FFF0];
	[tilespmem:s28+$0x0] =	vst v5  }
0x1ef: {  	s30 =	sadd.s32 $0x10, s30;
	v6 =	vld [tilespmem:$0x9F30]  }
0x1f0: {  	s29 =	sadd.s32 $0x1, s29  }
0x1f1: {  	p1 =	sne.s32 s29, $0x3E  }
.Ltmp2:
0x1f2: {  	_ = 	snop;
	(pc) =	sbr.rel @p1 .LBB2_2-.Ltmp2, $3  }
0x1f3: {  	_ =	sdelay $0x1  }
0x1f4: {  	v0 =	vmax.f32 v6, v5  }
0x1f5: {  	s1 =	sadd.s32 $0xA0, s1;
	s26 =	sadd.s32 $0xA0, s26;
	[tilespmem:$0x9F30] =	vst v0  }
0x1f6: {  	_ =	swait.ge [sflag:s20], $0xA00  }
0x1f7: {  	[sflag:s20] =	ssyncset.done $0x0  }
0x1f8: {  	[sflag:s20] =	ssyncadd.s32 $0xFFFFF600  }
0x1f9: {  	_ =	swait.ge [sflag:s20], $0xA00  }
0x1fa: {  	[sflag:s20] =	ssyncset.done $0x0  }
0x1fb: {  	[sflag:s20] =	ssyncadd.s32 $0xFFFFF600  }
0x1fc: {  	v2 =	vld [tilespmem:$0x9F00]  }
0x1fd: {  	v3 =	vld [tilespmem:$0x9EF0]  }
0x1fe: {  	v4 =	vld [tilespmem:$0x9EE0]  }
0x1ff: {  	v5 =	vld [tilespmem:$0x9ED0]  }
0x200: {  	v6 =	vld [tilespmem:$0x9EC0]  }
0x201: {  	v7 =	vld [tilespmem:$0x9EB0]  }
0x202: {  	v8 =	vld [tilespmem:$0x9EA0]  }
0x203: {  	v9 =	vld [tilespmem:$0x9E90]  }
0x204: {  	v11 =	vld [tilespmem:$0x9E80]  }
0x205: {  	v12 =	vld [tilespmem:$0x9E70]  }
0x206: {  	v13 =	vld [tilespmem:$0x9E60]  }
0x207: {  	v14 =	vld [tilespmem:$0x9E50]  }
0x208: {  	v15 =	vld [tilespmem:$0x9E40]  }
0x209: {  	v16 =	vld [tilespmem:$0x9E30]  }
0x20a: {  	v17 =	vld [tilespmem:$0x9E20]  }
0x20b: {  	v18 =	vld [tilespmem:$0x9E10]  }
0x20c: {  	v0 =	vld [tilespmem:$0x9E00]  }
0x20d: {  	v1 =	vld [tilespmem:$0x9DF0]  }
0x20e: {  	v19 =	vld [tilespmem:$0x9DE0]  }
0x20f: {  	v20 =	vld [tilespmem:$0x9DD0]  }
0x210: {  	v21 =	vld [tilespmem:$0x9DC0]  }
0x211: {  	v22 =	vld [tilespmem:$0x9DB0]  }
0x212: {  	s0 =	simm.s32 $0x0;
	v23 =	vld [tilespmem:$0x9DA0]  }
0x213: {  	v10 =	vmov s0;
	v24 =	vld [tilespmem:$0x9D90]  }
0x214: {  	v10 =	vshll.u32 v10, $0x5;
	v25 =	vld [tilespmem:$0x9D80]  }
0x215: {  	v10 =	vor.u32 v43, v10;
	v27 =	vld [tilespmem:$0x9D70]  }
0x216: {  	v28 =	vld [tilespmem:$0x9D60]  }
0x217: {  	v26 =	vor.u32 $0x1, v10;
	v29 =	vld [tilespmem:$0x9D50]  }
0x218: {  	v30 =	vld [tilespmem:$0x9D40]  }
0x219: {  	v31 =	vor.u32 $0x2, v10;
	v37 =	vld [tilespmem:$0x9D30]  }
0x21a: {  	v32 =	vld.idx.msk [tilespmem:v10+s16+$0x0], $0xffff  }
0x21b: {  	v34 =	vor.u32 $0x3, v10;
	v35 =	vld.idx.msk [tilespmem:v10+s17+$0x0], $0xffff  }
0x21c: {  	v33 =	vld.idx.msk [tilespmem:v26+s16+$0x0], $0xffff  }
0x21d: {  	v36 =	vor.u32 $0x4, v10;
	v26 =	vld.idx.msk [tilespmem:v26+s17+$0x0], $0xffff  }
0x21e: {  	v38 =	vld.idx.msk [tilespmem:v31+s17+$0x0], $0xffff  }
0x21f: {  	v39 =	vor.u32 $0x5, v10;
	v31 =	vld.idx.msk [tilespmem:v31+s16+$0x0], $0xffff  }
0x220: {  	v40 =	vld.idx.msk [tilespmem:v34+s17+$0x0], $0xffff;
	v32 =	vsub.f32 v32, v35  }
0x221: {  	v56 =	vor.u32 $0x6, v10;
	v34 =	vld.idx.msk [tilespmem:v34+s16+$0x0], $0xffff  }
0x222: {  	v57 =	vld.idx.msk [tilespmem:v36+s17+$0x0], $0xffff;
	v26 =	vsub.f32 v33, v26;
	v32 =	vand.u32 $0x7FFFFFFF, v32  }
0x223: {  	v58 =	vor.u32 $0x7, v10;
	v36 =	vld.idx.msk [tilespmem:v36+s16+$0x0], $0xffff;
	v32 =	vmul.f32 v32, v37  }
0x224: {  	v59 =	vld.idx.msk [tilespmem:v39+s17+$0x0], $0xffff;
	v31 =	vsub.f32 v31, v38;
	v26 =	vand.u32 $0x7FFFFFFF, v26  }
0x225: {  	v60 =	vor.u32 $0x8, v10;
	v39 =	vld.idx.msk [tilespmem:v39+s16+$0x0], $0xffff;
	v26 =	vmul.f32 v26, v30;
	v32 =	vadd.f32 $0.0e+00, v32  }
0x226: {  	v61 =	vld.idx.msk [tilespmem:v56+s17+$0x0], $0xffff;
	v34 =	vsub.f32 v34, v40;
	v31 =	vand.u32 $0x7FFFFFFF, v31  }
0x227: {  	v62 =	vor.u32 $0x9, v10;
	v63 =	vld.idx.msk [tilespmem:v56+s16+$0x0], $0xffff;
	v29 =	vmul.f32 v31, v29;
	v26 =	vadd.f32 v26, v32  }
0x228: {  	v41 =	vld.idx.msk [tilespmem:v58+s17+$0x0], $0xffff;
	v33 =	vsub.f32 v36, v57;
	v34 =	vand.u32 $0x7FFFFFFF, v34  }
0x229: {  	v42 =	vor.u32 $0xA, v10;
	v44 =	vld.idx.msk [tilespmem:v58+s16+$0x0], $0xffff;
	v28 =	vmul.f32 v34, v28;
	v26 =	vadd.f32 v29, v26  }
0x22a: {  	v46 =	vld.idx.msk [tilespmem:v60+s17+$0x0], $0xffff;
	v45 =	vsub.f32 v39, v59;
	v33 =	vand.u32 $0x7FFFFFFF, v33  }
0x22b: {  	v47 =	vor.u32 $0xB, v10;
	v27 =	vmul.f32 v33, v27;
	v30 =	vld.idx.msk [tilespmem:v60+s16+$0x0], $0xffff;
	v26 =	vadd.f32 v28, v26  }
0x22c: {  	v48 =	vld.idx.msk [tilespmem:v62+s17+$0x0], $0xffff;
	v36 =	vand.u32 $0x7FFFFFFF, v45;
	v32 =	vsub.f32 v63, v61  }
0x22d: {  	v49 =	vor.u32 $0xC, v10;
	v25 =	vmul.f32 v36, v25;
	v31 =	vld.idx.msk [tilespmem:v62+s16+$0x0], $0xffff;
	v26 =	vadd.f32 v27, v26  }
0x22e: {  	v50 =	vld.idx.msk [tilespmem:v42+s17+$0x0], $0xffff;
	v34 =	vsub.f32 v44, v41;
	v32 =	vand.u32 $0x7FFFFFFF, v32  }
0x22f: {  	v51 =	vor.u32 $0xD, v10;
	v29 =	vld.idx.msk [tilespmem:v42+s16+$0x0], $0xffff;
	v24 =	vmul.f32 v32, v24;
	v25 =	vadd.f32 v25, v26  }
0x230: {  	v52 =	vld.idx.msk [tilespmem:v47+s17+$0x0], $0xffff;
	v34 =	vand.u32 $0x7FFFFFFF, v34;
	v30 =	vsub.f32 v30, v46  }
0x231: {  	v53 =	vor.u32 $0xE, v10;
	v23 =	vmul.f32 v34, v23;
	v28 =	vld.idx.msk [tilespmem:v47+s16+$0x0], $0xffff;
	v24 =	vadd.f32 v24, v25  }
0x232: {  	v54 =	vld.idx.msk [tilespmem:v49+s17+$0x0], $0xffff;
	v31 =	vsub.f32 v31, v48;
	v30 =	vand.u32 $0x7FFFFFFF, v30  }
0x233: {  	v55 =	vor.u32 $0xF, v10;
	v22 =	vmul.f32 v30, v22;
	v27 =	vld.idx.msk [tilespmem:v49+s16+$0x0], $0xffff;
	v23 =	vadd.f32 v23, v24  }
0x234: {  	v56 =	vld.idx.msk [tilespmem:v51+s17+$0x0], $0xffff;
	v31 =	vand.u32 $0x7FFFFFFF, v31;
	v29 =	vsub.f32 v29, v50  }
0x235: {  	v57 =	vor.u32 $0x10, v10;
	v21 =	vmul.f32 v31, v21;
	v26 =	vld.idx.msk [tilespmem:v51+s16+$0x0], $0xffff;
	v22 =	vadd.f32 v22, v23  }
0x236: {  	v58 =	vld.idx.msk [tilespmem:v53+s17+$0x0], $0xffff;
	v28 =	vsub.f32 v28, v52;
	v29 =	vand.u32 $0x7FFFFFFF, v29  }
0x237: {  	v59 =	vor.u32 $0x11, v10;
	v20 =	vmul.f32 v29, v20;
	v25 =	vld.idx.msk [tilespmem:v53+s16+$0x0], $0xffff;
	v21 =	vadd.f32 v21, v22  }
0x238: {  	v60 =	vld.idx.msk [tilespmem:v55+s17+$0x0], $0xffff;
	v27 =	vsub.f32 v27, v54;
	v28 =	vand.u32 $0x7FFFFFFF, v28  }
0x239: {  	v61 =	vor.u32 $0x12, v10;
	v19 =	vmul.f32 v28, v19;
	v24 =	vld.idx.msk [tilespmem:v55+s16+$0x0], $0xffff;
	v20 =	vadd.f32 v20, v21  }
0x23a: {  	v62 =	vld.idx.msk [tilespmem:v57+s17+$0x0], $0xffff;
	v26 =	vsub.f32 v26, v56;
	v27 =	vand.u32 $0x7FFFFFFF, v27  }
0x23b: {  	v63 =	vor.u32 $0x13, v10;
	v1 =	vmul.f32 v27, v1;
	v23 =	vld.idx.msk [tilespmem:v57+s16+$0x0], $0xffff;
	v19 =	vadd.f32 v19, v20  }
0x23c: {  	v30 =	vld.idx.msk [tilespmem:v59+s17+$0x0], $0xffff;
	v25 =	vsub.f32 v25, v58;
	v26 =	vand.u32 $0x7FFFFFFF, v26  }
0x23d: {  	v31 =	vor.u32 $0x14, v10;
	v0 =	vmul.f32 v26, v0;
	v22 =	vld.idx.msk [tilespmem:v59+s16+$0x0], $0xffff;
	v1 =	vadd.f32 v1, v19  }
0x23e: {  	v32 =	vld.idx.msk [tilespmem:v61+s17+$0x0], $0xffff;
	v24 =	vsub.f32 v24, v60;
	v25 =	vand.u32 $0x7FFFFFFF, v25  }
0x23f: {  	v33 =	vor.u32 $0x15, v10;
	v18 =	vmul.f32 v25, v18;
	v21 =	vld.idx.msk [tilespmem:v61+s16+$0x0], $0xffff;
	v0 =	vadd.f32 v0, v1  }
0x240: {  	v34 =	vld.idx.msk [tilespmem:v63+s17+$0x0], $0xffff;
	v23 =	vsub.f32 v23, v62;
	v24 =	vand.u32 $0x7FFFFFFF, v24  }
0x241: {  	v35 =	vor.u32 $0x16, v10;
	v17 =	vmul.f32 v24, v17;
	v20 =	vld.idx.msk [tilespmem:v63+s16+$0x0], $0xffff;
	v0 =	vadd.f32 v18, v0  }
0x242: {  	v36 =	vld.idx.msk [tilespmem:v31+s17+$0x0], $0xffff;
	v22 =	vsub.f32 v22, v30;
	v23 =	vand.u32 $0x7FFFFFFF, v23  }
0x243: {  	v37 =	vor.u32 $0x17, v10;
	v16 =	vmul.f32 v23, v16;
	v19 =	vld.idx.msk [tilespmem:v31+s16+$0x0], $0xffff;
	v0 =	vadd.f32 v17, v0  }
0x244: {  	v38 =	vld.idx.msk [tilespmem:v33+s17+$0x0], $0xffff;
	v21 =	vsub.f32 v21, v32;
	v22 =	vand.u32 $0x7FFFFFFF, v22  }
0x245: {  	v39 =	vor.u32 $0x18, v10;
	v15 =	vmul.f32 v22, v15;
	v1 =	vld.idx.msk [tilespmem:v33+s16+$0x0], $0xffff;
	v0 =	vadd.f32 v16, v0  }
0x246: {  	v40 =	vld.idx.msk [tilespmem:v35+s17+$0x0], $0xffff;
	v20 =	vsub.f32 v20, v34;
	v21 =	vand.u32 $0x7FFFFFFF, v21  }
0x247: {  	v41 =	vor.u32 $0x19, v10;
	v14 =	vmul.f32 v21, v14;
	v18 =	vld.idx.msk [tilespmem:v35+s16+$0x0], $0xffff;
	v0 =	vadd.f32 v15, v0  }
0x248: {  	v42 =	vld.idx.msk [tilespmem:v37+s17+$0x0], $0xffff;
	v19 =	vsub.f32 v19, v36;
	v20 =	vand.u32 $0x7FFFFFFF, v20  }
0x249: {  	v44 =	vor.u32 $0x1A, v10;
	v13 =	vmul.f32 v20, v13;
	v17 =	vld.idx.msk [tilespmem:v37+s16+$0x0], $0xffff;
	v0 =	vadd.f32 v14, v0  }
0x24a: {  	v45 =	vld.idx.msk [tilespmem:v39+s17+$0x0], $0xffff;
	v1 =	vsub.f32 v1, v38;
	v19 =	vand.u32 $0x7FFFFFFF, v19  }
0x24b: {  	v46 =	vor.u32 $0x1B, v10;
	v12 =	vmul.f32 v19, v12;
	v16 =	vld.idx.msk [tilespmem:v39+s16+$0x0], $0xffff;
	v0 =	vadd.f32 v13, v0  }
0x24c: {  	v47 =	vld.idx.msk [tilespmem:v41+s17+$0x0], $0xffff;
	v18 =	vsub.f32 v18, v40;
	v1 =	vand.u32 $0x7FFFFFFF, v1  }
0x24d: {  	v48 =	vor.u32 $0x1C, v10;
	v49 =	vld.idx.msk [tilespmem:v41+s16+$0x0], $0xffff;
	v1 =	vmul.f32 v1, v11;
	v0 =	vadd.f32 v12, v0  }
0x24e: {  	v51 =	vld.idx.msk [tilespmem:v44+s17+$0x0], $0xffff;
	v50 =	vsub.f32 v17, v42;
	v18 =	vand.u32 $0x7FFFFFFF, v18  }
0x24f: {  	v52 =	vor.u32 $0x1D, v10;
	v9 =	vmul.f32 v18, v9;
	v14 =	vld.idx.msk [tilespmem:v44+s16+$0x0], $0xffff;
	v0 =	vadd.f32 v1, v0  }
0x250: {  	v53 =	vld.idx.msk [tilespmem:v46+s17+$0x0], $0xffff;
	v16 =	vsub.f32 v16, v45;
	v15 =	vand.u32 $0x7FFFFFFF, v50  }
0x251: {  	v54 =	vor.u32 $0x1E, v10;
	v8 =	vmul.f32 v15, v8;
	v13 =	vld.idx.msk [tilespmem:v46+s16+$0x0], $0xffff;
	v0 =	vadd.f32 v9, v0  }
0x252: {  	v55 =	vld.idx.msk [tilespmem:v48+s17+$0x0], $0xffff;
	v16 =	vand.u32 $0x7FFFFFFF, v16;
	v12 =	vsub.f32 v49, v47  }
0x253: {  	v56 =	vld.idx.msk [tilespmem:v48+s16+$0x0], $0xffff;
	v7 =	vmul.f32 v16, v7;
	v0 =	vadd.f32 v8, v0;
	v8 =	vor.u32 $0x1F, v10  }
0x254: {  	v58 =	vld.idx.msk [tilespmem:v52+s17+$0x0], $0xffff;
	v57 =	vsub.f32 v14, v51;
	v12 =	vand.u32 $0x7FFFFFFF, v12  }
0x255: {  	v1 =	vld.idx.msk [tilespmem:v52+s16+$0x0], $0xffff;
	v6 =	vmul.f32 v12, v6;
	v0 =	vadd.f32 v7, v0  }
0x256: {  	v59 =	vld.idx.msk [tilespmem:v54+s17+$0x0], $0xffff;
	v11 =	vand.u32 $0x7FFFFFFF, v57;
	v7 =	vsub.f32 v13, v53  }
0x257: {  	v5 =	vmul.f32 v11, v5;
	v0 =	vadd.f32 v6, v0;
	v6 =	vld.idx.msk [tilespmem:v54+s16+$0x0], $0xffff  }
0x258: {  	v60 =	vsub.f32 v56, v55;
	v7 =	vand.u32 $0x7FFFFFFF, v7;
	v61 =	vld.idx.msk [tilespmem:v8+s17+$0x0], $0xffff  }
0x259: {  	v4 =	vmul.f32 v7, v4;
	v0 =	vadd.f32 v5, v0;
	v5 =	vld.idx.msk [tilespmem:v8+s16+$0x0], $0xffff  }
0x25a: {  	v1 =	vsub.f32 v1, v58;
	v7 =	vand.u32 $0x7FFFFFFF, v60;
	v8 =	vld [tilespmem:$0x9F10]  }
0x25b: {  	v3 =	vmul.f32 v7, v3;
	v0 =	vadd.f32 v4, v0  }
0x25c: {  	v1 =	vand.u32 $0x7FFFFFFF, v1;
	v4 =	vsub.f32 v6, v59;
	v6 =	vld [tilespmem:$0x9F20]  }
0x25d: {  	v1 =	vmul.f32 v1, v2;
	v0 =	vadd.f32 v3, v0  }
0x25e: {  	v62 =	vsub.f32 v5, v61;
	v3 =	vand.u32 $0x7FFFFFFF, v4  }
0x25f: {  	v3 =	vmul.f32 v3, v8;
	v0 =	vadd.f32 v1, v0  }
0x260: {  	v63 =	vand.u32 $0x7FFFFFFF, v62  }
0x261: {  	v1 =	vmul.f32 v63, v6;
	v0 =	vadd.f32 v3, v0;
	_ =	sdelay $0x1  }
0x262: {  	v0 =	vadd.f32 v1, v0;
	_ =	sdelay $0x1  }
0x263: {  	s26 =	simm.s32 $0x74E0;
	v5 =	vmax.f32 v0, $0.0e+00  }
0x264: {  	[tilespmem:s26+$0x0] =	vst v5  }
0x265: {  	s28 =	simm.s32 $0x10;
	v6 =	vld [tilespmem:$0x9F30]  }
.LBB2_8:
0x266: {  	v0 =	vld [tilespmem:$0x9F00]  }
0x267: {  	v60 =	vld [tilespmem:$0x9EF0]  }
0x268: {  	v4 =	vld [tilespmem:$0x9EE0]  }
0x269: {  	v7 =	vld [tilespmem:$0x9EB0]  }
0x26a: {  	v8 =	vld [tilespmem:$0x9EA0]  }
0x26b: {  	v9 =	vld [tilespmem:$0x9E90]  }
0x26c: {  	v10 =	vld [tilespmem:$0x9E80]  }
0x26d: {  	v11 =	vld [tilespmem:$0x9E70]  }
0x26e: {  	v12 =	vld [tilespmem:$0x9E60]  }
0x26f: {  	v13 =	vld [tilespmem:$0x9E50]  }
0x270: {  	v14 =	vld [tilespmem:$0x9E40]  }
0x271: {  	v17 =	vld [tilespmem:$0x9E30]  }
0x272: {  	v19 =	vld [tilespmem:$0x9E20]  }
0x273: {  	v22 =	vld [tilespmem:$0x9E10]  }
0x274: {  	v24 =	vld [tilespmem:$0x9E00]  }
0x275: {  	v27 =	vld [tilespmem:$0x9DF0]  }
0x276: {  	v30 =	vld [tilespmem:$0x9DE0]  }
0x277: {  	v32 =	vld [tilespmem:$0x9DD0]  }
0x278: {  	v35 =	vld [tilespmem:$0x9DC0]  }
0x279: {  	v37 =	vld [tilespmem:$0x9DB0]  }
0x27a: {  	s0 =	smov.u32 s28;
	v2 =	vld [tilespmem:$0x9DA0]  }
0x27b: {  	v40 =	vld [tilespmem:$0x9D90];
	v62 =	vmov s0  }
0x27c: {  	v41 =	vld [tilespmem:$0x9D80];
	[tilespmem:$0x1FFA0] =	vst v0;
	v0 =	vshll.u32 v62, $0x5  }
0x27d: {  	v44 =	vld [tilespmem:$0x9D70];
	v0 =	vor.u32 v43, v0  }
0x27e: {  	v45 =	vld [tilespmem:$0x9D60]  }
0x27f: {  	v49 =	vld [tilespmem:$0x9D50];
	v61 =	vmax.f32 v6, v5;
	v15 =	vor.u32 $0x1, v0;
	v42 =	vor.u32 $0x2, v0  }
0x280: {  	v53 =	vld [tilespmem:$0x9D40];
	v43 =	vor.u32 $0x3, v0;
	v46 =	vor.u32 $0x4, v0;
	v47 =	vor.u32 $0x5, v0  }
0x281: {  	v5 =	vld [tilespmem:$0x9ED0];
	[tilespmem:$0x9F30] =	vst v61;
	v48 =	vor.u32 $0x6, v0;
	v50 =	vor.u32 $0x7, v0;
	v51 =	vor.u32 $0x8, v0  }
0x282: {  	v52 =	vor.u32 $0x9, v0;
	v54 =	vor.u32 $0xA, v0;
	v55 =	vor.u32 $0xB, v0;
	v57 =	vld.idx.msk [tilespmem:v0+s16+$0x0], $0xffff  }
0x283: {  	v56 =	vor.u32 $0xC, v0;
	v58 =	vor.u32 $0xD, v0;
	v59 =	vor.u32 $0xE, v0;
	v63 =	vld.idx.msk [tilespmem:v0+s17+$0x0], $0xffff  }
0x284: {  	[tilespmem:$0x1FF90] =	vst v60;
	v60 =	vor.u32 $0xF, v0;
	v39 =	vor.u32 $0x10, v0;
	v38 =	vor.u32 $0x11, v0;
	v61 =	vld.idx.msk [tilespmem:v15+s16+$0x0], $0xffff  }
0x285: {  	v36 =	vor.u32 $0x12, v0;
	v34 =	vor.u32 $0x13, v0;
	v33 =	vor.u32 $0x14, v0;
	v62 =	vld.idx.msk [tilespmem:v15+s17+$0x0], $0xffff  }
0x286: {  	v31 =	vor.u32 $0x15, v0;
	v29 =	vor.u32 $0x16, v0;
	v28 =	vor.u32 $0x17, v0;
	v15 =	vld [tilespmem:$0x9D30]  }
0x287: {  	v26 =	vor.u32 $0x18, v0;
	v25 =	vor.u32 $0x19, v0;
	v23 =	vor.u32 $0x1A, v0;
	v1 =	vld.idx.msk [tilespmem:v42+s17+$0x0], $0xffff  }
0x288: {  	v21 =	vor.u32 $0x1B, v0;
	v20 =	vor.u32 $0x1C, v0;
	v18 =	vor.u32 $0x1D, v0;
	v42 =	vld.idx.msk [tilespmem:v42+s16+$0x0], $0xffff  }
0x289: {  	v16 =	vor.u32 $0x1E, v0;
	v3 =	vor.u32 $0x1F, v0;
	v0 =	vld.idx.msk [tilespmem:v43+s17+$0x0], $0xffff;
	v57 =	vsub.f32 v57, v63  }
0x28a: {  	v43 =	vld.idx.msk [tilespmem:v43+s16+$0x0], $0xffff  }
0x28b: {  	v61 =	vsub.f32 v61, v62;
	v62 =	vld.idx.msk [tilespmem:v46+s17+$0x0], $0xffff;
	v57 =	vand.u32 $0x7FFFFFFF, v57  }
0x28c: {  	v46 =	vld.idx.msk [tilespmem:v46+s16+$0x0], $0xffff;
	v15 =	vmul.f32 v57, v15  }
0x28d: {  	v63 =	vld.idx.msk [tilespmem:v47+s16+$0x0], $0xffff;
	v1 =	vsub.f32 v42, v1;
	v61 =	vand.u32 $0x7FFFFFFF, v61  }
0x28e: {  	v53 =	vmul.f32 v61, v53;
	v61 =	vld.idx.msk [tilespmem:v47+s17+$0x0], $0xffff;
	v15 =	vadd.f32 $0.0e+00, v15  }
0x28f: {  	v0 =	vsub.f32 v43, v0;
	v43 =	vld.idx.msk [tilespmem:v48+s16+$0x0], $0xffff;
	v1 =	vand.u32 $0x7FFFFFFF, v1  }
0x290: {  	v47 =	vld.idx.msk [tilespmem:v48+s17+$0x0], $0xffff;
	v1 =	vmul.f32 v1, v49;
	v15 =	vadd.f32 v53, v15  }
0x291: {  	v0 =	vand.u32 $0x7FFFFFFF, v0;
	v48 =	vld.idx.msk [tilespmem:v50+s17+$0x0], $0xffff;
	v46 =	vsub.f32 v46, v62  }
0x292: {  	v0 =	vmul.f32 v0, v45;
	v53 =	vld.idx.msk [tilespmem:v50+s16+$0x0], $0xffff;
	v1 =	vadd.f32 v1, v15  }
0x293: {  	v45 =	vld.idx.msk [tilespmem:v51+s17+$0x0], $0xffff;
	v57 =	vand.u32 $0x7FFFFFFF, v46;
	v42 =	vsub.f32 v63, v61  }
0x294: {  	v62 =	vld.idx.msk [tilespmem:v51+s16+$0x0], $0xffff;
	v15 =	vmul.f32 v57, v44;
	v0 =	vadd.f32 v0, v1  }
0x295: {  	v51 =	vld.idx.msk [tilespmem:v52+s16+$0x0], $0xffff;
	v50 =	vsub.f32 v43, v47;
	v63 =	vand.u32 $0x7FFFFFFF, v42  }
0x296: {  	v44 =	vld.idx.msk [tilespmem:v52+s17+$0x0], $0xffff;
	v1 =	vmul.f32 v63, v41;
	v0 =	vadd.f32 v15, v0  }
0x297: {  	v52 =	vand.u32 $0x7FFFFFFF, v50;
	v41 =	vld.idx.msk [tilespmem:v54+s17+$0x0], $0xffff;
	v53 =	vsub.f32 v53, v48  }
0x298: {  	v54 =	vld.idx.msk [tilespmem:v54+s16+$0x0], $0xffff;
	v15 =	vmul.f32 v52, v40;
	v0 =	vadd.f32 v1, v0  }
0x299: {  	v57 =	vld.idx.msk [tilespmem:v55+s17+$0x0], $0xffff;
	v62 =	vsub.f32 v62, v45;
	v61 =	vand.u32 $0x7FFFFFFF, v53  }
0x29a: {  	v63 =	vld.idx.msk [tilespmem:v55+s16+$0x0], $0xffff;
	v1 =	vmul.f32 v61, v2;
	v0 =	vadd.f32 v15, v0  }
0x29b: {  	v48 =	vld.idx.msk [tilespmem:v56+s17+$0x0], $0xffff;
	v49 =	vand.u32 $0x7FFFFFFF, v62;
	v50 =	vsub.f32 v51, v44  }
0x29c: {  	v51 =	vld.idx.msk [tilespmem:v56+s16+$0x0], $0xffff;
	v15 =	vmul.f32 v49, v37;
	v0 =	vadd.f32 v1, v0  }
0x29d: {  	v52 =	vld.idx.msk [tilespmem:v58+s17+$0x0], $0xffff;
	v53 =	vand.u32 $0x7FFFFFFF, v50;
	v41 =	vsub.f32 v54, v41  }
0x29e: {  	v54 =	vld.idx.msk [tilespmem:v58+s16+$0x0], $0xffff;
	v1 =	vmul.f32 v53, v35;
	v0 =	vadd.f32 v15, v0  }
0x29f: {  	v55 =	vld.idx.msk [tilespmem:v59+s17+$0x0], $0xffff;
	v40 =	vsub.f32 v63, v57;
	v56 =	vand.u32 $0x7FFFFFFF, v41  }
0x2a0: {  	v57 =	vld.idx.msk [tilespmem:v59+s16+$0x0], $0xffff;
	v15 =	vmul.f32 v56, v32;
	v0 =	vadd.f32 v1, v0  }
0x2a1: {  	v61 =	vld.idx.msk [tilespmem:v60+s16+$0x0], $0xffff;
	v59 =	vand.u32 $0x7FFFFFFF, v40;
	v2 =	vsub.f32 v51, v48  }
0x2a2: {  	v58 =	vld.idx.msk [tilespmem:v60+s17+$0x0], $0xffff;
	v1 =	vmul.f32 v59, v30;
	v0 =	vadd.f32 v15, v0  }
0x2a3: {  	v42 =	vld.idx.msk [tilespmem:v39+s16+$0x0], $0xffff;
	v2 =	vand.u32 $0x7FFFFFFF, v2;
	v63 =	vsub.f32 v54, v52  }
0x2a4: {  	v62 =	vld.idx.msk [tilespmem:v39+s17+$0x0], $0xffff;
	v2 =	vmul.f32 v2, v27;
	v0 =	vadd.f32 v1, v0  }
0x2a5: {  	v47 =	vld.idx.msk [tilespmem:v38+s16+$0x0], $0xffff;
	v46 =	vsub.f32 v57, v55;
	v45 =	vand.u32 $0x7FFFFFFF, v63  }
0x2a6: {  	v44 =	vld.idx.msk [tilespmem:v38+s17+$0x0], $0xffff;
	v1 =	vmul.f32 v45, v24;
	v0 =	vadd.f32 v2, v0  }
0x2a7: {  	v48 =	vld.idx.msk [tilespmem:v36+s17+$0x0], $0xffff;
	v50 =	vsub.f32 v61, v58;
	v49 =	vand.u32 $0x7FFFFFFF, v46  }
0x2a8: {  	v51 =	vld.idx.msk [tilespmem:v36+s16+$0x0], $0xffff;
	v2 =	vmul.f32 v49, v22;
	v0 =	vadd.f32 v1, v0  }
0x2a9: {  	v52 =	vld.idx.msk [tilespmem:v34+s17+$0x0], $0xffff;
	v54 =	vsub.f32 v42, v62;
	v53 =	vand.u32 $0x7FFFFFFF, v50  }
0x2aa: {  	v55 =	vld.idx.msk [tilespmem:v34+s16+$0x0], $0xffff;
	v1 =	vmul.f32 v53, v19;
	v0 =	vadd.f32 v2, v0  }
0x2ab: {  	v56 =	vld.idx.msk [tilespmem:v33+s17+$0x0], $0xffff;
	v58 =	vsub.f32 v47, v44;
	v57 =	vand.u32 $0x7FFFFFFF, v54  }
0x2ac: {  	v59 =	vld.idx.msk [tilespmem:v33+s16+$0x0], $0xffff;
	v2 =	vmul.f32 v57, v17;
	v0 =	vadd.f32 v1, v0  }
0x2ad: {  	v60 =	vld.idx.msk [tilespmem:v31+s17+$0x0], $0xffff;
	v61 =	vand.u32 $0x7FFFFFFF, v58;
	v62 =	vsub.f32 v51, v48  }
0x2ae: {  	v63 =	vld.idx.msk [tilespmem:v31+s16+$0x0], $0xffff;
	v1 =	vmul.f32 v61, v14;
	v0 =	vadd.f32 v2, v0  }
0x2af: {  	v38 =	vld.idx.msk [tilespmem:v28+s16+$0x0], $0xffff;
	v32 =	vand.u32 $0x7FFFFFFF, v62;
	v33 =	vsub.f32 v55, v52  }
0x2b0: {  	v35 =	vld.idx.msk [tilespmem:v28+s17+$0x0], $0xffff;
	v2 =	vmul.f32 v32, v13;
	v0 =	vadd.f32 v1, v0  }
0x2b1: {  	v34 =	vld.idx.msk [tilespmem:v29+s16+$0x0], $0xffff;
	v37 =	vsub.f32 v59, v56;
	v36 =	vand.u32 $0x7FFFFFFF, v33  }
0x2b2: {  	v31 =	vld.idx.msk [tilespmem:v29+s17+$0x0], $0xffff;
	v1 =	vmul.f32 v36, v12;
	v0 =	vadd.f32 v2, v0  }
0x2b3: {  	v39 =	vld.idx.msk [tilespmem:v26+s17+$0x0], $0xffff;
	v41 =	vsub.f32 v63, v60;
	v40 =	vand.u32 $0x7FFFFFFF, v37  }
0x2b4: {  	v42 =	vld.idx.msk [tilespmem:v26+s16+$0x0], $0xffff;
	v2 =	vmul.f32 v40, v11;
	v0 =	vadd.f32 v1, v0  }
0x2b5: {  	v44 =	vld.idx.msk [tilespmem:v25+s17+$0x0], $0xffff;
	v45 =	vand.u32 $0x7FFFFFFF, v41;
	v13 =	vsub.f32 v38, v35  }
0x2b6: {  	v46 =	vld.idx.msk [tilespmem:v25+s16+$0x0], $0xffff;
	v1 =	vmul.f32 v45, v10;
	v0 =	vadd.f32 v2, v0  }
0x2b7: {  	v54 =	vld.idx.msk [tilespmem:v20+s16+$0x0], $0xffff;
	v14 =	vsub.f32 v34, v31;
	v51 =	vand.u32 $0x7FFFFFFF, v13  }
0x2b8: {  	v0 =	vadd.f32 v1, v0;
	v1 =	vmul.f32 v51, v8;
	v8 =	vld.idx.msk [tilespmem:v20+s17+$0x0], $0xffff  }
0x2b9: {  	v47 =	vld.idx.msk [tilespmem:v23+s17+$0x0], $0xffff;
	v48 =	vand.u32 $0x7FFFFFFF, v14  }
0x2ba: {  	v49 =	vld.idx.msk [tilespmem:v23+s16+$0x0], $0xffff;
	v2 =	vmul.f32 v48, v9  }
0x2bb: {  	v6 =	vld [tilespmem:$0x9EC0];
	v12 =	vsub.f32 v42, v39  }
0x2bc: {  	v50 =	vld.idx.msk [tilespmem:v21+s17+$0x0], $0xffff;
	v0 =	vadd.f32 v2, v0  }
0x2bd: {  	v52 =	vld.idx.msk [tilespmem:v21+s16+$0x0], $0xffff;
	v53 =	vand.u32 $0x7FFFFFFF, v12;
	v11 =	vsub.f32 v46, v44;
	v8 =	vsub.f32 v54, v8  }
0x2be: {  	v58 =	vld.idx.msk [tilespmem:v16+s16+$0x0], $0xffff;
	v2 =	vmul.f32 v53, v7;
	v0 =	vadd.f32 v1, v0  }
0x2bf: {  	v55 =	vand.u32 $0x7FFFFFFF, v11;
	v10 =	vsub.f32 v49, v47;
	v60 =	vand.u32 $0x7FFFFFFF, v8;
	v8 =	vld [tilespmem:$0x1FF90]  }
0x2c0: {  	v56 =	vld.idx.msk [tilespmem:v18+s16+$0x0], $0xffff;
	v1 =	vmul.f32 v55, v6;
	v0 =	vadd.f32 v2, v0  }
0x2c1: {  	v57 =	vand.u32 $0x7FFFFFFF, v10;
	v7 =	vld.idx.msk [tilespmem:v18+s17+$0x0], $0xffff  }
0x2c2: {  	v9 =	vsub.f32 v52, v50;
	v6 =	vld.idx.msk [tilespmem:v16+s17+$0x0], $0xffff;
	v2 =	vmul.f32 v57, v5;
	v0 =	vadd.f32 v1, v0  }
0x2c3: {  	v5 =	vld.idx.msk [tilespmem:v3+s17+$0x0], $0xffff  }
0x2c4: {  	v59 =	vand.u32 $0x7FFFFFFF, v9;
	v0 =	vadd.f32 v2, v0;
	v2 =	vmul.f32 v60, v8;
	v8 =	vld [tilespmem:$0x1FFA0]  }
0x2c5: {  	v3 =	vld.idx.msk [tilespmem:v3+s16+$0x0], $0xffff;
	v1 =	vmul.f32 v59, v4  }
0x2c6: {  	v4 =	vsub.f32 v56, v7;
	v7 =	vld [tilespmem:$0x9F10]  }
0x2c7: {  	v0 =	vadd.f32 v1, v0  }
0x2c8: {  	v61 =	vand.u32 $0x7FFFFFFF, v4;
	v4 =	vsub.f32 v58, v6;
	v6 =	vld [tilespmem:$0x9F20]  }
0x2c9: {  	v0 =	vadd.f32 v2, v0;
	v1 =	vmul.f32 v61, v8  }
0x2ca: {  	v3 =	vsub.f32 v3, v5;
	v62 =	vand.u32 $0x7FFFFFFF, v4  }
0x2cb: {  	v2 =	vmul.f32 v62, v7;
	v0 =	vadd.f32 v1, v0  }
0x2cc: {  	v63 =	vand.u32 $0x7FFFFFFF, v3  }
0x2cd: {  	v1 =	vmul.f32 v63, v6;
	v0 =	vadd.f32 v2, v0  }
0x2ce: {  	p1 =	sne.s32 s28, $0x40  }
.Ltmp3:
0x2cf: {  	v0 =	vadd.f32 v1, v0;
	(pc) =	sbr.rel @p1 .LBB2_8-.Ltmp3, $4  }
0x2d0: {  	_ = 	snop  }
0x2d1: {  	s26 =	sadd.s32 $0x10, s26;
	v5 =	vmax.f32 v0, $0.0e+00  }
0x2d2: {  	v43 =	vld [tilespmem:$0x1FFF0];
	[tilespmem:s26+$0x0] =	vst v5  }
0x2d3: {  	s28 =	sadd.s32 $0x10, s28;
	v6 =	vld [tilespmem:$0x9F30]  }
0x2d4: {  	_ =	sdelay $0x3  }
0x2d5: {  	v2 =	vmax.f32 v6, v5  }
0x2d6: {  	s1 =	simm.s32 $0x40;
	s26 =	simm.s32 $0x0;
	v3 =	vimm.f32 $0.0e+00;
	[tilespmem:$0x9F30] =	vst v2  }
.LBB2_10:
0x2d7: {  	p1 =	sne.s32 s1, $0x9C00;
	[tilespmem:s26+$0x9F40] =	vst v3;
	s0 =	smov.u32 s1;
	s1 =	sadd.s32 $0x40, s1  }
.Ltmp4:
0x2d8: {  	(pc) =	sbr.rel @p1 .LBB2_10-.Ltmp4, $2  }
0x2d9: {  	_ =	sdelay $0x2  }
0x2da: {  	s26 =	sshra.s32 s0, $0x2  }
0x2db: {  	(xrf0) =	vmax.scan.msk.f32 $0xffff, v2;
	_ =	sdelay $0x5  }
0x2dc: {  	v0, _, _ =	vpop (xrf0)  }
0x2dd: {  	[tilespmem:s26+$0x9F40] =	vst v3;
	s1 =	simm.s32 $0x0;
	s26 =	simm.s32 $0x140;
	v2 =	vbroadcast v0, $0xF  }
.LBB2_12:
0x2de: {  	p1 =	sne.s32 s26, $0x9B00;
	v0 =	vld [tilespmem:s1+$0x4E20]  }
0x2df: {  	v1 =	vld [tilespmem:s1+$0x0];
	_ =	sdelay $0x3  }
0x2e0: {  	v0 =	vsub.f32 v0, v2;
	_ =	sdelay $0x1  }
0x2e1: {  	v0 =	vmul.f32 $1.442695020e+00, v0;
	_ =	sdelay $0x1  }
0x2e2: {  	(erf) = vpow2.f32 v0;
	_ =	sdelay $0x8  }
0x2e3: {  	v0 =	vpop (erf)  }
0x2e4: {  	[tilespmem:v1+s22+$0x0] =	vst.idx.add.f32.msk $0xffff, v0  }
0x2e5: {  	v0 =	vld [tilespmem:s1+$0x4E30];
	_ =	sdelay $0x4  }
0x2e6: {  	v0 =	vsub.f32 v0, v2;
	_ =	sdelay $0x1  }
0x2e7: {  	v0 =	vmul.f32 $1.442695020e+00, v0;
	_ =	sdelay $0x1  }
0x2e8: {  	(erf) = vpow2.f32 v0;
	_ =	sdelay $0x1  }
0x2e9: {  	v0 =	vld [tilespmem:s1+$0x10];
	_ =	sdelay $0x6  }
0x2ea: {  	v1 =	vpop (erf)  }
0x2eb: {  	[tilespmem:v0+s22+$0x0] =	vst.idx.add.f32.msk $0xffff, v1  }
0x2ec: {  	v0 =	vld [tilespmem:s1+$0x4E40];
	_ =	sdelay $0x4  }
0x2ed: {  	v0 =	vsub.f32 v0, v2;
	_ =	sdelay $0x1  }
0x2ee: {  	v0 =	vmul.f32 $1.442695020e+00, v0;
	_ =	sdelay $0x1  }
0x2ef: {  	(erf) = vpow2.f32 v0;
	_ =	sdelay $0x1  }
0x2f0: {  	v0 =	vld [tilespmem:s1+$0x20];
	_ =	sdelay $0x6  }
0x2f1: {  	v1 =	vpop (erf)  }
0x2f2: {  	[tilespmem:v0+s22+$0x0] =	vst.idx.add.f32.msk $0xffff, v1  }
0x2f3: {  	v0 =	vld [tilespmem:s1+$0x4E50];
	_ =	sdelay $0x4  }
0x2f4: {  	v0 =	vsub.f32 v0, v2;
	_ =	sdelay $0x1  }
0x2f5: {  	v0 =	vmul.f32 $1.442695020e+00, v0;
	_ =	sdelay $0x1  }
0x2f6: {  	(erf) = vpow2.f32 v0;
	_ =	sdelay $0x1  }
0x2f7: {  	v0 =	vld [tilespmem:s1+$0x30];
	_ =	sdelay $0x6  }
0x2f8: {  	v1 =	vpop (erf)  }
0x2f9: {  	[tilespmem:v0+s22+$0x0] =	vst.idx.add.f32.msk $0xffff, v1  }
0x2fa: {  	v0 =	vld [tilespmem:s1+$0x4E60]  }
0x2fb: {  	v1 =	vld [tilespmem:s1+$0x40];
	_ =	sdelay $0x3  }
0x2fc: {  	v0 =	vsub.f32 v0, v2;
	_ =	sdelay $0x1  }
0x2fd: {  	v0 =	vmul.f32 $1.442695020e+00, v0;
	_ =	sdelay $0x1  }
0x2fe: {  	(erf) = vpow2.f32 v0;
	_ =	sdelay $0x5  }
.Ltmp5:
0x2ff: {  	(pc) =	sbr.rel @p1 .LBB2_12-.Ltmp5, $3  }
0x300: {  	_ =	sdelay $0x1  }
0x301: {  	v0 =	vpop (erf)  }
0x302: {  	s1 =	sshra.s32 s26, $0x2;
	s26 =	sadd.s32 $0x140, s26;
	[tilespmem:v1+s22+$0x0] =	vst.idx.add.f32.msk $0xffff, v0  }
0x303: {  	v0 =	vld [tilespmem:s1+$0x4E20];
	_ =	sdelay $0x4  }
0x304: {  	v0 =	vsub.f32 v0, v2;
	_ =	sdelay $0x1  }
0x305: {  	v0 =	vmul.f32 $1.442695020e+00, v0;
	_ =	sdelay $0x1  }
0x306: {  	(erf) = vpow2.f32 v0;
	_ =	sdelay $0x1  }
0x307: {  	v0 =	vld [tilespmem:s1+$0x0];
	_ =	sdelay $0x6  }
0x308: {  	v1 =	vpop (erf)  }
0x309: {  	[tilespmem:v0+s22+$0x0] =	vst.idx.add.f32.msk $0xffff, v1  }
0x30a: {  	v0 =	vld [tilespmem:s1+$0x4E30];
	_ =	sdelay $0x4  }
0x30b: {  	v0 =	vsub.f32 v0, v2;
	_ =	sdelay $0x1  }
0x30c: {  	v0 =	vmul.f32 $1.442695020e+00, v0;
	_ =	sdelay $0x1  }
0x30d: {  	(erf) = vpow2.f32 v0;
	_ =	sdelay $0x1  }
0x30e: {  	v0 =	vld [tilespmem:s1+$0x10];
	_ =	sdelay $0x6  }
0x30f: {  	v1 =	vpop (erf)  }
0x310: {  	[tilespmem:v0+s22+$0x0] =	vst.idx.add.f32.msk $0xffff, v1  }
0x311: {  	v0 =	vld [tilespmem:s1+$0x4E40];
	_ =	sdelay $0x4  }
0x312: {  	v0 =	vsub.f32 v0, v2;
	_ =	sdelay $0x1  }
0x313: {  	v0 =	vmul.f32 $1.442695020e+00, v0;
	_ =	sdelay $0x1  }
0x314: {  	(erf) = vpow2.f32 v0;
	_ =	sdelay $0x1  }
0x315: {  	v0 =	vld [tilespmem:s1+$0x20];
	_ =	sdelay $0x6  }
0x316: {  	v1 =	vpop (erf)  }
0x317: {  	[tilespmem:v0+s22+$0x0] =	vst.idx.add.f32.msk $0xffff, v1  }
0x318: {  	v0 =	vld [tilespmem:s1+$0x4E50];
	_ =	sdelay $0x4  }
0x319: {  	v0 =	vsub.f32 v0, v2;
	_ =	sdelay $0x1  }
0x31a: {  	v0 =	vmul.f32 $1.442695020e+00, v0;
	_ =	sdelay $0x1  }
0x31b: {  	(erf) = vpow2.f32 v0;
	_ =	sdelay $0x1  }
0x31c: {  	v0 =	vld [tilespmem:s1+$0x30];
	_ =	sdelay $0x6  }
0x31d: {  	v1 =	vpop (erf)  }
0x31e: {  	[tilespmem:v0+s22+$0x0] =	vst.idx.add.f32.msk $0xffff, v1  }
0x31f: {  	v0 =	vld [tilespmem:s1+$0x4E60];
	_ =	sdelay $0x4  }
0x320: {  	v0 =	vsub.f32 v0, v2;
	_ =	sdelay $0x1  }
0x321: {  	v0 =	vmul.f32 $1.442695020e+00, v0;
	_ =	sdelay $0x1  }
0x322: {  	(erf) = vpow2.f32 v0;
	_ =	sdelay $0x1  }
0x323: {  	v0 =	vld [tilespmem:s1+$0x40];
	_ =	sdelay $0x6  }
0x324: {  	v1 =	vpop (erf)  }
0x325: {  	[tilespmem:v0+s22+$0x0] =	vst.idx.add.f32.msk $0xffff, v1  }
0x326: {  	[hbm4b:s7+s3] =	stream.linear.scatter [tilespmem:s23], [sflag:$0x3], $0x2710, $0x38;
	[tilespmem:$0x11470] =	vst v63  }
0x327: {  	_ =	swait.ge [sflag:s12], $0x2710  }
0x328: {  	[sflag:s12] =	ssyncset.done $0x0  }
0x329: {  	[sflag:s12] =	ssyncadd.s32 $0xFFFFD8F0  }
0x32a: {  	[hbm4b:s8+s3] =	stream.linear.scatter [tilespmem:s24], [sflag:$0x3], $0x10, $0x38;
	[tilespmem:$0x11470] =	vst v63  }
0x32b: {  	s25 =	sadd.s32 $0x1, s25;
	_ =	swait.ge [sflag:s12], $0x10  }
0x32c: {  	p1 =	sne.s32 s25, s10;
	[sflag:s12] =	ssyncset.done $0x0  }
.Ltmp6:
0x32d: {  	[sflag:s12] =	ssyncadd.s32 $0xFFFFFFF0;
	(pc) =	sbr.rel @p1 .LBB2_1-.Ltmp6, $4  }
0x32e: {  	[hbm4b:s9+s3] =	stream.linear.scatter [tilespmem:s22], [sflag:$0x3], $0x2710, $0x38;
	[tilespmem:$0x11470] =	vst v63  }
0x32f: {  	_ =	swait.ge [sflag:s12], $0x2710  }
0x330: {  	[sflag:s12] =	ssyncset.done $0x0  }
0x331: {  	[sflag:s12] =	ssyncadd.s32 $0xFFFFD8F0  }
0x332: {  	_ =	sfence.sel $0x180000  }
0x333: {  	[bflag:$0x0] =	sbarrier.arrive $0xFFFF  }
0x334: {  	_ =	strace $0x90000047  }
0x335: {  	[bflag:$0x2] =	sbarrier.arrive $0xFFFF  }
0x336: {  	s0 =	rddreg [dreg:$0x3]  }
0x337: {  	s0 =	sadd.s32 @!p0 $0x100000, s0  }
0x338: {  	[sflag:s0] =	ssyncadd.tile.s32 @!p0 $0x1;
	_ =	shalt  }
.Lfunc_end2:
_tile_overlayer_lowered:
.L_overlay_start_2:
0x339: {  	(tag) =	ssettag $0x2  }
0x33a: {  	s0 =	rddreg [dreg:$0x0];
	s2 =	stileid.u32  }
0x33b: {  	s1 =	rddreg [dreg:$0x1];
	p0 =	sne.s32 s2, $0x0  }
0x33c: {  	s3 =	rddreg [dreg:$0x2];
	[bflag:$0x3] =	sbarrier.arrive $0xFFFF;
	s2 =	simm.s32 @!p0 $0x1C03  }
0x33d: {  	[timem:s3], [sflag:s2] =	dma.local @!p0 [hbm:s0], s1  }
0x33e: {  	s0 =	simm.s32 @!p0 $0x3  }
0x33f: {  	_ =	swait.ge @!p0 [sflag:s0], s1  }
0x340: {  	s1 =	ssub.s32 @!p0 $0x0, s1;
	[sflag:s0] =	ssyncset.done @!p0 $0x0  }
0x341: {  	[sflag:s0] =	ssyncadd.s32 @!p0 s1  }
0x342: {  	[bflag:$0x3] =	sbarrier.arrive $0xFFFF  }
0x343: {  	_ =	shalt  }

</sc_bundles>
